<compile_context>
chip_gen: v7x
topology: tpu7x:2x2x1
jax: 0.10.2.dev20260603
libtpu: 0.0.44.dev20260713+nightly
codegen_flags: <defaults>
</compile_context>

<pallas_src>
import functools

import jax
import jax.numpy as jnp
import numpy as np
from jax import lax
from jax.experimental import pallas as pl
from jax.experimental.pallas import tpu as pltpu
from jax.experimental.pallas import tpu_sc as plsc

T, D, K, H, W = 128, 768, 16, 512, 512
HW = H * W
NC, NS, L = 2, 16, 16
NW = NC * NS
TSC = 96
NT = T - TSC
FPW = TSC // NW
CH = 32768
NCHUNK = HW // CH
HBINS = (K + 1) * L


CROWS = CH // W
NPAIR = K + 1
HBINS2 = NPAIR * NPAIR * L


def _sc_hist(mask_hbm, out_hbm, buf0, buf1, hist, sem0, sem1):
    wid = lax.axis_index("s") * NC + lax.axis_index("c")
    lane = lax.iota(jnp.int32, L)
    ones = jnp.ones((L,), jnp.float32)
    zeros = jnp.zeros((L,), jnp.float32)
    bufs = (buf0, buf1)
    sems = (sem0, sem1)
    NG = FPW * NCHUNK
    desc = [None, None]
    desc[0] = pltpu.async_copy(
        mask_hbm.at[wid * FPW, pl.ds(0, CROWS)], buf0, sem0)
    for g in range(NG):
        frame = wid * FPW + g // NCHUNK
        if g + 1 < NG:
            nf = wid * FPW + (g + 1) // NCHUNK
            nc = (g + 1) % NCHUNK
            desc[(g + 1) % 2] = pltpu.async_copy(
                mask_hbm.at[nf, pl.ds(nc * CROWS, CROWS)],
                bufs[(g + 1) % 2], sems[(g + 1) % 2])
        if g % NCHUNK == 0:

            @plsc.parallel_loop(0, HBINS2 // L, unroll=4)
            def _(z):
                hist[pl.ds(z * L, L)] = zeros

        desc[g % 2].wait()
        buf = bufs[g % 2]

        @plsc.parallel_loop(0, CH // (2 * L), unroll=8)
        def _(i):
            r = i >> 4
            col = (i & 15) << 5
            a = buf[r, pl.ds(col, L)]
            b = buf[r, pl.ds(col + L, L)]
            idx = ((((a << 4) + a + b) << 4) | lane)
            plsc.addupdate_scatter(hist, [idx], ones)

        if g % NCHUNK == NCHUNK - 1:
            pltpu.sync_copy(hist, out_hbm.at[frame])


def _tc_hist_body(mask_ref, counts_ref):
    t = pl.program_id(0)
    m = mask_ref[...]
    sums = []
    for k in range(1, K + 1):
        sums.append(jnp.sum((m == k).astype(jnp.float32)))
    counts_ref[t] = jnp.stack(sums)


def _dense_body(ff_ref, marks_ref, w_ref, b_ref, gamma_ref, hist_ref, fold_ref,
                counts_tc_ref, out_ref):
    counts_sc = jax.lax.dot_general(
        hist_ref[...], fold_ref[...], (((1,), (0,)), ((), ())),
        preferred_element_type=jnp.float32)
    counts = jnp.concatenate([counts_sc, counts_tc_ref[...]], axis=0)
    p = jax.lax.dot_general(
        marks_ref[...], w_ref[...], (((1,), (1,)), ((), ())),
        preferred_element_type=jnp.float32)
    p = p + b_ref[...]
    sm = jax.lax.dot_general(
        counts, p, (((1,), (0,)), ((), ())),
        preferred_element_type=jnp.float32)
    wsum = jnp.sum(counts, axis=1, keepdims=True) + 1e-6
    out_ref[...] = ff_ref[...] + gamma_ref[0] * sm / wsum


_FOLD = np.zeros((HBINS2, K), np.float32)
for _a in range(NPAIR):
    for _b in range(NPAIR):
        _r0 = (_a * NPAIR + _b) * L
        if _a >= 1:
            _FOLD[_r0:_r0 + L, _a - 1] += 1.0
        if _b >= 1:
            _FOLD[_r0:_r0 + L, _b - 1] += 1.0


@jax.jit
def kernel(frame_feat, mark_embeddings, W_frame, b_frame, gamma, frame_masks):
    sc_hist = pl.kernel(
        _sc_hist,
        out_type=jax.ShapeDtypeStruct((TSC, HBINS2), jnp.float32),
        mesh=plsc.VectorSubcoreMesh(core_axis_name="c", subcore_axis_name="s"),
        scratch_types=[
            pltpu.VMEM((CROWS, W), jnp.int32),
            pltpu.VMEM((CROWS, W), jnp.int32),
            pltpu.VMEM((HBINS2,), jnp.float32),
            pltpu.SemaphoreType.DMA,
            pltpu.SemaphoreType.DMA,
        ],
        compiler_params=pltpu.CompilerParams(needs_layout_passes=False),
    )
    hist_all = sc_hist(frame_masks)

    counts_tc = pl.pallas_call(
        _tc_hist_body,
        grid=(NT,),
        in_specs=[pl.BlockSpec((1, H, W), lambda t: (t + TSC, 0, 0))],
        out_specs=pl.BlockSpec((NT, K), lambda t: (0, 0)),
        out_shape=jax.ShapeDtypeStruct((NT, K), jnp.float32),
    )(frame_masks)

    out = pl.pallas_call(
        _dense_body,
        in_specs=[
            pl.BlockSpec((T, D), lambda: (0, 0)),
            pl.BlockSpec((K, D), lambda: (0, 0)),
            pl.BlockSpec((D, D), lambda: (0, 0)),
            pl.BlockSpec((1, D), lambda: (0, 0)),
            pl.BlockSpec(memory_space=pltpu.SMEM),
            pl.BlockSpec((TSC, HBINS2), lambda: (0, 0)),
            pl.BlockSpec((HBINS2, K), lambda: (0, 0)),
            pl.BlockSpec((NT, K), lambda: (0, 0)),
        ],
        out_specs=pl.BlockSpec((T, D), lambda: (0, 0)),
        out_shape=jax.ShapeDtypeStruct((T, D), jnp.float32),
    )(frame_feat, mark_embeddings, W_frame, b_frame.reshape(1, D),
      jnp.reshape(gamma, (1,)), hist_all, jnp.asarray(_FOLD), counts_tc)
    return out

# --- scband reference (transcript-rebuilt; emitter-appended) ---
"""Pipeline reference for scband-visual-mark-injector-38525856645138 (READ-ONLY COPY).

The authoritative reference and input builder live on the scoring server;
editing this copy changes nothing except your own understanding.
"""

import jax, jax.numpy as jnp
import numpy as np


def setup_inputs(seed: int = 0) -> dict:
    key = jax.random.key(seed)
    k1, k2, k3, k4 = jax.random.split(key, 4)
    T, D, K, H, W = 128, 768, 16, 512, 512
    frame_feat = jax.random.normal(k1, (T, D), dtype=jnp.float32)
    mark_embeddings = jax.random.normal(k2, (K, D), dtype=jnp.float32)
    frame_masks = jax.random.randint(k3, (T, H, W), 0, K + 1, dtype=jnp.int32)
    W_frame = jax.random.normal(k4, (D, D), dtype=jnp.float32) * 0.02
    b_frame = jnp.zeros((D,), dtype=jnp.float32)
    gamma = jnp.asarray(0.1, dtype=jnp.float32)
    return {"frame_feat": frame_feat, "mark_embeddings": mark_embeddings, "W_frame": W_frame, "b_frame": b_frame, "gamma": gamma, "frame_masks": frame_masks}


def reference(frame_feat, mark_embeddings, W_frame, b_frame, gamma, frame_masks):
    # inject_frames, Eq. 4.3: S_t = sum_k (m_k * P_frame(r_k)) / (omega + sum_k m_k)
    omega = 1e-06
    T, D = frame_feat.shape
    K = mark_embeddings.shape[0]
    # project all mark embeddings through the frame linear layer
    P = mark_embeddings @ W_frame.T + b_frame  # [K, D]
    flat = frame_masks.reshape(T, -1)  # [T, H*W]
    # per-frame pixel counts per entity id (scatter-add); id 0 is background
    counts = jax.vmap(lambda m: jnp.bincount(m, length=K + 1))(flat)[:, 1:]  # [T, K]
    counts = counts.astype(frame_feat.dtype)
    spatial_mark = counts @ P  # [T, D] == sum_k m_k * P(r_k)
    weight_sum = omega + jnp.sum(counts, axis=1, keepdims=True)  # [T, 1]
    return frame_feat + gamma * spatial_mark / weight_sum

if __name__ == "__main__":
    import jax
    _d = setup_inputs()
    print(jax.jit(kernel)(*tuple(_d.values())))

</pallas_src>

<mosaic_0001>
#map = affine_map<(d0, d1) -> (0, 0, 0)>
#map1 = affine_map<(d0, d1) -> (0, 0)>
module attributes {stable_mosaic.version = 14 : i64} {
  func.func @_sc_hist(%arg0: i32, %arg1: i32, %arg2: memref<128x512x512xi32, #tpu.memory_space<hbm>>, %arg3: memref<96x4624xf32, #tpu.memory_space<hbm>>, %arg4: memref<64x512xi32, #tpu.memory_space<vmem>>, %arg5: memref<64x512xi32, #tpu.memory_space<vmem>>, %arg6: memref<4624xf32, #tpu.memory_space<vmem>>, %arg7: memref<!tpu.dma_semaphore, #tpu.memory_space<semaphore_mem>>, %arg8: memref<!tpu.dma_semaphore, #tpu.memory_space<semaphore_mem>>) attributes {dimension_semantics = [#tpu.dimension_semantics<core_parallel>, #tpu.dimension_semantics<subcore_parallel>], iteration_bounds = array<i64: 2, 16>, scalar_prefetch = 0 : i64, scratch_operands = 5 : i64, tpu.core_type = #tpu.core_type<sc_vector_subcore>, window_params = [{transform_indices = #map}, {transform_indices = #map1}]} {
    %mul3A = arith.constant 2 : i32
    %mul3A_0 = arith.muli %arg1, %mul3A : i32
    %add3A = arith.addi %mul3A_0, %arg0 : i32
    %iota3A = tpu.iota {dimensions = array<i32: 0>} : vector<16xi32>
    %broadcast_in_dim3A = arith.constant 1.000000e+00 : f32
    %broadcast_in_dim3A_1 = vector.broadcast %broadcast_in_dim3A : f32 to vector<16xf32>
    %broadcast_in_dim3A_2 = arith.constant 0.000000e+00 : f32
    %broadcast_in_dim3A_3 = vector.broadcast %broadcast_in_dim3A_2 : f32 to vector<16xf32>
    %mul3A_4 = arith.constant 3 : i32
    %mul3A_5 = arith.muli %add3A, %mul3A_4 : i32
    %dma_start3A = arith.constant 0 : i32
    %dma_start3A_6 = arith.constant 0 : i32
    %dma_start3A_7 = tpu.memref_slice %arg2[%mul3A_5, %dma_start3A, %dma_start3A_6] : memref<128x512x512xi32, #tpu.memory_space<hbm>> -> memref<1x64x512xi32, #tpu.memory_space<hbm>>
    %dma_start3A_8 = tpu.memref_squeeze %dma_start3A_7 : memref<1x64x512xi32, #tpu.memory_space<hbm>> -> memref<64x512xi32, #tpu.memory_space<hbm>>
    %dma_start3A_9 = arith.constant 0 : i32
    %dma_start3A_10 = arith.constant 0 : i32
    %dma_start3A_11 = tpu.memref_slice %arg2[%mul3A_5, %dma_start3A_9, %dma_start3A_10] : memref<128x512x512xi32, #tpu.memory_space<hbm>> -> memref<1x64x512xi32, #tpu.memory_space<hbm>>
    %dma_start3A_12 = tpu.memref_squeeze %dma_start3A_11 : memref<1x64x512xi32, #tpu.memory_space<hbm>> -> memref<64x512xi32, #tpu.memory_space<hbm>>
    tpu.enqueue_dma source(%dma_start3A_12 : memref<64x512xi32, #tpu.memory_space<hbm>>) target(%arg4 : memref<64x512xi32, #tpu.memory_space<vmem>>) target_semaphore(%arg7 : memref<!tpu.dma_semaphore, #tpu.memory_space<semaphore_mem>>)
    %mul3A_13 = arith.constant 3 : i32
    %mul3A_14 = arith.muli %add3A, %mul3A_13 : i32
    %add3A_15 = arith.constant 0 : i32
    %add3A_16 = arith.addi %mul3A_14, %add3A_15 : i32
    %mul3A_17 = arith.constant 3 : i32
    %mul3A_18 = arith.muli %add3A, %mul3A_17 : i32
    %add3A_19 = arith.constant 0 : i32
    %add3A_20 = arith.addi %mul3A_18, %add3A_19 : i32
    %dma_start3A_21 = arith.constant 64 : i32
    %dma_start3A_22 = arith.constant 0 : i32
    %dma_start3A_23 = tpu.memref_slice %arg2[%add3A_20, %dma_start3A_21, %dma_start3A_22] : memref<128x512x512xi32, #tpu.memory_space<hbm>> -> memref<1x64x512xi32, #tpu.memory_space<hbm>>
    %dma_start3A_24 = tpu.memref_squeeze %dma_start3A_23 : memref<1x64x512xi32, #tpu.memory_space<hbm>> -> memref<64x512xi32, #tpu.memory_space<hbm>>
    %dma_start3A_25 = arith.constant 64 : i32
    %dma_start3A_26 = arith.constant 0 : i32
    %dma_start3A_27 = tpu.memref_slice %arg2[%add3A_20, %dma_start3A_25, %dma_start3A_26] : memref<128x512x512xi32, #tpu.memory_space<hbm>> -> memref<1x64x512xi32, #tpu.memory_space<hbm>>
    %dma_start3A_28 = tpu.memref_squeeze %dma_start3A_27 : memref<1x64x512xi32, #tpu.memory_space<hbm>> -> memref<64x512xi32, #tpu.memory_space<hbm>>
    tpu.enqueue_dma source(%dma_start3A_28 : memref<64x512xi32, #tpu.memory_space<hbm>>) target(%arg5 : memref<64x512xi32, #tpu.memory_space<vmem>>) target_semaphore(%arg8 : memref<!tpu.dma_semaphore, #tpu.memory_space<semaphore_mem>>)
    %parallel_loop3A = arith.constant 0 : i32
    %parallel_loop3A_29 = arith.constant 289 : i32
    %parallel_loop3A_30 = arith.constant 1 : i32
    scf.for %parallel_loop3A_656 = %parallel_loop3A to %parallel_loop3A_29 step %parallel_loop3A_30  : i32 {
      %parallel_loop3A_657 = arith.constant 16 : i32
      %parallel_loop3A_658 = arith.muli %parallel_loop3A_656, %parallel_loop3A_657 : i32
      %parallel_loop3A_659 = arith.index_cast %parallel_loop3A_658 : i32 to index
      %parallel_loop3A_660 = tpu.vector_load %arg6[%parallel_loop3A_659] {strides = array<i32>} : memref<4624xf32, #tpu.memory_space<vmem>>, vector<16xf32>,
      tpu.vector_store %arg6[%parallel_loop3A_659], %broadcast_in_dim3A_3 {strides = array<i32>} : memref<4624xf32, #tpu.memory_space<vmem>>, vector<16xf32>,
    } {sc.loop_unroll_factor = 4 : i64, sc.parallel_access}
    %dma_wait3A = arith.constant 0 : i32
    %dma_wait3A_31 = arith.constant 0 : i32
    %dma_wait3A_32 = tpu.memref_slice %arg2[%mul3A_5, %dma_wait3A, %dma_wait3A_31] : memref<128x512x512xi32, #tpu.memory_space<hbm>> -> memref<1x64x512xi32, #tpu.memory_space<hbm>>
    %dma_wait3A_33 = tpu.memref_squeeze %dma_wait3A_32 : memref<1x64x512xi32, #tpu.memory_space<hbm>> -> memref<64x512xi32, #tpu.memory_space<hbm>>
    %dma_wait3A_34 = arith.constant 0 : i32
    %dma_wait3A_35 = arith.constant 0 : i32
    %dma_wait3A_36 = tpu.memref_slice %arg2[%mul3A_5, %dma_wait3A_34, %dma_wait3A_35] : memref<128x512x512xi32, #tpu.memory_space<hbm>> -> memref<1x64x512xi32, #tpu.memory_space<hbm>>
    %dma_wait3A_37 = tpu.memref_squeeze %dma_wait3A_36 : memref<1x64x512xi32, #tpu.memory_space<hbm>> -> memref<64x512xi32, #tpu.memory_space<hbm>>
    tpu.wait_dma2 semaphore(%arg7 : memref<!tpu.dma_semaphore, #tpu.memory_space<semaphore_mem>>) src(%dma_wait3A_37 : memref<64x512xi32, #tpu.memory_space<hbm>>) dst(%arg4 : memref<64x512xi32, #tpu.memory_space<vmem>>)
    %parallel_loop3A_38 = arith.constant 0 : i32
    %parallel_loop3A_39 = arith.constant 1024 : i32
    %parallel_loop3A_40 = arith.constant 1 : i32
    scf.for %parallel_loop3A_656 = %parallel_loop3A_38 to %parallel_loop3A_39 step %parallel_loop3A_40  : i32 {
      %parallel_loop3A_657 = arith.constant 4 : i32
      %parallel_loop3A_658 = arith.shrsi %parallel_loop3A_656, %parallel_loop3A_657 : i32
      %parallel_loop3A_659 = arith.constant 15 : i32
      %parallel_loop3A_660 = arith.andi %parallel_loop3A_656, %parallel_loop3A_659 : i32
      %parallel_loop3A_661 = arith.constant 5 : i32
      %parallel_loop3A_662 = arith.shli %parallel_loop3A_660, %parallel_loop3A_661 : i32
      %parallel_loop3A_663 = arith.index_cast %parallel_loop3A_658 : i32 to index
      %parallel_loop3A_664 = arith.index_cast %parallel_loop3A_662 : i32 to index
      %parallel_loop3A_665 = tpu.vector_load %arg4[%parallel_loop3A_663, %parallel_loop3A_664] {strides = array<i32>} : memref<64x512xi32, #tpu.memory_space<vmem>>, vector<16xi32>,
      %parallel_loop3A_666 = arith.constant 16 : i32
      %parallel_loop3A_667 = arith.addi %parallel_loop3A_662, %parallel_loop3A_666 : i32
      %parallel_loop3A_668 = arith.index_cast %parallel_loop3A_658 : i32 to index
      %parallel_loop3A_669 = arith.index_cast %parallel_loop3A_667 : i32 to index
      %parallel_loop3A_670 = tpu.vector_load %arg4[%parallel_loop3A_668, %parallel_loop3A_669] {strides = array<i32>} : memref<64x512xi32, #tpu.memory_space<vmem>>, vector<16xi32>,
      %parallel_loop3A_671 = arith.constant 4 : i32
      %parallel_loop3A_672 = vector.broadcast %parallel_loop3A_671 : i32 to vector<16xi32>
      %parallel_loop3A_673 = arith.shli %parallel_loop3A_665, %parallel_loop3A_672 : vector<16xi32>
      %parallel_loop3A_674 = arith.addi %parallel_loop3A_673, %parallel_loop3A_665 : vector<16xi32>
      %parallel_loop3A_675 = arith.addi %parallel_loop3A_674, %parallel_loop3A_670 : vector<16xi32>
      %parallel_loop3A_676 = arith.constant 4 : i32
      %parallel_loop3A_677 = vector.broadcast %parallel_loop3A_676 : i32 to vector<16xi32>
      %parallel_loop3A_678 = arith.shli %parallel_loop3A_675, %parallel_loop3A_677 : vector<16xi32>
      %parallel_loop3A_679 = arith.ori %parallel_loop3A_678, %iota3A : vector<16xi32>
      tpu.vector_store_idx %arg6[%parallel_loop3A_679], %broadcast_in_dim3A_1 {add = true} : memref<4624xf32, #tpu.memory_space<vmem>>[vector<16xi32>], vector<16xf32>,
    } {sc.loop_unroll_factor = 8 : i64, sc.parallel_access}
    %mul3A_41 = arith.constant 3 : i32
    %mul3A_42 = arith.muli %add3A, %mul3A_41 : i32
    %add3A_43 = arith.constant 0 : i32
    %add3A_44 = arith.addi %mul3A_42, %add3A_43 : i32
    %mul3A_45 = arith.constant 3 : i32
    %mul3A_46 = arith.muli %add3A, %mul3A_45 : i32
    %add3A_47 = arith.constant 0 : i32
    %add3A_48 = arith.addi %mul3A_46, %add3A_47 : i32
    %dma_start3A_49 = arith.constant 128 : i32
    %dma_start3A_50 = arith.constant 0 : i32
    %dma_start3A_51 = tpu.memref_slice %arg2[%add3A_48, %dma_start3A_49, %dma_start3A_50] : memref<128x512x512xi32, #tpu.memory_space<hbm>> -> memref<1x64x512xi32, #tpu.memory_space<hbm>>
    %dma_start3A_52 = tpu.memref_squeeze %dma_start3A_51 : memref<1x64x512xi32, #tpu.memory_space<hbm>> -> memref<64x512xi32, #tpu.memory_space<hbm>>
    %dma_start3A_53 = arith.constant 128 : i32
    %dma_start3A_54 = arith.constant 0 : i32
    %dma_start3A_55 = tpu.memref_slice %arg2[%add3A_48, %dma_start3A_53, %dma_start3A_54] : memref<128x512x512xi32, #tpu.memory_space<hbm>> -> memref<1x64x512xi32, #tpu.memory_space<hbm>>
    %dma_start3A_56 = tpu.memref_squeeze %dma_start3A_55 : memref<1x64x512xi32, #tpu.memory_space<hbm>> -> memref<64x512xi32, #tpu.memory_space<hbm>>
    tpu.enqueue_dma source(%dma_start3A_56 : memref<64x512xi32, #tpu.memory_space<hbm>>) target(%arg4 : memref<64x512xi32, #tpu.memory_space<vmem>>) target_semaphore(%arg7 : memref<!tpu.dma_semaphore, #tpu.memory_space<semaphore_mem>>)
    %dma_wait3A_57 = arith.constant 64 : i32
    %dma_wait3A_58 = arith.constant 0 : i32
    %dma_wait3A_59 = tpu.memref_slice %arg2[%add3A_20, %dma_wait3A_57, %dma_wait3A_58] : memref<128x512x512xi32, #tpu.memory_space<hbm>> -> memref<1x64x512xi32, #tpu.memory_space<hbm>>
    %dma_wait3A_60 = tpu.memref_squeeze %dma_wait3A_59 : memref<1x64x512xi32, #tpu.memory_space<hbm>> -> memref<64x512xi32, #tpu.memory_space<hbm>>
    %dma_wait3A_61 = arith.constant 64 : i32
    %dma_wait3A_62 = arith.constant 0 : i32
    %dma_wait3A_63 = tpu.memref_slice %arg2[%add3A_20, %dma_wait3A_61, %dma_wait3A_62] : memref<128x512x512xi32, #tpu.memory_space<hbm>> -> memref<1x64x512xi32, #tpu.memory_space<hbm>>
    %dma_wait3A_64 = tpu.memref_squeeze %dma_wait3A_63 : memref<1x64x512xi32, #tpu.memory_space<hbm>> -> memref<64x512xi32, #tpu.memory_space<hbm>>
    tpu.wait_dma2 semaphore(%arg8 : memref<!tpu.dma_semaphore, #tpu.memory_space<semaphore_mem>>) src(%dma_wait3A_64 : memref<64x512xi32, #tpu.memory_space<hbm>>) dst(%arg5 : memref<64x512xi32, #tpu.memory_space<vmem>>)
    %parallel_loop3A_65 = arith.constant 0 : i32
    %parallel_loop3A_66 = arith.constant 1024 : i32
    %parallel_loop3A_67 = arith.constant 1 : i32
    scf.for %parallel_loop3A_656 = %parallel_loop3A_65 to %parallel_loop3A_66 step %parallel_loop3A_67  : i32 {
      %parallel_loop3A_657 = arith.constant 4 : i32
      %parallel_loop3A_658 = arith.shrsi %parallel_loop3A_656, %parallel_loop3A_657 : i32
      %parallel_loop3A_659 = arith.constant 15 : i32
      %parallel_loop3A_660 = arith.andi %parallel_loop3A_656, %parallel_loop3A_659 : i32
      %parallel_loop3A_661 = arith.constant 5 : i32
      %parallel_loop3A_662 = arith.shli %parallel_loop3A_660, %parallel_loop3A_661 : i32
      %parallel_loop3A_663 = arith.index_cast %parallel_loop3A_658 : i32 to index
      %parallel_loop3A_664 = arith.index_cast %parallel_loop3A_662 : i32 to index
      %parallel_loop3A_665 = tpu.vector_load %arg5[%parallel_loop3A_663, %parallel_loop3A_664] {strides = array<i32>} : memref<64x512xi32, #tpu.memory_space<vmem>>, vector<16xi32>,
      %parallel_loop3A_666 = arith.constant 16 : i32
      %parallel_loop3A_667 = arith.addi %parallel_loop3A_662, %parallel_loop3A_666 : i32
      %parallel_loop3A_668 = arith.index_cast %parallel_loop3A_658 : i32 to index
      %parallel_loop3A_669 = arith.index_cast %parallel_loop3A_667 : i32 to index
      %parallel_loop3A_670 = tpu.vector_load %arg5[%parallel_loop3A_668, %parallel_loop3A_669] {strides = array<i32>} : memref<64x512xi32, #tpu.memory_space<vmem>>, vector<16xi32>,
      %parallel_loop3A_671 = arith.constant 4 : i32
      %parallel_loop3A_672 = vector.broadcast %parallel_loop3A_671 : i32 to vector<16xi32>
      %parallel_loop3A_673 = arith.shli %parallel_loop3A_665, %parallel_loop3A_672 : vector<16xi32>
      %parallel_loop3A_674 = arith.addi %parallel_loop3A_673, %parallel_loop3A_665 : vector<16xi32>
      %parallel_loop3A_675 = arith.addi %parallel_loop3A_674, %parallel_loop3A_670 : vector<16xi32>
      %parallel_loop3A_676 = arith.constant 4 : i32
      %parallel_loop3A_677 = vector.broadcast %parallel_loop3A_676 : i32 to vector<16xi32>
      %parallel_loop3A_678 = arith.shli %parallel_loop3A_675, %parallel_loop3A_677 : vector<16xi32>
      %parallel_loop3A_679 = arith.ori %parallel_loop3A_678, %iota3A : vector<16xi32>
      tpu.vector_store_idx %arg6[%parallel_loop3A_679], %broadcast_in_dim3A_1 {add = true} : memref<4624xf32, #tpu.memory_space<vmem>>[vector<16xi32>], vector<16xf32>,
    } {sc.loop_unroll_factor = 8 : i64, sc.parallel_access}
    %mul3A_68 = arith.constant 3 : i32
    %mul3A_69 = arith.muli %add3A, %mul3A_68 : i32
    %add3A_70 = arith.constant 0 : i32
    %add3A_71 = arith.addi %mul3A_69, %add3A_70 : i32
    %mul3A_72 = arith.constant 3 : i32
    %mul3A_73 = arith.muli %add3A, %mul3A_72 : i32
    %add3A_74 = arith.constant 0 : i32
    %add3A_75 = arith.addi %mul3A_73, %add3A_74 : i32
    %dma_start3A_76 = arith.constant 192 : i32
    %dma_start3A_77 = arith.constant 0 : i32
    %dma_start3A_78 = tpu.memref_slice %arg2[%add3A_75, %dma_start3A_76, %dma_start3A_77] : memref<128x512x512xi32, #tpu.memory_space<hbm>> -> memref<1x64x512xi32, #tpu.memory_space<hbm>>
    %dma_start3A_79 = tpu.memref_squeeze %dma_start3A_78 : memref<1x64x512xi32, #tpu.memory_space<hbm>> -> memref<64x512xi32, #tpu.memory_space<hbm>>
    %dma_start3A_80 = arith.constant 192 : i32
    %dma_start3A_81 = arith.constant 0 : i32
    %dma_start3A_82 = tpu.memref_slice %arg2[%add3A_75, %dma_start3A_80, %dma_start3A_81] : memref<128x512x512xi32, #tpu.memory_space<hbm>> -> memref<1x64x512xi32, #tpu.memory_space<hbm>>
    %dma_start3A_83 = tpu.memref_squeeze %dma_start3A_82 : memref<1x64x512xi32, #tpu.memory_space<hbm>> -> memref<64x512xi32, #tpu.memory_space<hbm>>
    tpu.enqueue_dma source(%dma_start3A_83 : memref<64x512xi32, #tpu.memory_space<hbm>>) target(%arg5 : memref<64x512xi32, #tpu.memory_space<vmem>>) target_semaphore(%arg8 : memref<!tpu.dma_semaphore, #tpu.memory_space<semaphore_mem>>)
    %dma_wait3A_84 = arith.constant 128 : i32
    %dma_wait3A_85 = arith.constant 0 : i32
    %dma_wait3A_86 = tpu.memref_slice %arg2[%add3A_48, %dma_wait3A_84, %dma_wait3A_85] : memref<128x512x512xi32, #tpu.memory_space<hbm>> -> memref<1x64x512xi32, #tpu.memory_space<hbm>>
    %dma_wait3A_87 = tpu.memref_squeeze %dma_wait3A_86 : memref<1x64x512xi32, #tpu.memory_space<hbm>> -> memref<64x512xi32, #tpu.memory_space<hbm>>
    %dma_wait3A_88 = arith.constant 128 : i32
    %dma_wait3A_89 = arith.constant 0 : i32
    %dma_wait3A_90 = tpu.memref_slice %arg2[%add3A_48, %dma_wait3A_88, %dma_wait3A_89] : memref<128x512x512xi32, #tpu.memory_space<hbm>> -> memref<1x64x512xi32, #tpu.memory_space<hbm>>
    %dma_wait3A_91 = tpu.memref_squeeze %dma_wait3A_90 : memref<1x64x512xi32, #tpu.memory_space<hbm>> -> memref<64x512xi32, #tpu.memory_space<hbm>>
    tpu.wait_dma2 semaphore(%arg7 : memref<!tpu.dma_semaphore, #tpu.memory_space<semaphore_mem>>) src(%dma_wait3A_91 : memref<64x512xi32, #tpu.memory_space<hbm>>) dst(%arg4 : memref<64x512xi32, #tpu.memory_space<vmem>>)
    %parallel_loop3A_92 = arith.constant 0 : i32
    %parallel_loop3A_93 = arith.constant 1024 : i32
    %parallel_loop3A_94 = arith.constant 1 : i32
    scf.for %parallel_loop3A_656 = %parallel_loop3A_92 to %parallel_loop3A_93 step %parallel_loop3A_94  : i32 {
      %parallel_loop3A_657 = arith.constant 4 : i32
      %parallel_loop3A_658 = arith.shrsi %parallel_loop3A_656, %parallel_loop3A_657 : i32
      %parallel_loop3A_659 = arith.constant 15 : i32
      %parallel_loop3A_660 = arith.andi %parallel_loop3A_656, %parallel_loop3A_659 : i32
      %parallel_loop3A_661 = arith.constant 5 : i32
      %parallel_loop3A_662 = arith.shli %parallel_loop3A_660, %parallel_loop3A_661 : i32
      %parallel_loop3A_663 = arith.index_cast %parallel_loop3A_658 : i32 to index
      %parallel_loop3A_664 = arith.index_cast %parallel_loop3A_662 : i32 to index
      %parallel_loop3A_665 = tpu.vector_load %arg4[%parallel_loop3A_663, %parallel_loop3A_664] {strides = array<i32>} : memref<64x512xi32, #tpu.memory_space<vmem>>, vector<16xi32>,
      %parallel_loop3A_666 = arith.constant 16 : i32
      %parallel_loop3A_667 = arith.addi %parallel_loop3A_662, %parallel_loop3A_666 : i32
      %parallel_loop3A_668 = arith.index_cast %parallel_loop3A_658 : i32 to index
      %parallel_loop3A_669 = arith.index_cast %parallel_loop3A_667 : i32 to index
      %parallel_loop3A_670 = tpu.vector_load %arg4[%parallel_loop3A_668, %parallel_loop3A_669] {strides = array<i32>} : memref<64x512xi32, #tpu.memory_space<vmem>>, vector<16xi32>,
      %parallel_loop3A_671 = arith.constant 4 : i32
      %parallel_loop3A_672 = vector.broadcast %parallel_loop3A_671 : i32 to vector<16xi32>
      %parallel_loop3A_673 = arith.shli %parallel_loop3A_665, %parallel_loop3A_672 : vector<16xi32>
      %parallel_loop3A_674 = arith.addi %parallel_loop3A_673, %parallel_loop3A_665 : vector<16xi32>
      %parallel_loop3A_675 = arith.addi %parallel_loop3A_674, %parallel_loop3A_670 : vector<16xi32>
      %parallel_loop3A_676 = arith.constant 4 : i32
      %parallel_loop3A_677 = vector.broadcast %parallel_loop3A_676 : i32 to vector<16xi32>
      %parallel_loop3A_678 = arith.shli %parallel_loop3A_675, %parallel_loop3A_677 : vector<16xi32>
      %parallel_loop3A_679 = arith.ori %parallel_loop3A_678, %iota3A : vector<16xi32>
      tpu.vector_store_idx %arg6[%parallel_loop3A_679], %broadcast_in_dim3A_1 {add = true} : memref<4624xf32, #tpu.memory_space<vmem>>[vector<16xi32>], vector<16xf32>,
    } {sc.loop_unroll_factor = 8 : i64, sc.parallel_access}
    %mul3A_95 = arith.constant 3 : i32
    %mul3A_96 = arith.muli %add3A, %mul3A_95 : i32
    %add3A_97 = arith.constant 0 : i32
    %add3A_98 = arith.addi %mul3A_96, %add3A_97 : i32
    %mul3A_99 = arith.constant 3 : i32
    %mul3A_100 = arith.muli %add3A, %mul3A_99 : i32
    %add3A_101 = arith.constant 0 : i32
    %add3A_102 = arith.addi %mul3A_100, %add3A_101 : i32
    %dma_start3A_103 = arith.constant 256 : i32
    %dma_start3A_104 = arith.constant 0 : i32
    %dma_start3A_105 = tpu.memref_slice %arg2[%add3A_102, %dma_start3A_103, %dma_start3A_104] : memref<128x512x512xi32, #tpu.memory_space<hbm>> -> memref<1x64x512xi32, #tpu.memory_space<hbm>>
    %dma_start3A_106 = tpu.memref_squeeze %dma_start3A_105 : memref<1x64x512xi32, #tpu.memory_space<hbm>> -> memref<64x512xi32, #tpu.memory_space<hbm>>
    %dma_start3A_107 = arith.constant 256 : i32
    %dma_start3A_108 = arith.constant 0 : i32
    %dma_start3A_109 = tpu.memref_slice %arg2[%add3A_102, %dma_start3A_107, %dma_start3A_108] : memref<128x512x512xi32, #tpu.memory_space<hbm>> -> memref<1x64x512xi32, #tpu.memory_space<hbm>>
    %dma_start3A_110 = tpu.memref_squeeze %dma_start3A_109 : memref<1x64x512xi32, #tpu.memory_space<hbm>> -> memref<64x512xi32, #tpu.memory_space<hbm>>
    tpu.enqueue_dma source(%dma_start3A_110 : memref<64x512xi32, #tpu.memory_space<hbm>>) target(%arg4 : memref<64x512xi32, #tpu.memory_space<vmem>>) target_semaphore(%arg7 : memref<!tpu.dma_semaphore, #tpu.memory_space<semaphore_mem>>)
    %dma_wait3A_111 = arith.constant 192 : i32
    %dma_wait3A_112 = arith.constant 0 : i32
    %dma_wait3A_113 = tpu.memref_slice %arg2[%add3A_75, %dma_wait3A_111, %dma_wait3A_112] : memref<128x512x512xi32, #tpu.memory_space<hbm>> -> memref<1x64x512xi32, #tpu.memory_space<hbm>>
    %dma_wait3A_114 = tpu.memref_squeeze %dma_wait3A_113 : memref<1x64x512xi32, #tpu.memory_space<hbm>> -> memref<64x512xi32, #tpu.memory_space<hbm>>
    %dma_wait3A_115 = arith.constant 192 : i32
    %dma_wait3A_116 = arith.constant 0 : i32
    %dma_wait3A_117 = tpu.memref_slice %arg2[%add3A_75, %dma_wait3A_115, %dma_wait3A_116] : memref<128x512x512xi32, #tpu.memory_space<hbm>> -> memref<1x64x512xi32, #tpu.memory_space<hbm>>
    %dma_wait3A_118 = tpu.memref_squeeze %dma_wait3A_117 : memref<1x64x512xi32, #tpu.memory_space<hbm>> -> memref<64x512xi32, #tpu.memory_space<hbm>>
    tpu.wait_dma2 semaphore(%arg8 : memref<!tpu.dma_semaphore, #tpu.memory_space<semaphore_mem>>) src(%dma_wait3A_118 : memref<64x512xi32, #tpu.memory_space<hbm>>) dst(%arg5 : memref<64x512xi32, #tpu.memory_space<vmem>>)
    %parallel_loop3A_119 = arith.constant 0 : i32
    %parallel_loop3A_120 = arith.constant 1024 : i32
    %parallel_loop3A_121 = arith.constant 1 : i32
    scf.for %parallel_loop3A_656 = %parallel_loop3A_119 to %parallel_loop3A_120 step %parallel_loop3A_121  : i32 {
      %parallel_loop3A_657 = arith.constant 4 : i32
      %parallel_loop3A_658 = arith.shrsi %parallel_loop3A_656, %parallel_loop3A_657 : i32
      %parallel_loop3A_659 = arith.constant 15 : i32
      %parallel_loop3A_660 = arith.andi %parallel_loop3A_656, %parallel_loop3A_659 : i32
      %parallel_loop3A_661 = arith.constant 5 : i32
      %parallel_loop3A_662 = arith.shli %parallel_loop3A_660, %parallel_loop3A_661 : i32
      %parallel_loop3A_663 = arith.index_cast %parallel_loop3A_658 : i32 to index
      %parallel_loop3A_664 = arith.index_cast %parallel_loop3A_662 : i32 to index
      %parallel_loop3A_665 = tpu.vector_load %arg5[%parallel_loop3A_663, %parallel_loop3A_664] {strides = array<i32>} : memref<64x512xi32, #tpu.memory_space<vmem>>, vector<16xi32>,
      %parallel_loop3A_666 = arith.constant 16 : i32
      %parallel_loop3A_667 = arith.addi %parallel_loop3A_662, %parallel_loop3A_666 : i32
      %parallel_loop3A_668 = arith.index_cast %parallel_loop3A_658 : i32 to index
      %parallel_loop3A_669 = arith.index_cast %parallel_loop3A_667 : i32 to index
      %parallel_loop3A_670 = tpu.vector_load %arg5[%parallel_loop3A_668, %parallel_loop3A_669] {strides = array<i32>} : memref<64x512xi32, #tpu.memory_space<vmem>>, vector<16xi32>,
      %parallel_loop3A_671 = arith.constant 4 : i32
      %parallel_loop3A_672 = vector.broadcast %parallel_loop3A_671 : i32 to vector<16xi32>
      %parallel_loop3A_673 = arith.shli %parallel_loop3A_665, %parallel_loop3A_672 : vector<16xi32>
      %parallel_loop3A_674 = arith.addi %parallel_loop3A_673, %parallel_loop3A_665 : vector<16xi32>
      %parallel_loop3A_675 = arith.addi %parallel_loop3A_674, %parallel_loop3A_670 : vector<16xi32>
      %parallel_loop3A_676 = arith.constant 4 : i32
      %parallel_loop3A_677 = vector.broadcast %parallel_loop3A_676 : i32 to vector<16xi32>
      %parallel_loop3A_678 = arith.shli %parallel_loop3A_675, %parallel_loop3A_677 : vector<16xi32>
      %parallel_loop3A_679 = arith.ori %parallel_loop3A_678, %iota3A : vector<16xi32>
      tpu.vector_store_idx %arg6[%parallel_loop3A_679], %broadcast_in_dim3A_1 {add = true} : memref<4624xf32, #tpu.memory_space<vmem>>[vector<16xi32>], vector<16xf32>,
    } {sc.loop_unroll_factor = 8 : i64, sc.parallel_access}
    %mul3A_122 = arith.constant 3 : i32
    %mul3A_123 = arith.muli %add3A, %mul3A_122 : i32
    %add3A_124 = arith.constant 0 : i32
    %add3A_125 = arith.addi %mul3A_123, %add3A_124 : i32
    %mul3A_126 = arith.constant 3 : i32
    %mul3A_127 = arith.muli %add3A, %mul3A_126 : i32
    %add3A_128 = arith.constant 0 : i32
    %add3A_129 = arith.addi %mul3A_127, %add3A_128 : i32
    %dma_start3A_130 = arith.constant 320 : i32
    %dma_start3A_131 = arith.constant 0 : i32
    %dma_start3A_132 = tpu.memref_slice %arg2[%add3A_129, %dma_start3A_130, %dma_start3A_131] : memref<128x512x512xi32, #tpu.memory_space<hbm>> -> memref<1x64x512xi32, #tpu.memory_space<hbm>>
    %dma_start3A_133 = tpu.memref_squeeze %dma_start3A_132 : memref<1x64x512xi32, #tpu.memory_space<hbm>> -> memref<64x512xi32, #tpu.memory_space<hbm>>
    %dma_start3A_134 = arith.constant 320 : i32
    %dma_start3A_135 = arith.constant 0 : i32
    %dma_start3A_136 = tpu.memref_slice %arg2[%add3A_129, %dma_start3A_134, %dma_start3A_135] : memref<128x512x512xi32, #tpu.memory_space<hbm>> -> memref<1x64x512xi32, #tpu.memory_space<hbm>>
    %dma_start3A_137 = tpu.memref_squeeze %dma_start3A_136 : memref<1x64x512xi32, #tpu.memory_space<hbm>> -> memref<64x512xi32, #tpu.memory_space<hbm>>
    tpu.enqueue_dma source(%dma_start3A_137 : memref<64x512xi32, #tpu.memory_space<hbm>>) target(%arg5 : memref<64x512xi32, #tpu.memory_space<vmem>>) target_semaphore(%arg8 : memref<!tpu.dma_semaphore, #tpu.memory_space<semaphore_mem>>)
    %dma_wait3A_138 = arith.constant 256 : i32
    %dma_wait3A_139 = arith.constant 0 : i32
    %dma_wait3A_140 = tpu.memref_slice %arg2[%add3A_102, %dma_wait3A_138, %dma_wait3A_139] : memref<128x512x512xi32, #tpu.memory_space<hbm>> -> memref<1x64x512xi32, #tpu.memory_space<hbm>>
    %dma_wait3A_141 = tpu.memref_squeeze %dma_wait3A_140 : memref<1x64x512xi32, #tpu.memory_space<hbm>> -> memref<64x512xi32, #tpu.memory_space<hbm>>
    %dma_wait3A_142 = arith.constant 256 : i32
    %dma_wait3A_143 = arith.constant 0 : i32
    %dma_wait3A_144 = tpu.memref_slice %arg2[%add3A_102, %dma_wait3A_142, %dma_wait3A_143] : memref<128x512x512xi32, #tpu.memory_space<hbm>> -> memref<1x64x512xi32, #tpu.memory_space<hbm>>
    %dma_wait3A_145 = tpu.memref_squeeze %dma_wait3A_144 : memref<1x64x512xi32, #tpu.memory_space<hbm>> -> memref<64x512xi32, #tpu.memory_space<hbm>>
    tpu.wait_dma2 semaphore(%arg7 : memref<!tpu.dma_semaphore, #tpu.memory_space<semaphore_mem>>) src(%dma_wait3A_145 : memref<64x512xi32, #tpu.memory_space<hbm>>) dst(%arg4 : memref<64x512xi32, #tpu.memory_space<vmem>>)
    %parallel_loop3A_146 = arith.constant 0 : i32
    %parallel_loop3A_147 = arith.constant 1024 : i32
    %parallel_loop3A_148 = arith.constant 1 : i32
    scf.for %parallel_loop3A_656 = %parallel_loop3A_146 to %parallel_loop3A_147 step %parallel_loop3A_148  : i32 {
      %parallel_loop3A_657 = arith.constant 4 : i32
      %parallel_loop3A_658 = arith.shrsi %parallel_loop3A_656, %parallel_loop3A_657 : i32
      %parallel_loop3A_659 = arith.constant 15 : i32
      %parallel_loop3A_660 = arith.andi %parallel_loop3A_656, %parallel_loop3A_659 : i32
      %parallel_loop3A_661 = arith.constant 5 : i32
      %parallel_loop3A_662 = arith.shli %parallel_loop3A_660, %parallel_loop3A_661 : i32
      %parallel_loop3A_663 = arith.index_cast %parallel_loop3A_658 : i32 to index
      %parallel_loop3A_664 = arith.index_cast %parallel_loop3A_662 : i32 to index
      %parallel_loop3A_665 = tpu.vector_load %arg4[%parallel_loop3A_663, %parallel_loop3A_664] {strides = array<i32>} : memref<64x512xi32, #tpu.memory_space<vmem>>, vector<16xi32>,
      %parallel_loop3A_666 = arith.constant 16 : i32
      %parallel_loop3A_667 = arith.addi %parallel_loop3A_662, %parallel_loop3A_666 : i32
      %parallel_loop3A_668 = arith.index_cast %parallel_loop3A_658 : i32 to index
      %parallel_loop3A_669 = arith.index_cast %parallel_loop3A_667 : i32 to index
      %parallel_loop3A_670 = tpu.vector_load %arg4[%parallel_loop3A_668, %parallel_loop3A_669] {strides = array<i32>} : memref<64x512xi32, #tpu.memory_space<vmem>>, vector<16xi32>,
      %parallel_loop3A_671 = arith.constant 4 : i32
      %parallel_loop3A_672 = vector.broadcast %parallel_loop3A_671 : i32 to vector<16xi32>
      %parallel_loop3A_673 = arith.shli %parallel_loop3A_665, %parallel_loop3A_672 : vector<16xi32>
      %parallel_loop3A_674 = arith.addi %parallel_loop3A_673, %parallel_loop3A_665 : vector<16xi32>
      %parallel_loop3A_675 = arith.addi %parallel_loop3A_674, %parallel_loop3A_670 : vector<16xi32>
      %parallel_loop3A_676 = arith.constant 4 : i32
      %parallel_loop3A_677 = vector.broadcast %parallel_loop3A_676 : i32 to vector<16xi32>
      %parallel_loop3A_678 = arith.shli %parallel_loop3A_675, %parallel_loop3A_677 : vector<16xi32>
      %parallel_loop3A_679 = arith.ori %parallel_loop3A_678, %iota3A : vector<16xi32>
      tpu.vector_store_idx %arg6[%parallel_loop3A_679], %broadcast_in_dim3A_1 {add = true} : memref<4624xf32, #tpu.memory_space<vmem>>[vector<16xi32>], vector<16xf32>,
    } {sc.loop_unroll_factor = 8 : i64, sc.parallel_access}
    %mul3A_149 = arith.constant 3 : i32
    %mul3A_150 = arith.muli %add3A, %mul3A_149 : i32
    %add3A_151 = arith.constant 0 : i32
    %add3A_152 = arith.addi %mul3A_150, %add3A_151 : i32
    %mul3A_153 = arith.constant 3 : i32
    %mul3A_154 = arith.muli %add3A, %mul3A_153 : i32
    %add3A_155 = arith.constant 0 : i32
    %add3A_156 = arith.addi %mul3A_154, %add3A_155 : i32
    %dma_start3A_157 = arith.constant 384 : i32
    %dma_start3A_158 = arith.constant 0 : i32
    %dma_start3A_159 = tpu.memref_slice %arg2[%add3A_156, %dma_start3A_157, %dma_start3A_158] : memref<128x512x512xi32, #tpu.memory_space<hbm>> -> memref<1x64x512xi32, #tpu.memory_space<hbm>>
    %dma_start3A_160 = tpu.memref_squeeze %dma_start3A_159 : memref<1x64x512xi32, #tpu.memory_space<hbm>> -> memref<64x512xi32, #tpu.memory_space<hbm>>
    %dma_start3A_161 = arith.constant 384 : i32
    %dma_start3A_162 = arith.constant 0 : i32
    %dma_start3A_163 = tpu.memref_slice %arg2[%add3A_156, %dma_start3A_161, %dma_start3A_162] : memref<128x512x512xi32, #tpu.memory_space<hbm>> -> memref<1x64x512xi32, #tpu.memory_space<hbm>>
    %dma_start3A_164 = tpu.memref_squeeze %dma_start3A_163 : memref<1x64x512xi32, #tpu.memory_space<hbm>> -> memref<64x512xi32, #tpu.memory_space<hbm>>
    tpu.enqueue_dma source(%dma_start3A_164 : memref<64x512xi32, #tpu.memory_space<hbm>>) target(%arg4 : memref<64x512xi32, #tpu.memory_space<vmem>>) target_semaphore(%arg7 : memref<!tpu.dma_semaphore, #tpu.memory_space<semaphore_mem>>)
    %dma_wait3A_165 = arith.constant 320 : i32
    %dma_wait3A_166 = arith.constant 0 : i32
    %dma_wait3A_167 = tpu.memref_slice %arg2[%add3A_129, %dma_wait3A_165, %dma_wait3A_166] : memref<128x512x512xi32, #tpu.memory_space<hbm>> -> memref<1x64x512xi32, #tpu.memory_space<hbm>>
    %dma_wait3A_168 = tpu.memref_squeeze %dma_wait3A_167 : memref<1x64x512xi32, #tpu.memory_space<hbm>> -> memref<64x512xi32, #tpu.memory_space<hbm>>
    %dma_wait3A_169 = arith.constant 320 : i32
    %dma_wait3A_170 = arith.constant 0 : i32
    %dma_wait3A_171 = tpu.memref_slice %arg2[%add3A_129, %dma_wait3A_169, %dma_wait3A_170] : memref<128x512x512xi32, #tpu.memory_space<hbm>> -> memref<1x64x512xi32, #tpu.memory_space<hbm>>
    %dma_wait3A_172 = tpu.memref_squeeze %dma_wait3A_171 : memref<1x64x512xi32, #tpu.memory_space<hbm>> -> memref<64x512xi32, #tpu.memory_space<hbm>>
    tpu.wait_dma2 semaphore(%arg8 : memref<!tpu.dma_semaphore, #tpu.memory_space<semaphore_mem>>) src(%dma_wait3A_172 : memref<64x512xi32, #tpu.memory_space<hbm>>) dst(%arg5 : memref<64x512xi32, #tpu.memory_space<vmem>>)
    %parallel_loop3A_173 = arith.constant 0 : i32
    %parallel_loop3A_174 = arith.constant 1024 : i32
    %parallel_loop3A_175 = arith.constant 1 : i32
    scf.for %parallel_loop3A_656 = %parallel_loop3A_173 to %parallel_loop3A_174 step %parallel_loop3A_175  : i32 {
      %parallel_loop3A_657 = arith.constant 4 : i32
      %parallel_loop3A_658 = arith.shrsi %parallel_loop3A_656, %parallel_loop3A_657 : i32
      %parallel_loop3A_659 = arith.constant 15 : i32
      %parallel_loop3A_660 = arith.andi %parallel_loop3A_656, %parallel_loop3A_659 : i32
      %parallel_loop3A_661 = arith.constant 5 : i32
      %parallel_loop3A_662 = arith.shli %parallel_loop3A_660, %parallel_loop3A_661 : i32
      %parallel_loop3A_663 = arith.index_cast %parallel_loop3A_658 : i32 to index
      %parallel_loop3A_664 = arith.index_cast %parallel_loop3A_662 : i32 to index
      %parallel_loop3A_665 = tpu.vector_load %arg5[%parallel_loop3A_663, %parallel_loop3A_664] {strides = array<i32>} : memref<64x512xi32, #tpu.memory_space<vmem>>, vector<16xi32>,
      %parallel_loop3A_666 = arith.constant 16 : i32
      %parallel_loop3A_667 = arith.addi %parallel_loop3A_662, %parallel_loop3A_666 : i32
      %parallel_loop3A_668 = arith.index_cast %parallel_loop3A_658 : i32 to index
      %parallel_loop3A_669 = arith.index_cast %parallel_loop3A_667 : i32 to index
      %parallel_loop3A_670 = tpu.vector_load %arg5[%parallel_loop3A_668, %parallel_loop3A_669] {strides = array<i32>} : memref<64x512xi32, #tpu.memory_space<vmem>>, vector<16xi32>,
      %parallel_loop3A_671 = arith.constant 4 : i32
      %parallel_loop3A_672 = vector.broadcast %parallel_loop3A_671 : i32 to vector<16xi32>
      %parallel_loop3A_673 = arith.shli %parallel_loop3A_665, %parallel_loop3A_672 : vector<16xi32>
      %parallel_loop3A_674 = arith.addi %parallel_loop3A_673, %parallel_loop3A_665 : vector<16xi32>
      %parallel_loop3A_675 = arith.addi %parallel_loop3A_674, %parallel_loop3A_670 : vector<16xi32>
      %parallel_loop3A_676 = arith.constant 4 : i32
      %parallel_loop3A_677 = vector.broadcast %parallel_loop3A_676 : i32 to vector<16xi32>
      %parallel_loop3A_678 = arith.shli %parallel_loop3A_675, %parallel_loop3A_677 : vector<16xi32>
      %parallel_loop3A_679 = arith.ori %parallel_loop3A_678, %iota3A : vector<16xi32>
      tpu.vector_store_idx %arg6[%parallel_loop3A_679], %broadcast_in_dim3A_1 {add = true} : memref<4624xf32, #tpu.memory_space<vmem>>[vector<16xi32>], vector<16xf32>,
    } {sc.loop_unroll_factor = 8 : i64, sc.parallel_access}
    %mul3A_176 = arith.constant 3 : i32
    %mul3A_177 = arith.muli %add3A, %mul3A_176 : i32
    %add3A_178 = arith.constant 0 : i32
    %add3A_179 = arith.addi %mul3A_177, %add3A_178 : i32
    %mul3A_180 = arith.constant 3 : i32
    %mul3A_181 = arith.muli %add3A, %mul3A_180 : i32
    %add3A_182 = arith.constant 0 : i32
    %add3A_183 = arith.addi %mul3A_181, %add3A_182 : i32
    %dma_start3A_184 = arith.constant 448 : i32
    %dma_start3A_185 = arith.constant 0 : i32
    %dma_start3A_186 = tpu.memref_slice %arg2[%add3A_183, %dma_start3A_184, %dma_start3A_185] : memref<128x512x512xi32, #tpu.memory_space<hbm>> -> memref<1x64x512xi32, #tpu.memory_space<hbm>>
    %dma_start3A_187 = tpu.memref_squeeze %dma_start3A_186 : memref<1x64x512xi32, #tpu.memory_space<hbm>> -> memref<64x512xi32, #tpu.memory_space<hbm>>
    %dma_start3A_188 = arith.constant 448 : i32
    %dma_start3A_189 = arith.constant 0 : i32
    %dma_start3A_190 = tpu.memref_slice %arg2[%add3A_183, %dma_start3A_188, %dma_start3A_189] : memref<128x512x512xi32, #tpu.memory_space<hbm>> -> memref<1x64x512xi32, #tpu.memory_space<hbm>>
    %dma_start3A_191 = tpu.memref_squeeze %dma_start3A_190 : memref<1x64x512xi32, #tpu.memory_space<hbm>> -> memref<64x512xi32, #tpu.memory_space<hbm>>
    tpu.enqueue_dma source(%dma_start3A_191 : memref<64x512xi32, #tpu.memory_space<hbm>>) target(%arg5 : memref<64x512xi32, #tpu.memory_space<vmem>>) target_semaphore(%arg8 : memref<!tpu.dma_semaphore, #tpu.memory_space<semaphore_mem>>)
    %dma_wait3A_192 = arith.constant 384 : i32
    %dma_wait3A_193 = arith.constant 0 : i32
    %dma_wait3A_194 = tpu.memref_slice %arg2[%add3A_156, %dma_wait3A_192, %dma_wait3A_193] : memref<128x512x512xi32, #tpu.memory_space<hbm>> -> memref<1x64x512xi32, #tpu.memory_space<hbm>>
    %dma_wait3A_195 = tpu.memref_squeeze %dma_wait3A_194 : memref<1x64x512xi32, #tpu.memory_space<hbm>> -> memref<64x512xi32, #tpu.memory_space<hbm>>
    %dma_wait3A_196 = arith.constant 384 : i32
    %dma_wait3A_197 = arith.constant 0 : i32
    %dma_wait3A_198 = tpu.memref_slice %arg2[%add3A_156, %dma_wait3A_196, %dma_wait3A_197] : memref<128x512x512xi32, #tpu.memory_space<hbm>> -> memref<1x64x512xi32, #tpu.memory_space<hbm>>
    %dma_wait3A_199 = tpu.memref_squeeze %dma_wait3A_198 : memref<1x64x512xi32, #tpu.memory_space<hbm>> -> memref<64x512xi32, #tpu.memory_space<hbm>>
    tpu.wait_dma2 semaphore(%arg7 : memref<!tpu.dma_semaphore, #tpu.memory_space<semaphore_mem>>) src(%dma_wait3A_199 : memref<64x512xi32, #tpu.memory_space<hbm>>) dst(%arg4 : memref<64x512xi32, #tpu.memory_space<vmem>>)
    %parallel_loop3A_200 = arith.constant 0 : i32
    %parallel_loop3A_201 = arith.constant 1024 : i32
    %parallel_loop3A_202 = arith.constant 1 : i32
    scf.for %parallel_loop3A_656 = %parallel_loop3A_200 to %parallel_loop3A_201 step %parallel_loop3A_202  : i32 {
      %parallel_loop3A_657 = arith.constant 4 : i32
      %parallel_loop3A_658 = arith.shrsi %parallel_loop3A_656, %parallel_loop3A_657 : i32
      %parallel_loop3A_659 = arith.constant 15 : i32
      %parallel_loop3A_660 = arith.andi %parallel_loop3A_656, %parallel_loop3A_659 : i32
      %parallel_loop3A_661 = arith.constant 5 : i32
      %parallel_loop3A_662 = arith.shli %parallel_loop3A_660, %parallel_loop3A_661 : i32
      %parallel_loop3A_663 = arith.index_cast %parallel_loop3A_658 : i32 to index
      %parallel_loop3A_664 = arith.index_cast %parallel_loop3A_662 : i32 to index
      %parallel_loop3A_665 = tpu.vector_load %arg4[%parallel_loop3A_663, %parallel_loop3A_664] {strides = array<i32>} : memref<64x512xi32, #tpu.memory_space<vmem>>, vector<16xi32>,
      %parallel_loop3A_666 = arith.constant 16 : i32
      %parallel_loop3A_667 = arith.addi %parallel_loop3A_662, %parallel_loop3A_666 : i32
      %parallel_loop3A_668 = arith.index_cast %parallel_loop3A_658 : i32 to index
      %parallel_loop3A_669 = arith.index_cast %parallel_loop3A_667 : i32 to index
      %parallel_loop3A_670 = tpu.vector_load %arg4[%parallel_loop3A_668, %parallel_loop3A_669] {strides = array<i32>} : memref<64x512xi32, #tpu.memory_space<vmem>>, vector<16xi32>,
      %parallel_loop3A_671 = arith.constant 4 : i32
      %parallel_loop3A_672 = vector.broadcast %parallel_loop3A_671 : i32 to vector<16xi32>
      %parallel_loop3A_673 = arith.shli %parallel_loop3A_665, %parallel_loop3A_672 : vector<16xi32>
      %parallel_loop3A_674 = arith.addi %parallel_loop3A_673, %parallel_loop3A_665 : vector<16xi32>
      %parallel_loop3A_675 = arith.addi %parallel_loop3A_674, %parallel_loop3A_670 : vector<16xi32>
      %parallel_loop3A_676 = arith.constant 4 : i32
      %parallel_loop3A_677 = vector.broadcast %parallel_loop3A_676 : i32 to vector<16xi32>
      %parallel_loop3A_678 = arith.shli %parallel_loop3A_675, %parallel_loop3A_677 : vector<16xi32>
      %parallel_loop3A_679 = arith.ori %parallel_loop3A_678, %iota3A : vector<16xi32>
      tpu.vector_store_idx %arg6[%parallel_loop3A_679], %broadcast_in_dim3A_1 {add = true} : memref<4624xf32, #tpu.memory_space<vmem>>[vector<16xi32>], vector<16xf32>,
    } {sc.loop_unroll_factor = 8 : i64, sc.parallel_access}
    %mul3A_203 = arith.constant 3 : i32
    %mul3A_204 = arith.muli %add3A, %mul3A_203 : i32
    %add3A_205 = arith.constant 0 : i32
    %add3A_206 = arith.addi %mul3A_204, %add3A_205 : i32
    %mul3A_207 = arith.constant 3 : i32
    %mul3A_208 = arith.muli %add3A, %mul3A_207 : i32
    %add3A_209 = arith.constant 1 : i32
    %add3A_210 = arith.addi %mul3A_208, %add3A_209 : i32
    %dma_start3A_211 = arith.constant 0 : i32
    %dma_start3A_212 = arith.constant 0 : i32
    %dma_start3A_213 = tpu.memref_slice %arg2[%add3A_210, %dma_start3A_211, %dma_start3A_212] : memref<128x512x512xi32, #tpu.memory_space<hbm>> -> memref<1x64x512xi32, #tpu.memory_space<hbm>>
    %dma_start3A_214 = tpu.memref_squeeze %dma_start3A_213 : memref<1x64x512xi32, #tpu.memory_space<hbm>> -> memref<64x512xi32, #tpu.memory_space<hbm>>
    %dma_start3A_215 = arith.constant 0 : i32
    %dma_start3A_216 = arith.constant 0 : i32
    %dma_start3A_217 = tpu.memref_slice %arg2[%add3A_210, %dma_start3A_215, %dma_start3A_216] : memref<128x512x512xi32, #tpu.memory_space<hbm>> -> memref<1x64x512xi32, #tpu.memory_space<hbm>>
    %dma_start3A_218 = tpu.memref_squeeze %dma_start3A_217 : memref<1x64x512xi32, #tpu.memory_space<hbm>> -> memref<64x512xi32, #tpu.memory_space<hbm>>
    tpu.enqueue_dma source(%dma_start3A_218 : memref<64x512xi32, #tpu.memory_space<hbm>>) target(%arg4 : memref<64x512xi32, #tpu.memory_space<vmem>>) target_semaphore(%arg7 : memref<!tpu.dma_semaphore, #tpu.memory_space<semaphore_mem>>)
    %dma_wait3A_219 = arith.constant 448 : i32
    %dma_wait3A_220 = arith.constant 0 : i32
    %dma_wait3A_221 = tpu.memref_slice %arg2[%add3A_183, %dma_wait3A_219, %dma_wait3A_220] : memref<128x512x512xi32, #tpu.memory_space<hbm>> -> memref<1x64x512xi32, #tpu.memory_space<hbm>>
    %dma_wait3A_222 = tpu.memref_squeeze %dma_wait3A_221 : memref<1x64x512xi32, #tpu.memory_space<hbm>> -> memref<64x512xi32, #tpu.memory_space<hbm>>
    %dma_wait3A_223 = arith.constant 448 : i32
    %dma_wait3A_224 = arith.constant 0 : i32
    %dma_wait3A_225 = tpu.memref_slice %arg2[%add3A_183, %dma_wait3A_223, %dma_wait3A_224] : memref<128x512x512xi32, #tpu.memory_space<hbm>> -> memref<1x64x512xi32, #tpu.memory_space<hbm>>
    %dma_wait3A_226 = tpu.memref_squeeze %dma_wait3A_225 : memref<1x64x512xi32, #tpu.memory_space<hbm>> -> memref<64x512xi32, #tpu.memory_space<hbm>>
    tpu.wait_dma2 semaphore(%arg8 : memref<!tpu.dma_semaphore, #tpu.memory_space<semaphore_mem>>) src(%dma_wait3A_226 : memref<64x512xi32, #tpu.memory_space<hbm>>) dst(%arg5 : memref<64x512xi32, #tpu.memory_space<vmem>>)
    %parallel_loop3A_227 = arith.constant 0 : i32
    %parallel_loop3A_228 = arith.constant 1024 : i32
    %parallel_loop3A_229 = arith.constant 1 : i32
    scf.for %parallel_loop3A_656 = %parallel_loop3A_227 to %parallel_loop3A_228 step %parallel_loop3A_229  : i32 {
      %parallel_loop3A_657 = arith.constant 4 : i32
      %parallel_loop3A_658 = arith.shrsi %parallel_loop3A_656, %parallel_loop3A_657 : i32
      %parallel_loop3A_659 = arith.constant 15 : i32
      %parallel_loop3A_660 = arith.andi %parallel_loop3A_656, %parallel_loop3A_659 : i32
      %parallel_loop3A_661 = arith.constant 5 : i32
      %parallel_loop3A_662 = arith.shli %parallel_loop3A_660, %parallel_loop3A_661 : i32
      %parallel_loop3A_663 = arith.index_cast %parallel_loop3A_658 : i32 to index
      %parallel_loop3A_664 = arith.index_cast %parallel_loop3A_662 : i32 to index
      %parallel_loop3A_665 = tpu.vector_load %arg5[%parallel_loop3A_663, %parallel_loop3A_664] {strides = array<i32>} : memref<64x512xi32, #tpu.memory_space<vmem>>, vector<16xi32>,
      %parallel_loop3A_666 = arith.constant 16 : i32
      %parallel_loop3A_667 = arith.addi %parallel_loop3A_662, %parallel_loop3A_666 : i32
      %parallel_loop3A_668 = arith.index_cast %parallel_loop3A_658 : i32 to index
      %parallel_loop3A_669 = arith.index_cast %parallel_loop3A_667 : i32 to index
      %parallel_loop3A_670 = tpu.vector_load %arg5[%parallel_loop3A_668, %parallel_loop3A_669] {strides = array<i32>} : memref<64x512xi32, #tpu.memory_space<vmem>>, vector<16xi32>,
      %parallel_loop3A_671 = arith.constant 4 : i32
      %parallel_loop3A_672 = vector.broadcast %parallel_loop3A_671 : i32 to vector<16xi32>
      %parallel_loop3A_673 = arith.shli %parallel_loop3A_665, %parallel_loop3A_672 : vector<16xi32>
      %parallel_loop3A_674 = arith.addi %parallel_loop3A_673, %parallel_loop3A_665 : vector<16xi32>
      %parallel_loop3A_675 = arith.addi %parallel_loop3A_674, %parallel_loop3A_670 : vector<16xi32>
      %parallel_loop3A_676 = arith.constant 4 : i32
      %parallel_loop3A_677 = vector.broadcast %parallel_loop3A_676 : i32 to vector<16xi32>
      %parallel_loop3A_678 = arith.shli %parallel_loop3A_675, %parallel_loop3A_677 : vector<16xi32>
      %parallel_loop3A_679 = arith.ori %parallel_loop3A_678, %iota3A : vector<16xi32>
      tpu.vector_store_idx %arg6[%parallel_loop3A_679], %broadcast_in_dim3A_1 {add = true} : memref<4624xf32, #tpu.memory_space<vmem>>[vector<16xi32>], vector<16xf32>,
    } {sc.loop_unroll_factor = 8 : i64, sc.parallel_access}
    "tpu.region"() ({
      %run_scoped3A = tpu.sem_alloc : memref<!tpu.dma_semaphore, #tpu.memory_space<semaphore_mem>>
      %dma_start3A_656 = arith.constant 0 : i32
      %dma_start3A_657 = tpu.memref_slice %arg3[%add3A_206, %dma_start3A_656] : memref<96x4624xf32, #tpu.memory_space<hbm>> -> memref<1x4624xf32, #tpu.memory_space<hbm>>
      %dma_start3A_658 = tpu.memref_squeeze %dma_start3A_657 : memref<1x4624xf32, #tpu.memory_space<hbm>> -> memref<4624xf32, #tpu.memory_space<hbm>>
      %dma_start3A_659 = arith.constant 0 : i32
      %dma_start3A_660 = tpu.memref_slice %arg3[%add3A_206, %dma_start3A_659] : memref<96x4624xf32, #tpu.memory_space<hbm>> -> memref<1x4624xf32, #tpu.memory_space<hbm>>
      %dma_start3A_661 = tpu.memref_squeeze %dma_start3A_660 : memref<1x4624xf32, #tpu.memory_space<hbm>> -> memref<4624xf32, #tpu.memory_space<hbm>>
      tpu.enqueue_dma source(%arg6 : memref<4624xf32, #tpu.memory_space<vmem>>) target(%dma_start3A_661 : memref<4624xf32, #tpu.memory_space<hbm>>) target_semaphore(%run_scoped3A : memref<!tpu.dma_semaphore, #tpu.memory_space<semaphore_mem>>)
      %dma_wait3A_662 = arith.constant 0 : i32
      %dma_wait3A_663 = tpu.memref_slice %arg3[%add3A_206, %dma_wait3A_662] : memref<96x4624xf32, #tpu.memory_space<hbm>> -> memref<1x4624xf32, #tpu.memory_space<hbm>>
      %dma_wait3A_664 = tpu.memref_squeeze %dma_wait3A_663 : memref<1x4624xf32, #tpu.memory_space<hbm>> -> memref<4624xf32, #tpu.memory_space<hbm>>
      %dma_wait3A_665 = arith.constant 0 : i32
      %dma_wait3A_666 = tpu.memref_slice %arg3[%add3A_206, %dma_wait3A_665] : memref<96x4624xf32, #tpu.memory_space<hbm>> -> memref<1x4624xf32, #tpu.memory_space<hbm>>
      %dma_wait3A_667 = tpu.memref_squeeze %dma_wait3A_666 : memref<1x4624xf32, #tpu.memory_space<hbm>> -> memref<4624xf32, #tpu.memory_space<hbm>>
      tpu.wait_dma2 semaphore(%run_scoped3A : memref<!tpu.dma_semaphore, #tpu.memory_space<semaphore_mem>>) src(%arg6 : memref<4624xf32, #tpu.memory_space<vmem>>) dst(%dma_wait3A_667 : memref<4624xf32, #tpu.memory_space<hbm>>)
      tpu.yield
    }) : () -> ()
    %mul3A_230 = arith.constant 3 : i32
    %mul3A_231 = arith.muli %add3A, %mul3A_230 : i32
    %add3A_232 = arith.constant 1 : i32
    %add3A_233 = arith.addi %mul3A_231, %add3A_232 : i32
    %mul3A_234 = arith.constant 3 : i32
    %mul3A_235 = arith.muli %add3A, %mul3A_234 : i32
    %add3A_236 = arith.constant 1 : i32
    %add3A_237 = arith.addi %mul3A_235, %add3A_236 : i32
    %dma_start3A_238 = arith.constant 64 : i32
    %dma_start3A_239 = arith.constant 0 : i32
    %dma_start3A_240 = tpu.memref_slice %arg2[%add3A_237, %dma_start3A_238, %dma_start3A_239] : memref<128x512x512xi32, #tpu.memory_space<hbm>> -> memref<1x64x512xi32, #tpu.memory_space<hbm>>
    %dma_start3A_241 = tpu.memref_squeeze %dma_start3A_240 : memref<1x64x512xi32, #tpu.memory_space<hbm>> -> memref<64x512xi32, #tpu.memory_space<hbm>>
    %dma_start3A_242 = arith.constant 64 : i32
    %dma_start3A_243 = arith.constant 0 : i32
    %dma_start3A_244 = tpu.memref_slice %arg2[%add3A_237, %dma_start3A_242, %dma_start3A_243] : memref<128x512x512xi32, #tpu.memory_space<hbm>> -> memref<1x64x512xi32, #tpu.memory_space<hbm>>
    %dma_start3A_245 = tpu.memref_squeeze %dma_start3A_244 : memref<1x64x512xi32, #tpu.memory_space<hbm>> -> memref<64x512xi32, #tpu.memory_space<hbm>>
    tpu.enqueue_dma source(%dma_start3A_245 : memref<64x512xi32, #tpu.memory_space<hbm>>) target(%arg5 : memref<64x512xi32, #tpu.memory_space<vmem>>) target_semaphore(%arg8 : memref<!tpu.dma_semaphore, #tpu.memory_space<semaphore_mem>>)
    %parallel_loop3A_246 = arith.constant 0 : i32
    %parallel_loop3A_247 = arith.constant 289 : i32
    %parallel_loop3A_248 = arith.constant 1 : i32
    scf.for %parallel_loop3A_656 = %parallel_loop3A_246 to %parallel_loop3A_247 step %parallel_loop3A_248  : i32 {
      %parallel_loop3A_657 = arith.constant 16 : i32
      %parallel_loop3A_658 = arith.muli %parallel_loop3A_656, %parallel_loop3A_657 : i32
      %parallel_loop3A_659 = arith.index_cast %parallel_loop3A_658 : i32 to index
      %parallel_loop3A_660 = tpu.vector_load %arg6[%parallel_loop3A_659] {strides = array<i32>} : memref<4624xf32, #tpu.memory_space<vmem>>, vector<16xf32>,
      tpu.vector_store %arg6[%parallel_loop3A_659], %broadcast_in_dim3A_3 {strides = array<i32>} : memref<4624xf32, #tpu.memory_space<vmem>>, vector<16xf32>,
    } {sc.loop_unroll_factor = 4 : i64, sc.parallel_access}
    %dma_wait3A_249 = arith.constant 0 : i32
    %dma_wait3A_250 = arith.constant 0 : i32
    %dma_wait3A_251 = tpu.memref_slice %arg2[%add3A_210, %dma_wait3A_249, %dma_wait3A_250] : memref<128x512x512xi32, #tpu.memory_space<hbm>> -> memref<1x64x512xi32, #tpu.memory_space<hbm>>
    %dma_wait3A_252 = tpu.memref_squeeze %dma_wait3A_251 : memref<1x64x512xi32, #tpu.memory_space<hbm>> -> memref<64x512xi32, #tpu.memory_space<hbm>>
    %dma_wait3A_253 = arith.constant 0 : i32
    %dma_wait3A_254 = arith.constant 0 : i32
    %dma_wait3A_255 = tpu.memref_slice %arg2[%add3A_210, %dma_wait3A_253, %dma_wait3A_254] : memref<128x512x512xi32, #tpu.memory_space<hbm>> -> memref<1x64x512xi32, #tpu.memory_space<hbm>>
    %dma_wait3A_256 = tpu.memref_squeeze %dma_wait3A_255 : memref<1x64x512xi32, #tpu.memory_space<hbm>> -> memref<64x512xi32, #tpu.memory_space<hbm>>
    tpu.wait_dma2 semaphore(%arg7 : memref<!tpu.dma_semaphore, #tpu.memory_space<semaphore_mem>>) src(%dma_wait3A_256 : memref<64x512xi32, #tpu.memory_space<hbm>>) dst(%arg4 : memref<64x512xi32, #tpu.memory_space<vmem>>)
    %parallel_loop3A_257 = arith.constant 0 : i32
    %parallel_loop3A_258 = arith.constant 1024 : i32
    %parallel_loop3A_259 = arith.constant 1 : i32
    scf.for %parallel_loop3A_656 = %parallel_loop3A_257 to %parallel_loop3A_258 step %parallel_loop3A_259  : i32 {
      %parallel_loop3A_657 = arith.constant 4 : i32
      %parallel_loop3A_658 = arith.shrsi %parallel_loop3A_656, %parallel_loop3A_657 : i32
      %parallel_loop3A_659 = arith.constant 15 : i32
      %parallel_loop3A_660 = arith.andi %parallel_loop3A_656, %parallel_loop3A_659 : i32
      %parallel_loop3A_661 = arith.constant 5 : i32
      %parallel_loop3A_662 = arith.shli %parallel_loop3A_660, %parallel_loop3A_661 : i32
      %parallel_loop3A_663 = arith.index_cast %parallel_loop3A_658 : i32 to index
      %parallel_loop3A_664 = arith.index_cast %parallel_loop3A_662 : i32 to index
      %parallel_loop3A_665 = tpu.vector_load %arg4[%parallel_loop3A_663, %parallel_loop3A_664] {strides = array<i32>} : memref<64x512xi32, #tpu.memory_space<vmem>>, vector<16xi32>,
      %parallel_loop3A_666 = arith.constant 16 : i32
      %parallel_loop3A_667 = arith.addi %parallel_loop3A_662, %parallel_loop3A_666 : i32
      %parallel_loop3A_668 = arith.index_cast %parallel_loop3A_658 : i32 to index
      %parallel_loop3A_669 = arith.index_cast %parallel_loop3A_667 : i32 to index
      %parallel_loop3A_670 = tpu.vector_load %arg4[%parallel_loop3A_668, %parallel_loop3A_669] {strides = array<i32>} : memref<64x512xi32, #tpu.memory_space<vmem>>, vector<16xi32>,
      %parallel_loop3A_671 = arith.constant 4 : i32
      %parallel_loop3A_672 = vector.broadcast %parallel_loop3A_671 : i32 to vector<16xi32>
      %parallel_loop3A_673 = arith.shli %parallel_loop3A_665, %parallel_loop3A_672 : vector<16xi32>
      %parallel_loop3A_674 = arith.addi %parallel_loop3A_673, %parallel_loop3A_665 : vector<16xi32>
      %parallel_loop3A_675 = arith.addi %parallel_loop3A_674, %parallel_loop3A_670 : vector<16xi32>
      %parallel_loop3A_676 = arith.constant 4 : i32
      %parallel_loop3A_677 = vector.broadcast %parallel_loop3A_676 : i32 to vector<16xi32>
      %parallel_loop3A_678 = arith.shli %parallel_loop3A_675, %parallel_loop3A_677 : vector<16xi32>
      %parallel_loop3A_679 = arith.ori %parallel_loop3A_678, %iota3A : vector<16xi32>
      tpu.vector_store_idx %arg6[%parallel_loop3A_679], %broadcast_in_dim3A_1 {add = true} : memref<4624xf32, #tpu.memory_space<vmem>>[vector<16xi32>], vector<16xf32>,
    } {sc.loop_unroll_factor = 8 : i64, sc.parallel_access}
    %mul3A_260 = arith.constant 3 : i32
    %mul3A_261 = arith.muli %add3A, %mul3A_260 : i32
    %add3A_262 = arith.constant 1 : i32
    %add3A_263 = arith.addi %mul3A_261, %add3A_262 : i32
    %mul3A_264 = arith.constant 3 : i32
    %mul3A_265 = arith.muli %add3A, %mul3A_264 : i32
    %add3A_266 = arith.constant 1 : i32
    %add3A_267 = arith.addi %mul3A_265, %add3A_266 : i32
    %dma_start3A_268 = arith.constant 128 : i32
    %dma_start3A_269 = arith.constant 0 : i32
    %dma_start3A_270 = tpu.memref_slice %arg2[%add3A_267, %dma_start3A_268, %dma_start3A_269] : memref<128x512x512xi32, #tpu.memory_space<hbm>> -> memref<1x64x512xi32, #tpu.memory_space<hbm>>
    %dma_start3A_271 = tpu.memref_squeeze %dma_start3A_270 : memref<1x64x512xi32, #tpu.memory_space<hbm>> -> memref<64x512xi32, #tpu.memory_space<hbm>>
    %dma_start3A_272 = arith.constant 128 : i32
    %dma_start3A_273 = arith.constant 0 : i32
    %dma_start3A_274 = tpu.memref_slice %arg2[%add3A_267, %dma_start3A_272, %dma_start3A_273] : memref<128x512x512xi32, #tpu.memory_space<hbm>> -> memref<1x64x512xi32, #tpu.memory_space<hbm>>
    %dma_start3A_275 = tpu.memref_squeeze %dma_start3A_274 : memref<1x64x512xi32, #tpu.memory_space<hbm>> -> memref<64x512xi32, #tpu.memory_space<hbm>>
    tpu.enqueue_dma source(%dma_start3A_275 : memref<64x512xi32, #tpu.memory_space<hbm>>) target(%arg4 : memref<64x512xi32, #tpu.memory_space<vmem>>) target_semaphore(%arg7 : memref<!tpu.dma_semaphore, #tpu.memory_space<semaphore_mem>>)
    %dma_wait3A_276 = arith.constant 64 : i32
    %dma_wait3A_277 = arith.constant 0 : i32
    %dma_wait3A_278 = tpu.memref_slice %arg2[%add3A_237, %dma_wait3A_276, %dma_wait3A_277] : memref<128x512x512xi32, #tpu.memory_space<hbm>> -> memref<1x64x512xi32, #tpu.memory_space<hbm>>
    %dma_wait3A_279 = tpu.memref_squeeze %dma_wait3A_278 : memref<1x64x512xi32, #tpu.memory_space<hbm>> -> memref<64x512xi32, #tpu.memory_space<hbm>>
    %dma_wait3A_280 = arith.constant 64 : i32
    %dma_wait3A_281 = arith.constant 0 : i32
    %dma_wait3A_282 = tpu.memref_slice %arg2[%add3A_237, %dma_wait3A_280, %dma_wait3A_281] : memref<128x512x512xi32, #tpu.memory_space<hbm>> -> memref<1x64x512xi32, #tpu.memory_space<hbm>>
    %dma_wait3A_283 = tpu.memref_squeeze %dma_wait3A_282 : memref<1x64x512xi32, #tpu.memory_space<hbm>> -> memref<64x512xi32, #tpu.memory_space<hbm>>
    tpu.wait_dma2 semaphore(%arg8 : memref<!tpu.dma_semaphore, #tpu.memory_space<semaphore_mem>>) src(%dma_wait3A_283 : memref<64x512xi32, #tpu.memory_space<hbm>>) dst(%arg5 : memref<64x512xi32, #tpu.memory_space<vmem>>)
    %parallel_loop3A_284 = arith.constant 0 : i32
    %parallel_loop3A_285 = arith.constant 1024 : i32
    %parallel_loop3A_286 = arith.constant 1 : i32
    scf.for %parallel_loop3A_656 = %parallel_loop3A_284 to %parallel_loop3A_285 step %parallel_loop3A_286  : i32 {
      %parallel_loop3A_657 = arith.constant 4 : i32
      %parallel_loop3A_658 = arith.shrsi %parallel_loop3A_656, %parallel_loop3A_657 : i32
      %parallel_loop3A_659 = arith.constant 15 : i32
      %parallel_loop3A_660 = arith.andi %parallel_loop3A_656, %parallel_loop3A_659 : i32
      %parallel_loop3A_661 = arith.constant 5 : i32
      %parallel_loop3A_662 = arith.shli %parallel_loop3A_660, %parallel_loop3A_661 : i32
      %parallel_loop3A_663 = arith.index_cast %parallel_loop3A_658 : i32 to index
      %parallel_loop3A_664 = arith.index_cast %parallel_loop3A_662 : i32 to index
      %parallel_loop3A_665 = tpu.vector_load %arg5[%parallel_loop3A_663, %parallel_loop3A_664] {strides = array<i32>} : memref<64x512xi32, #tpu.memory_space<vmem>>, vector<16xi32>,
      %parallel_loop3A_666 = arith.constant 16 : i32
      %parallel_loop3A_667 = arith.addi %parallel_loop3A_662, %parallel_loop3A_666 : i32
      %parallel_loop3A_668 = arith.index_cast %parallel_loop3A_658 : i32 to index
      %parallel_loop3A_669 = arith.index_cast %parallel_loop3A_667 : i32 to index
      %parallel_loop3A_670 = tpu.vector_load %arg5[%parallel_loop3A_668, %parallel_loop3A_669] {strides = array<i32>} : memref<64x512xi32, #tpu.memory_space<vmem>>, vector<16xi32>,
      %parallel_loop3A_671 = arith.constant 4 : i32
      %parallel_loop3A_672 = vector.broadcast %parallel_loop3A_671 : i32 to vector<16xi32>
      %parallel_loop3A_673 = arith.shli %parallel_loop3A_665, %parallel_loop3A_672 : vector<16xi32>
      %parallel_loop3A_674 = arith.addi %parallel_loop3A_673, %parallel_loop3A_665 : vector<16xi32>
      %parallel_loop3A_675 = arith.addi %parallel_loop3A_674, %parallel_loop3A_670 : vector<16xi32>
      %parallel_loop3A_676 = arith.constant 4 : i32
      %parallel_loop3A_677 = vector.broadcast %parallel_loop3A_676 : i32 to vector<16xi32>
      %parallel_loop3A_678 = arith.shli %parallel_loop3A_675, %parallel_loop3A_677 : vector<16xi32>
      %parallel_loop3A_679 = arith.ori %parallel_loop3A_678, %iota3A : vector<16xi32>
      tpu.vector_store_idx %arg6[%parallel_loop3A_679], %broadcast_in_dim3A_1 {add = true} : memref<4624xf32, #tpu.memory_space<vmem>>[vector<16xi32>], vector<16xf32>,
    } {sc.loop_unroll_factor = 8 : i64, sc.parallel_access}
    %mul3A_287 = arith.constant 3 : i32
    %mul3A_288 = arith.muli %add3A, %mul3A_287 : i32
    %add3A_289 = arith.constant 1 : i32
    %add3A_290 = arith.addi %mul3A_288, %add3A_289 : i32
    %mul3A_291 = arith.constant 3 : i32
    %mul3A_292 = arith.muli %add3A, %mul3A_291 : i32
    %add3A_293 = arith.constant 1 : i32
    %add3A_294 = arith.addi %mul3A_292, %add3A_293 : i32
    %dma_start3A_295 = arith.constant 192 : i32
    %dma_start3A_296 = arith.constant 0 : i32
    %dma_start3A_297 = tpu.memref_slice %arg2[%add3A_294, %dma_start3A_295, %dma_start3A_296] : memref<128x512x512xi32, #tpu.memory_space<hbm>> -> memref<1x64x512xi32, #tpu.memory_space<hbm>>
    %dma_start3A_298 = tpu.memref_squeeze %dma_start3A_297 : memref<1x64x512xi32, #tpu.memory_space<hbm>> -> memref<64x512xi32, #tpu.memory_space<hbm>>
    %dma_start3A_299 = arith.constant 192 : i32
    %dma_start3A_300 = arith.constant 0 : i32
    %dma_start3A_301 = tpu.memref_slice %arg2[%add3A_294, %dma_start3A_299, %dma_start3A_300] : memref<128x512x512xi32, #tpu.memory_space<hbm>> -> memref<1x64x512xi32, #tpu.memory_space<hbm>>
    %dma_start3A_302 = tpu.memref_squeeze %dma_start3A_301 : memref<1x64x512xi32, #tpu.memory_space<hbm>> -> memref<64x512xi32, #tpu.memory_space<hbm>>
    tpu.enqueue_dma source(%dma_start3A_302 : memref<64x512xi32, #tpu.memory_space<hbm>>) target(%arg5 : memref<64x512xi32, #tpu.memory_space<vmem>>) target_semaphore(%arg8 : memref<!tpu.dma_semaphore, #tpu.memory_space<semaphore_mem>>)
    %dma_wait3A_303 = arith.constant 128 : i32
    %dma_wait3A_304 = arith.constant 0 : i32
    %dma_wait3A_305 = tpu.memref_slice %arg2[%add3A_267, %dma_wait3A_303, %dma_wait3A_304] : memref<128x512x512xi32, #tpu.memory_space<hbm>> -> memref<1x64x512xi32, #tpu.memory_space<hbm>>
    %dma_wait3A_306 = tpu.memref_squeeze %dma_wait3A_305 : memref<1x64x512xi32, #tpu.memory_space<hbm>> -> memref<64x512xi32, #tpu.memory_space<hbm>>
    %dma_wait3A_307 = arith.constant 128 : i32
    %dma_wait3A_308 = arith.constant 0 : i32
    %dma_wait3A_309 = tpu.memref_slice %arg2[%add3A_267, %dma_wait3A_307, %dma_wait3A_308] : memref<128x512x512xi32, #tpu.memory_space<hbm>> -> memref<1x64x512xi32, #tpu.memory_space<hbm>>
    %dma_wait3A_310 = tpu.memref_squeeze %dma_wait3A_309 : memref<1x64x512xi32, #tpu.memory_space<hbm>> -> memref<64x512xi32, #tpu.memory_space<hbm>>
    tpu.wait_dma2 semaphore(%arg7 : memref<!tpu.dma_semaphore, #tpu.memory_space<semaphore_mem>>) src(%dma_wait3A_310 : memref<64x512xi32, #tpu.memory_space<hbm>>) dst(%arg4 : memref<64x512xi32, #tpu.memory_space<vmem>>)
    %parallel_loop3A_311 = arith.constant 0 : i32
    %parallel_loop3A_312 = arith.constant 1024 : i32
    %parallel_loop3A_313 = arith.constant 1 : i32
    scf.for %parallel_loop3A_656 = %parallel_loop3A_311 to %parallel_loop3A_312 step %parallel_loop3A_313  : i32 {
      %parallel_loop3A_657 = arith.constant 4 : i32
      %parallel_loop3A_658 = arith.shrsi %parallel_loop3A_656, %parallel_loop3A_657 : i32
      %parallel_loop3A_659 = arith.constant 15 : i32
      %parallel_loop3A_660 = arith.andi %parallel_loop3A_656, %parallel_loop3A_659 : i32
      %parallel_loop3A_661 = arith.constant 5 : i32
      %parallel_loop3A_662 = arith.shli %parallel_loop3A_660, %parallel_loop3A_661 : i32
      %parallel_loop3A_663 = arith.index_cast %parallel_loop3A_658 : i32 to index
      %parallel_loop3A_664 = arith.index_cast %parallel_loop3A_662 : i32 to index
      %parallel_loop3A_665 = tpu.vector_load %arg4[%parallel_loop3A_663, %parallel_loop3A_664] {strides = array<i32>} : memref<64x512xi32, #tpu.memory_space<vmem>>, vector<16xi32>,
      %parallel_loop3A_666 = arith.constant 16 : i32
      %parallel_loop3A_667 = arith.addi %parallel_loop3A_662, %parallel_loop3A_666 : i32
      %parallel_loop3A_668 = arith.index_cast %parallel_loop3A_658 : i32 to index
      %parallel_loop3A_669 = arith.index_cast %parallel_loop3A_667 : i32 to index
      %parallel_loop3A_670 = tpu.vector_load %arg4[%parallel_loop3A_668, %parallel_loop3A_669] {strides = array<i32>} : memref<64x512xi32, #tpu.memory_space<vmem>>, vector<16xi32>,
      %parallel_loop3A_671 = arith.constant 4 : i32
      %parallel_loop3A_672 = vector.broadcast %parallel_loop3A_671 : i32 to vector<16xi32>
      %parallel_loop3A_673 = arith.shli %parallel_loop3A_665, %parallel_loop3A_672 : vector<16xi32>
      %parallel_loop3A_674 = arith.addi %parallel_loop3A_673, %parallel_loop3A_665 : vector<16xi32>
      %parallel_loop3A_675 = arith.addi %parallel_loop3A_674, %parallel_loop3A_670 : vector<16xi32>
      %parallel_loop3A_676 = arith.constant 4 : i32
      %parallel_loop3A_677 = vector.broadcast %parallel_loop3A_676 : i32 to vector<16xi32>
      %parallel_loop3A_678 = arith.shli %parallel_loop3A_675, %parallel_loop3A_677 : vector<16xi32>
      %parallel_loop3A_679 = arith.ori %parallel_loop3A_678, %iota3A : vector<16xi32>
      tpu.vector_store_idx %arg6[%parallel_loop3A_679], %broadcast_in_dim3A_1 {add = true} : memref<4624xf32, #tpu.memory_space<vmem>>[vector<16xi32>], vector<16xf32>,
    } {sc.loop_unroll_factor = 8 : i64, sc.parallel_access}
    %mul3A_314 = arith.constant 3 : i32
    %mul3A_315 = arith.muli %add3A, %mul3A_314 : i32
    %add3A_316 = arith.constant 1 : i32
    %add3A_317 = arith.addi %mul3A_315, %add3A_316 : i32
    %mul3A_318 = arith.constant 3 : i32
    %mul3A_319 = arith.muli %add3A, %mul3A_318 : i32
    %add3A_320 = arith.constant 1 : i32
    %add3A_321 = arith.addi %mul3A_319, %add3A_320 : i32
    %dma_start3A_322 = arith.constant 256 : i32
    %dma_start3A_323 = arith.constant 0 : i32
    %dma_start3A_324 = tpu.memref_slice %arg2[%add3A_321, %dma_start3A_322, %dma_start3A_323] : memref<128x512x512xi32, #tpu.memory_space<hbm>> -> memref<1x64x512xi32, #tpu.memory_space<hbm>>
    %dma_start3A_325 = tpu.memref_squeeze %dma_start3A_324 : memref<1x64x512xi32, #tpu.memory_space<hbm>> -> memref<64x512xi32, #tpu.memory_space<hbm>>
    %dma_start3A_326 = arith.constant 256 : i32
    %dma_start3A_327 = arith.constant 0 : i32
    %dma_start3A_328 = tpu.memref_slice %arg2[%add3A_321, %dma_start3A_326, %dma_start3A_327] : memref<128x512x512xi32, #tpu.memory_space<hbm>> -> memref<1x64x512xi32, #tpu.memory_space<hbm>>
    %dma_start3A_329 = tpu.memref_squeeze %dma_start3A_328 : memref<1x64x512xi32, #tpu.memory_space<hbm>> -> memref<64x512xi32, #tpu.memory_space<hbm>>
    tpu.enqueue_dma source(%dma_start3A_329 : memref<64x512xi32, #tpu.memory_space<hbm>>) target(%arg4 : memref<64x512xi32, #tpu.memory_space<vmem>>) target_semaphore(%arg7 : memref<!tpu.dma_semaphore, #tpu.memory_space<semaphore_mem>>)
    %dma_wait3A_330 = arith.constant 192 : i32
    %dma_wait3A_331 = arith.constant 0 : i32
    %dma_wait3A_332 = tpu.memref_slice %arg2[%add3A_294, %dma_wait3A_330, %dma_wait3A_331] : memref<128x512x512xi32, #tpu.memory_space<hbm>> -> memref<1x64x512xi32, #tpu.memory_space<hbm>>
    %dma_wait3A_333 = tpu.memref_squeeze %dma_wait3A_332 : memref<1x64x512xi32, #tpu.memory_space<hbm>> -> memref<64x512xi32, #tpu.memory_space<hbm>>
    %dma_wait3A_334 = arith.constant 192 : i32
    %dma_wait3A_335 = arith.constant 0 : i32
    %dma_wait3A_336 = tpu.memref_slice %arg2[%add3A_294, %dma_wait3A_334, %dma_wait3A_335] : memref<128x512x512xi32, #tpu.memory_space<hbm>> -> memref<1x64x512xi32, #tpu.memory_space<hbm>>
    %dma_wait3A_337 = tpu.memref_squeeze %dma_wait3A_336 : memref<1x64x512xi32, #tpu.memory_space<hbm>> -> memref<64x512xi32, #tpu.memory_space<hbm>>
    tpu.wait_dma2 semaphore(%arg8 : memref<!tpu.dma_semaphore, #tpu.memory_space<semaphore_mem>>) src(%dma_wait3A_337 : memref<64x512xi32, #tpu.memory_space<hbm>>) dst(%arg5 : memref<64x512xi32, #tpu.memory_space<vmem>>)
    %parallel_loop3A_338 = arith.constant 0 : i32
    %parallel_loop3A_339 = arith.constant 1024 : i32
    %parallel_loop3A_340 = arith.constant 1 : i32
    scf.for %parallel_loop3A_656 = %parallel_loop3A_338 to %parallel_loop3A_339 step %parallel_loop3A_340  : i32 {
      %parallel_loop3A_657 = arith.constant 4 : i32
      %parallel_loop3A_658 = arith.shrsi %parallel_loop3A_656, %parallel_loop3A_657 : i32
      %parallel_loop3A_659 = arith.constant 15 : i32
      %parallel_loop3A_660 = arith.andi %parallel_loop3A_656, %parallel_loop3A_659 : i32
      %parallel_loop3A_661 = arith.constant 5 : i32
      %parallel_loop3A_662 = arith.shli %parallel_loop3A_660, %parallel_loop3A_661 : i32
      %parallel_loop3A_663 = arith.index_cast %parallel_loop3A_658 : i32 to index
      %parallel_loop3A_664 = arith.index_cast %parallel_loop3A_662 : i32 to index
      %parallel_loop3A_665 = tpu.vector_load %arg5[%parallel_loop3A_663, %parallel_loop3A_664] {strides = array<i32>} : memref<64x512xi32, #tpu.memory_space<vmem>>, vector<16xi32>,
      %parallel_loop3A_666 = arith.constant 16 : i32
      %parallel_loop3A_667 = arith.addi %parallel_loop3A_662, %parallel_loop3A_666 : i32
      %parallel_loop3A_668 = arith.index_cast %parallel_loop3A_658 : i32 to index
      %parallel_loop3A_669 = arith.index_cast %parallel_loop3A_667 : i32 to index
      %parallel_loop3A_670 = tpu.vector_load %arg5[%parallel_loop3A_668, %parallel_loop3A_669] {strides = array<i32>} : memref<64x512xi32, #tpu.memory_space<vmem>>, vector<16xi32>,
      %parallel_loop3A_671 = arith.constant 4 : i32
      %parallel_loop3A_672 = vector.broadcast %parallel_loop3A_671 : i32 to vector<16xi32>
      %parallel_loop3A_673 = arith.shli %parallel_loop3A_665, %parallel_loop3A_672 : vector<16xi32>
      %parallel_loop3A_674 = arith.addi %parallel_loop3A_673, %parallel_loop3A_665 : vector<16xi32>
      %parallel_loop3A_675 = arith.addi %parallel_loop3A_674, %parallel_loop3A_670 : vector<16xi32>
      %parallel_loop3A_676 = arith.constant 4 : i32
      %parallel_loop3A_677 = vector.broadcast %parallel_loop3A_676 : i32 to vector<16xi32>
      %parallel_loop3A_678 = arith.shli %parallel_loop3A_675, %parallel_loop3A_677 : vector<16xi32>
      %parallel_loop3A_679 = arith.ori %parallel_loop3A_678, %iota3A : vector<16xi32>
      tpu.vector_store_idx %arg6[%parallel_loop3A_679], %broadcast_in_dim3A_1 {add = true} : memref<4624xf32, #tpu.memory_space<vmem>>[vector<16xi32>], vector<16xf32>,
    } {sc.loop_unroll_factor = 8 : i64, sc.parallel_access}
    %mul3A_341 = arith.constant 3 : i32
    %mul3A_342 = arith.muli %add3A, %mul3A_341 : i32
    %add3A_343 = arith.constant 1 : i32
    %add3A_344 = arith.addi %mul3A_342, %add3A_343 : i32
    %mul3A_345 = arith.constant 3 : i32
    %mul3A_346 = arith.muli %add3A, %mul3A_345 : i32
    %add3A_347 = arith.constant 1 : i32
    %add3A_348 = arith.addi %mul3A_346, %add3A_347 : i32
    %dma_start3A_349 = arith.constant 320 : i32
    %dma_start3A_350 = arith.constant 0 : i32
    %dma_start3A_351 = tpu.memref_slice %arg2[%add3A_348, %dma_start3A_349, %dma_start3A_350] : memref<128x512x512xi32, #tpu.memory_space<hbm>> -> memref<1x64x512xi32, #tpu.memory_space<hbm>>
    %dma_start3A_352 = tpu.memref_squeeze %dma_start3A_351 : memref<1x64x512xi32, #tpu.memory_space<hbm>> -> memref<64x512xi32, #tpu.memory_space<hbm>>
    %dma_start3A_353 = arith.constant 320 : i32
    %dma_start3A_354 = arith.constant 0 : i32
    %dma_start3A_355 = tpu.memref_slice %arg2[%add3A_348, %dma_start3A_353, %dma_start3A_354] : memref<128x512x512xi32, #tpu.memory_space<hbm>> -> memref<1x64x512xi32, #tpu.memory_space<hbm>>
    %dma_start3A_356 = tpu.memref_squeeze %dma_start3A_355 : memref<1x64x512xi32, #tpu.memory_space<hbm>> -> memref<64x512xi32, #tpu.memory_space<hbm>>
    tpu.enqueue_dma source(%dma_start3A_356 : memref<64x512xi32, #tpu.memory_space<hbm>>) target(%arg5 : memref<64x512xi32, #tpu.memory_space<vmem>>) target_semaphore(%arg8 : memref<!tpu.dma_semaphore, #tpu.memory_space<semaphore_mem>>)
    %dma_wait3A_357 = arith.constant 256 : i32
    %dma_wait3A_358 = arith.constant 0 : i32
    %dma_wait3A_359 = tpu.memref_slice %arg2[%add3A_321, %dma_wait3A_357, %dma_wait3A_358] : memref<128x512x512xi32, #tpu.memory_space<hbm>> -> memref<1x64x512xi32, #tpu.memory_space<hbm>>
    %dma_wait3A_360 = tpu.memref_squeeze %dma_wait3A_359 : memref<1x64x512xi32, #tpu.memory_space<hbm>> -> memref<64x512xi32, #tpu.memory_space<hbm>>
    %dma_wait3A_361 = arith.constant 256 : i32
    %dma_wait3A_362 = arith.constant 0 : i32
    %dma_wait3A_363 = tpu.memref_slice %arg2[%add3A_321, %dma_wait3A_361, %dma_wait3A_362] : memref<128x512x512xi32, #tpu.memory_space<hbm>> -> memref<1x64x512xi32, #tpu.memory_space<hbm>>
    %dma_wait3A_364 = tpu.memref_squeeze %dma_wait3A_363 : memref<1x64x512xi32, #tpu.memory_space<hbm>> -> memref<64x512xi32, #tpu.memory_space<hbm>>
    tpu.wait_dma2 semaphore(%arg7 : memref<!tpu.dma_semaphore, #tpu.memory_space<semaphore_mem>>) src(%dma_wait3A_364 : memref<64x512xi32, #tpu.memory_space<hbm>>) dst(%arg4 : memref<64x512xi32, #tpu.memory_space<vmem>>)
    %parallel_loop3A_365 = arith.constant 0 : i32
    %parallel_loop3A_366 = arith.constant 1024 : i32
    %parallel_loop3A_367 = arith.constant 1 : i32
    scf.for %parallel_loop3A_656 = %parallel_loop3A_365 to %parallel_loop3A_366 step %parallel_loop3A_367  : i32 {
      %parallel_loop3A_657 = arith.constant 4 : i32
      %parallel_loop3A_658 = arith.shrsi %parallel_loop3A_656, %parallel_loop3A_657 : i32
      %parallel_loop3A_659 = arith.constant 15 : i32
      %parallel_loop3A_660 = arith.andi %parallel_loop3A_656, %parallel_loop3A_659 : i32
      %parallel_loop3A_661 = arith.constant 5 : i32
      %parallel_loop3A_662 = arith.shli %parallel_loop3A_660, %parallel_loop3A_661 : i32
      %parallel_loop3A_663 = arith.index_cast %parallel_loop3A_658 : i32 to index
      %parallel_loop3A_664 = arith.index_cast %parallel_loop3A_662 : i32 to index
      %parallel_loop3A_665 = tpu.vector_load %arg4[%parallel_loop3A_663, %parallel_loop3A_664] {strides = array<i32>} : memref<64x512xi32, #tpu.memory_space<vmem>>, vector<16xi32>,
      %parallel_loop3A_666 = arith.constant 16 : i32
      %parallel_loop3A_667 = arith.addi %parallel_loop3A_662, %parallel_loop3A_666 : i32
      %parallel_loop3A_668 = arith.index_cast %parallel_loop3A_658 : i32 to index
      %parallel_loop3A_669 = arith.index_cast %parallel_loop3A_667 : i32 to index
      %parallel_loop3A_670 = tpu.vector_load %arg4[%parallel_loop3A_668, %parallel_loop3A_669] {strides = array<i32>} : memref<64x512xi32, #tpu.memory_space<vmem>>, vector<16xi32>,
      %parallel_loop3A_671 = arith.constant 4 : i32
      %parallel_loop3A_672 = vector.broadcast %parallel_loop3A_671 : i32 to vector<16xi32>
      %parallel_loop3A_673 = arith.shli %parallel_loop3A_665, %parallel_loop3A_672 : vector<16xi32>
      %parallel_loop3A_674 = arith.addi %parallel_loop3A_673, %parallel_loop3A_665 : vector<16xi32>
      %parallel_loop3A_675 = arith.addi %parallel_loop3A_674, %parallel_loop3A_670 : vector<16xi32>
      %parallel_loop3A_676 = arith.constant 4 : i32
      %parallel_loop3A_677 = vector.broadcast %parallel_loop3A_676 : i32 to vector<16xi32>
      %parallel_loop3A_678 = arith.shli %parallel_loop3A_675, %parallel_loop3A_677 : vector<16xi32>
      %parallel_loop3A_679 = arith.ori %parallel_loop3A_678, %iota3A : vector<16xi32>
      tpu.vector_store_idx %arg6[%parallel_loop3A_679], %broadcast_in_dim3A_1 {add = true} : memref<4624xf32, #tpu.memory_space<vmem>>[vector<16xi32>], vector<16xf32>,
    } {sc.loop_unroll_factor = 8 : i64, sc.parallel_access}
    %mul3A_368 = arith.constant 3 : i32
    %mul3A_369 = arith.muli %add3A, %mul3A_368 : i32
    %add3A_370 = arith.constant 1 : i32
    %add3A_371 = arith.addi %mul3A_369, %add3A_370 : i32
    %mul3A_372 = arith.constant 3 : i32
    %mul3A_373 = arith.muli %add3A, %mul3A_372 : i32
    %add3A_374 = arith.constant 1 : i32
    %add3A_375 = arith.addi %mul3A_373, %add3A_374 : i32
    %dma_start3A_376 = arith.constant 384 : i32
    %dma_start3A_377 = arith.constant 0 : i32
    %dma_start3A_378 = tpu.memref_slice %arg2[%add3A_375, %dma_start3A_376, %dma_start3A_377] : memref<128x512x512xi32, #tpu.memory_space<hbm>> -> memref<1x64x512xi32, #tpu.memory_space<hbm>>
    %dma_start3A_379 = tpu.memref_squeeze %dma_start3A_378 : memref<1x64x512xi32, #tpu.memory_space<hbm>> -> memref<64x512xi32, #tpu.memory_space<hbm>>
    %dma_start3A_380 = arith.constant 384 : i32
    %dma_start3A_381 = arith.constant 0 : i32
    %dma_start3A_382 = tpu.memref_slice %arg2[%add3A_375, %dma_start3A_380, %dma_start3A_381] : memref<128x512x512xi32, #tpu.memory_space<hbm>> -> memref<1x64x512xi32, #tpu.memory_space<hbm>>
    %dma_start3A_383 = tpu.memref_squeeze %dma_start3A_382 : memref<1x64x512xi32, #tpu.memory_space<hbm>> -> memref<64x512xi32, #tpu.memory_space<hbm>>
    tpu.enqueue_dma source(%dma_start3A_383 : memref<64x512xi32, #tpu.memory_space<hbm>>) target(%arg4 : memref<64x512xi32, #tpu.memory_space<vmem>>) target_semaphore(%arg7 : memref<!tpu.dma_semaphore, #tpu.memory_space<semaphore_mem>>)
    %dma_wait3A_384 = arith.constant 320 : i32
    %dma_wait3A_385 = arith.constant 0 : i32
    %dma_wait3A_386 = tpu.memref_slice %arg2[%add3A_348, %dma_wait3A_384, %dma_wait3A_385] : memref<128x512x512xi32, #tpu.memory_space<hbm>> -> memref<1x64x512xi32, #tpu.memory_space<hbm>>
    %dma_wait3A_387 = tpu.memref_squeeze %dma_wait3A_386 : memref<1x64x512xi32, #tpu.memory_space<hbm>> -> memref<64x512xi32, #tpu.memory_space<hbm>>
    %dma_wait3A_388 = arith.constant 320 : i32
    %dma_wait3A_389 = arith.constant 0 : i32
    %dma_wait3A_390 = tpu.memref_slice %arg2[%add3A_348, %dma_wait3A_388, %dma_wait3A_389] : memref<128x512x512xi32, #tpu.memory_space<hbm>> -> memref<1x64x512xi32, #tpu.memory_space<hbm>>
    %dma_wait3A_391 = tpu.memref_squeeze %dma_wait3A_390 : memref<1x64x512xi32, #tpu.memory_space<hbm>> -> memref<64x512xi32, #tpu.memory_space<hbm>>
    tpu.wait_dma2 semaphore(%arg8 : memref<!tpu.dma_semaphore, #tpu.memory_space<semaphore_mem>>) src(%dma_wait3A_391 : memref<64x512xi32, #tpu.memory_space<hbm>>) dst(%arg5 : memref<64x512xi32, #tpu.memory_space<vmem>>)
    %parallel_loop3A_392 = arith.constant 0 : i32
    %parallel_loop3A_393 = arith.constant 1024 : i32
    %parallel_loop3A_394 = arith.constant 1 : i32
    scf.for %parallel_loop3A_656 = %parallel_loop3A_392 to %parallel_loop3A_393 step %parallel_loop3A_394  : i32 {
      %parallel_loop3A_657 = arith.constant 4 : i32
      %parallel_loop3A_658 = arith.shrsi %parallel_loop3A_656, %parallel_loop3A_657 : i32
      %parallel_loop3A_659 = arith.constant 15 : i32
      %parallel_loop3A_660 = arith.andi %parallel_loop3A_656, %parallel_loop3A_659 : i32
      %parallel_loop3A_661 = arith.constant 5 : i32
      %parallel_loop3A_662 = arith.shli %parallel_loop3A_660, %parallel_loop3A_661 : i32
      %parallel_loop3A_663 = arith.index_cast %parallel_loop3A_658 : i32 to index
      %parallel_loop3A_664 = arith.index_cast %parallel_loop3A_662 : i32 to index
      %parallel_loop3A_665 = tpu.vector_load %arg5[%parallel_loop3A_663, %parallel_loop3A_664] {strides = array<i32>} : memref<64x512xi32, #tpu.memory_space<vmem>>, vector<16xi32>,
      %parallel_loop3A_666 = arith.constant 16 : i32
      %parallel_loop3A_667 = arith.addi %parallel_loop3A_662, %parallel_loop3A_666 : i32
      %parallel_loop3A_668 = arith.index_cast %parallel_loop3A_658 : i32 to index
      %parallel_loop3A_669 = arith.index_cast %parallel_loop3A_667 : i32 to index
      %parallel_loop3A_670 = tpu.vector_load %arg5[%parallel_loop3A_668, %parallel_loop3A_669] {strides = array<i32>} : memref<64x512xi32, #tpu.memory_space<vmem>>, vector<16xi32>,
      %parallel_loop3A_671 = arith.constant 4 : i32
      %parallel_loop3A_672 = vector.broadcast %parallel_loop3A_671 : i32 to vector<16xi32>
      %parallel_loop3A_673 = arith.shli %parallel_loop3A_665, %parallel_loop3A_672 : vector<16xi32>
      %parallel_loop3A_674 = arith.addi %parallel_loop3A_673, %parallel_loop3A_665 : vector<16xi32>
      %parallel_loop3A_675 = arith.addi %parallel_loop3A_674, %parallel_loop3A_670 : vector<16xi32>
      %parallel_loop3A_676 = arith.constant 4 : i32
      %parallel_loop3A_677 = vector.broadcast %parallel_loop3A_676 : i32 to vector<16xi32>
      %parallel_loop3A_678 = arith.shli %parallel_loop3A_675, %parallel_loop3A_677 : vector<16xi32>
      %parallel_loop3A_679 = arith.ori %parallel_loop3A_678, %iota3A : vector<16xi32>
      tpu.vector_store_idx %arg6[%parallel_loop3A_679], %broadcast_in_dim3A_1 {add = true} : memref<4624xf32, #tpu.memory_space<vmem>>[vector<16xi32>], vector<16xf32>,
    } {sc.loop_unroll_factor = 8 : i64, sc.parallel_access}
    %mul3A_395 = arith.constant 3 : i32
    %mul3A_396 = arith.muli %add3A, %mul3A_395 : i32
    %add3A_397 = arith.constant 1 : i32
    %add3A_398 = arith.addi %mul3A_396, %add3A_397 : i32
    %mul3A_399 = arith.constant 3 : i32
    %mul3A_400 = arith.muli %add3A, %mul3A_399 : i32
    %add3A_401 = arith.constant 1 : i32
    %add3A_402 = arith.addi %mul3A_400, %add3A_401 : i32
    %dma_start3A_403 = arith.constant 448 : i32
    %dma_start3A_404 = arith.constant 0 : i32
    %dma_start3A_405 = tpu.memref_slice %arg2[%add3A_402, %dma_start3A_403, %dma_start3A_404] : memref<128x512x512xi32, #tpu.memory_space<hbm>> -> memref<1x64x512xi32, #tpu.memory_space<hbm>>
    %dma_start3A_406 = tpu.memref_squeeze %dma_start3A_405 : memref<1x64x512xi32, #tpu.memory_space<hbm>> -> memref<64x512xi32, #tpu.memory_space<hbm>>
    %dma_start3A_407 = arith.constant 448 : i32
    %dma_start3A_408 = arith.constant 0 : i32
    %dma_start3A_409 = tpu.memref_slice %arg2[%add3A_402, %dma_start3A_407, %dma_start3A_408] : memref<128x512x512xi32, #tpu.memory_space<hbm>> -> memref<1x64x512xi32, #tpu.memory_space<hbm>>
    %dma_start3A_410 = tpu.memref_squeeze %dma_start3A_409 : memref<1x64x512xi32, #tpu.memory_space<hbm>> -> memref<64x512xi32, #tpu.memory_space<hbm>>
    tpu.enqueue_dma source(%dma_start3A_410 : memref<64x512xi32, #tpu.memory_space<hbm>>) target(%arg5 : memref<64x512xi32, #tpu.memory_space<vmem>>) target_semaphore(%arg8 : memref<!tpu.dma_semaphore, #tpu.memory_space<semaphore_mem>>)
    %dma_wait3A_411 = arith.constant 384 : i32
    %dma_wait3A_412 = arith.constant 0 : i32
    %dma_wait3A_413 = tpu.memref_slice %arg2[%add3A_375, %dma_wait3A_411, %dma_wait3A_412] : memref<128x512x512xi32, #tpu.memory_space<hbm>> -> memref<1x64x512xi32, #tpu.memory_space<hbm>>
    %dma_wait3A_414 = tpu.memref_squeeze %dma_wait3A_413 : memref<1x64x512xi32, #tpu.memory_space<hbm>> -> memref<64x512xi32, #tpu.memory_space<hbm>>
    %dma_wait3A_415 = arith.constant 384 : i32
    %dma_wait3A_416 = arith.constant 0 : i32
    %dma_wait3A_417 = tpu.memref_slice %arg2[%add3A_375, %dma_wait3A_415, %dma_wait3A_416] : memref<128x512x512xi32, #tpu.memory_space<hbm>> -> memref<1x64x512xi32, #tpu.memory_space<hbm>>
    %dma_wait3A_418 = tpu.memref_squeeze %dma_wait3A_417 : memref<1x64x512xi32, #tpu.memory_space<hbm>> -> memref<64x512xi32, #tpu.memory_space<hbm>>
    tpu.wait_dma2 semaphore(%arg7 : memref<!tpu.dma_semaphore, #tpu.memory_space<semaphore_mem>>) src(%dma_wait3A_418 : memref<64x512xi32, #tpu.memory_space<hbm>>) dst(%arg4 : memref<64x512xi32, #tpu.memory_space<vmem>>)
    %parallel_loop3A_419 = arith.constant 0 : i32
    %parallel_loop3A_420 = arith.constant 1024 : i32
    %parallel_loop3A_421 = arith.constant 1 : i32
    scf.for %parallel_loop3A_656 = %parallel_loop3A_419 to %parallel_loop3A_420 step %parallel_loop3A_421  : i32 {
      %parallel_loop3A_657 = arith.constant 4 : i32
      %parallel_loop3A_658 = arith.shrsi %parallel_loop3A_656, %parallel_loop3A_657 : i32
      %parallel_loop3A_659 = arith.constant 15 : i32
      %parallel_loop3A_660 = arith.andi %parallel_loop3A_656, %parallel_loop3A_659 : i32
      %parallel_loop3A_661 = arith.constant 5 : i32
      %parallel_loop3A_662 = arith.shli %parallel_loop3A_660, %parallel_loop3A_661 : i32
      %parallel_loop3A_663 = arith.index_cast %parallel_loop3A_658 : i32 to index
      %parallel_loop3A_664 = arith.index_cast %parallel_loop3A_662 : i32 to index
      %parallel_loop3A_665 = tpu.vector_load %arg4[%parallel_loop3A_663, %parallel_loop3A_664] {strides = array<i32>} : memref<64x512xi32, #tpu.memory_space<vmem>>, vector<16xi32>,
      %parallel_loop3A_666 = arith.constant 16 : i32
      %parallel_loop3A_667 = arith.addi %parallel_loop3A_662, %parallel_loop3A_666 : i32
      %parallel_loop3A_668 = arith.index_cast %parallel_loop3A_658 : i32 to index
      %parallel_loop3A_669 = arith.index_cast %parallel_loop3A_667 : i32 to index
      %parallel_loop3A_670 = tpu.vector_load %arg4[%parallel_loop3A_668, %parallel_loop3A_669] {strides = array<i32>} : memref<64x512xi32, #tpu.memory_space<vmem>>, vector<16xi32>,
      %parallel_loop3A_671 = arith.constant 4 : i32
      %parallel_loop3A_672 = vector.broadcast %parallel_loop3A_671 : i32 to vector<16xi32>
      %parallel_loop3A_673 = arith.shli %parallel_loop3A_665, %parallel_loop3A_672 : vector<16xi32>
      %parallel_loop3A_674 = arith.addi %parallel_loop3A_673, %parallel_loop3A_665 : vector<16xi32>
      %parallel_loop3A_675 = arith.addi %parallel_loop3A_674, %parallel_loop3A_670 : vector<16xi32>
      %parallel_loop3A_676 = arith.constant 4 : i32
      %parallel_loop3A_677 = vector.broadcast %parallel_loop3A_676 : i32 to vector<16xi32>
      %parallel_loop3A_678 = arith.shli %parallel_loop3A_675, %parallel_loop3A_677 : vector<16xi32>
      %parallel_loop3A_679 = arith.ori %parallel_loop3A_678, %iota3A : vector<16xi32>
      tpu.vector_store_idx %arg6[%parallel_loop3A_679], %broadcast_in_dim3A_1 {add = true} : memref<4624xf32, #tpu.memory_space<vmem>>[vector<16xi32>], vector<16xf32>,
    } {sc.loop_unroll_factor = 8 : i64, sc.parallel_access}
    %mul3A_422 = arith.constant 3 : i32
    %mul3A_423 = arith.muli %add3A, %mul3A_422 : i32
    %add3A_424 = arith.constant 1 : i32
    %add3A_425 = arith.addi %mul3A_423, %add3A_424 : i32
    %mul3A_426 = arith.constant 3 : i32
    %mul3A_427 = arith.muli %add3A, %mul3A_426 : i32
    %add3A_428 = arith.constant 2 : i32
    %add3A_429 = arith.addi %mul3A_427, %add3A_428 : i32
    %dma_start3A_430 = arith.constant 0 : i32
    %dma_start3A_431 = arith.constant 0 : i32
    %dma_start3A_432 = tpu.memref_slice %arg2[%add3A_429, %dma_start3A_430, %dma_start3A_431] : memref<128x512x512xi32, #tpu.memory_space<hbm>> -> memref<1x64x512xi32, #tpu.memory_space<hbm>>
    %dma_start3A_433 = tpu.memref_squeeze %dma_start3A_432 : memref<1x64x512xi32, #tpu.memory_space<hbm>> -> memref<64x512xi32, #tpu.memory_space<hbm>>
    %dma_start3A_434 = arith.constant 0 : i32
    %dma_start3A_435 = arith.constant 0 : i32
    %dma_start3A_436 = tpu.memref_slice %arg2[%add3A_429, %dma_start3A_434, %dma_start3A_435] : memref<128x512x512xi32, #tpu.memory_space<hbm>> -> memref<1x64x512xi32, #tpu.memory_space<hbm>>
    %dma_start3A_437 = tpu.memref_squeeze %dma_start3A_436 : memref<1x64x512xi32, #tpu.memory_space<hbm>> -> memref<64x512xi32, #tpu.memory_space<hbm>>
    tpu.enqueue_dma source(%dma_start3A_437 : memref<64x512xi32, #tpu.memory_space<hbm>>) target(%arg4 : memref<64x512xi32, #tpu.memory_space<vmem>>) target_semaphore(%arg7 : memref<!tpu.dma_semaphore, #tpu.memory_space<semaphore_mem>>)
    %dma_wait3A_438 = arith.constant 448 : i32
    %dma_wait3A_439 = arith.constant 0 : i32
    %dma_wait3A_440 = tpu.memref_slice %arg2[%add3A_402, %dma_wait3A_438, %dma_wait3A_439] : memref<128x512x512xi32, #tpu.memory_space<hbm>> -> memref<1x64x512xi32, #tpu.memory_space<hbm>>
    %dma_wait3A_441 = tpu.memref_squeeze %dma_wait3A_440 : memref<1x64x512xi32, #tpu.memory_space<hbm>> -> memref<64x512xi32, #tpu.memory_space<hbm>>
    %dma_wait3A_442 = arith.constant 448 : i32
    %dma_wait3A_443 = arith.constant 0 : i32
    %dma_wait3A_444 = tpu.memref_slice %arg2[%add3A_402, %dma_wait3A_442, %dma_wait3A_443] : memref<128x512x512xi32, #tpu.memory_space<hbm>> -> memref<1x64x512xi32, #tpu.memory_space<hbm>>
    %dma_wait3A_445 = tpu.memref_squeeze %dma_wait3A_444 : memref<1x64x512xi32, #tpu.memory_space<hbm>> -> memref<64x512xi32, #tpu.memory_space<hbm>>
    tpu.wait_dma2 semaphore(%arg8 : memref<!tpu.dma_semaphore, #tpu.memory_space<semaphore_mem>>) src(%dma_wait3A_445 : memref<64x512xi32, #tpu.memory_space<hbm>>) dst(%arg5 : memref<64x512xi32, #tpu.memory_space<vmem>>)
    %parallel_loop3A_446 = arith.constant 0 : i32
    %parallel_loop3A_447 = arith.constant 1024 : i32
    %parallel_loop3A_448 = arith.constant 1 : i32
    scf.for %parallel_loop3A_656 = %parallel_loop3A_446 to %parallel_loop3A_447 step %parallel_loop3A_448  : i32 {
      %parallel_loop3A_657 = arith.constant 4 : i32
      %parallel_loop3A_658 = arith.shrsi %parallel_loop3A_656, %parallel_loop3A_657 : i32
      %parallel_loop3A_659 = arith.constant 15 : i32
      %parallel_loop3A_660 = arith.andi %parallel_loop3A_656, %parallel_loop3A_659 : i32
      %parallel_loop3A_661 = arith.constant 5 : i32
      %parallel_loop3A_662 = arith.shli %parallel_loop3A_660, %parallel_loop3A_661 : i32
      %parallel_loop3A_663 = arith.index_cast %parallel_loop3A_658 : i32 to index
      %parallel_loop3A_664 = arith.index_cast %parallel_loop3A_662 : i32 to index
      %parallel_loop3A_665 = tpu.vector_load %arg5[%parallel_loop3A_663, %parallel_loop3A_664] {strides = array<i32>} : memref<64x512xi32, #tpu.memory_space<vmem>>, vector<16xi32>,
      %parallel_loop3A_666 = arith.constant 16 : i32
      %parallel_loop3A_667 = arith.addi %parallel_loop3A_662, %parallel_loop3A_666 : i32
      %parallel_loop3A_668 = arith.index_cast %parallel_loop3A_658 : i32 to index
      %parallel_loop3A_669 = arith.index_cast %parallel_loop3A_667 : i32 to index
      %parallel_loop3A_670 = tpu.vector_load %arg5[%parallel_loop3A_668, %parallel_loop3A_669] {strides = array<i32>} : memref<64x512xi32, #tpu.memory_space<vmem>>, vector<16xi32>,
      %parallel_loop3A_671 = arith.constant 4 : i32
      %parallel_loop3A_672 = vector.broadcast %parallel_loop3A_671 : i32 to vector<16xi32>
      %parallel_loop3A_673 = arith.shli %parallel_loop3A_665, %parallel_loop3A_672 : vector<16xi32>
      %parallel_loop3A_674 = arith.addi %parallel_loop3A_673, %parallel_loop3A_665 : vector<16xi32>
      %parallel_loop3A_675 = arith.addi %parallel_loop3A_674, %parallel_loop3A_670 : vector<16xi32>
      %parallel_loop3A_676 = arith.constant 4 : i32
      %parallel_loop3A_677 = vector.broadcast %parallel_loop3A_676 : i32 to vector<16xi32>
      %parallel_loop3A_678 = arith.shli %parallel_loop3A_675, %parallel_loop3A_677 : vector<16xi32>
      %parallel_loop3A_679 = arith.ori %parallel_loop3A_678, %iota3A : vector<16xi32>
      tpu.vector_store_idx %arg6[%parallel_loop3A_679], %broadcast_in_dim3A_1 {add = true} : memref<4624xf32, #tpu.memory_space<vmem>>[vector<16xi32>], vector<16xf32>,
    } {sc.loop_unroll_factor = 8 : i64, sc.parallel_access}
    "tpu.region"() ({
      %run_scoped3A = tpu.sem_alloc : memref<!tpu.dma_semaphore, #tpu.memory_space<semaphore_mem>>
      %dma_start3A_656 = arith.constant 0 : i32
      %dma_start3A_657 = tpu.memref_slice %arg3[%add3A_425, %dma_start3A_656] : memref<96x4624xf32, #tpu.memory_space<hbm>> -> memref<1x4624xf32, #tpu.memory_space<hbm>>
      %dma_start3A_658 = tpu.memref_squeeze %dma_start3A_657 : memref<1x4624xf32, #tpu.memory_space<hbm>> -> memref<4624xf32, #tpu.memory_space<hbm>>
      %dma_start3A_659 = arith.constant 0 : i32
      %dma_start3A_660 = tpu.memref_slice %arg3[%add3A_425, %dma_start3A_659] : memref<96x4624xf32, #tpu.memory_space<hbm>> -> memref<1x4624xf32, #tpu.memory_space<hbm>>
      %dma_start3A_661 = tpu.memref_squeeze %dma_start3A_660 : memref<1x4624xf32, #tpu.memory_space<hbm>> -> memref<4624xf32, #tpu.memory_space<hbm>>
      tpu.enqueue_dma source(%arg6 : memref<4624xf32, #tpu.memory_space<vmem>>) target(%dma_start3A_661 : memref<4624xf32, #tpu.memory_space<hbm>>) target_semaphore(%run_scoped3A : memref<!tpu.dma_semaphore, #tpu.memory_space<semaphore_mem>>)
      %dma_wait3A_662 = arith.constant 0 : i32
      %dma_wait3A_663 = tpu.memref_slice %arg3[%add3A_425, %dma_wait3A_662] : memref<96x4624xf32, #tpu.memory_space<hbm>> -> memref<1x4624xf32, #tpu.memory_space<hbm>>
      %dma_wait3A_664 = tpu.memref_squeeze %dma_wait3A_663 : memref<1x4624xf32, #tpu.memory_space<hbm>> -> memref<4624xf32, #tpu.memory_space<hbm>>
      %dma_wait3A_665 = arith.constant 0 : i32
      %dma_wait3A_666 = tpu.memref_slice %arg3[%add3A_425, %dma_wait3A_665] : memref<96x4624xf32, #tpu.memory_space<hbm>> -> memref<1x4624xf32, #tpu.memory_space<hbm>>
      %dma_wait3A_667 = tpu.memref_squeeze %dma_wait3A_666 : memref<1x4624xf32, #tpu.memory_space<hbm>> -> memref<4624xf32, #tpu.memory_space<hbm>>
      tpu.wait_dma2 semaphore(%run_scoped3A : memref<!tpu.dma_semaphore, #tpu.memory_space<semaphore_mem>>) src(%arg6 : memref<4624xf32, #tpu.memory_space<vmem>>) dst(%dma_wait3A_667 : memref<4624xf32, #tpu.memory_space<hbm>>)
      tpu.yield
    }) : () -> ()
    %mul3A_449 = arith.constant 3 : i32
    %mul3A_450 = arith.muli %add3A, %mul3A_449 : i32
    %add3A_451 = arith.constant 2 : i32
    %add3A_452 = arith.addi %mul3A_450, %add3A_451 : i32
    %mul3A_453 = arith.constant 3 : i32
    %mul3A_454 = arith.muli %add3A, %mul3A_453 : i32
    %add3A_455 = arith.constant 2 : i32
    %add3A_456 = arith.addi %mul3A_454, %add3A_455 : i32
    %dma_start3A_457 = arith.constant 64 : i32
    %dma_start3A_458 = arith.constant 0 : i32
    %dma_start3A_459 = tpu.memref_slice %arg2[%add3A_456, %dma_start3A_457, %dma_start3A_458] : memref<128x512x512xi32, #tpu.memory_space<hbm>> -> memref<1x64x512xi32, #tpu.memory_space<hbm>>
    %dma_start3A_460 = tpu.memref_squeeze %dma_start3A_459 : memref<1x64x512xi32, #tpu.memory_space<hbm>> -> memref<64x512xi32, #tpu.memory_space<hbm>>
    %dma_start3A_461 = arith.constant 64 : i32
    %dma_start3A_462 = arith.constant 0 : i32
    %dma_start3A_463 = tpu.memref_slice %arg2[%add3A_456, %dma_start3A_461, %dma_start3A_462] : memref<128x512x512xi32, #tpu.memory_space<hbm>> -> memref<1x64x512xi32, #tpu.memory_space<hbm>>
    %dma_start3A_464 = tpu.memref_squeeze %dma_start3A_463 : memref<1x64x512xi32, #tpu.memory_space<hbm>> -> memref<64x512xi32, #tpu.memory_space<hbm>>
    tpu.enqueue_dma source(%dma_start3A_464 : memref<64x512xi32, #tpu.memory_space<hbm>>) target(%arg5 : memref<64x512xi32, #tpu.memory_space<vmem>>) target_semaphore(%arg8 : memref<!tpu.dma_semaphore, #tpu.memory_space<semaphore_mem>>)
    %parallel_loop3A_465 = arith.constant 0 : i32
    %parallel_loop3A_466 = arith.constant 289 : i32
    %parallel_loop3A_467 = arith.constant 1 : i32
    scf.for %parallel_loop3A_656 = %parallel_loop3A_465 to %parallel_loop3A_466 step %parallel_loop3A_467  : i32 {
      %parallel_loop3A_657 = arith.constant 16 : i32
      %parallel_loop3A_658 = arith.muli %parallel_loop3A_656, %parallel_loop3A_657 : i32
      %parallel_loop3A_659 = arith.index_cast %parallel_loop3A_658 : i32 to index
      %parallel_loop3A_660 = tpu.vector_load %arg6[%parallel_loop3A_659] {strides = array<i32>} : memref<4624xf32, #tpu.memory_space<vmem>>, vector<16xf32>,
      tpu.vector_store %arg6[%parallel_loop3A_659], %broadcast_in_dim3A_3 {strides = array<i32>} : memref<4624xf32, #tpu.memory_space<vmem>>, vector<16xf32>,
    } {sc.loop_unroll_factor = 4 : i64, sc.parallel_access}
    %dma_wait3A_468 = arith.constant 0 : i32
    %dma_wait3A_469 = arith.constant 0 : i32
    %dma_wait3A_470 = tpu.memref_slice %arg2[%add3A_429, %dma_wait3A_468, %dma_wait3A_469] : memref<128x512x512xi32, #tpu.memory_space<hbm>> -> memref<1x64x512xi32, #tpu.memory_space<hbm>>
    %dma_wait3A_471 = tpu.memref_squeeze %dma_wait3A_470 : memref<1x64x512xi32, #tpu.memory_space<hbm>> -> memref<64x512xi32, #tpu.memory_space<hbm>>
    %dma_wait3A_472 = arith.constant 0 : i32
    %dma_wait3A_473 = arith.constant 0 : i32
    %dma_wait3A_474 = tpu.memref_slice %arg2[%add3A_429, %dma_wait3A_472, %dma_wait3A_473] : memref<128x512x512xi32, #tpu.memory_space<hbm>> -> memref<1x64x512xi32, #tpu.memory_space<hbm>>
    %dma_wait3A_475 = tpu.memref_squeeze %dma_wait3A_474 : memref<1x64x512xi32, #tpu.memory_space<hbm>> -> memref<64x512xi32, #tpu.memory_space<hbm>>
    tpu.wait_dma2 semaphore(%arg7 : memref<!tpu.dma_semaphore, #tpu.memory_space<semaphore_mem>>) src(%dma_wait3A_475 : memref<64x512xi32, #tpu.memory_space<hbm>>) dst(%arg4 : memref<64x512xi32, #tpu.memory_space<vmem>>)
    %parallel_loop3A_476 = arith.constant 0 : i32
    %parallel_loop3A_477 = arith.constant 1024 : i32
    %parallel_loop3A_478 = arith.constant 1 : i32
    scf.for %parallel_loop3A_656 = %parallel_loop3A_476 to %parallel_loop3A_477 step %parallel_loop3A_478  : i32 {
      %parallel_loop3A_657 = arith.constant 4 : i32
      %parallel_loop3A_658 = arith.shrsi %parallel_loop3A_656, %parallel_loop3A_657 : i32
      %parallel_loop3A_659 = arith.constant 15 : i32
      %parallel_loop3A_660 = arith.andi %parallel_loop3A_656, %parallel_loop3A_659 : i32
      %parallel_loop3A_661 = arith.constant 5 : i32
      %parallel_loop3A_662 = arith.shli %parallel_loop3A_660, %parallel_loop3A_661 : i32
      %parallel_loop3A_663 = arith.index_cast %parallel_loop3A_658 : i32 to index
      %parallel_loop3A_664 = arith.index_cast %parallel_loop3A_662 : i32 to index
      %parallel_loop3A_665 = tpu.vector_load %arg4[%parallel_loop3A_663, %parallel_loop3A_664] {strides = array<i32>} : memref<64x512xi32, #tpu.memory_space<vmem>>, vector<16xi32>,
      %parallel_loop3A_666 = arith.constant 16 : i32
      %parallel_loop3A_667 = arith.addi %parallel_loop3A_662, %parallel_loop3A_666 : i32
      %parallel_loop3A_668 = arith.index_cast %parallel_loop3A_658 : i32 to index
      %parallel_loop3A_669 = arith.index_cast %parallel_loop3A_667 : i32 to index
      %parallel_loop3A_670 = tpu.vector_load %arg4[%parallel_loop3A_668, %parallel_loop3A_669] {strides = array<i32>} : memref<64x512xi32, #tpu.memory_space<vmem>>, vector<16xi32>,
      %parallel_loop3A_671 = arith.constant 4 : i32
      %parallel_loop3A_672 = vector.broadcast %parallel_loop3A_671 : i32 to vector<16xi32>
      %parallel_loop3A_673 = arith.shli %parallel_loop3A_665, %parallel_loop3A_672 : vector<16xi32>
      %parallel_loop3A_674 = arith.addi %parallel_loop3A_673, %parallel_loop3A_665 : vector<16xi32>
      %parallel_loop3A_675 = arith.addi %parallel_loop3A_674, %parallel_loop3A_670 : vector<16xi32>
      %parallel_loop3A_676 = arith.constant 4 : i32
      %parallel_loop3A_677 = vector.broadcast %parallel_loop3A_676 : i32 to vector<16xi32>
      %parallel_loop3A_678 = arith.shli %parallel_loop3A_675, %parallel_loop3A_677 : vector<16xi32>
      %parallel_loop3A_679 = arith.ori %parallel_loop3A_678, %iota3A : vector<16xi32>
      tpu.vector_store_idx %arg6[%parallel_loop3A_679], %broadcast_in_dim3A_1 {add = true} : memref<4624xf32, #tpu.memory_space<vmem>>[vector<16xi32>], vector<16xf32>,
    } {sc.loop_unroll_factor = 8 : i64, sc.parallel_access}
    %mul3A_479 = arith.constant 3 : i32
    %mul3A_480 = arith.muli %add3A, %mul3A_479 : i32
    %add3A_481 = arith.constant 2 : i32
    %add3A_482 = arith.addi %mul3A_480, %add3A_481 : i32
    %mul3A_483 = arith.constant 3 : i32
    %mul3A_484 = arith.muli %add3A, %mul3A_483 : i32
    %add3A_485 = arith.constant 2 : i32
    %add3A_486 = arith.addi %mul3A_484, %add3A_485 : i32
    %dma_start3A_487 = arith.constant 128 : i32
    %dma_start3A_488 = arith.constant 0 : i32
    %dma_start3A_489 = tpu.memref_slice %arg2[%add3A_486, %dma_start3A_487, %dma_start3A_488] : memref<128x512x512xi32, #tpu.memory_space<hbm>> -> memref<1x64x512xi32, #tpu.memory_space<hbm>>
    %dma_start3A_490 = tpu.memref_squeeze %dma_start3A_489 : memref<1x64x512xi32, #tpu.memory_space<hbm>> -> memref<64x512xi32, #tpu.memory_space<hbm>>
    %dma_start3A_491 = arith.constant 128 : i32
    %dma_start3A_492 = arith.constant 0 : i32
    %dma_start3A_493 = tpu.memref_slice %arg2[%add3A_486, %dma_start3A_491, %dma_start3A_492] : memref<128x512x512xi32, #tpu.memory_space<hbm>> -> memref<1x64x512xi32, #tpu.memory_space<hbm>>
    %dma_start3A_494 = tpu.memref_squeeze %dma_start3A_493 : memref<1x64x512xi32, #tpu.memory_space<hbm>> -> memref<64x512xi32, #tpu.memory_space<hbm>>
    tpu.enqueue_dma source(%dma_start3A_494 : memref<64x512xi32, #tpu.memory_space<hbm>>) target(%arg4 : memref<64x512xi32, #tpu.memory_space<vmem>>) target_semaphore(%arg7 : memref<!tpu.dma_semaphore, #tpu.memory_space<semaphore_mem>>)
    %dma_wait3A_495 = arith.constant 64 : i32
    %dma_wait3A_496 = arith.constant 0 : i32
    %dma_wait3A_497 = tpu.memref_slice %arg2[%add3A_456, %dma_wait3A_495, %dma_wait3A_496] : memref<128x512x512xi32, #tpu.memory_space<hbm>> -> memref<1x64x512xi32, #tpu.memory_space<hbm>>
    %dma_wait3A_498 = tpu.memref_squeeze %dma_wait3A_497 : memref<1x64x512xi32, #tpu.memory_space<hbm>> -> memref<64x512xi32, #tpu.memory_space<hbm>>
    %dma_wait3A_499 = arith.constant 64 : i32
    %dma_wait3A_500 = arith.constant 0 : i32
    %dma_wait3A_501 = tpu.memref_slice %arg2[%add3A_456, %dma_wait3A_499, %dma_wait3A_500] : memref<128x512x512xi32, #tpu.memory_space<hbm>> -> memref<1x64x512xi32, #tpu.memory_space<hbm>>
    %dma_wait3A_502 = tpu.memref_squeeze %dma_wait3A_501 : memref<1x64x512xi32, #tpu.memory_space<hbm>> -> memref<64x512xi32, #tpu.memory_space<hbm>>
    tpu.wait_dma2 semaphore(%arg8 : memref<!tpu.dma_semaphore, #tpu.memory_space<semaphore_mem>>) src(%dma_wait3A_502 : memref<64x512xi32, #tpu.memory_space<hbm>>) dst(%arg5 : memref<64x512xi32, #tpu.memory_space<vmem>>)
    %parallel_loop3A_503 = arith.constant 0 : i32
    %parallel_loop3A_504 = arith.constant 1024 : i32
    %parallel_loop3A_505 = arith.constant 1 : i32
    scf.for %parallel_loop3A_656 = %parallel_loop3A_503 to %parallel_loop3A_504 step %parallel_loop3A_505  : i32 {
      %parallel_loop3A_657 = arith.constant 4 : i32
      %parallel_loop3A_658 = arith.shrsi %parallel_loop3A_656, %parallel_loop3A_657 : i32
      %parallel_loop3A_659 = arith.constant 15 : i32
      %parallel_loop3A_660 = arith.andi %parallel_loop3A_656, %parallel_loop3A_659 : i32
      %parallel_loop3A_661 = arith.constant 5 : i32
      %parallel_loop3A_662 = arith.shli %parallel_loop3A_660, %parallel_loop3A_661 : i32
      %parallel_loop3A_663 = arith.index_cast %parallel_loop3A_658 : i32 to index
      %parallel_loop3A_664 = arith.index_cast %parallel_loop3A_662 : i32 to index
      %parallel_loop3A_665 = tpu.vector_load %arg5[%parallel_loop3A_663, %parallel_loop3A_664] {strides = array<i32>} : memref<64x512xi32, #tpu.memory_space<vmem>>, vector<16xi32>,
      %parallel_loop3A_666 = arith.constant 16 : i32
      %parallel_loop3A_667 = arith.addi %parallel_loop3A_662, %parallel_loop3A_666 : i32
      %parallel_loop3A_668 = arith.index_cast %parallel_loop3A_658 : i32 to index
      %parallel_loop3A_669 = arith.index_cast %parallel_loop3A_667 : i32 to index
      %parallel_loop3A_670 = tpu.vector_load %arg5[%parallel_loop3A_668, %parallel_loop3A_669] {strides = array<i32>} : memref<64x512xi32, #tpu.memory_space<vmem>>, vector<16xi32>,
      %parallel_loop3A_671 = arith.constant 4 : i32
      %parallel_loop3A_672 = vector.broadcast %parallel_loop3A_671 : i32 to vector<16xi32>
      %parallel_loop3A_673 = arith.shli %parallel_loop3A_665, %parallel_loop3A_672 : vector<16xi32>
      %parallel_loop3A_674 = arith.addi %parallel_loop3A_673, %parallel_loop3A_665 : vector<16xi32>
      %parallel_loop3A_675 = arith.addi %parallel_loop3A_674, %parallel_loop3A_670 : vector<16xi32>
      %parallel_loop3A_676 = arith.constant 4 : i32
      %parallel_loop3A_677 = vector.broadcast %parallel_loop3A_676 : i32 to vector<16xi32>
      %parallel_loop3A_678 = arith.shli %parallel_loop3A_675, %parallel_loop3A_677 : vector<16xi32>
      %parallel_loop3A_679 = arith.ori %parallel_loop3A_678, %iota3A : vector<16xi32>
      tpu.vector_store_idx %arg6[%parallel_loop3A_679], %broadcast_in_dim3A_1 {add = true} : memref<4624xf32, #tpu.memory_space<vmem>>[vector<16xi32>], vector<16xf32>,
    } {sc.loop_unroll_factor = 8 : i64, sc.parallel_access}
    %mul3A_506 = arith.constant 3 : i32
    %mul3A_507 = arith.muli %add3A, %mul3A_506 : i32
    %add3A_508 = arith.constant 2 : i32
    %add3A_509 = arith.addi %mul3A_507, %add3A_508 : i32
    %mul3A_510 = arith.constant 3 : i32
    %mul3A_511 = arith.muli %add3A, %mul3A_510 : i32
    %add3A_512 = arith.constant 2 : i32
    %add3A_513 = arith.addi %mul3A_511, %add3A_512 : i32
    %dma_start3A_514 = arith.constant 192 : i32
    %dma_start3A_515 = arith.constant 0 : i32
    %dma_start3A_516 = tpu.memref_slice %arg2[%add3A_513, %dma_start3A_514, %dma_start3A_515] : memref<128x512x512xi32, #tpu.memory_space<hbm>> -> memref<1x64x512xi32, #tpu.memory_space<hbm>>
    %dma_start3A_517 = tpu.memref_squeeze %dma_start3A_516 : memref<1x64x512xi32, #tpu.memory_space<hbm>> -> memref<64x512xi32, #tpu.memory_space<hbm>>
    %dma_start3A_518 = arith.constant 192 : i32
    %dma_start3A_519 = arith.constant 0 : i32
    %dma_start3A_520 = tpu.memref_slice %arg2[%add3A_513, %dma_start3A_518, %dma_start3A_519] : memref<128x512x512xi32, #tpu.memory_space<hbm>> -> memref<1x64x512xi32, #tpu.memory_space<hbm>>
    %dma_start3A_521 = tpu.memref_squeeze %dma_start3A_520 : memref<1x64x512xi32, #tpu.memory_space<hbm>> -> memref<64x512xi32, #tpu.memory_space<hbm>>
    tpu.enqueue_dma source(%dma_start3A_521 : memref<64x512xi32, #tpu.memory_space<hbm>>) target(%arg5 : memref<64x512xi32, #tpu.memory_space<vmem>>) target_semaphore(%arg8 : memref<!tpu.dma_semaphore, #tpu.memory_space<semaphore_mem>>)
    %dma_wait3A_522 = arith.constant 128 : i32
    %dma_wait3A_523 = arith.constant 0 : i32
    %dma_wait3A_524 = tpu.memref_slice %arg2[%add3A_486, %dma_wait3A_522, %dma_wait3A_523] : memref<128x512x512xi32, #tpu.memory_space<hbm>> -> memref<1x64x512xi32, #tpu.memory_space<hbm>>
    %dma_wait3A_525 = tpu.memref_squeeze %dma_wait3A_524 : memref<1x64x512xi32, #tpu.memory_space<hbm>> -> memref<64x512xi32, #tpu.memory_space<hbm>>
    %dma_wait3A_526 = arith.constant 128 : i32
    %dma_wait3A_527 = arith.constant 0 : i32
    %dma_wait3A_528 = tpu.memref_slice %arg2[%add3A_486, %dma_wait3A_526, %dma_wait3A_527] : memref<128x512x512xi32, #tpu.memory_space<hbm>> -> memref<1x64x512xi32, #tpu.memory_space<hbm>>
    %dma_wait3A_529 = tpu.memref_squeeze %dma_wait3A_528 : memref<1x64x512xi32, #tpu.memory_space<hbm>> -> memref<64x512xi32, #tpu.memory_space<hbm>>
    tpu.wait_dma2 semaphore(%arg7 : memref<!tpu.dma_semaphore, #tpu.memory_space<semaphore_mem>>) src(%dma_wait3A_529 : memref<64x512xi32, #tpu.memory_space<hbm>>) dst(%arg4 : memref<64x512xi32, #tpu.memory_space<vmem>>)
    %parallel_loop3A_530 = arith.constant 0 : i32
    %parallel_loop3A_531 = arith.constant 1024 : i32
    %parallel_loop3A_532 = arith.constant 1 : i32
    scf.for %parallel_loop3A_656 = %parallel_loop3A_530 to %parallel_loop3A_531 step %parallel_loop3A_532  : i32 {
      %parallel_loop3A_657 = arith.constant 4 : i32
      %parallel_loop3A_658 = arith.shrsi %parallel_loop3A_656, %parallel_loop3A_657 : i32
      %parallel_loop3A_659 = arith.constant 15 : i32
      %parallel_loop3A_660 = arith.andi %parallel_loop3A_656, %parallel_loop3A_659 : i32
      %parallel_loop3A_661 = arith.constant 5 : i32
      %parallel_loop3A_662 = arith.shli %parallel_loop3A_660, %parallel_loop3A_661 : i32
      %parallel_loop3A_663 = arith.index_cast %parallel_loop3A_658 : i32 to index
      %parallel_loop3A_664 = arith.index_cast %parallel_loop3A_662 : i32 to index
      %parallel_loop3A_665 = tpu.vector_load %arg4[%parallel_loop3A_663, %parallel_loop3A_664] {strides = array<i32>} : memref<64x512xi32, #tpu.memory_space<vmem>>, vector<16xi32>,
      %parallel_loop3A_666 = arith.constant 16 : i32
      %parallel_loop3A_667 = arith.addi %parallel_loop3A_662, %parallel_loop3A_666 : i32
      %parallel_loop3A_668 = arith.index_cast %parallel_loop3A_658 : i32 to index
      %parallel_loop3A_669 = arith.index_cast %parallel_loop3A_667 : i32 to index
      %parallel_loop3A_670 = tpu.vector_load %arg4[%parallel_loop3A_668, %parallel_loop3A_669] {strides = array<i32>} : memref<64x512xi32, #tpu.memory_space<vmem>>, vector<16xi32>,
      %parallel_loop3A_671 = arith.constant 4 : i32
      %parallel_loop3A_672 = vector.broadcast %parallel_loop3A_671 : i32 to vector<16xi32>
      %parallel_loop3A_673 = arith.shli %parallel_loop3A_665, %parallel_loop3A_672 : vector<16xi32>
      %parallel_loop3A_674 = arith.addi %parallel_loop3A_673, %parallel_loop3A_665 : vector<16xi32>
      %parallel_loop3A_675 = arith.addi %parallel_loop3A_674, %parallel_loop3A_670 : vector<16xi32>
      %parallel_loop3A_676 = arith.constant 4 : i32
      %parallel_loop3A_677 = vector.broadcast %parallel_loop3A_676 : i32 to vector<16xi32>
      %parallel_loop3A_678 = arith.shli %parallel_loop3A_675, %parallel_loop3A_677 : vector<16xi32>
      %parallel_loop3A_679 = arith.ori %parallel_loop3A_678, %iota3A : vector<16xi32>
      tpu.vector_store_idx %arg6[%parallel_loop3A_679], %broadcast_in_dim3A_1 {add = true} : memref<4624xf32, #tpu.memory_space<vmem>>[vector<16xi32>], vector<16xf32>,
    } {sc.loop_unroll_factor = 8 : i64, sc.parallel_access}
    %mul3A_533 = arith.constant 3 : i32
    %mul3A_534 = arith.muli %add3A, %mul3A_533 : i32
    %add3A_535 = arith.constant 2 : i32
    %add3A_536 = arith.addi %mul3A_534, %add3A_535 : i32
    %mul3A_537 = arith.constant 3 : i32
    %mul3A_538 = arith.muli %add3A, %mul3A_537 : i32
    %add3A_539 = arith.constant 2 : i32
    %add3A_540 = arith.addi %mul3A_538, %add3A_539 : i32
    %dma_start3A_541 = arith.constant 256 : i32
    %dma_start3A_542 = arith.constant 0 : i32
    %dma_start3A_543 = tpu.memref_slice %arg2[%add3A_540, %dma_start3A_541, %dma_start3A_542] : memref<128x512x512xi32, #tpu.memory_space<hbm>> -> memref<1x64x512xi32, #tpu.memory_space<hbm>>
    %dma_start3A_544 = tpu.memref_squeeze %dma_start3A_543 : memref<1x64x512xi32, #tpu.memory_space<hbm>> -> memref<64x512xi32, #tpu.memory_space<hbm>>
    %dma_start3A_545 = arith.constant 256 : i32
    %dma_start3A_546 = arith.constant 0 : i32
    %dma_start3A_547 = tpu.memref_slice %arg2[%add3A_540, %dma_start3A_545, %dma_start3A_546] : memref<128x512x512xi32, #tpu.memory_space<hbm>> -> memref<1x64x512xi32, #tpu.memory_space<hbm>>
    %dma_start3A_548 = tpu.memref_squeeze %dma_start3A_547 : memref<1x64x512xi32, #tpu.memory_space<hbm>> -> memref<64x512xi32, #tpu.memory_space<hbm>>
    tpu.enqueue_dma source(%dma_start3A_548 : memref<64x512xi32, #tpu.memory_space<hbm>>) target(%arg4 : memref<64x512xi32, #tpu.memory_space<vmem>>) target_semaphore(%arg7 : memref<!tpu.dma_semaphore, #tpu.memory_space<semaphore_mem>>)
    %dma_wait3A_549 = arith.constant 192 : i32
    %dma_wait3A_550 = arith.constant 0 : i32
    %dma_wait3A_551 = tpu.memref_slice %arg2[%add3A_513, %dma_wait3A_549, %dma_wait3A_550] : memref<128x512x512xi32, #tpu.memory_space<hbm>> -> memref<1x64x512xi32, #tpu.memory_space<hbm>>
    %dma_wait3A_552 = tpu.memref_squeeze %dma_wait3A_551 : memref<1x64x512xi32, #tpu.memory_space<hbm>> -> memref<64x512xi32, #tpu.memory_space<hbm>>
    %dma_wait3A_553 = arith.constant 192 : i32
    %dma_wait3A_554 = arith.constant 0 : i32
    %dma_wait3A_555 = tpu.memref_slice %arg2[%add3A_513, %dma_wait3A_553, %dma_wait3A_554] : memref<128x512x512xi32, #tpu.memory_space<hbm>> -> memref<1x64x512xi32, #tpu.memory_space<hbm>>
    %dma_wait3A_556 = tpu.memref_squeeze %dma_wait3A_555 : memref<1x64x512xi32, #tpu.memory_space<hbm>> -> memref<64x512xi32, #tpu.memory_space<hbm>>
    tpu.wait_dma2 semaphore(%arg8 : memref<!tpu.dma_semaphore, #tpu.memory_space<semaphore_mem>>) src(%dma_wait3A_556 : memref<64x512xi32, #tpu.memory_space<hbm>>) dst(%arg5 : memref<64x512xi32, #tpu.memory_space<vmem>>)
    %parallel_loop3A_557 = arith.constant 0 : i32
    %parallel_loop3A_558 = arith.constant 1024 : i32
    %parallel_loop3A_559 = arith.constant 1 : i32
    scf.for %parallel_loop3A_656 = %parallel_loop3A_557 to %parallel_loop3A_558 step %parallel_loop3A_559  : i32 {
      %parallel_loop3A_657 = arith.constant 4 : i32
      %parallel_loop3A_658 = arith.shrsi %parallel_loop3A_656, %parallel_loop3A_657 : i32
      %parallel_loop3A_659 = arith.constant 15 : i32
      %parallel_loop3A_660 = arith.andi %parallel_loop3A_656, %parallel_loop3A_659 : i32
      %parallel_loop3A_661 = arith.constant 5 : i32
      %parallel_loop3A_662 = arith.shli %parallel_loop3A_660, %parallel_loop3A_661 : i32
      %parallel_loop3A_663 = arith.index_cast %parallel_loop3A_658 : i32 to index
      %parallel_loop3A_664 = arith.index_cast %parallel_loop3A_662 : i32 to index
      %parallel_loop3A_665 = tpu.vector_load %arg5[%parallel_loop3A_663, %parallel_loop3A_664] {strides = array<i32>} : memref<64x512xi32, #tpu.memory_space<vmem>>, vector<16xi32>,
      %parallel_loop3A_666 = arith.constant 16 : i32
      %parallel_loop3A_667 = arith.addi %parallel_loop3A_662, %parallel_loop3A_666 : i32
      %parallel_loop3A_668 = arith.index_cast %parallel_loop3A_658 : i32 to index
      %parallel_loop3A_669 = arith.index_cast %parallel_loop3A_667 : i32 to index
      %parallel_loop3A_670 = tpu.vector_load %arg5[%parallel_loop3A_668, %parallel_loop3A_669] {strides = array<i32>} : memref<64x512xi32, #tpu.memory_space<vmem>>, vector<16xi32>,
      %parallel_loop3A_671 = arith.constant 4 : i32
      %parallel_loop3A_672 = vector.broadcast %parallel_loop3A_671 : i32 to vector<16xi32>
      %parallel_loop3A_673 = arith.shli %parallel_loop3A_665, %parallel_loop3A_672 : vector<16xi32>
      %parallel_loop3A_674 = arith.addi %parallel_loop3A_673, %parallel_loop3A_665 : vector<16xi32>
      %parallel_loop3A_675 = arith.addi %parallel_loop3A_674, %parallel_loop3A_670 : vector<16xi32>
      %parallel_loop3A_676 = arith.constant 4 : i32
      %parallel_loop3A_677 = vector.broadcast %parallel_loop3A_676 : i32 to vector<16xi32>
      %parallel_loop3A_678 = arith.shli %parallel_loop3A_675, %parallel_loop3A_677 : vector<16xi32>
      %parallel_loop3A_679 = arith.ori %parallel_loop3A_678, %iota3A : vector<16xi32>
      tpu.vector_store_idx %arg6[%parallel_loop3A_679], %broadcast_in_dim3A_1 {add = true} : memref<4624xf32, #tpu.memory_space<vmem>>[vector<16xi32>], vector<16xf32>,
    } {sc.loop_unroll_factor = 8 : i64, sc.parallel_access}
    %mul3A_560 = arith.constant 3 : i32
    %mul3A_561 = arith.muli %add3A, %mul3A_560 : i32
    %add3A_562 = arith.constant 2 : i32
    %add3A_563 = arith.addi %mul3A_561, %add3A_562 : i32
    %mul3A_564 = arith.constant 3 : i32
    %mul3A_565 = arith.muli %add3A, %mul3A_564 : i32
    %add3A_566 = arith.constant 2 : i32
    %add3A_567 = arith.addi %mul3A_565, %add3A_566 : i32
    %dma_start3A_568 = arith.constant 320 : i32
    %dma_start3A_569 = arith.constant 0 : i32
    %dma_start3A_570 = tpu.memref_slice %arg2[%add3A_567, %dma_start3A_568, %dma_start3A_569] : memref<128x512x512xi32, #tpu.memory_space<hbm>> -> memref<1x64x512xi32, #tpu.memory_space<hbm>>
    %dma_start3A_571 = tpu.memref_squeeze %dma_start3A_570 : memref<1x64x512xi32, #tpu.memory_space<hbm>> -> memref<64x512xi32, #tpu.memory_space<hbm>>
    %dma_start3A_572 = arith.constant 320 : i32
    %dma_start3A_573 = arith.constant 0 : i32
    %dma_start3A_574 = tpu.memref_slice %arg2[%add3A_567, %dma_start3A_572, %dma_start3A_573] : memref<128x512x512xi32, #tpu.memory_space<hbm>> -> memref<1x64x512xi32, #tpu.memory_space<hbm>>
    %dma_start3A_575 = tpu.memref_squeeze %dma_start3A_574 : memref<1x64x512xi32, #tpu.memory_space<hbm>> -> memref<64x512xi32, #tpu.memory_space<hbm>>
    tpu.enqueue_dma source(%dma_start3A_575 : memref<64x512xi32, #tpu.memory_space<hbm>>) target(%arg5 : memref<64x512xi32, #tpu.memory_space<vmem>>) target_semaphore(%arg8 : memref<!tpu.dma_semaphore, #tpu.memory_space<semaphore_mem>>)
    %dma_wait3A_576 = arith.constant 256 : i32
    %dma_wait3A_577 = arith.constant 0 : i32
    %dma_wait3A_578 = tpu.memref_slice %arg2[%add3A_540, %dma_wait3A_576, %dma_wait3A_577] : memref<128x512x512xi32, #tpu.memory_space<hbm>> -> memref<1x64x512xi32, #tpu.memory_space<hbm>>
    %dma_wait3A_579 = tpu.memref_squeeze %dma_wait3A_578 : memref<1x64x512xi32, #tpu.memory_space<hbm>> -> memref<64x512xi32, #tpu.memory_space<hbm>>
    %dma_wait3A_580 = arith.constant 256 : i32
    %dma_wait3A_581 = arith.constant 0 : i32
    %dma_wait3A_582 = tpu.memref_slice %arg2[%add3A_540, %dma_wait3A_580, %dma_wait3A_581] : memref<128x512x512xi32, #tpu.memory_space<hbm>> -> memref<1x64x512xi32, #tpu.memory_space<hbm>>
    %dma_wait3A_583 = tpu.memref_squeeze %dma_wait3A_582 : memref<1x64x512xi32, #tpu.memory_space<hbm>> -> memref<64x512xi32, #tpu.memory_space<hbm>>
    tpu.wait_dma2 semaphore(%arg7 : memref<!tpu.dma_semaphore, #tpu.memory_space<semaphore_mem>>) src(%dma_wait3A_583 : memref<64x512xi32, #tpu.memory_space<hbm>>) dst(%arg4 : memref<64x512xi32, #tpu.memory_space<vmem>>)
    %parallel_loop3A_584 = arith.constant 0 : i32
    %parallel_loop3A_585 = arith.constant 1024 : i32
    %parallel_loop3A_586 = arith.constant 1 : i32
    scf.for %parallel_loop3A_656 = %parallel_loop3A_584 to %parallel_loop3A_585 step %parallel_loop3A_586  : i32 {
      %parallel_loop3A_657 = arith.constant 4 : i32
      %parallel_loop3A_658 = arith.shrsi %parallel_loop3A_656, %parallel_loop3A_657 : i32
      %parallel_loop3A_659 = arith.constant 15 : i32
      %parallel_loop3A_660 = arith.andi %parallel_loop3A_656, %parallel_loop3A_659 : i32
      %parallel_loop3A_661 = arith.constant 5 : i32
      %parallel_loop3A_662 = arith.shli %parallel_loop3A_660, %parallel_loop3A_661 : i32
      %parallel_loop3A_663 = arith.index_cast %parallel_loop3A_658 : i32 to index
      %parallel_loop3A_664 = arith.index_cast %parallel_loop3A_662 : i32 to index
      %parallel_loop3A_665 = tpu.vector_load %arg4[%parallel_loop3A_663, %parallel_loop3A_664] {strides = array<i32>} : memref<64x512xi32, #tpu.memory_space<vmem>>, vector<16xi32>,
      %parallel_loop3A_666 = arith.constant 16 : i32
      %parallel_loop3A_667 = arith.addi %parallel_loop3A_662, %parallel_loop3A_666 : i32
      %parallel_loop3A_668 = arith.index_cast %parallel_loop3A_658 : i32 to index
      %parallel_loop3A_669 = arith.index_cast %parallel_loop3A_667 : i32 to index
      %parallel_loop3A_670 = tpu.vector_load %arg4[%parallel_loop3A_668, %parallel_loop3A_669] {strides = array<i32>} : memref<64x512xi32, #tpu.memory_space<vmem>>, vector<16xi32>,
      %parallel_loop3A_671 = arith.constant 4 : i32
      %parallel_loop3A_672 = vector.broadcast %parallel_loop3A_671 : i32 to vector<16xi32>
      %parallel_loop3A_673 = arith.shli %parallel_loop3A_665, %parallel_loop3A_672 : vector<16xi32>
      %parallel_loop3A_674 = arith.addi %parallel_loop3A_673, %parallel_loop3A_665 : vector<16xi32>
      %parallel_loop3A_675 = arith.addi %parallel_loop3A_674, %parallel_loop3A_670 : vector<16xi32>
      %parallel_loop3A_676 = arith.constant 4 : i32
      %parallel_loop3A_677 = vector.broadcast %parallel_loop3A_676 : i32 to vector<16xi32>
      %parallel_loop3A_678 = arith.shli %parallel_loop3A_675, %parallel_loop3A_677 : vector<16xi32>
      %parallel_loop3A_679 = arith.ori %parallel_loop3A_678, %iota3A : vector<16xi32>
      tpu.vector_store_idx %arg6[%parallel_loop3A_679], %broadcast_in_dim3A_1 {add = true} : memref<4624xf32, #tpu.memory_space<vmem>>[vector<16xi32>], vector<16xf32>,
    } {sc.loop_unroll_factor = 8 : i64, sc.parallel_access}
    %mul3A_587 = arith.constant 3 : i32
    %mul3A_588 = arith.muli %add3A, %mul3A_587 : i32
    %add3A_589 = arith.constant 2 : i32
    %add3A_590 = arith.addi %mul3A_588, %add3A_589 : i32
    %mul3A_591 = arith.constant 3 : i32
    %mul3A_592 = arith.muli %add3A, %mul3A_591 : i32
    %add3A_593 = arith.constant 2 : i32
    %add3A_594 = arith.addi %mul3A_592, %add3A_593 : i32
    %dma_start3A_595 = arith.constant 384 : i32
    %dma_start3A_596 = arith.constant 0 : i32
    %dma_start3A_597 = tpu.memref_slice %arg2[%add3A_594, %dma_start3A_595, %dma_start3A_596] : memref<128x512x512xi32, #tpu.memory_space<hbm>> -> memref<1x64x512xi32, #tpu.memory_space<hbm>>
    %dma_start3A_598 = tpu.memref_squeeze %dma_start3A_597 : memref<1x64x512xi32, #tpu.memory_space<hbm>> -> memref<64x512xi32, #tpu.memory_space<hbm>>
    %dma_start3A_599 = arith.constant 384 : i32
    %dma_start3A_600 = arith.constant 0 : i32
    %dma_start3A_601 = tpu.memref_slice %arg2[%add3A_594, %dma_start3A_599, %dma_start3A_600] : memref<128x512x512xi32, #tpu.memory_space<hbm>> -> memref<1x64x512xi32, #tpu.memory_space<hbm>>
    %dma_start3A_602 = tpu.memref_squeeze %dma_start3A_601 : memref<1x64x512xi32, #tpu.memory_space<hbm>> -> memref<64x512xi32, #tpu.memory_space<hbm>>
    tpu.enqueue_dma source(%dma_start3A_602 : memref<64x512xi32, #tpu.memory_space<hbm>>) target(%arg4 : memref<64x512xi32, #tpu.memory_space<vmem>>) target_semaphore(%arg7 : memref<!tpu.dma_semaphore, #tpu.memory_space<semaphore_mem>>)
    %dma_wait3A_603 = arith.constant 320 : i32
    %dma_wait3A_604 = arith.constant 0 : i32
    %dma_wait3A_605 = tpu.memref_slice %arg2[%add3A_567, %dma_wait3A_603, %dma_wait3A_604] : memref<128x512x512xi32, #tpu.memory_space<hbm>> -> memref<1x64x512xi32, #tpu.memory_space<hbm>>
    %dma_wait3A_606 = tpu.memref_squeeze %dma_wait3A_605 : memref<1x64x512xi32, #tpu.memory_space<hbm>> -> memref<64x512xi32, #tpu.memory_space<hbm>>
    %dma_wait3A_607 = arith.constant 320 : i32
    %dma_wait3A_608 = arith.constant 0 : i32
    %dma_wait3A_609 = tpu.memref_slice %arg2[%add3A_567, %dma_wait3A_607, %dma_wait3A_608] : memref<128x512x512xi32, #tpu.memory_space<hbm>> -> memref<1x64x512xi32, #tpu.memory_space<hbm>>
    %dma_wait3A_610 = tpu.memref_squeeze %dma_wait3A_609 : memref<1x64x512xi32, #tpu.memory_space<hbm>> -> memref<64x512xi32, #tpu.memory_space<hbm>>
    tpu.wait_dma2 semaphore(%arg8 : memref<!tpu.dma_semaphore, #tpu.memory_space<semaphore_mem>>) src(%dma_wait3A_610 : memref<64x512xi32, #tpu.memory_space<hbm>>) dst(%arg5 : memref<64x512xi32, #tpu.memory_space<vmem>>)
    %parallel_loop3A_611 = arith.constant 0 : i32
    %parallel_loop3A_612 = arith.constant 1024 : i32
    %parallel_loop3A_613 = arith.constant 1 : i32
    scf.for %parallel_loop3A_656 = %parallel_loop3A_611 to %parallel_loop3A_612 step %parallel_loop3A_613  : i32 {
      %parallel_loop3A_657 = arith.constant 4 : i32
      %parallel_loop3A_658 = arith.shrsi %parallel_loop3A_656, %parallel_loop3A_657 : i32
      %parallel_loop3A_659 = arith.constant 15 : i32
      %parallel_loop3A_660 = arith.andi %parallel_loop3A_656, %parallel_loop3A_659 : i32
      %parallel_loop3A_661 = arith.constant 5 : i32
      %parallel_loop3A_662 = arith.shli %parallel_loop3A_660, %parallel_loop3A_661 : i32
      %parallel_loop3A_663 = arith.index_cast %parallel_loop3A_658 : i32 to index
      %parallel_loop3A_664 = arith.index_cast %parallel_loop3A_662 : i32 to index
      %parallel_loop3A_665 = tpu.vector_load %arg5[%parallel_loop3A_663, %parallel_loop3A_664] {strides = array<i32>} : memref<64x512xi32, #tpu.memory_space<vmem>>, vector<16xi32>,
      %parallel_loop3A_666 = arith.constant 16 : i32
      %parallel_loop3A_667 = arith.addi %parallel_loop3A_662, %parallel_loop3A_666 : i32
      %parallel_loop3A_668 = arith.index_cast %parallel_loop3A_658 : i32 to index
      %parallel_loop3A_669 = arith.index_cast %parallel_loop3A_667 : i32 to index
      %parallel_loop3A_670 = tpu.vector_load %arg5[%parallel_loop3A_668, %parallel_loop3A_669] {strides = array<i32>} : memref<64x512xi32, #tpu.memory_space<vmem>>, vector<16xi32>,
      %parallel_loop3A_671 = arith.constant 4 : i32
      %parallel_loop3A_672 = vector.broadcast %parallel_loop3A_671 : i32 to vector<16xi32>
      %parallel_loop3A_673 = arith.shli %parallel_loop3A_665, %parallel_loop3A_672 : vector<16xi32>
      %parallel_loop3A_674 = arith.addi %parallel_loop3A_673, %parallel_loop3A_665 : vector<16xi32>
      %parallel_loop3A_675 = arith.addi %parallel_loop3A_674, %parallel_loop3A_670 : vector<16xi32>
      %parallel_loop3A_676 = arith.constant 4 : i32
      %parallel_loop3A_677 = vector.broadcast %parallel_loop3A_676 : i32 to vector<16xi32>
      %parallel_loop3A_678 = arith.shli %parallel_loop3A_675, %parallel_loop3A_677 : vector<16xi32>
      %parallel_loop3A_679 = arith.ori %parallel_loop3A_678, %iota3A : vector<16xi32>
      tpu.vector_store_idx %arg6[%parallel_loop3A_679], %broadcast_in_dim3A_1 {add = true} : memref<4624xf32, #tpu.memory_space<vmem>>[vector<16xi32>], vector<16xf32>,
    } {sc.loop_unroll_factor = 8 : i64, sc.parallel_access}
    %mul3A_614 = arith.constant 3 : i32
    %mul3A_615 = arith.muli %add3A, %mul3A_614 : i32
    %add3A_616 = arith.constant 2 : i32
    %add3A_617 = arith.addi %mul3A_615, %add3A_616 : i32
    %mul3A_618 = arith.constant 3 : i32
    %mul3A_619 = arith.muli %add3A, %mul3A_618 : i32
    %add3A_620 = arith.constant 2 : i32
    %add3A_621 = arith.addi %mul3A_619, %add3A_620 : i32
    %dma_start3A_622 = arith.constant 448 : i32
    %dma_start3A_623 = arith.constant 0 : i32
    %dma_start3A_624 = tpu.memref_slice %arg2[%add3A_621, %dma_start3A_622, %dma_start3A_623] : memref<128x512x512xi32, #tpu.memory_space<hbm>> -> memref<1x64x512xi32, #tpu.memory_space<hbm>>
    %dma_start3A_625 = tpu.memref_squeeze %dma_start3A_624 : memref<1x64x512xi32, #tpu.memory_space<hbm>> -> memref<64x512xi32, #tpu.memory_space<hbm>>
    %dma_start3A_626 = arith.constant 448 : i32
    %dma_start3A_627 = arith.constant 0 : i32
    %dma_start3A_628 = tpu.memref_slice %arg2[%add3A_621, %dma_start3A_626, %dma_start3A_627] : memref<128x512x512xi32, #tpu.memory_space<hbm>> -> memref<1x64x512xi32, #tpu.memory_space<hbm>>
    %dma_start3A_629 = tpu.memref_squeeze %dma_start3A_628 : memref<1x64x512xi32, #tpu.memory_space<hbm>> -> memref<64x512xi32, #tpu.memory_space<hbm>>
    tpu.enqueue_dma source(%dma_start3A_629 : memref<64x512xi32, #tpu.memory_space<hbm>>) target(%arg5 : memref<64x512xi32, #tpu.memory_space<vmem>>) target_semaphore(%arg8 : memref<!tpu.dma_semaphore, #tpu.memory_space<semaphore_mem>>)
    %dma_wait3A_630 = arith.constant 384 : i32
    %dma_wait3A_631 = arith.constant 0 : i32
    %dma_wait3A_632 = tpu.memref_slice %arg2[%add3A_594, %dma_wait3A_630, %dma_wait3A_631] : memref<128x512x512xi32, #tpu.memory_space<hbm>> -> memref<1x64x512xi32, #tpu.memory_space<hbm>>
    %dma_wait3A_633 = tpu.memref_squeeze %dma_wait3A_632 : memref<1x64x512xi32, #tpu.memory_space<hbm>> -> memref<64x512xi32, #tpu.memory_space<hbm>>
    %dma_wait3A_634 = arith.constant 384 : i32
    %dma_wait3A_635 = arith.constant 0 : i32
    %dma_wait3A_636 = tpu.memref_slice %arg2[%add3A_594, %dma_wait3A_634, %dma_wait3A_635] : memref<128x512x512xi32, #tpu.memory_space<hbm>> -> memref<1x64x512xi32, #tpu.memory_space<hbm>>
    %dma_wait3A_637 = tpu.memref_squeeze %dma_wait3A_636 : memref<1x64x512xi32, #tpu.memory_space<hbm>> -> memref<64x512xi32, #tpu.memory_space<hbm>>
    tpu.wait_dma2 semaphore(%arg7 : memref<!tpu.dma_semaphore, #tpu.memory_space<semaphore_mem>>) src(%dma_wait3A_637 : memref<64x512xi32, #tpu.memory_space<hbm>>) dst(%arg4 : memref<64x512xi32, #tpu.memory_space<vmem>>)
    %parallel_loop3A_638 = arith.constant 0 : i32
    %parallel_loop3A_639 = arith.constant 1024 : i32
    %parallel_loop3A_640 = arith.constant 1 : i32
    scf.for %parallel_loop3A_656 = %parallel_loop3A_638 to %parallel_loop3A_639 step %parallel_loop3A_640  : i32 {
      %parallel_loop3A_657 = arith.constant 4 : i32
      %parallel_loop3A_658 = arith.shrsi %parallel_loop3A_656, %parallel_loop3A_657 : i32
      %parallel_loop3A_659 = arith.constant 15 : i32
      %parallel_loop3A_660 = arith.andi %parallel_loop3A_656, %parallel_loop3A_659 : i32
      %parallel_loop3A_661 = arith.constant 5 : i32
      %parallel_loop3A_662 = arith.shli %parallel_loop3A_660, %parallel_loop3A_661 : i32
      %parallel_loop3A_663 = arith.index_cast %parallel_loop3A_658 : i32 to index
      %parallel_loop3A_664 = arith.index_cast %parallel_loop3A_662 : i32 to index
      %parallel_loop3A_665 = tpu.vector_load %arg4[%parallel_loop3A_663, %parallel_loop3A_664] {strides = array<i32>} : memref<64x512xi32, #tpu.memory_space<vmem>>, vector<16xi32>,
      %parallel_loop3A_666 = arith.constant 16 : i32
      %parallel_loop3A_667 = arith.addi %parallel_loop3A_662, %parallel_loop3A_666 : i32
      %parallel_loop3A_668 = arith.index_cast %parallel_loop3A_658 : i32 to index
      %parallel_loop3A_669 = arith.index_cast %parallel_loop3A_667 : i32 to index
      %parallel_loop3A_670 = tpu.vector_load %arg4[%parallel_loop3A_668, %parallel_loop3A_669] {strides = array<i32>} : memref<64x512xi32, #tpu.memory_space<vmem>>, vector<16xi32>,
      %parallel_loop3A_671 = arith.constant 4 : i32
      %parallel_loop3A_672 = vector.broadcast %parallel_loop3A_671 : i32 to vector<16xi32>
      %parallel_loop3A_673 = arith.shli %parallel_loop3A_665, %parallel_loop3A_672 : vector<16xi32>
      %parallel_loop3A_674 = arith.addi %parallel_loop3A_673, %parallel_loop3A_665 : vector<16xi32>
      %parallel_loop3A_675 = arith.addi %parallel_loop3A_674, %parallel_loop3A_670 : vector<16xi32>
      %parallel_loop3A_676 = arith.constant 4 : i32
      %parallel_loop3A_677 = vector.broadcast %parallel_loop3A_676 : i32 to vector<16xi32>
      %parallel_loop3A_678 = arith.shli %parallel_loop3A_675, %parallel_loop3A_677 : vector<16xi32>
      %parallel_loop3A_679 = arith.ori %parallel_loop3A_678, %iota3A : vector<16xi32>
      tpu.vector_store_idx %arg6[%parallel_loop3A_679], %broadcast_in_dim3A_1 {add = true} : memref<4624xf32, #tpu.memory_space<vmem>>[vector<16xi32>], vector<16xf32>,
    } {sc.loop_unroll_factor = 8 : i64, sc.parallel_access}
    %mul3A_641 = arith.constant 3 : i32
    %mul3A_642 = arith.muli %add3A, %mul3A_641 : i32
    %add3A_643 = arith.constant 2 : i32
    %add3A_644 = arith.addi %mul3A_642, %add3A_643 : i32
    %dma_wait3A_645 = arith.constant 448 : i32
    %dma_wait3A_646 = arith.constant 0 : i32
    %dma_wait3A_647 = tpu.memref_slice %arg2[%add3A_621, %dma_wait3A_645, %dma_wait3A_646] : memref<128x512x512xi32, #tpu.memory_space<hbm>> -> memref<1x64x512xi32, #tpu.memory_space<hbm>>
    %dma_wait3A_648 = tpu.memref_squeeze %dma_wait3A_647 : memref<1x64x512xi32, #tpu.memory_space<hbm>> -> memref<64x512xi32, #tpu.memory_space<hbm>>
    %dma_wait3A_649 = arith.constant 448 : i32
    %dma_wait3A_650 = arith.constant 0 : i32
    %dma_wait3A_651 = tpu.memref_slice %arg2[%add3A_621, %dma_wait3A_649, %dma_wait3A_650] : memref<128x512x512xi32, #tpu.memory_space<hbm>> -> memref<1x64x512xi32, #tpu.memory_space<hbm>>
    %dma_wait3A_652 = tpu.memref_squeeze %dma_wait3A_651 : memref<1x64x512xi32, #tpu.memory_space<hbm>> -> memref<64x512xi32, #tpu.memory_space<hbm>>
    tpu.wait_dma2 semaphore(%arg8 : memref<!tpu.dma_semaphore, #tpu.memory_space<semaphore_mem>>) src(%dma_wait3A_652 : memref<64x512xi32, #tpu.memory_space<hbm>>) dst(%arg5 : memref<64x512xi32, #tpu.memory_space<vmem>>)
    %parallel_loop3A_653 = arith.constant 0 : i32
    %parallel_loop3A_654 = arith.constant 1024 : i32
    %parallel_loop3A_655 = arith.constant 1 : i32
    scf.for %parallel_loop3A_656 = %parallel_loop3A_653 to %parallel_loop3A_654 step %parallel_loop3A_655  : i32 {
      %parallel_loop3A_657 = arith.constant 4 : i32
      %parallel_loop3A_658 = arith.shrsi %parallel_loop3A_656, %parallel_loop3A_657 : i32
      %parallel_loop3A_659 = arith.constant 15 : i32
      %parallel_loop3A_660 = arith.andi %parallel_loop3A_656, %parallel_loop3A_659 : i32
      %parallel_loop3A_661 = arith.constant 5 : i32
      %parallel_loop3A_662 = arith.shli %parallel_loop3A_660, %parallel_loop3A_661 : i32
      %parallel_loop3A_663 = arith.index_cast %parallel_loop3A_658 : i32 to index
      %parallel_loop3A_664 = arith.index_cast %parallel_loop3A_662 : i32 to index
      %parallel_loop3A_665 = tpu.vector_load %arg5[%parallel_loop3A_663, %parallel_loop3A_664] {strides = array<i32>} : memref<64x512xi32, #tpu.memory_space<vmem>>, vector<16xi32>,
      %parallel_loop3A_666 = arith.constant 16 : i32
      %parallel_loop3A_667 = arith.addi %parallel_loop3A_662, %parallel_loop3A_666 : i32
      %parallel_loop3A_668 = arith.index_cast %parallel_loop3A_658 : i32 to index
      %parallel_loop3A_669 = arith.index_cast %parallel_loop3A_667 : i32 to index
      %parallel_loop3A_670 = tpu.vector_load %arg5[%parallel_loop3A_668, %parallel_loop3A_669] {strides = array<i32>} : memref<64x512xi32, #tpu.memory_space<vmem>>, vector<16xi32>,
      %parallel_loop3A_671 = arith.constant 4 : i32
      %parallel_loop3A_672 = vector.broadcast %parallel_loop3A_671 : i32 to vector<16xi32>
      %parallel_loop3A_673 = arith.shli %parallel_loop3A_665, %parallel_loop3A_672 : vector<16xi32>
      %parallel_loop3A_674 = arith.addi %parallel_loop3A_673, %parallel_loop3A_665 : vector<16xi32>
      %parallel_loop3A_675 = arith.addi %parallel_loop3A_674, %parallel_loop3A_670 : vector<16xi32>
      %parallel_loop3A_676 = arith.constant 4 : i32
      %parallel_loop3A_677 = vector.broadcast %parallel_loop3A_676 : i32 to vector<16xi32>
      %parallel_loop3A_678 = arith.shli %parallel_loop3A_675, %parallel_loop3A_677 : vector<16xi32>
      %parallel_loop3A_679 = arith.ori %parallel_loop3A_678, %iota3A : vector<16xi32>
      tpu.vector_store_idx %arg6[%parallel_loop3A_679], %broadcast_in_dim3A_1 {add = true} : memref<4624xf32, #tpu.memory_space<vmem>>[vector<16xi32>], vector<16xf32>,
    } {sc.loop_unroll_factor = 8 : i64, sc.parallel_access}
    "tpu.region"() ({
      %run_scoped3A = tpu.sem_alloc : memref<!tpu.dma_semaphore, #tpu.memory_space<semaphore_mem>>
      %dma_start3A_656 = arith.constant 0 : i32
      %dma_start3A_657 = tpu.memref_slice %arg3[%add3A_644, %dma_start3A_656] : memref<96x4624xf32, #tpu.memory_space<hbm>> -> memref<1x4624xf32, #tpu.memory_space<hbm>>
      %dma_start3A_658 = tpu.memref_squeeze %dma_start3A_657 : memref<1x4624xf32, #tpu.memory_space<hbm>> -> memref<4624xf32, #tpu.memory_space<hbm>>
      %dma_start3A_659 = arith.constant 0 : i32
      %dma_start3A_660 = tpu.memref_slice %arg3[%add3A_644, %dma_start3A_659] : memref<96x4624xf32, #tpu.memory_space<hbm>> -> memref<1x4624xf32, #tpu.memory_space<hbm>>
      %dma_start3A_661 = tpu.memref_squeeze %dma_start3A_660 : memref<1x4624xf32, #tpu.memory_space<hbm>> -> memref<4624xf32, #tpu.memory_space<hbm>>
      tpu.enqueue_dma source(%arg6 : memref<4624xf32, #tpu.memory_space<vmem>>) target(%dma_start3A_661 : memref<4624xf32, #tpu.memory_space<hbm>>) target_semaphore(%run_scoped3A : memref<!tpu.dma_semaphore, #tpu.memory_space<semaphore_mem>>)
      %dma_wait3A_662 = arith.constant 0 : i32
      %dma_wait3A_663 = tpu.memref_slice %arg3[%add3A_644, %dma_wait3A_662] : memref<96x4624xf32, #tpu.memory_space<hbm>> -> memref<1x4624xf32, #tpu.memory_space<hbm>>
      %dma_wait3A_664 = tpu.memref_squeeze %dma_wait3A_663 : memref<1x4624xf32, #tpu.memory_space<hbm>> -> memref<4624xf32, #tpu.memory_space<hbm>>
      %dma_wait3A_665 = arith.constant 0 : i32
      %dma_wait3A_666 = tpu.memref_slice %arg3[%add3A_644, %dma_wait3A_665] : memref<96x4624xf32, #tpu.memory_space<hbm>> -> memref<1x4624xf32, #tpu.memory_space<hbm>>
      %dma_wait3A_667 = tpu.memref_squeeze %dma_wait3A_666 : memref<1x4624xf32, #tpu.memory_space<hbm>> -> memref<4624xf32, #tpu.memory_space<hbm>>
      tpu.wait_dma2 semaphore(%run_scoped3A : memref<!tpu.dma_semaphore, #tpu.memory_space<semaphore_mem>>) src(%arg6 : memref<4624xf32, #tpu.memory_space<vmem>>) dst(%dma_wait3A_667 : memref<4624xf32, #tpu.memory_space<hbm>>)
      tpu.yield
    }) : () -> ()
    return
  }
}

module attributes {stable_mosaic.version = 14 : i64} {
  func.func @_dense_body(%arg0: memref<128x768xf32, #tpu.memory_space<vmem>>, %arg1: memref<16x768xf32, #tpu.memory_space<vmem>>, %arg2: memref<768x768xf32, #tpu.memory_space<vmem>>, %arg3: memref<1x768xf32, #tpu.memory_space<vmem>>, %arg4: memref<1xf32, #tpu.memory_space<smem>>, %arg5: memref<96x4624xf32, #tpu.memory_space<vmem>>, %arg6: memref<4624x16xf32, #tpu.memory_space<vmem>>, %arg7: memref<32x16xf32, #tpu.memory_space<vmem>>, %arg8: memref<128x768xf32, #tpu.memory_space<vmem>>) attributes {dimension_semantics = [], scalar_prefetch = 0 : i64, scratch_operands = 0 : i64, tpu.core_type = #tpu.core_type<tc>} {
    %get3A = arith.constant 0 : index
    %get3A_0 = arith.constant 0 : index
    %get3A_1 = vector.load %arg5[%get3A, %get3A_0] : memref<96x4624xf32, #tpu.memory_space<vmem>>, vector<96x4624xf32>
    %get3A_2 = arith.constant 0 : index
    %get3A_3 = arith.constant 0 : index
    %get3A_4 = vector.load %arg6[%get3A_2, %get3A_3] : memref<4624x16xf32, #tpu.memory_space<vmem>>, vector<4624x16xf32>
    %dot_general3A = arith.constant dense<0.000000e+00> : vector<96x16xf32>
    %dot_general3A_5 = tpu.matmul %get3A_1, %get3A_4, %dot_general3A {dimension_numbers = #tpu.dot_dimension_numbers<[1], [0], [0], [1], [0, 0, 1, 1], [], []>, transpose_lhs_hint = false} : vector<96x4624xf32>, vector<4624x16xf32>, vector<96x16xf32> -> vector<96x16xf32>
    %get3A_6 = arith.constant 0 : index
    %get3A_7 = arith.constant 0 : index
    %get3A_8 = vector.load %arg7[%get3A_6, %get3A_7] : memref<32x16xf32, #tpu.memory_space<vmem>>, vector<32x16xf32>
    %concatenate3A = tpu.concatenate %dot_general3A_5, %get3A_8 in 0 : vector<96x16xf32>, vector<32x16xf32> -> vector<128x16xf32>
    %get3A_9 = arith.constant 0 : index
    %get3A_10 = arith.constant 0 : index
    %get3A_11 = vector.load %arg1[%get3A_9, %get3A_10] : memref<16x768xf32, #tpu.memory_space<vmem>>, vector<16x768xf32>
    %get3A_12 = arith.constant 0 : index
    %get3A_13 = arith.constant 0 : index
    %get3A_14 = vector.load %arg2[%get3A_12, %get3A_13] : memref<768x768xf32, #tpu.memory_space<vmem>>, vector<768x768xf32>
    %dot_general3A_15 = arith.constant dense<0.000000e+00> : vector<16x768xf32>
    %dot_general3A_16 = tpu.matmul %get3A_11, %get3A_14, %dot_general3A_15 {dimension_numbers = #tpu.dot_dimension_numbers<[1], [1], [0], [0], [0, 0, 1, 0], [], []>, transpose_lhs_hint = false} : vector<16x768xf32>, vector<768x768xf32>, vector<16x768xf32> -> vector<16x768xf32>
    %get3A_17 = arith.constant 0 : index
    %get3A_18 = arith.constant 0 : index
    %get3A_19 = vector.load %arg3[%get3A_17, %get3A_18] : memref<1x768xf32, #tpu.memory_space<vmem>>, vector<1x768xf32>
    %add3A = vector.broadcast %get3A_19 : vector<1x768xf32> to vector<16x768xf32>
    %add3A_20 = arith.addf %dot_general3A_16, %add3A : vector<16x768xf32>
    %dot_general3A_21 = arith.constant dense<0.000000e+00> : vector<128x768xf32>
    %dot_general3A_22 = tpu.matmul %concatenate3A, %add3A_20, %dot_general3A_21 {dimension_numbers = #tpu.dot_dimension_numbers<[1], [0], [0], [1], [0, 0, 1, 1], [], []>, transpose_lhs_hint = false} : vector<128x16xf32>, vector<16x768xf32>, vector<128x768xf32> -> vector<128x768xf32>
    %reduce_sum3A = arith.constant dense<0.000000e+00> : vector<128xf32>
    %reduce_sum3A_23 = vector.multi_reduction <add>, %concatenate3A, %reduce_sum3A [1] : vector<128x16xf32> to vector<128xf32>
    %broadcast_in_dim3A = vector.shape_cast %reduce_sum3A_23 : vector<128xf32> to vector<128x1xf32>
    %add3A_24 = arith.constant 9.99999997E-7 : f32
    %add3A_25 = vector.broadcast %add3A_24 : f32 to vector<128x1xf32>
    %add3A_26 = arith.addf %broadcast_in_dim3A, %add3A_25 : vector<128x1xf32>
    %get3A_27 = arith.constant 0 : index
    %get3A_28 = arith.constant 0 : index
    %get3A_29 = vector.load %arg0[%get3A_27, %get3A_28] : memref<128x768xf32, #tpu.memory_space<vmem>>, vector<128x768xf32>
    %get3A_30 = arith.constant 0 : index
    %get3A_31 = memref.load %arg4[%get3A_30] : memref<1xf32, #tpu.memory_space<smem>>
    %mul3A = vector.broadcast %get3A_31 : f32 to vector<128x768xf32>
    %mul3A_32 = arith.mulf %mul3A, %dot_general3A_22 : vector<128x768xf32>
    %div3A = vector.broadcast %add3A_26 : vector<128x1xf32> to vector<128x768xf32>
    %div3A_33 = arith.divf %mul3A_32, %div3A : vector<128x768xf32>
    %add3A_34 = arith.addf %get3A_29, %div3A_33 : vector<128x768xf32>
    %swap3A = arith.constant 0 : index
    %swap3A_35 = arith.constant 0 : index
    %swap3A_36 = vector.load %arg8[%swap3A, %swap3A_35] : memref<128x768xf32, #tpu.memory_space<vmem>>, vector<128x768xf32>
    tpu.vector_store %arg8[%swap3A, %swap3A_35], %add3A_34 {strides = array<i32>} : memref<128x768xf32, #tpu.memory_space<vmem>>, vector<128x768xf32>,
    return
  }
}

module attributes {stable_mosaic.version = 14 : i64} {
  func.func @_tc_hist_body(%arg0: i32, %arg1: memref<1x512x512xi32, #tpu.memory_space<vmem>>, %arg2: memref<32x16xf32, #tpu.memory_space<vmem>>) attributes {dimension_semantics = [#tpu.dimension_semantics<arbitrary>], iteration_bounds = array<i64: 32>, scalar_prefetch = 0 : i64, scratch_operands = 0 : i64, tpu.core_type = #tpu.core_type<tc>, window_params = [{transform_indices = @transform_0, window_bounds = array<i64: 1, 512, 512>}, {pipeline_mode = #tpu.pipeline_mode<synchronous>, transform_indices = @transform_1, window_bounds = array<i64: 32, 16>}]} {
    %get3A = arith.constant 0 : index
    %get3A_0 = arith.constant 0 : index
    %get3A_1 = arith.constant 0 : index
    %get3A_2 = vector.load %arg1[%get3A, %get3A_0, %get3A_1] : memref<1x512x512xi32, #tpu.memory_space<vmem>>, vector<1x512x512xi32>
    %eq3A = arith.constant 1 : i32
    %eq3A_3 = vector.broadcast %eq3A : i32 to vector<1x512x512xi32>
    %eq3A_4 = arith.cmpi eq, %get3A_2, %eq3A_3 : vector<1x512x512xi32>
    %convert_element_type3A = arith.extui %eq3A_4 : vector<1x512x512xi1> to vector<1x512x512xi32>
    %convert_element_type3A_5 = arith.sitofp %convert_element_type3A : vector<1x512x512xi32> to vector<1x512x512xf32>
    %reduce_sum3A = vector.shape_cast %convert_element_type3A_5 : vector<1x512x512xf32> to vector<1x1x512x512xf32>
    %reduce_sum3A_6 = arith.constant dense<0.000000e+00> : vector<1xf32>
    %reduce_sum3A_7 = vector.multi_reduction <add>, %reduce_sum3A, %reduce_sum3A_6 [1, 2, 3] : vector<1x1x512x512xf32> to vector<1xf32>
    %reduce_sum3A_8 = vector.shape_cast %reduce_sum3A_7 : vector<1xf32> to vector<1x1x1x1xf32>
    %reduce_sum3A_9 = vector.extract %reduce_sum3A_8[0, 0, 0, 0] : f32 from vector<1x1x1x1xf32>
    %eq3A_10 = arith.constant 2 : i32
    %eq3A_11 = vector.broadcast %eq3A_10 : i32 to vector<1x512x512xi32>
    %eq3A_12 = arith.cmpi eq, %get3A_2, %eq3A_11 : vector<1x512x512xi32>
    %convert_element_type3A_13 = arith.extui %eq3A_12 : vector<1x512x512xi1> to vector<1x512x512xi32>
    %convert_element_type3A_14 = arith.sitofp %convert_element_type3A_13 : vector<1x512x512xi32> to vector<1x512x512xf32>
    %reduce_sum3A_15 = vector.shape_cast %convert_element_type3A_14 : vector<1x512x512xf32> to vector<1x1x512x512xf32>
    %reduce_sum3A_16 = arith.constant dense<0.000000e+00> : vector<1xf32>
    %reduce_sum3A_17 = vector.multi_reduction <add>, %reduce_sum3A_15, %reduce_sum3A_16 [1, 2, 3] : vector<1x1x512x512xf32> to vector<1xf32>
    %reduce_sum3A_18 = vector.shape_cast %reduce_sum3A_17 : vector<1xf32> to vector<1x1x1x1xf32>
    %reduce_sum3A_19 = vector.extract %reduce_sum3A_18[0, 0, 0, 0] : f32 from vector<1x1x1x1xf32>
    %eq3A_20 = arith.constant 3 : i32
    %eq3A_21 = vector.broadcast %eq3A_20 : i32 to vector<1x512x512xi32>
    %eq3A_22 = arith.cmpi eq, %get3A_2, %eq3A_21 : vector<1x512x512xi32>
    %convert_element_type3A_23 = arith.extui %eq3A_22 : vector<1x512x512xi1> to vector<1x512x512xi32>
    %convert_element_type3A_24 = arith.sitofp %convert_element_type3A_23 : vector<1x512x512xi32> to vector<1x512x512xf32>
    %reduce_sum3A_25 = vector.shape_cast %convert_element_type3A_24 : vector<1x512x512xf32> to vector<1x1x512x512xf32>
    %reduce_sum3A_26 = arith.constant dense<0.000000e+00> : vector<1xf32>
    %reduce_sum3A_27 = vector.multi_reduction <add>, %reduce_sum3A_25, %reduce_sum3A_26 [1, 2, 3] : vector<1x1x512x512xf32> to vector<1xf32>
    %reduce_sum3A_28 = vector.shape_cast %reduce_sum3A_27 : vector<1xf32> to vector<1x1x1x1xf32>
    %reduce_sum3A_29 = vector.extract %reduce_sum3A_28[0, 0, 0, 0] : f32 from vector<1x1x1x1xf32>
    %eq3A_30 = arith.constant 4 : i32
    %eq3A_31 = vector.broadcast %eq3A_30 : i32 to vector<1x512x512xi32>
    %eq3A_32 = arith.cmpi eq, %get3A_2, %eq3A_31 : vector<1x512x512xi32>
    %convert_element_type3A_33 = arith.extui %eq3A_32 : vector<1x512x512xi1> to vector<1x512x512xi32>
    %convert_element_type3A_34 = arith.sitofp %convert_element_type3A_33 : vector<1x512x512xi32> to vector<1x512x512xf32>
    %reduce_sum3A_35 = vector.shape_cast %convert_element_type3A_34 : vector<1x512x512xf32> to vector<1x1x512x512xf32>
    %reduce_sum3A_36 = arith.constant dense<0.000000e+00> : vector<1xf32>
    %reduce_sum3A_37 = vector.multi_reduction <add>, %reduce_sum3A_35, %reduce_sum3A_36 [1, 2, 3] : vector<1x1x512x512xf32> to vector<1xf32>
    %reduce_sum3A_38 = vector.shape_cast %reduce_sum3A_37 : vector<1xf32> to vector<1x1x1x1xf32>
    %reduce_sum3A_39 = vector.extract %reduce_sum3A_38[0, 0, 0, 0] : f32 from vector<1x1x1x1xf32>
    %eq3A_40 = arith.constant 5 : i32
    %eq3A_41 = vector.broadcast %eq3A_40 : i32 to vector<1x512x512xi32>
    %eq3A_42 = arith.cmpi eq, %get3A_2, %eq3A_41 : vector<1x512x512xi32>
    %convert_element_type3A_43 = arith.extui %eq3A_42 : vector<1x512x512xi1> to vector<1x512x512xi32>
    %convert_element_type3A_44 = arith.sitofp %convert_element_type3A_43 : vector<1x512x512xi32> to vector<1x512x512xf32>
    %reduce_sum3A_45 = vector.shape_cast %convert_element_type3A_44 : vector<1x512x512xf32> to vector<1x1x512x512xf32>
    %reduce_sum3A_46 = arith.constant dense<0.000000e+00> : vector<1xf32>
    %reduce_sum3A_47 = vector.multi_reduction <add>, %reduce_sum3A_45, %reduce_sum3A_46 [1, 2, 3] : vector<1x1x512x512xf32> to vector<1xf32>
    %reduce_sum3A_48 = vector.shape_cast %reduce_sum3A_47 : vector<1xf32> to vector<1x1x1x1xf32>
    %reduce_sum3A_49 = vector.extract %reduce_sum3A_48[0, 0, 0, 0] : f32 from vector<1x1x1x1xf32>
    %eq3A_50 = arith.constant 6 : i32
    %eq3A_51 = vector.broadcast %eq3A_50 : i32 to vector<1x512x512xi32>
    %eq3A_52 = arith.cmpi eq, %get3A_2, %eq3A_51 : vector<1x512x512xi32>
    %convert_element_type3A_53 = arith.extui %eq3A_52 : vector<1x512x512xi1> to vector<1x512x512xi32>
    %convert_element_type3A_54 = arith.sitofp %convert_element_type3A_53 : vector<1x512x512xi32> to vector<1x512x512xf32>
    %reduce_sum3A_55 = vector.shape_cast %convert_element_type3A_54 : vector<1x512x512xf32> to vector<1x1x512x512xf32>
    %reduce_sum3A_56 = arith.constant dense<0.000000e+00> : vector<1xf32>
    %reduce_sum3A_57 = vector.multi_reduction <add>, %reduce_sum3A_55, %reduce_sum3A_56 [1, 2, 3] : vector<1x1x512x512xf32> to vector<1xf32>
    %reduce_sum3A_58 = vector.shape_cast %reduce_sum3A_57 : vector<1xf32> to vector<1x1x1x1xf32>
    %reduce_sum3A_59 = vector.extract %reduce_sum3A_58[0, 0, 0, 0] : f32 from vector<1x1x1x1xf32>
    %eq3A_60 = arith.constant 7 : i32
    %eq3A_61 = vector.broadcast %eq3A_60 : i32 to vector<1x512x512xi32>
    %eq3A_62 = arith.cmpi eq, %get3A_2, %eq3A_61 : vector<1x512x512xi32>
    %convert_element_type3A_63 = arith.extui %eq3A_62 : vector<1x512x512xi1> to vector<1x512x512xi32>
    %convert_element_type3A_64 = arith.sitofp %convert_element_type3A_63 : vector<1x512x512xi32> to vector<1x512x512xf32>
    %reduce_sum3A_65 = vector.shape_cast %convert_element_type3A_64 : vector<1x512x512xf32> to vector<1x1x512x512xf32>
    %reduce_sum3A_66 = arith.constant dense<0.000000e+00> : vector<1xf32>
    %reduce_sum3A_67 = vector.multi_reduction <add>, %reduce_sum3A_65, %reduce_sum3A_66 [1, 2, 3] : vector<1x1x512x512xf32> to vector<1xf32>
    %reduce_sum3A_68 = vector.shape_cast %reduce_sum3A_67 : vector<1xf32> to vector<1x1x1x1xf32>
    %reduce_sum3A_69 = vector.extract %reduce_sum3A_68[0, 0, 0, 0] : f32 from vector<1x1x1x1xf32>
    %eq3A_70 = arith.constant 8 : i32
    %eq3A_71 = vector.broadcast %eq3A_70 : i32 to vector<1x512x512xi32>
    %eq3A_72 = arith.cmpi eq, %get3A_2, %eq3A_71 : vector<1x512x512xi32>
    %convert_element_type3A_73 = arith.extui %eq3A_72 : vector<1x512x512xi1> to vector<1x512x512xi32>
    %convert_element_type3A_74 = arith.sitofp %convert_element_type3A_73 : vector<1x512x512xi32> to vector<1x512x512xf32>
    %reduce_sum3A_75 = vector.shape_cast %convert_element_type3A_74 : vector<1x512x512xf32> to vector<1x1x512x512xf32>
    %reduce_sum3A_76 = arith.constant dense<0.000000e+00> : vector<1xf32>
    %reduce_sum3A_77 = vector.multi_reduction <add>, %reduce_sum3A_75, %reduce_sum3A_76 [1, 2, 3] : vector<1x1x512x512xf32> to vector<1xf32>
    %reduce_sum3A_78 = vector.shape_cast %reduce_sum3A_77 : vector<1xf32> to vector<1x1x1x1xf32>
    %reduce_sum3A_79 = vector.extract %reduce_sum3A_78[0, 0, 0, 0] : f32 from vector<1x1x1x1xf32>
    %eq3A_80 = arith.constant 9 : i32
    %eq3A_81 = vector.broadcast %eq3A_80 : i32 to vector<1x512x512xi32>
    %eq3A_82 = arith.cmpi eq, %get3A_2, %eq3A_81 : vector<1x512x512xi32>
    %convert_element_type3A_83 = arith.extui %eq3A_82 : vector<1x512x512xi1> to vector<1x512x512xi32>
    %convert_element_type3A_84 = arith.sitofp %convert_element_type3A_83 : vector<1x512x512xi32> to vector<1x512x512xf32>
    %reduce_sum3A_85 = vector.shape_cast %convert_element_type3A_84 : vector<1x512x512xf32> to vector<1x1x512x512xf32>
    %reduce_sum3A_86 = arith.constant dense<0.000000e+00> : vector<1xf32>
    %reduce_sum3A_87 = vector.multi_reduction <add>, %reduce_sum3A_85, %reduce_sum3A_86 [1, 2, 3] : vector<1x1x512x512xf32> to vector<1xf32>
    %reduce_sum3A_88 = vector.shape_cast %reduce_sum3A_87 : vector<1xf32> to vector<1x1x1x1xf32>
    %reduce_sum3A_89 = vector.extract %reduce_sum3A_88[0, 0, 0, 0] : f32 from vector<1x1x1x1xf32>
    %eq3A_90 = arith.constant 10 : i32
    %eq3A_91 = vector.broadcast %eq3A_90 : i32 to vector<1x512x512xi32>
    %eq3A_92 = arith.cmpi eq, %get3A_2, %eq3A_91 : vector<1x512x512xi32>
    %convert_element_type3A_93 = arith.extui %eq3A_92 : vector<1x512x512xi1> to vector<1x512x512xi32>
    %convert_element_type3A_94 = arith.sitofp %convert_element_type3A_93 : vector<1x512x512xi32> to vector<1x512x512xf32>
    %reduce_sum3A_95 = vector.shape_cast %convert_element_type3A_94 : vector<1x512x512xf32> to vector<1x1x512x512xf32>
    %reduce_sum3A_96 = arith.constant dense<0.000000e+00> : vector<1xf32>
    %reduce_sum3A_97 = vector.multi_reduction <add>, %reduce_sum3A_95, %reduce_sum3A_96 [1, 2, 3] : vector<1x1x512x512xf32> to vector<1xf32>
    %reduce_sum3A_98 = vector.shape_cast %reduce_sum3A_97 : vector<1xf32> to vector<1x1x1x1xf32>
    %reduce_sum3A_99 = vector.extract %reduce_sum3A_98[0, 0, 0, 0] : f32 from vector<1x1x1x1xf32>
    %eq3A_100 = arith.constant 11 : i32
    %eq3A_101 = vector.broadcast %eq3A_100 : i32 to vector<1x512x512xi32>
    %eq3A_102 = arith.cmpi eq, %get3A_2, %eq3A_101 : vector<1x512x512xi32>
    %convert_element_type3A_103 = arith.extui %eq3A_102 : vector<1x512x512xi1> to vector<1x512x512xi32>
    %convert_element_type3A_104 = arith.sitofp %convert_element_type3A_103 : vector<1x512x512xi32> to vector<1x512x512xf32>
    %reduce_sum3A_105 = vector.shape_cast %convert_element_type3A_104 : vector<1x512x512xf32> to vector<1x1x512x512xf32>
    %reduce_sum3A_106 = arith.constant dense<0.000000e+00> : vector<1xf32>
    %reduce_sum3A_107 = vector.multi_reduction <add>, %reduce_sum3A_105, %reduce_sum3A_106 [1, 2, 3] : vector<1x1x512x512xf32> to vector<1xf32>
    %reduce_sum3A_108 = vector.shape_cast %reduce_sum3A_107 : vector<1xf32> to vector<1x1x1x1xf32>
    %reduce_sum3A_109 = vector.extract %reduce_sum3A_108[0, 0, 0, 0] : f32 from vector<1x1x1x1xf32>
    %eq3A_110 = arith.constant 12 : i32
    %eq3A_111 = vector.broadcast %eq3A_110 : i32 to vector<1x512x512xi32>
    %eq3A_112 = arith.cmpi eq, %get3A_2, %eq3A_111 : vector<1x512x512xi32>
    %convert_element_type3A_113 = arith.extui %eq3A_112 : vector<1x512x512xi1> to vector<1x512x512xi32>
    %convert_element_type3A_114 = arith.sitofp %convert_element_type3A_113 : vector<1x512x512xi32> to vector<1x512x512xf32>
    %reduce_sum3A_115 = vector.shape_cast %convert_element_type3A_114 : vector<1x512x512xf32> to vector<1x1x512x512xf32>
    %reduce_sum3A_116 = arith.constant dense<0.000000e+00> : vector<1xf32>
    %reduce_sum3A_117 = vector.multi_reduction <add>, %reduce_sum3A_115, %reduce_sum3A_116 [1, 2, 3] : vector<1x1x512x512xf32> to vector<1xf32>
    %reduce_sum3A_118 = vector.shape_cast %reduce_sum3A_117 : vector<1xf32> to vector<1x1x1x1xf32>
    %reduce_sum3A_119 = vector.extract %reduce_sum3A_118[0, 0, 0, 0] : f32 from vector<1x1x1x1xf32>
    %eq3A_120 = arith.constant 13 : i32
    %eq3A_121 = vector.broadcast %eq3A_120 : i32 to vector<1x512x512xi32>
    %eq3A_122 = arith.cmpi eq, %get3A_2, %eq3A_121 : vector<1x512x512xi32>
    %convert_element_type3A_123 = arith.extui %eq3A_122 : vector<1x512x512xi1> to vector<1x512x512xi32>
    %convert_element_type3A_124 = arith.sitofp %convert_element_type3A_123 : vector<1x512x512xi32> to vector<1x512x512xf32>
    %reduce_sum3A_125 = vector.shape_cast %convert_element_type3A_124 : vector<1x512x512xf32> to vector<1x1x512x512xf32>
    %reduce_sum3A_126 = arith.constant dense<0.000000e+00> : vector<1xf32>
    %reduce_sum3A_127 = vector.multi_reduction <add>, %reduce_sum3A_125, %reduce_sum3A_126 [1, 2, 3] : vector<1x1x512x512xf32> to vector<1xf32>
    %reduce_sum3A_128 = vector.shape_cast %reduce_sum3A_127 : vector<1xf32> to vector<1x1x1x1xf32>
    %reduce_sum3A_129 = vector.extract %reduce_sum3A_128[0, 0, 0, 0] : f32 from vector<1x1x1x1xf32>
    %eq3A_130 = arith.constant 14 : i32
    %eq3A_131 = vector.broadcast %eq3A_130 : i32 to vector<1x512x512xi32>
    %eq3A_132 = arith.cmpi eq, %get3A_2, %eq3A_131 : vector<1x512x512xi32>
    %convert_element_type3A_133 = arith.extui %eq3A_132 : vector<1x512x512xi1> to vector<1x512x512xi32>
    %convert_element_type3A_134 = arith.sitofp %convert_element_type3A_133 : vector<1x512x512xi32> to vector<1x512x512xf32>
    %reduce_sum3A_135 = vector.shape_cast %convert_element_type3A_134 : vector<1x512x512xf32> to vector<1x1x512x512xf32>
    %reduce_sum3A_136 = arith.constant dense<0.000000e+00> : vector<1xf32>
    %reduce_sum3A_137 = vector.multi_reduction <add>, %reduce_sum3A_135, %reduce_sum3A_136 [1, 2, 3] : vector<1x1x512x512xf32> to vector<1xf32>
    %reduce_sum3A_138 = vector.shape_cast %reduce_sum3A_137 : vector<1xf32> to vector<1x1x1x1xf32>
    %reduce_sum3A_139 = vector.extract %reduce_sum3A_138[0, 0, 0, 0] : f32 from vector<1x1x1x1xf32>
    %eq3A_140 = arith.constant 15 : i32
    %eq3A_141 = vector.broadcast %eq3A_140 : i32 to vector<1x512x512xi32>
    %eq3A_142 = arith.cmpi eq, %get3A_2, %eq3A_141 : vector<1x512x512xi32>
    %convert_element_type3A_143 = arith.extui %eq3A_142 : vector<1x512x512xi1> to vector<1x512x512xi32>
    %convert_element_type3A_144 = arith.sitofp %convert_element_type3A_143 : vector<1x512x512xi32> to vector<1x512x512xf32>
    %reduce_sum3A_145 = vector.shape_cast %convert_element_type3A_144 : vector<1x512x512xf32> to vector<1x1x512x512xf32>
    %reduce_sum3A_146 = arith.constant dense<0.000000e+00> : vector<1xf32>
    %reduce_sum3A_147 = vector.multi_reduction <add>, %reduce_sum3A_145, %reduce_sum3A_146 [1, 2, 3] : vector<1x1x512x512xf32> to vector<1xf32>
    %reduce_sum3A_148 = vector.shape_cast %reduce_sum3A_147 : vector<1xf32> to vector<1x1x1x1xf32>
    %reduce_sum3A_149 = vector.extract %reduce_sum3A_148[0, 0, 0, 0] : f32 from vector<1x1x1x1xf32>
    %eq3A_150 = arith.constant 16 : i32
    %eq3A_151 = vector.broadcast %eq3A_150 : i32 to vector<1x512x512xi32>
    %eq3A_152 = arith.cmpi eq, %get3A_2, %eq3A_151 : vector<1x512x512xi32>
    %convert_element_type3A_153 = arith.extui %eq3A_152 : vector<1x512x512xi1> to vector<1x512x512xi32>
    %convert_element_type3A_154 = arith.sitofp %convert_element_type3A_153 : vector<1x512x512xi32> to vector<1x512x512xf32>
    %reduce_sum3A_155 = vector.shape_cast %convert_element_type3A_154 : vector<1x512x512xf32> to vector<1x1x512x512xf32>
    %reduce_sum3A_156 = arith.constant dense<0.000000e+00> : vector<1xf32>
    %reduce_sum3A_157 = vector.multi_reduction <add>, %reduce_sum3A_155, %reduce_sum3A_156 [1, 2, 3] : vector<1x1x512x512xf32> to vector<1xf32>
    %reduce_sum3A_158 = vector.shape_cast %reduce_sum3A_157 : vector<1xf32> to vector<1x1x1x1xf32>
    %reduce_sum3A_159 = vector.extract %reduce_sum3A_158[0, 0, 0, 0] : f32 from vector<1x1x1x1xf32>
    %stack3A = vector.broadcast %reduce_sum3A_9 : f32 to vector<1xf32>
    %stack3A_160 = vector.broadcast %reduce_sum3A_19 : f32 to vector<1xf32>
    %stack3A_161 = vector.broadcast %reduce_sum3A_29 : f32 to vector<1xf32>
    %stack3A_162 = vector.broadcast %reduce_sum3A_39 : f32 to vector<1xf32>
    %stack3A_163 = vector.broadcast %reduce_sum3A_49 : f32 to vector<1xf32>
    %stack3A_164 = vector.broadcast %reduce_sum3A_59 : f32 to vector<1xf32>
    %stack3A_165 = vector.broadcast %reduce_sum3A_69 : f32 to vector<1xf32>
    %stack3A_166 = vector.broadcast %reduce_sum3A_79 : f32 to vector<1xf32>
    %stack3A_167 = vector.broadcast %reduce_sum3A_89 : f32 to vector<1xf32>
    %stack3A_168 = vector.broadcast %reduce_sum3A_99 : f32 to vector<1xf32>
    %stack3A_169 = vector.broadcast %reduce_sum3A_109 : f32 to vector<1xf32>
    %stack3A_170 = vector.broadcast %reduce_sum3A_119 : f32 to vector<1xf32>
    %stack3A_171 = vector.broadcast %reduce_sum3A_129 : f32 to vector<1xf32>
    %stack3A_172 = vector.broadcast %reduce_sum3A_139 : f32 to vector<1xf32>
    %stack3A_173 = vector.broadcast %reduce_sum3A_149 : f32 to vector<1xf32>
    %stack3A_174 = vector.broadcast %reduce_sum3A_159 : f32 to vector<1xf32>
    %stack3A_175 = tpu.concatenate %stack3A, %stack3A_160, %stack3A_161, %stack3A_162, %stack3A_163, %stack3A_164, %stack3A_165, %stack3A_166, %stack3A_167, %stack3A_168, %stack3A_169, %stack3A_170, %stack3A_171, %stack3A_172, %stack3A_173, %stack3A_174 in 0 : vector<1xf32>, vector<1xf32>, vector<1xf32>, vector<1xf32>, vector<1xf32>, vector<1xf32>, vector<1xf32>, vector<1xf32>, vector<1xf32>, vector<1xf32>, vector<1xf32>, vector<1xf32>, vector<1xf32>, vector<1xf32>, vector<1xf32>, vector<1xf32> -> vector<16xf32>
    %swap3A = arith.index_cast %arg0 : i32 to index
    %swap3A_176 = arith.constant 0 : index
    %swap3A_177 = vector.load %arg2[%swap3A, %swap3A_176] : memref<32x16xf32, #tpu.memory_space<vmem>>, vector<1x16xf32>
    %swap3A_178 = vector.shape_cast %swap3A_177 : vector<1x16xf32> to vector<16xf32>
    %swap3A_179 = vector.shape_cast %stack3A_175 : vector<16xf32> to vector<1x16xf32>
    tpu.vector_store %arg2[%swap3A, %swap3A_176], %swap3A_179 {strides = array<i32>} : memref<32x16xf32, #tpu.memory_space<vmem>>, vector<1x16xf32>,
    return
  }
  func.func @transform_0(%arg0: i32) -> (i32, i32, i32) {
    %add3A = arith.constant 96 : i32
    %add3A_0 = arith.addi %arg0, %add3A : i32
    %c0_i32 = arith.constant 0 : i32
    %c0_i32_1 = arith.constant 0 : i32
    %c0_i32_2 = arith.constant 0 : i32
    return %add3A_0, %c0_i32, %c0_i32_1 : i32, i32, i32
  }
  func.func @transform_1(%arg0: i32) -> (i32, i32) {
    %c0_i32 = arith.constant 0 : i32
    %c0_i32_0 = arith.constant 0 : i32
    %c0_i32_1 = arith.constant 0 : i32
    return %c0_i32, %c0_i32_0 : i32, i32
  }
}

</mosaic_0001>

<sc_bundles>
// kernel: kernel.5.cloned.1.call-start
scs
__scs_entry_jumppad:
0x0: {  	(pc) =	sbr.rel $0x88, $3  }
0x1: {  	(tag) =	ssettag $0x0;
	lr =	simm.s32 $0x1  }
0x2: {  	[smem:$0x3F9B] =	sst lr;
	_ =	strace $0xD0000000  }
0x3: {  	_ = 	snop  }
0x4: {  	_ = 	snop  }
0x5: {  	_ = 	snop  }
0x6: {  	_ = 	snop  }
0x7: {  	_ = 	snop  }
__scs_overlays_trampoline_lowered:
0x8: {  	[smem:$0x3FAA] =	sst s0  }
0x9: {  	[smem:$0x3FAB] =	sst s1  }
0xa: {  	[smem:$0x3FAC] =	sst s2  }
0xb: {  	[smem:$0x3FAD] =	sst s3  }
0xc: {  	[smem:$0x3FAE] =	sst s4  }
0xd: {  	[smem:$0x3FAF] =	sst s5  }
0xe: {  	[smem:$0x3FB0] =	sst s6  }
0xf: {  	[smem:$0x3FB1] =	sst s7  }
0x10: {  	[smem:$0x3FB2] =	sst s8  }
0x11: {  	[smem:$0x3FB3] =	sst s9;
	s0 =	simm.s32 @!p0 $0x0  }
0x12: {  	s1 =	sld [smem:$0x3F99];
	s0 =	simm.s32 @p0 $0x1  }
0x13: {  	[smem:$0x3FB4] =	sst s0;
	s0 =	simm.s32 @!p1 $0x0  }
0x14: {  	s2 =	sld [smem:$0x3F98];
	s0 =	simm.s32 @p1 $0x1  }
0x15: {  	[smem:$0x3FB5] =	sst s0;
	s0 =	simm.s32 @!p2 $0x0  }
0x16: {  	s3 =	sld [smem:$0x3FDB];
	s0 =	simm.s32 @p2 $0x1  }
0x17: {  	s4 =	simm.s32 $0x1BF5;
	[smem:$0x3FB7] =	sst s0  }
0x18: {  	s0 =	sld [smem:$0x3F9A];
	_ =	swait.ge [sflag:s4], $0x0  }
0x19: {  	s7 =	sld [smem:$0x3F9B]  }
0x1a: {  	s8 =	sadd.s32 $0xFFFFE003, lr  }
0x1b: {  	s9 =	sadd.s32 $0xFFFFFEF7, lr;
	s5 =	simm.s32 $0xFFFFFFFF;
	p2 =	slt.u32 s8, $0xFFFFF086  }
0x1c: {  	p1 =	slt.u32 s9, $0xF7A;
	s5 =	simm.s32 @!p2 $0x0  }
0x1d: {  	s5 =	simm.s32 @p1 $0x1;
	p0 =	seq.s32 s7, s2  }
0x1e: {  	s7 =	smul.u32 @!p0 $0xF7A, s2;
	p2 =	seq.s32 @!p0 s5, $0x0  }
0x1f: {  	s9 =	smul.u32 $0xF7A, s1;
	s8 =	simm.s32 @!p0 $0x1BF5;
	p2 =	por !p2, p0  }
0x20: {  	[sflag:s8] =	ssyncset.s32 @!p0 $0xFFFFF086;
	s6 =	sadd.s32 @!p0 s3, s7;
	s7 =	simm.s32 @!p0 $0x108  }
0x21: {  	s3 =	sadd.s32 s3, s9;
	s6 =	sadd.s32 @!p0 $0x88, s6;
	s7 =	simm.s32 @p2 $0x1082  }
0x22: {  	[simem:s7], [sflag:s8] =	dma.local @!p0 [hbm:s6], $0xF7A  }
0x23: {  	s9 =	sor.u32 $0xD0000000, s2;
	s6 =	simm.s32 $0x108;
	_ =	swait.ge @!p0 [sflag:s8], $0x0  }
0x24: {  	s3 =	sadd.s32 $0x88, s3;
	s6 =	simm.s32 @!p1 $0x1082;
	[sflag:s4] =	ssyncset.s32 $0xFFFFF086  }
0x25: {  	[simem:s6], [sflag:s4] =	dma.local [hbm:s3], $0xF7A  }
0x26: {  	[smem:$0x3F9B] =	sst s1;
	(tag) =	ssettag s2;
	_ =	strace s9  }
0x27: {  	s1 =	sld [smem:$0x3FAB]  }
0x28: {  	s2 =	sld [smem:$0x3FAC]  }
0x29: {  	s4 =	sld [smem:$0x3FAE]  }
0x2a: {  	p0 =	seq.s32 s5, $0x0;
	s5 =	sld [smem:$0x3FAF]  }
0x2b: {  	s6 =	sld [smem:$0x3FB0]  }
0x2c: {  	s7 =	sld [smem:$0x3FB1]  }
0x2d: {  	s3 =	simm.s32 $0x108;
	s8 =	sld [smem:$0x3FB2]  }
0x2e: {  	s3 =	simm.s32 @!p0 $0x1082;
	s9 =	sld [smem:$0x3FB3]  }
0x2f: {  	lr =	sadd.s32 s0, s3;
	s0 =	sld [smem:$0x3FAA]  }
0x30: {  	s3 =	sld [smem:$0x3FAD]  }
0x31: {  	[smem:$0x3FB6] =	sst s10  }
0x32: {  	s10 =	sld [smem:$0x3FB4];
	_ =	sdelay $0x3  }
0x33: {  	p0 =	seq.s32 s10, $0x1;
	s10 =	sld [smem:$0x3FB6];
	_ =	sdelay $0x3  }
0x34: {  	[smem:$0x3FB6] =	sst s10  }
0x35: {  	s10 =	sld [smem:$0x3FB5];
	_ =	sdelay $0x3  }
0x36: {  	p1 =	seq.s32 s10, $0x1;
	s10 =	sld [smem:$0x3FB6];
	_ =	sdelay $0x3  }
0x37: {  	[smem:$0x3FB6] =	sst s10  }
0x38: {  	s10 =	sld [smem:$0x3FB7]  }
0x39: {  	_ = 	snop;
	(pc) =	sbr.ind lr, $3  }
0x3a: {  	_ = 	snop  }
0x3b: {  	_ = 	snop  }
0x3c: {  	p2 =	seq.s32 s10, $0x1;
	s10 =	sld [smem:$0x3FB6]  }
0x3d: {  	_ =	shalt  }
0x3e: {  	_ =	shalt  }
0x3f: {  	_ =	shalt  }
0x40: {  	_ =	shalt  }
0x41: {  	_ =	shalt  }
0x42: {  	_ =	shalt  }
0x43: {  	_ =	shalt  }
0x44: {  	_ =	shalt  }
0x45: {  	_ =	shalt  }
0x46: {  	_ =	shalt  }
0x47: {  	_ =	shalt  }
0x48: {  	_ =	shalt  }
0x49: {  	_ =	shalt  }
0x4a: {  	_ =	shalt  }
0x4b: {  	_ =	shalt  }
0x4c: {  	_ =	shalt  }
0x4d: {  	_ =	shalt  }
0x4e: {  	_ =	shalt  }
0x4f: {  	_ =	shalt  }
0x50: {  	_ =	shalt  }
0x51: {  	_ =	shalt  }
0x52: {  	_ =	shalt  }
0x53: {  	_ =	shalt  }
0x54: {  	_ =	shalt  }
0x55: {  	_ =	shalt  }
0x56: {  	_ =	shalt  }
0x57: {  	_ =	shalt  }
0x58: {  	_ =	shalt  }
0x59: {  	_ =	shalt  }
0x5a: {  	_ =	shalt  }
0x5b: {  	_ =	shalt  }
0x5c: {  	_ =	shalt  }
0x5d: {  	_ =	shalt  }
0x5e: {  	_ =	shalt  }
0x5f: {  	_ =	shalt  }
0x60: {  	_ =	shalt  }
0x61: {  	_ =	shalt  }
0x62: {  	_ =	shalt  }
0x63: {  	_ =	shalt  }
0x64: {  	_ =	shalt  }
0x65: {  	_ =	shalt  }
0x66: {  	_ =	shalt  }
0x67: {  	_ =	shalt  }
0x68: {  	_ =	shalt  }
0x69: {  	_ =	shalt  }
0x6a: {  	_ =	shalt  }
0x6b: {  	_ =	shalt  }
0x6c: {  	_ =	shalt  }
0x6d: {  	_ =	shalt  }
0x6e: {  	_ =	shalt  }
0x6f: {  	_ =	shalt  }
0x70: {  	_ =	shalt  }
0x71: {  	_ =	shalt  }
0x72: {  	_ =	shalt  }
0x73: {  	_ =	shalt  }
0x74: {  	_ =	shalt  }
0x75: {  	_ =	shalt  }
0x76: {  	_ =	shalt  }
0x77: {  	_ =	shalt  }
0x78: {  	_ =	shalt  }
0x79: {  	_ =	shalt  }
0x7a: {  	_ =	shalt  }
0x7b: {  	_ =	shalt  }
0x7c: {  	_ =	shalt  }
0x7d: {  	_ =	shalt  }
0x7e: {  	_ =	shalt  }
0x7f: {  	_ =	shalt  }
0x80: {  	_ =	shalt  }
0x81: {  	_ =	shalt  }
0x82: {  	_ =	shalt  }
0x83: {  	_ =	shalt  }
0x84: {  	_ =	shalt  }
0x85: {  	_ =	shalt  }
0x86: {  	_ =	shalt  }
0x87: {  	_ =	shalt  }
.Lfunc_end0:
.L_simem_size_0:
called_computation_lowered:
.L_overlay_start_0:
0x88: {  	s2 =	sld [smem:$0x3FD9]  }
0x89: {  	s3 =	sld [smem:$0x3FFE];
	_ =	sdelay $0x1  }
0x8a: {  	s1 =	srdreg.scid  }
0x8b: {  	s0 =	sand.u32 $0x1, s1  }
0x8c: {  	s17 =	sshll.u32 s0, $0xA;
	s2 =	sadd.s32 s3, s2  }
0x8d: {  	s2 =	sadd.s32 s2, s17  }
0x8e: {  	[smem:$0x3FC2] =	sst s2  }
0x8f: {  	_ = 	snop  }
0x90: {  	s2 =	sld [smem:$0x3FC4];
	(tm) =	ssettm $0x1  }
0x91: {  	s18 =	sld [smem:$0x3FFB];
	_ =	sdelay $0x3  }
0x92: {  	_ =	strace s18  }
0x93: {  	s3 =	sld [smem:$0x3FFC];
	_ =	sdelay $0x3  }
0x94: {  	_ =	strace s3  }
0x95: {  	s3 =	sld [smem:$0x3FFD];
	_ =	sdelay $0x3  }
0x96: {  	_ =	strace s3  }
0x97: {  	_ =	strace $0x8FFFFFFF  }
0x98: {  	s19 =	sld [smem:$0x3FDB];
	_ =	sdelay $0x1  }
0x99: {  	s4 =	simm.s32 $_scs_section_size  }
0x9a: {  	s5 =	simm.s32 $_size__tile_overlayer_lowered;
	s6 =	simm.s32 $_tile_overlayer_lowered  }
0x9b: {  	s22 =	simm.s32 $0x1BFF;
	s21 =	sshll.u32 s6, $0x1;
	s3 =	sadd.s32 s4, s19  }
0x9c: {  	s7 =	simm.s32 $0x0;
	s20 =	sshll.u32 s5, $0x1;
	s5 =	sadd.s32 s21, s3  }
0x9d: {  	[timem:s7], [sflag:s22] =	dma.local [hbm:s5], s20  }
0x9e: {  	_ =	swait.ge [sflag:s22], s20  }
0x9f: {  	s4 =	ssub.s32 $0x0, s20;
	[sflag:s22] =	ssyncset.done $0x0  }
0xa0: {  	[sflag:s22] =	ssyncadd.s32 s4;
	_ =	sdelay $0x1  }
0xa1: {  	s23 =	simm.s32 $0x1B8B  }
0xa2: {  	_ =	swait.ge [sflag:s23], $0x1  }
0xa3: {  	[sflag:s23] =	ssyncset.done $0x0  }
0xa4: {  	s25 =	simm.s32 $0x1B8E;
	s24 =	sld [smem:$0x3FFE];
	[sflag:s23] =	ssyncadd.s32 $0xFFFFFFFF  }
0xa5: {  	s26 =	simm.s32 $execute0_lowered;
	[smem:$0x3FD2] =	sst s25  }
0xa6: {  	s5 =	sshll.u32 s26, $0x1;
	_ =	strace $0x80000046;
	[dreg:$0x1] =	wrdreg $0xFFFFFFFF  }
0xa7: {  	s28 =	simm.s32 $_size_execute0_lowered;
	s3 =	sadd.s32 s3, s5;
	[dreg:$0x0] =	wrdreg $0x0  }
0xa8: {  	s5 =	sshll.u32 s28, $0x1;
	[dreg:$0x2] =	wrdreg s3  }
0xa9: {  	[dreg:$0x3] =	wrdreg s5  }
0xaa: {  	[dreg:$0x4] =	wrdreg $0xC0  }
0xab: {  	_ =	task [dreg:s7], $0x5FFFF  }
0xac: {  	[dreg:$0x1] =	wrdreg $0xFFFFFFFF  }
0xad: {  	[dreg:$0x0] =	wrdreg $0x60  }
0xae: {  	[dreg:$0x2] =	wrdreg s2  }
0xaf: {  	[dreg:$0x3] =	wrdreg s24  }
0xb0: {  	[dreg:$0x4] =	wrdreg $0x9  }
0xb1: {  	_ =	task.clear_ibuf [dreg:s7], $0x5FFFF;
	_ =	strace $0x90000046  }
0xb2: {  	s29 =	simm.s32 $0x9;
	_ =	strace $0x80000048  }
0xb3: {  	_ =	swait.ge [sflag:s29], $0x1  }
0xb4: {  	[sflag:s29] =	ssyncadd.s32 $0xFFFFFFFF  }
0xb5: {  	_ =	strace $0x90000048  }
0xb6: {  	_ =	sfence  }
0xb7: {  	s30 =	sld [smem:$0x0];
	_ =	sdelay $0x2  }
0xb8: {  	s31 =	sshll.u32 s1, $0xD;
	s1 =	sshrl.u32 s1, $0x2  }
0xb9: {  	s3 =	sand.u32 $0x4000, s31;
	s1 =	sadd.s32 s1, s30  }
0xba: {  	s0 =	sor.u32 s3, s0;
	s1 =	sshll.u32 s1, $0x11  }
0xbb: {  	s0 =	sor.u32 s1, s0  }
0xbc: {  	s0 =	sadd.s32 $0x8F2B, s0  }
0xbd: {  	[sflag:s0] =	ssyncadd.remote.s32 $0x1  }
0xbe: {  	_ =	sfence.sel $0xFFFF  }
0xbf: {  	[dreg:$0x0] =	wrdreg $0xFFFFFFFF;
	(pc) =	sbr.abs _section_cstart, $3  }
0xc0: {  	[dreg:$0x1] =	wrdreg $0xFFFFFFFF  }
0xc1: {  	_ =	task.clear_ibuf [dreg:s7], $0x2FFFF;
	_ =	strace $0x9FFFFFFF  }
0xc2: {  	(tm) =	ssettm $0x7FFFFFFF  }
0xc3: {  	_ =	shalt  }
tec
execute0_lowered:
.L_overlay_start_1:
0x0: {  	(tag) =	ssettag $0x1  }
0x1: {  	s0 =	srdreg.scid;
	s1 =	stileid.u32  }
0x2: {  	s4 =	rddreg [dreg:$0x0];
	s0 =	sand.u32 $0x1, s0;
	s1 =	sshll.u32 s1, $0x1  }
0x3: {  	s7 =	sadd.s32 $0x3000, s4;
	s22 =	sadd.s32 $0x5000, s4;
	s1 =	sor.u32 s0, s1  }
0x4: {  	s23 =	sadd.s32 $0x6000, s4;
	s2 =	ssub.s32 $0x2, s0;
	s3 =	smul.u32 $0x18000, s1  }
0x5: {  	s24 =	sadd.s32 $0x7000, s4;
	s14 =	sshrl.u32 s2, $0x1;
	s15 =	smul.u32 $0x3, s1  }
0x6: {  	s1 =	smul.u32 $0x180, s1;
	s0 =	ssub.s32 s2, s14;
	s5 =	sadd.s32 s4, s3  }
0x7: {  	s16 =	sadd.s32 s3, s7;
	s17 =	sadd.s32 s3, s22;
	s18 =	sadd.s32 s3, s23  }
0x8: {  	s10 =	sadd.s32 $0x1, s15;
	s19 =	sshrl.u32 s15, $0x3;
	[dreg:$0x3] =	wrdreg s5  }
0x9: {  	s1 =	sand.u32 $0x380, s1;
	s2 =	sadd.s32 $0x2, s15;
	[dreg:$0x6] =	wrdreg s16  }
0xa: {  	s31 =	smax.u32 s0, $0x1;
	s0 =	simm.s32 $0x1;
	[dreg:$0x8] =	wrdreg s17  }
0xb: {  	s5 =	sadd.s32 $0x1000, s4;
	[dreg:$0x9] =	wrdreg s18;
	s20 =	sshll.u32 s10, $0xF  }
0xc: {  	s11 =	smul.u32 $0x9400, s19;
	s12 =	sshrl.u32 s10, $0x3;
	s13 =	sshll.u32 s10, $0x7  }
0xd: {  	s10 =	rddreg [dreg:$0x1];
	s6 =	sadd.s32 s3, s5;
	s21 =	sadd.s32 s4, s20  }
0xe: {  	s12 =	smul.u32 $0x9400, s12;
	s25 =	sadd.s32 s20, s5;
	s13 =	sand.u32 $0x380, s13  }
0xf: {  	s14 =	sadd.s32 s20, s22;
	s15 =	sadd.s32 s20, s23;
	[dreg:$0x4] =	wrdreg s6  }
0x10: {  	s16 =	sadd.s32 s20, s24;
	s6 =	sadd.s32 $0x2000, s4;
	[dreg:$0xb] =	wrdreg s21  }
0x11: {  	s1 =	sor.u32 s1, s11;
	[dreg:$0xc] =	wrdreg s25;
	s11 =	sshrl.u32 s2, $0x3  }
0x12: {  	s8 =	sadd.s32 s3, s6;
	s26 =	sadd.s32 s20, s6;
	s25 =	sor.u32 s13, s12  }
0x13: {  	s12 =	sadd.s32 s20, s7;
	s1 =	sshrl.u32 s1, $0x3;
	[dreg:$0x5] =	wrdreg s8  }
0x14: {  	s8 =	sadd.s32 $0x4000, s4;
	[dreg:$0xd] =	wrdreg s26;
	s26 =	sshll.u32 s2, $0xF  }
0x15: {  	s2 =	sshll.u32 s2, $0x7;
	s25 =	sshrl.u32 s25, $0x3;
	s9 =	sadd.s32 s3, s8  }
0x16: {  	s3 =	sadd.s32 s3, s24;
	s13 =	sadd.s32 s20, s8;
	s17 =	sadd.s32 s4, s26  }
0x17: {  	s18 =	sadd.s32 s26, s5;
	s19 =	sadd.s32 s26, s6;
	s20 =	sadd.s32 s26, s7  }
0x18: {  	s21 =	sadd.s32 s26, s8;
	s22 =	sadd.s32 s26, s22;
	s23 =	sadd.s32 s26, s23  }
0x19: {  	s24 =	sadd.s32 s26, s24;
	s4 =	smul.u32 $0x9400, s11;
	s2 =	sand.u32 $0x380, s2  }
0x1a: {  	s26 =	simm.s32 $0x0;
	s5 =	simm.s32 $0x3;
	[dreg:$0x7] =	wrdreg s9  }
0x1b: {  	s6 =	simm.s32 $0x0;
	[dreg:$0xa] =	wrdreg s3;
	s3 =	sadd.s32 $0x1000, s10  }
0x1c: {  	[smem:$0x7FF] =	sst s26;
	s2 =	sor.u32 s2, s4;
	s28 =	sadd.s32 s3, s1  }
0x1d: {  	s29 =	sadd.s32 s3, s25;
	_ =	strace $0x80000047;
	s25 =	simm.s32 $0x8000  }
0x1e: {  	s1 =	simm.s32 $0x10000;
	s4 =	simm.s32 $0x400;
	s2 =	sshrl.u32 s2, $0x3  }
0x1f: {  	v0 =	vimm.f32 $0.0e+00;
	v1 =	vlaneseq.u32;
	v2 =	vimm.f32 $1.000000000e+00;
	s30 =	sadd.s32 s3, s2;
	s2 =	simm.s32 $0x2;
	s3 =	simm.s32 $0x80  }
.LBB2_1:
0x20: {  	s7 =	rddreg [dreg:$0x3]  }
0x21: {  	[tilespmem:s26], [sflag:$0x1] =	stream.linear.gather [hbm4b:s7+s26], $0x8000, $0x38;
	[tilespmem:$0x11280] =	vst v63  }
0x22: {  	s11 =	rddreg [dreg:$0x4];
	s7 =	simm.s32 $0x10020  }
0x23: {  	[tilespmem:s25], [sflag:$0x2] =	stream.linear.gather [hbm4b:s11+s26], $0x8000, $0x38;
	[tilespmem:$0x11280] =	vst v63  }
0x24: {  	[tilespmem:s7+$0xFFFFFFE0] =	vst v0  }
0x25: {  	[tilespmem:s7+$0x10] =	vst v0  }
0x26: {  	s8 =	simm.s32 $0x0;
	[tilespmem:s7+$0x0] =	vst v0  }
.LBB2_2:
0x27: {  	s8 =	sadd.s32 $0x4, s8  }
0x28: {  	[tilespmem:s7+$0xFFFFFFF0] =	vst v0;
	s7 =	sadd.s32 $0x40, s7;
	p0 =	slt.u32 s8, $0x11C  }
.Ltmp0:
0x29: {  	[tilespmem:s7+$0xFFFFFFE0] =	vst v0;
	(pc) =	sbr.rel @p0 .LBB2_2-.Ltmp0, $3  }
0x2a: {  	_ =	sdelay $0x1  }
0x2b: {  	[tilespmem:s7+$0x10] =	vst v0  }
0x2c: {  	[tilespmem:s7+$0x0] =	vst v0  }
0x2d: {  	[tilespmem:s7+$0xFFFFFFF0] =	vst v0;
	s10 =	simm.s32 $0x0  }
0x2e: {  	s8 =	simm.s32 $0x0;
	s9 =	simm.s32 $0x0;
	[tilespmem:$0x11200] =	vst v0;
	s7 =	sand.u32 $0x2000, s10  }
0x2f: {  	s8 =	sand.u32 $0x7000, s8;
	_ =	swait.ge [sflag:s0], $0x8000;
	s7 =	sshrl.u32 s7, $0x2  }
0x30: {  	s9 =	sand.u32 $0x380, s9;
	[sflag:s0] =	ssyncset.done $0x0;
	s7 =	sor.u32 s7, s8  }
0x31: {  	[sflag:s0] =	ssyncadd.s32 $0xFFFF8000;
	s8 =	sor.u32 s9, s7  }
0x32: {  	v3 =	vld [tilespmem:s8+$0x460]  }
0x33: {  	v4 =	vld [tilespmem:s8+$0x0]  }
0x34: {  	v5 =	vld [tilespmem:s8+$0x470]  }
0x35: {  	v6 =	vld [tilespmem:s8+$0x20]  }
0x36: {  	v7 =	vld [tilespmem:s8+$0x40]  }
0x37: {  	v8 =	vld [tilespmem:s8+$0x10];
	v3 =	vmul.u32 $0x11, v3  }
0x38: {  	v9 =	vld [tilespmem:s8+$0x30]  }
0x39: {  	v3 =	vadd.s32 v5, v3;
	v5 =	vld [tilespmem:s8+$0x50]  }
0x3a: {  	v10 =	vld [tilespmem:s8+$0x60];
	v4 =	vmul.u32 $0x11, v4;
	v3 =	vshll.u32 v3, $0x4  }
0x3b: {  	v11 =	vld [tilespmem:s8+$0x400];
	v6 =	vmul.u32 $0x11, v6;
	v3 =	vor.u32 v1, v3  }
0x3c: {  	v12 =	vld [tilespmem:s8+$0x420];
	v7 =	vmul.u32 $0x11, v7;
	v4 =	vadd.s32 v8, v4  }
0x3d: {  	v13 =	vld [tilespmem:s8+$0x450];
	v6 =	vadd.s32 v9, v6;
	v4 =	vshll.u32 v4, $0x4  }
0x3e: {  	v8 =	vld [tilespmem:s8+$0x440];
	v6 =	vshll.u32 v6, $0x4;
	v4 =	vor.u32 v1, v4;
	v5 =	vadd.s32 v5, v7  }
0x3f: {  	v9 =	vld [tilespmem:s8+$0x70];
	v6 =	vor.u32 v1, v6;
	v5 =	vshll.u32 v5, $0x4  }
0x40: {  	[tilespmem:v3+s1+$0x0] =	vst.idx.add.f32.msk $0xffff, v2;
	v3 =	vor.u32 v1, v5  }
0x41: {  	s7 =	simm.s32 $0x2000;
	v7 =	vld [tilespmem:s8+$0x410]  }
0x42: {  	s11 =	simm.s32 $0x100;
	v5 =	vld [tilespmem:s8+$0x430];
	s8 =	sand.u32 $0x2000, s7  }
0x43: {  	s10 =	simm.s32 $0x40;
	s9 =	sand.u32 $0x7000, s11;
	[tilespmem:v4+s1+$0x0] =	vst.idx.add.f32.msk $0xffff, v2;
	s8 =	sshrl.u32 s8, $0x2  }
0x44: {  	s10 =	sand.u32 $0x380, s10;
	[tilespmem:v6+s1+$0x0] =	vst.idx.add.f32.msk $0xffff, v2;
	s8 =	sor.u32 s8, s9  }
0x45: {  	s8 =	sor.u32 s10, s8;
	[tilespmem:v3+s1+$0x0] =	vst.idx.add.f32.msk $0xffff, v2  }
0x46: {  	v3 =	vld [tilespmem:s8+$0x460]  }
0x47: {  	v6 =	vld [tilespmem:s8+$0x0]  }
0x48: {  	v4 =	vld [tilespmem:s8+$0x470]  }
0x49: {  	v14 =	vld [tilespmem:s8+$0x20]  }
0x4a: {  	v15 =	vld [tilespmem:s8+$0x40]  }
0x4b: {  	v10 =	vmul.u32 $0x11, v10;
	v16 =	vld [tilespmem:s8+$0x60];
	v3 =	vmul.u32 $0x11, v3  }
0x4c: {  	v11 =	vmul.u32 $0x11, v11;
	v17 =	vld [tilespmem:s8+$0x400]  }
0x4d: {  	v12 =	vmul.u32 $0x11, v12;
	v9 =	vadd.s32 v9, v10;
	v10 =	vld [tilespmem:s8+$0x420];
	v3 =	vadd.s32 v4, v3  }
0x4e: {  	v4 =	vmul.u32 $0x11, v8;
	v8 =	vshll.u32 v9, $0x4;
	v9 =	vld [tilespmem:s8+$0x440];
	v3 =	vshll.u32 v3, $0x4  }
0x4f: {  	v7 =	vadd.s32 v7, v11;
	v18 =	vor.u32 v1, v8;
	v8 =	vld [tilespmem:s8+$0x10];
	v11 =	vor.u32 v1, v3  }
0x50: {  	v5 =	vadd.s32 v5, v12;
	v3 =	vshll.u32 v7, $0x4;
	v4 =	vadd.s32 v13, v4;
	v7 =	vld [tilespmem:s8+$0x30]  }
0x51: {  	v12 =	vld [tilespmem:s8+$0x50];
	v19 =	vor.u32 v1, v3;
	v3 =	vshll.u32 v5, $0x4;
	v5 =	vshll.u32 v4, $0x4  }
0x52: {  	v13 =	vld [tilespmem:s8+$0x70];
	v4 =	vor.u32 v1, v3;
	v3 =	vor.u32 v1, v5;
	v5 =	vmul.u32 $0x11, v6  }
0x53: {  	v20 =	vld [tilespmem:s8+$0x410];
	v14 =	vmul.u32 $0x11, v14;
	v15 =	vmul.u32 $0x11, v15;
	v16 =	vmul.u32 $0x11, v16  }
0x54: {  	v17 =	vmul.u32 $0x11, v17;
	v6 =	vmul.u32 $0x11, v10;
	v8 =	vadd.s32 v8, v5;
	[tilespmem:v11+s1+$0x0] =	vst.idx.add.f32.msk $0xffff, v2  }
0x55: {  	v5 =	vmul.u32 $0x11, v9;
	v8 =	vshll.u32 v8, $0x4;
	v9 =	vadd.s32 v7, v14;
	v11 =	vld [tilespmem:s8+$0x430]  }
0x56: {  	v10 =	vld [tilespmem:s8+$0x450];
	v7 =	vor.u32 v1, v8;
	v8 =	vshll.u32 v9, $0x4;
	v9 =	vadd.s32 v12, v15  }
0x57: {  	[tilespmem:v18+s1+$0x0] =	vst.idx.add.f32.msk $0xffff, v2;
	v12 =	vadd.s32 v13, v16;
	v8 =	vor.u32 v1, v8;
	v9 =	vshll.u32 v9, $0x4  }
0x58: {  	s8 =	simm.s32 $0x8;
	v13 =	vadd.s32 v20, v17;
	[tilespmem:v19+s1+$0x0] =	vst.idx.add.f32.msk $0xffff, v2;
	v12 =	vshll.u32 v12, $0x4;
	v9 =	vor.u32 v1, v9  }
.LBB2_4:
0x59: {  	s8 =	sadd.s32 $0x8, s8;
	v12 =	vor.u32 v1, v12;
	v13 =	vshll.u32 v13, $0x4;
	s7 =	sadd.s32 $0x2000, s7;
	[tilespmem:v4+s1+$0x0] =	vst.idx.add.f32.msk $0xffff, v2  }
0x5a: {  	s9 =	sand.u32 $0x2000, s7;
	s10 =	sshll.u32 s8, $0x5;
	p0 =	slt.u32 s8, $0x3F8;
	v14 =	vor.u32 v1, v13;
	v4 =	vadd.s32 v11, v6;
	[tilespmem:v3+s1+$0x0] =	vst.idx.add.f32.msk $0xffff, v2  }
0x5b: {  	s11 =	sshll.u32 s8, $0x3;
	s10 =	sand.u32 $0x7000, s10;
	s9 =	sshrl.u32 s9, $0x2;
	[tilespmem:v7+s1+$0x0] =	vst.idx.add.f32.msk $0xffff, v2;
	v3 =	vshll.u32 v4, $0x4;
	v5 =	vadd.s32 v10, v5  }
0x5c: {  	s11 =	sand.u32 $0x380, s11;
	s9 =	sor.u32 s9, s10;
	[tilespmem:v8+s1+$0x0] =	vst.idx.add.f32.msk $0xffff, v2;
	v4 =	vor.u32 v1, v3;
	v3 =	vshll.u32 v5, $0x4  }
0x5d: {  	s9 =	sor.u32 s11, s9;
	[tilespmem:v9+s1+$0x0] =	vst.idx.add.f32.msk $0xffff, v2;
	v3 =	vor.u32 v1, v3  }
0x5e: {  	v5 =	vld [tilespmem:s9+$0x460]  }
0x5f: {  	v6 =	vld [tilespmem:s9+$0x0]  }
0x60: {  	v7 =	vld [tilespmem:s9+$0x470]  }
0x61: {  	v8 =	vld [tilespmem:s9+$0x20]  }
0x62: {  	v9 =	vld [tilespmem:s9+$0x40]  }
0x63: {  	v10 =	vld [tilespmem:s9+$0x60];
	v5 =	vmul.u32 $0x11, v5  }
0x64: {  	v11 =	vmul.u32 $0x11, v6;
	v6 =	vld [tilespmem:s9+$0x400]  }
0x65: {  	v13 =	vld [tilespmem:s9+$0x420];
	v5 =	vadd.s32 v7, v5  }
0x66: {  	v7 =	vmul.u32 $0x11, v8;
	v8 =	vld [tilespmem:s9+$0x440];
	v5 =	vshll.u32 v5, $0x4  }
0x67: {  	v15 =	vld [tilespmem:s9+$0x10];
	v9 =	vmul.u32 $0x11, v9;
	v16 =	vor.u32 v1, v5  }
0x68: {  	v17 =	vld [tilespmem:s9+$0x30];
	v18 =	vmul.u32 $0x11, v10  }
0x69: {  	v10 =	vld [tilespmem:s9+$0x50];
	v19 =	vmul.u32 $0x11, v6  }
0x6a: {  	v20 =	vld [tilespmem:s9+$0x70];
	v6 =	vmul.u32 $0x11, v13  }
0x6b: {  	v13 =	vld [tilespmem:s9+$0x410];
	v5 =	vmul.u32 $0x11, v8  }
.Ltmp1:
0x6c: {  	v8 =	vadd.s32 v15, v11;
	[tilespmem:v16+s1+$0x0] =	vst.idx.add.f32.msk $0xffff, v2;
	(pc) =	sbr.rel @p0 .LBB2_4-.Ltmp1, $4  }
0x6d: {  	v8 =	vshll.u32 v8, $0x4;
	v15 =	vadd.s32 v17, v7;
	v11 =	vld [tilespmem:s9+$0x430]  }
0x6e: {  	v7 =	vor.u32 v1, v8;
	v8 =	vshll.u32 v15, $0x4;
	v9 =	vadd.s32 v10, v9;
	v10 =	vld [tilespmem:s9+$0x450]  }
0x6f: {  	v8 =	vor.u32 v1, v8;
	v9 =	vshll.u32 v9, $0x4;
	v15 =	vadd.s32 v20, v18;
	[tilespmem:v12+s1+$0x0] =	vst.idx.add.f32.msk $0xffff, v2  }
0x70: {  	v9 =	vor.u32 v1, v9;
	v12 =	vshll.u32 v15, $0x4;
	v13 =	vadd.s32 v13, v19;
	[tilespmem:v14+s1+$0x0] =	vst.idx.add.f32.msk $0xffff, v2  }
0x71: {  	_ =	sdelay $0x3  }
0x72: {  	v12 =	vor.u32 v1, v12;
	v13 =	vshll.u32 v13, $0x4;
	[tilespmem:v4+s1+$0x0] =	vst.idx.add.f32.msk $0xffff, v2;
	v4 =	vadd.s32 v11, v6  }
0x73: {  	[tilespmem:v3+s1+$0x0] =	vst.idx.add.f32.msk $0xffff, v2;
	v6 =	vor.u32 v1, v13;
	v3 =	vshll.u32 v4, $0x4;
	v4 =	vadd.s32 v10, v5  }
0x74: {  	[tilespmem:v7+s1+$0x0] =	vst.idx.add.f32.msk $0xffff, v2;
	v3 =	vor.u32 v1, v3;
	v4 =	vshll.u32 v4, $0x4  }
0x75: {  	[tilespmem:v8+s1+$0x0] =	vst.idx.add.f32.msk $0xffff, v2;
	v4 =	vor.u32 v1, v4  }
0x76: {  	[tilespmem:v9+s1+$0x0] =	vst.idx.add.f32.msk $0xffff, v2  }
0x77: {  	[tilespmem:v12+s1+$0x0] =	vst.idx.add.f32.msk $0xffff, v2  }
0x78: {  	[tilespmem:v6+s1+$0x0] =	vst.idx.add.f32.msk $0xffff, v2  }
0x79: {  	[tilespmem:v3+s1+$0x0] =	vst.idx.add.f32.msk $0xffff, v2  }
0x7a: {  	[tilespmem:v4+s1+$0x0] =	vst.idx.add.f32.msk $0xffff, v2  }
0x7b: {  	s7 =	simm.s32 $0x0;
	s8 =	rddreg [dreg:$0x5]  }
0x7c: {  	[tilespmem:s7], [sflag:$0x1] =	stream.linear.gather [hbm4b:s8+s7], $0x8000, $0x38;
	[tilespmem:$0x11280] =	vst v63  }
0x7d: {  	s10 =	simm.s32 $0x0;
	s9 =	simm.s32 $0x0;
	s7 =	sand.u32 $0x2000, s7  }
0x7e: {  	s8 =	sand.u32 $0x7000, s10;
	_ =	swait.ge [sflag:s2], $0x8000;
	s7 =	sshrl.u32 s7, $0x2  }
0x7f: {  	s9 =	sand.u32 $0x380, s9;
	[sflag:s2] =	ssyncset.done $0x0;
	s7 =	sor.u32 s7, s8  }
0x80: {  	[sflag:s2] =	ssyncadd.s32 $0xFFFF8000;
	s8 =	sor.u32 s9, s7  }
0x81: {  	v3 =	vld [tilespmem:s8+$0x8460]  }
0x82: {  	v4 =	vld [tilespmem:s8+$0x8000]  }
0x83: {  	v5 =	vld [tilespmem:s8+$0x8470]  }
0x84: {  	v6 =	vld [tilespmem:s8+$0x8020]  }
0x85: {  	v7 =	vld [tilespmem:s8+$0x8040]  }
0x86: {  	v8 =	vld [tilespmem:s8+$0x8010];
	v3 =	vmul.u32 $0x11, v3  }
0x87: {  	v9 =	vld [tilespmem:s8+$0x8030]  }
0x88: {  	v3 =	vadd.s32 v5, v3;
	v5 =	vld [tilespmem:s8+$0x8050]  }
0x89: {  	v10 =	vld [tilespmem:s8+$0x8060];
	v4 =	vmul.u32 $0x11, v4;
	v3 =	vshll.u32 v3, $0x4  }
0x8a: {  	v11 =	vld [tilespmem:s8+$0x8400];
	v6 =	vmul.u32 $0x11, v6;
	v3 =	vor.u32 v1, v3  }
0x8b: {  	v12 =	vld [tilespmem:s8+$0x8420];
	v7 =	vmul.u32 $0x11, v7;
	v4 =	vadd.s32 v8, v4  }
0x8c: {  	v13 =	vld [tilespmem:s8+$0x8450];
	v6 =	vadd.s32 v9, v6;
	v4 =	vshll.u32 v4, $0x4  }
0x8d: {  	v8 =	vld [tilespmem:s8+$0x8440];
	v6 =	vshll.u32 v6, $0x4;
	v4 =	vor.u32 v1, v4;
	v5 =	vadd.s32 v5, v7  }
0x8e: {  	v9 =	vld [tilespmem:s8+$0x8070];
	v6 =	vor.u32 v1, v6;
	v5 =	vshll.u32 v5, $0x4  }
0x8f: {  	[tilespmem:v3+s1+$0x0] =	vst.idx.add.f32.msk $0xffff, v2;
	v3 =	vor.u32 v1, v5  }
0x90: {  	s7 =	simm.s32 $0x2000;
	v7 =	vld [tilespmem:s8+$0x8410]  }
0x91: {  	s11 =	simm.s32 $0x100;
	v5 =	vld [tilespmem:s8+$0x8430];
	s8 =	sand.u32 $0x2000, s7  }
0x92: {  	s10 =	simm.s32 $0x40;
	s9 =	sand.u32 $0x7000, s11;
	[tilespmem:v4+s1+$0x0] =	vst.idx.add.f32.msk $0xffff, v2;
	s8 =	sshrl.u32 s8, $0x2  }
0x93: {  	s10 =	sand.u32 $0x380, s10;
	[tilespmem:v6+s1+$0x0] =	vst.idx.add.f32.msk $0xffff, v2;
	s8 =	sor.u32 s8, s9  }
0x94: {  	s8 =	sor.u32 s10, s8;
	[tilespmem:v3+s1+$0x0] =	vst.idx.add.f32.msk $0xffff, v2  }
0x95: {  	v3 =	vld [tilespmem:s8+$0x8460]  }
0x96: {  	v6 =	vld [tilespmem:s8+$0x8000]  }
0x97: {  	v4 =	vld [tilespmem:s8+$0x8470]  }
0x98: {  	v14 =	vld [tilespmem:s8+$0x8020]  }
0x99: {  	v15 =	vld [tilespmem:s8+$0x8040]  }
0x9a: {  	v10 =	vmul.u32 $0x11, v10;
	v16 =	vld [tilespmem:s8+$0x8060];
	v3 =	vmul.u32 $0x11, v3  }
0x9b: {  	v11 =	vmul.u32 $0x11, v11;
	v17 =	vld [tilespmem:s8+$0x8400]  }
0x9c: {  	v12 =	vmul.u32 $0x11, v12;
	v9 =	vadd.s32 v9, v10;
	v10 =	vld [tilespmem:s8+$0x8420];
	v3 =	vadd.s32 v4, v3  }
0x9d: {  	v4 =	vmul.u32 $0x11, v8;
	v8 =	vshll.u32 v9, $0x4;
	v9 =	vld [tilespmem:s8+$0x8440];
	v3 =	vshll.u32 v3, $0x4  }
0x9e: {  	v7 =	vadd.s32 v7, v11;
	v18 =	vor.u32 v1, v8;
	v8 =	vld [tilespmem:s8+$0x8010];
	v11 =	vor.u32 v1, v3  }
0x9f: {  	v5 =	vadd.s32 v5, v12;
	v3 =	vshll.u32 v7, $0x4;
	v4 =	vadd.s32 v13, v4;
	v7 =	vld [tilespmem:s8+$0x8030]  }
0xa0: {  	v12 =	vld [tilespmem:s8+$0x8050];
	v19 =	vor.u32 v1, v3;
	v3 =	vshll.u32 v5, $0x4;
	v5 =	vshll.u32 v4, $0x4  }
0xa1: {  	v13 =	vld [tilespmem:s8+$0x8070];
	v4 =	vor.u32 v1, v3;
	v3 =	vor.u32 v1, v5;
	v5 =	vmul.u32 $0x11, v6  }
0xa2: {  	v20 =	vld [tilespmem:s8+$0x8410];
	v14 =	vmul.u32 $0x11, v14;
	v15 =	vmul.u32 $0x11, v15;
	v16 =	vmul.u32 $0x11, v16  }
0xa3: {  	v17 =	vmul.u32 $0x11, v17;
	v6 =	vmul.u32 $0x11, v10;
	v8 =	vadd.s32 v8, v5;
	[tilespmem:v11+s1+$0x0] =	vst.idx.add.f32.msk $0xffff, v2  }
0xa4: {  	v5 =	vmul.u32 $0x11, v9;
	v8 =	vshll.u32 v8, $0x4;
	v9 =	vadd.s32 v7, v14;
	v11 =	vld [tilespmem:s8+$0x8430]  }
0xa5: {  	v10 =	vld [tilespmem:s8+$0x8450];
	v7 =	vor.u32 v1, v8;
	v8 =	vshll.u32 v9, $0x4;
	v9 =	vadd.s32 v12, v15  }
0xa6: {  	[tilespmem:v18+s1+$0x0] =	vst.idx.add.f32.msk $0xffff, v2;
	v12 =	vadd.s32 v13, v16;
	v8 =	vor.u32 v1, v8;
	v9 =	vshll.u32 v9, $0x4  }
0xa7: {  	s8 =	simm.s32 $0x8;
	v13 =	vadd.s32 v20, v17;
	[tilespmem:v19+s1+$0x0] =	vst.idx.add.f32.msk $0xffff, v2;
	v12 =	vshll.u32 v12, $0x4;
	v9 =	vor.u32 v1, v9  }
.LBB2_6:
0xa8: {  	s8 =	sadd.s32 $0x8, s8;
	v12 =	vor.u32 v1, v12;
	v13 =	vshll.u32 v13, $0x4;
	s7 =	sadd.s32 $0x2000, s7;
	[tilespmem:v4+s1+$0x0] =	vst.idx.add.f32.msk $0xffff, v2  }
0xa9: {  	s9 =	sand.u32 $0x2000, s7;
	s10 =	sshll.u32 s8, $0x5;
	p0 =	slt.u32 s8, $0x3F8;
	v14 =	vor.u32 v1, v13;
	v4 =	vadd.s32 v11, v6;
	[tilespmem:v3+s1+$0x0] =	vst.idx.add.f32.msk $0xffff, v2  }
0xaa: {  	s11 =	sshll.u32 s8, $0x3;
	s10 =	sand.u32 $0x7000, s10;
	s9 =	sshrl.u32 s9, $0x2;
	[tilespmem:v7+s1+$0x0] =	vst.idx.add.f32.msk $0xffff, v2;
	v3 =	vshll.u32 v4, $0x4;
	v5 =	vadd.s32 v10, v5  }
0xab: {  	s11 =	sand.u32 $0x380, s11;
	s9 =	sor.u32 s9, s10;
	[tilespmem:v8+s1+$0x0] =	vst.idx.add.f32.msk $0xffff, v2;
	v4 =	vor.u32 v1, v3;
	v3 =	vshll.u32 v5, $0x4  }
0xac: {  	s9 =	sor.u32 s11, s9;
	[tilespmem:v9+s1+$0x0] =	vst.idx.add.f32.msk $0xffff, v2;
	v3 =	vor.u32 v1, v3  }
0xad: {  	v5 =	vld [tilespmem:s9+$0x8460]  }
0xae: {  	v6 =	vld [tilespmem:s9+$0x8000]  }
0xaf: {  	v7 =	vld [tilespmem:s9+$0x8470]  }
0xb0: {  	v8 =	vld [tilespmem:s9+$0x8020]  }
0xb1: {  	v9 =	vld [tilespmem:s9+$0x8040]  }
0xb2: {  	v10 =	vld [tilespmem:s9+$0x8060];
	v5 =	vmul.u32 $0x11, v5  }
0xb3: {  	v11 =	vmul.u32 $0x11, v6;
	v6 =	vld [tilespmem:s9+$0x8400]  }
0xb4: {  	v13 =	vld [tilespmem:s9+$0x8420];
	v5 =	vadd.s32 v7, v5  }
0xb5: {  	v7 =	vmul.u32 $0x11, v8;
	v8 =	vld [tilespmem:s9+$0x8440];
	v5 =	vshll.u32 v5, $0x4  }
0xb6: {  	v15 =	vld [tilespmem:s9+$0x8010];
	v9 =	vmul.u32 $0x11, v9;
	v16 =	vor.u32 v1, v5  }
0xb7: {  	v17 =	vld [tilespmem:s9+$0x8030];
	v18 =	vmul.u32 $0x11, v10  }
0xb8: {  	v10 =	vld [tilespmem:s9+$0x8050];
	v19 =	vmul.u32 $0x11, v6  }
0xb9: {  	v20 =	vld [tilespmem:s9+$0x8070];
	v6 =	vmul.u32 $0x11, v13  }
0xba: {  	v13 =	vld [tilespmem:s9+$0x8410];
	v5 =	vmul.u32 $0x11, v8  }
.Ltmp2:
0xbb: {  	v8 =	vadd.s32 v15, v11;
	[tilespmem:v16+s1+$0x0] =	vst.idx.add.f32.msk $0xffff, v2;
	(pc) =	sbr.rel @p0 .LBB2_6-.Ltmp2, $4  }
0xbc: {  	v8 =	vshll.u32 v8, $0x4;
	v15 =	vadd.s32 v17, v7;
	v11 =	vld [tilespmem:s9+$0x8430]  }
0xbd: {  	v7 =	vor.u32 v1, v8;
	v8 =	vshll.u32 v15, $0x4;
	v9 =	vadd.s32 v10, v9;
	v10 =	vld [tilespmem:s9+$0x8450]  }
0xbe: {  	v8 =	vor.u32 v1, v8;
	v9 =	vshll.u32 v9, $0x4;
	v15 =	vadd.s32 v20, v18;
	[tilespmem:v12+s1+$0x0] =	vst.idx.add.f32.msk $0xffff, v2  }
0xbf: {  	v9 =	vor.u32 v1, v9;
	v12 =	vshll.u32 v15, $0x4;
	v13 =	vadd.s32 v13, v19;
	[tilespmem:v14+s1+$0x0] =	vst.idx.add.f32.msk $0xffff, v2  }
0xc0: {  	_ =	sdelay $0x3  }
0xc1: {  	v12 =	vor.u32 v1, v12;
	v13 =	vshll.u32 v13, $0x4;
	[tilespmem:v4+s1+$0x0] =	vst.idx.add.f32.msk $0xffff, v2;
	v4 =	vadd.s32 v11, v6  }
0xc2: {  	[tilespmem:v3+s1+$0x0] =	vst.idx.add.f32.msk $0xffff, v2;
	v6 =	vor.u32 v1, v13;
	v3 =	vshll.u32 v4, $0x4;
	v4 =	vadd.s32 v10, v5  }
0xc3: {  	[tilespmem:v7+s1+$0x0] =	vst.idx.add.f32.msk $0xffff, v2;
	v3 =	vor.u32 v1, v3;
	v4 =	vshll.u32 v4, $0x4  }
0xc4: {  	[tilespmem:v8+s1+$0x0] =	vst.idx.add.f32.msk $0xffff, v2;
	v4 =	vor.u32 v1, v4  }
0xc5: {  	[tilespmem:v9+s1+$0x0] =	vst.idx.add.f32.msk $0xffff, v2  }
0xc6: {  	[tilespmem:v12+s1+$0x0] =	vst.idx.add.f32.msk $0xffff, v2  }
0xc7: {  	[tilespmem:v6+s1+$0x0] =	vst.idx.add.f32.msk $0xffff, v2  }
0xc8: {  	[tilespmem:v3+s1+$0x0] =	vst.idx.add.f32.msk $0xffff, v2  }
0xc9: {  	[tilespmem:v4+s1+$0x0] =	vst.idx.add.f32.msk $0xffff, v2  }
0xca: {  	s7 =	simm.s32 $0x0;
	s8 =	rddreg [dreg:$0x6]  }
0xcb: {  	[tilespmem:s25], [sflag:$0x2] =	stream.linear.gather [hbm4b:s8+s7], $0x8000, $0x38;
	[tilespmem:$0x11280] =	vst v63  }
0xcc: {  	s10 =	simm.s32 $0x0;
	s9 =	simm.s32 $0x0;
	s7 =	sand.u32 $0x2000, s7  }
0xcd: {  	s8 =	sand.u32 $0x7000, s10;
	_ =	swait.ge [sflag:s0], $0x8000;
	s7 =	sshrl.u32 s7, $0x2  }
0xce: {  	s9 =	sand.u32 $0x380, s9;
	[sflag:s0] =	ssyncset.done $0x0;
	s7 =	sor.u32 s7, s8  }
0xcf: {  	[sflag:s0] =	ssyncadd.s32 $0xFFFF8000;
	s8 =	sor.u32 s9, s7  }
0xd0: {  	v3 =	vld [tilespmem:s8+$0x460]  }
0xd1: {  	v4 =	vld [tilespmem:s8+$0x0]  }
0xd2: {  	v5 =	vld [tilespmem:s8+$0x470]  }
0xd3: {  	v6 =	vld [tilespmem:s8+$0x20]  }
0xd4: {  	v7 =	vld [tilespmem:s8+$0x40]  }
0xd5: {  	v8 =	vld [tilespmem:s8+$0x10];
	v3 =	vmul.u32 $0x11, v3  }
0xd6: {  	v9 =	vld [tilespmem:s8+$0x30]  }
0xd7: {  	v3 =	vadd.s32 v5, v3;
	v5 =	vld [tilespmem:s8+$0x50]  }
0xd8: {  	v10 =	vld [tilespmem:s8+$0x60];
	v4 =	vmul.u32 $0x11, v4;
	v3 =	vshll.u32 v3, $0x4  }
0xd9: {  	v11 =	vld [tilespmem:s8+$0x400];
	v6 =	vmul.u32 $0x11, v6;
	v3 =	vor.u32 v1, v3  }
0xda: {  	v12 =	vld [tilespmem:s8+$0x420];
	v7 =	vmul.u32 $0x11, v7;
	v4 =	vadd.s32 v8, v4  }
0xdb: {  	v13 =	vld [tilespmem:s8+$0x450];
	v6 =	vadd.s32 v9, v6;
	v4 =	vshll.u32 v4, $0x4  }
0xdc: {  	v8 =	vld [tilespmem:s8+$0x440];
	v6 =	vshll.u32 v6, $0x4;
	v4 =	vor.u32 v1, v4;
	v5 =	vadd.s32 v5, v7  }
0xdd: {  	v9 =	vld [tilespmem:s8+$0x70];
	v6 =	vor.u32 v1, v6;
	v5 =	vshll.u32 v5, $0x4  }
0xde: {  	[tilespmem:v3+s1+$0x0] =	vst.idx.add.f32.msk $0xffff, v2;
	v3 =	vor.u32 v1, v5  }
0xdf: {  	s7 =	simm.s32 $0x2000;
	v7 =	vld [tilespmem:s8+$0x410]  }
0xe0: {  	s11 =	simm.s32 $0x100;
	v5 =	vld [tilespmem:s8+$0x430];
	s8 =	sand.u32 $0x2000, s7  }
0xe1: {  	s10 =	simm.s32 $0x40;
	s9 =	sand.u32 $0x7000, s11;
	[tilespmem:v4+s1+$0x0] =	vst.idx.add.f32.msk $0xffff, v2;
	s8 =	sshrl.u32 s8, $0x2  }
0xe2: {  	s10 =	sand.u32 $0x380, s10;
	[tilespmem:v6+s1+$0x0] =	vst.idx.add.f32.msk $0xffff, v2;
	s8 =	sor.u32 s8, s9  }
0xe3: {  	s8 =	sor.u32 s10, s8;
	[tilespmem:v3+s1+$0x0] =	vst.idx.add.f32.msk $0xffff, v2  }
0xe4: {  	v3 =	vld [tilespmem:s8+$0x460]  }
0xe5: {  	v6 =	vld [tilespmem:s8+$0x0]  }
0xe6: {  	v4 =	vld [tilespmem:s8+$0x470]  }
0xe7: {  	v14 =	vld [tilespmem:s8+$0x20]  }
0xe8: {  	v15 =	vld [tilespmem:s8+$0x40]  }
0xe9: {  	v10 =	vmul.u32 $0x11, v10;
	v16 =	vld [tilespmem:s8+$0x60];
	v3 =	vmul.u32 $0x11, v3  }
0xea: {  	v11 =	vmul.u32 $0x11, v11;
	v17 =	vld [tilespmem:s8+$0x400]  }
0xeb: {  	v12 =	vmul.u32 $0x11, v12;
	v9 =	vadd.s32 v9, v10;
	v10 =	vld [tilespmem:s8+$0x420];
	v3 =	vadd.s32 v4, v3  }
0xec: {  	v4 =	vmul.u32 $0x11, v8;
	v8 =	vshll.u32 v9, $0x4;
	v9 =	vld [tilespmem:s8+$0x440];
	v3 =	vshll.u32 v3, $0x4  }
0xed: {  	v7 =	vadd.s32 v7, v11;
	v18 =	vor.u32 v1, v8;
	v8 =	vld [tilespmem:s8+$0x10];
	v11 =	vor.u32 v1, v3  }
0xee: {  	v5 =	vadd.s32 v5, v12;
	v3 =	vshll.u32 v7, $0x4;
	v4 =	vadd.s32 v13, v4;
	v7 =	vld [tilespmem:s8+$0x30]  }
0xef: {  	v12 =	vld [tilespmem:s8+$0x50];
	v19 =	vor.u32 v1, v3;
	v3 =	vshll.u32 v5, $0x4;
	v5 =	vshll.u32 v4, $0x4  }
0xf0: {  	v13 =	vld [tilespmem:s8+$0x70];
	v4 =	vor.u32 v1, v3;
	v3 =	vor.u32 v1, v5;
	v5 =	vmul.u32 $0x11, v6  }
0xf1: {  	v20 =	vld [tilespmem:s8+$0x410];
	v14 =	vmul.u32 $0x11, v14;
	v15 =	vmul.u32 $0x11, v15;
	v16 =	vmul.u32 $0x11, v16  }
0xf2: {  	v17 =	vmul.u32 $0x11, v17;
	v6 =	vmul.u32 $0x11, v10;
	v8 =	vadd.s32 v8, v5;
	[tilespmem:v11+s1+$0x0] =	vst.idx.add.f32.msk $0xffff, v2  }
0xf3: {  	v5 =	vmul.u32 $0x11, v9;
	v8 =	vshll.u32 v8, $0x4;
	v9 =	vadd.s32 v7, v14;
	v11 =	vld [tilespmem:s8+$0x430]  }
0xf4: {  	v10 =	vld [tilespmem:s8+$0x450];
	v7 =	vor.u32 v1, v8;
	v8 =	vshll.u32 v9, $0x4;
	v9 =	vadd.s32 v12, v15  }
0xf5: {  	[tilespmem:v18+s1+$0x0] =	vst.idx.add.f32.msk $0xffff, v2;
	v12 =	vadd.s32 v13, v16;
	v8 =	vor.u32 v1, v8;
	v9 =	vshll.u32 v9, $0x4  }
0xf6: {  	s8 =	simm.s32 $0x8;
	v13 =	vadd.s32 v20, v17;
	[tilespmem:v19+s1+$0x0] =	vst.idx.add.f32.msk $0xffff, v2;
	v12 =	vshll.u32 v12, $0x4;
	v9 =	vor.u32 v1, v9  }
.LBB2_8:
0xf7: {  	s8 =	sadd.s32 $0x8, s8;
	v12 =	vor.u32 v1, v12;
	v13 =	vshll.u32 v13, $0x4;
	s7 =	sadd.s32 $0x2000, s7;
	[tilespmem:v4+s1+$0x0] =	vst.idx.add.f32.msk $0xffff, v2  }
0xf8: {  	s9 =	sand.u32 $0x2000, s7;
	s10 =	sshll.u32 s8, $0x5;
	p0 =	slt.u32 s8, $0x3F8;
	v14 =	vor.u32 v1, v13;
	v4 =	vadd.s32 v11, v6;
	[tilespmem:v3+s1+$0x0] =	vst.idx.add.f32.msk $0xffff, v2  }
0xf9: {  	s11 =	sshll.u32 s8, $0x3;
	s10 =	sand.u32 $0x7000, s10;
	s9 =	sshrl.u32 s9, $0x2;
	[tilespmem:v7+s1+$0x0] =	vst.idx.add.f32.msk $0xffff, v2;
	v3 =	vshll.u32 v4, $0x4;
	v5 =	vadd.s32 v10, v5  }
0xfa: {  	s11 =	sand.u32 $0x380, s11;
	s9 =	sor.u32 s9, s10;
	[tilespmem:v8+s1+$0x0] =	vst.idx.add.f32.msk $0xffff, v2;
	v4 =	vor.u32 v1, v3;
	v3 =	vshll.u32 v5, $0x4  }
0xfb: {  	s9 =	sor.u32 s11, s9;
	[tilespmem:v9+s1+$0x0] =	vst.idx.add.f32.msk $0xffff, v2;
	v3 =	vor.u32 v1, v3  }
0xfc: {  	v5 =	vld [tilespmem:s9+$0x460]  }
0xfd: {  	v6 =	vld [tilespmem:s9+$0x0]  }
0xfe: {  	v7 =	vld [tilespmem:s9+$0x470]  }
0xff: {  	v8 =	vld [tilespmem:s9+$0x20]  }
0x100: {  	v9 =	vld [tilespmem:s9+$0x40]  }
0x101: {  	v10 =	vld [tilespmem:s9+$0x60];
	v5 =	vmul.u32 $0x11, v5  }
0x102: {  	v11 =	vmul.u32 $0x11, v6;
	v6 =	vld [tilespmem:s9+$0x400]  }
0x103: {  	v13 =	vld [tilespmem:s9+$0x420];
	v5 =	vadd.s32 v7, v5  }
0x104: {  	v7 =	vmul.u32 $0x11, v8;
	v8 =	vld [tilespmem:s9+$0x440];
	v5 =	vshll.u32 v5, $0x4  }
0x105: {  	v15 =	vld [tilespmem:s9+$0x10];
	v9 =	vmul.u32 $0x11, v9;
	v16 =	vor.u32 v1, v5  }
0x106: {  	v17 =	vld [tilespmem:s9+$0x30];
	v18 =	vmul.u32 $0x11, v10  }
0x107: {  	v10 =	vld [tilespmem:s9+$0x50];
	v19 =	vmul.u32 $0x11, v6  }
0x108: {  	v20 =	vld [tilespmem:s9+$0x70];
	v6 =	vmul.u32 $0x11, v13  }
0x109: {  	v13 =	vld [tilespmem:s9+$0x410];
	v5 =	vmul.u32 $0x11, v8  }
.Ltmp3:
0x10a: {  	v8 =	vadd.s32 v15, v11;
	[tilespmem:v16+s1+$0x0] =	vst.idx.add.f32.msk $0xffff, v2;
	(pc) =	sbr.rel @p0 .LBB2_8-.Ltmp3, $4  }
0x10b: {  	v8 =	vshll.u32 v8, $0x4;
	v15 =	vadd.s32 v17, v7;
	v11 =	vld [tilespmem:s9+$0x430]  }
0x10c: {  	v7 =	vor.u32 v1, v8;
	v8 =	vshll.u32 v15, $0x4;
	v9 =	vadd.s32 v10, v9;
	v10 =	vld [tilespmem:s9+$0x450]  }
0x10d: {  	v8 =	vor.u32 v1, v8;
	v9 =	vshll.u32 v9, $0x4;
	v15 =	vadd.s32 v20, v18;
	[tilespmem:v12+s1+$0x0] =	vst.idx.add.f32.msk $0xffff, v2  }
0x10e: {  	v9 =	vor.u32 v1, v9;
	v12 =	vshll.u32 v15, $0x4;
	v13 =	vadd.s32 v13, v19;
	[tilespmem:v14+s1+$0x0] =	vst.idx.add.f32.msk $0xffff, v2  }
0x10f: {  	_ =	sdelay $0x3  }
0x110: {  	v12 =	vor.u32 v1, v12;
	v13 =	vshll.u32 v13, $0x4;
	[tilespmem:v4+s1+$0x0] =	vst.idx.add.f32.msk $0xffff, v2;
	v4 =	vadd.s32 v11, v6  }
0x111: {  	[tilespmem:v3+s1+$0x0] =	vst.idx.add.f32.msk $0xffff, v2;
	v6 =	vor.u32 v1, v13;
	v3 =	vshll.u32 v4, $0x4;
	v4 =	vadd.s32 v10, v5  }
0x112: {  	[tilespmem:v7+s1+$0x0] =	vst.idx.add.f32.msk $0xffff, v2;
	v3 =	vor.u32 v1, v3;
	v4 =	vshll.u32 v4, $0x4  }
0x113: {  	[tilespmem:v8+s1+$0x0] =	vst.idx.add.f32.msk $0xffff, v2;
	v4 =	vor.u32 v1, v4  }
0x114: {  	[tilespmem:v9+s1+$0x0] =	vst.idx.add.f32.msk $0xffff, v2  }
0x115: {  	[tilespmem:v12+s1+$0x0] =	vst.idx.add.f32.msk $0xffff, v2  }
0x116: {  	[tilespmem:v6+s1+$0x0] =	vst.idx.add.f32.msk $0xffff, v2  }
0x117: {  	[tilespmem:v3+s1+$0x0] =	vst.idx.add.f32.msk $0xffff, v2  }
0x118: {  	[tilespmem:v4+s1+$0x0] =	vst.idx.add.f32.msk $0xffff, v2  }
0x119: {  	s7 =	simm.s32 $0x0;
	s8 =	rddreg [dreg:$0x7]  }
0x11a: {  	[tilespmem:s7], [sflag:$0x1] =	stream.linear.gather [hbm4b:s8+s7], $0x8000, $0x38;
	[tilespmem:$0x11280] =	vst v63  }
0x11b: {  	s10 =	simm.s32 $0x0;
	s9 =	simm.s32 $0x0;
	s7 =	sand.u32 $0x2000, s7  }
0x11c: {  	s8 =	sand.u32 $0x7000, s10;
	_ =	swait.ge [sflag:s2], $0x8000;
	s7 =	sshrl.u32 s7, $0x2  }
0x11d: {  	s9 =	sand.u32 $0x380, s9;
	[sflag:s2] =	ssyncset.done $0x0;
	s7 =	sor.u32 s7, s8  }
0x11e: {  	[sflag:s2] =	ssyncadd.s32 $0xFFFF8000;
	s8 =	sor.u32 s9, s7  }
0x11f: {  	v3 =	vld [tilespmem:s8+$0x8460]  }
0x120: {  	v4 =	vld [tilespmem:s8+$0x8000]  }
0x121: {  	v5 =	vld [tilespmem:s8+$0x8470]  }
0x122: {  	v6 =	vld [tilespmem:s8+$0x8020]  }
0x123: {  	v7 =	vld [tilespmem:s8+$0x8040]  }
0x124: {  	v8 =	vld [tilespmem:s8+$0x8010];
	v3 =	vmul.u32 $0x11, v3  }
0x125: {  	v9 =	vld [tilespmem:s8+$0x8030]  }
0x126: {  	v3 =	vadd.s32 v5, v3;
	v5 =	vld [tilespmem:s8+$0x8050]  }
0x127: {  	v10 =	vld [tilespmem:s8+$0x8060];
	v4 =	vmul.u32 $0x11, v4;
	v3 =	vshll.u32 v3, $0x4  }
0x128: {  	v11 =	vld [tilespmem:s8+$0x8400];
	v6 =	vmul.u32 $0x11, v6;
	v3 =	vor.u32 v1, v3  }
0x129: {  	v12 =	vld [tilespmem:s8+$0x8420];
	v7 =	vmul.u32 $0x11, v7;
	v4 =	vadd.s32 v8, v4  }
0x12a: {  	v13 =	vld [tilespmem:s8+$0x8450];
	v6 =	vadd.s32 v9, v6;
	v4 =	vshll.u32 v4, $0x4  }
0x12b: {  	v8 =	vld [tilespmem:s8+$0x8440];
	v6 =	vshll.u32 v6, $0x4;
	v4 =	vor.u32 v1, v4;
	v5 =	vadd.s32 v5, v7  }
0x12c: {  	v9 =	vld [tilespmem:s8+$0x8070];
	v6 =	vor.u32 v1, v6;
	v5 =	vshll.u32 v5, $0x4  }
0x12d: {  	[tilespmem:v3+s1+$0x0] =	vst.idx.add.f32.msk $0xffff, v2;
	v3 =	vor.u32 v1, v5  }
0x12e: {  	s7 =	simm.s32 $0x2000;
	v7 =	vld [tilespmem:s8+$0x8410]  }
0x12f: {  	s11 =	simm.s32 $0x100;
	v5 =	vld [tilespmem:s8+$0x8430];
	s8 =	sand.u32 $0x2000, s7  }
0x130: {  	s10 =	simm.s32 $0x40;
	s9 =	sand.u32 $0x7000, s11;
	[tilespmem:v4+s1+$0x0] =	vst.idx.add.f32.msk $0xffff, v2;
	s8 =	sshrl.u32 s8, $0x2  }
0x131: {  	s10 =	sand.u32 $0x380, s10;
	[tilespmem:v6+s1+$0x0] =	vst.idx.add.f32.msk $0xffff, v2;
	s8 =	sor.u32 s8, s9  }
0x132: {  	s8 =	sor.u32 s10, s8;
	[tilespmem:v3+s1+$0x0] =	vst.idx.add.f32.msk $0xffff, v2  }
0x133: {  	v3 =	vld [tilespmem:s8+$0x8460]  }
0x134: {  	v6 =	vld [tilespmem:s8+$0x8000]  }
0x135: {  	v4 =	vld [tilespmem:s8+$0x8470]  }
0x136: {  	v14 =	vld [tilespmem:s8+$0x8020]  }
0x137: {  	v15 =	vld [tilespmem:s8+$0x8040]  }
0x138: {  	v10 =	vmul.u32 $0x11, v10;
	v16 =	vld [tilespmem:s8+$0x8060];
	v3 =	vmul.u32 $0x11, v3  }
0x139: {  	v11 =	vmul.u32 $0x11, v11;
	v17 =	vld [tilespmem:s8+$0x8400]  }
0x13a: {  	v12 =	vmul.u32 $0x11, v12;
	v9 =	vadd.s32 v9, v10;
	v10 =	vld [tilespmem:s8+$0x8420];
	v3 =	vadd.s32 v4, v3  }
0x13b: {  	v4 =	vmul.u32 $0x11, v8;
	v8 =	vshll.u32 v9, $0x4;
	v9 =	vld [tilespmem:s8+$0x8440];
	v3 =	vshll.u32 v3, $0x4  }
0x13c: {  	v7 =	vadd.s32 v7, v11;
	v18 =	vor.u32 v1, v8;
	v8 =	vld [tilespmem:s8+$0x8010];
	v11 =	vor.u32 v1, v3  }
0x13d: {  	v5 =	vadd.s32 v5, v12;
	v3 =	vshll.u32 v7, $0x4;
	v4 =	vadd.s32 v13, v4;
	v7 =	vld [tilespmem:s8+$0x8030]  }
0x13e: {  	v12 =	vld [tilespmem:s8+$0x8050];
	v19 =	vor.u32 v1, v3;
	v3 =	vshll.u32 v5, $0x4;
	v5 =	vshll.u32 v4, $0x4  }
0x13f: {  	v13 =	vld [tilespmem:s8+$0x8070];
	v4 =	vor.u32 v1, v3;
	v3 =	vor.u32 v1, v5;
	v5 =	vmul.u32 $0x11, v6  }
0x140: {  	v20 =	vld [tilespmem:s8+$0x8410];
	v14 =	vmul.u32 $0x11, v14;
	v15 =	vmul.u32 $0x11, v15;
	v16 =	vmul.u32 $0x11, v16  }
0x141: {  	v17 =	vmul.u32 $0x11, v17;
	v6 =	vmul.u32 $0x11, v10;
	v8 =	vadd.s32 v8, v5;
	[tilespmem:v11+s1+$0x0] =	vst.idx.add.f32.msk $0xffff, v2  }
0x142: {  	v5 =	vmul.u32 $0x11, v9;
	v8 =	vshll.u32 v8, $0x4;
	v9 =	vadd.s32 v7, v14;
	v11 =	vld [tilespmem:s8+$0x8430]  }
0x143: {  	v10 =	vld [tilespmem:s8+$0x8450];
	v7 =	vor.u32 v1, v8;
	v8 =	vshll.u32 v9, $0x4;
	v9 =	vadd.s32 v12, v15  }
0x144: {  	[tilespmem:v18+s1+$0x0] =	vst.idx.add.f32.msk $0xffff, v2;
	v12 =	vadd.s32 v13, v16;
	v8 =	vor.u32 v1, v8;
	v9 =	vshll.u32 v9, $0x4  }
0x145: {  	s8 =	simm.s32 $0x8;
	v13 =	vadd.s32 v20, v17;
	[tilespmem:v19+s1+$0x0] =	vst.idx.add.f32.msk $0xffff, v2;
	v12 =	vshll.u32 v12, $0x4;
	v9 =	vor.u32 v1, v9  }
.LBB2_10:
0x146: {  	s8 =	sadd.s32 $0x8, s8;
	v12 =	vor.u32 v1, v12;
	v13 =	vshll.u32 v13, $0x4;
	s7 =	sadd.s32 $0x2000, s7;
	[tilespmem:v4+s1+$0x0] =	vst.idx.add.f32.msk $0xffff, v2  }
0x147: {  	s9 =	sand.u32 $0x2000, s7;
	s10 =	sshll.u32 s8, $0x5;
	p0 =	slt.u32 s8, $0x3F8;
	v14 =	vor.u32 v1, v13;
	v4 =	vadd.s32 v11, v6;
	[tilespmem:v3+s1+$0x0] =	vst.idx.add.f32.msk $0xffff, v2  }
0x148: {  	s11 =	sshll.u32 s8, $0x3;
	s10 =	sand.u32 $0x7000, s10;
	s9 =	sshrl.u32 s9, $0x2;
	[tilespmem:v7+s1+$0x0] =	vst.idx.add.f32.msk $0xffff, v2;
	v3 =	vshll.u32 v4, $0x4;
	v5 =	vadd.s32 v10, v5  }
0x149: {  	s11 =	sand.u32 $0x380, s11;
	s9 =	sor.u32 s9, s10;
	[tilespmem:v8+s1+$0x0] =	vst.idx.add.f32.msk $0xffff, v2;
	v4 =	vor.u32 v1, v3;
	v3 =	vshll.u32 v5, $0x4  }
0x14a: {  	s9 =	sor.u32 s11, s9;
	[tilespmem:v9+s1+$0x0] =	vst.idx.add.f32.msk $0xffff, v2;
	v3 =	vor.u32 v1, v3  }
0x14b: {  	v5 =	vld [tilespmem:s9+$0x8460]  }
0x14c: {  	v6 =	vld [tilespmem:s9+$0x8000]  }
0x14d: {  	v7 =	vld [tilespmem:s9+$0x8470]  }
0x14e: {  	v8 =	vld [tilespmem:s9+$0x8020]  }
0x14f: {  	v9 =	vld [tilespmem:s9+$0x8040]  }
0x150: {  	v10 =	vld [tilespmem:s9+$0x8060];
	v5 =	vmul.u32 $0x11, v5  }
0x151: {  	v11 =	vmul.u32 $0x11, v6;
	v6 =	vld [tilespmem:s9+$0x8400]  }
0x152: {  	v13 =	vld [tilespmem:s9+$0x8420];
	v5 =	vadd.s32 v7, v5  }
0x153: {  	v7 =	vmul.u32 $0x11, v8;
	v8 =	vld [tilespmem:s9+$0x8440];
	v5 =	vshll.u32 v5, $0x4  }
0x154: {  	v15 =	vld [tilespmem:s9+$0x8010];
	v9 =	vmul.u32 $0x11, v9;
	v16 =	vor.u32 v1, v5  }
0x155: {  	v17 =	vld [tilespmem:s9+$0x8030];
	v18 =	vmul.u32 $0x11, v10  }
0x156: {  	v10 =	vld [tilespmem:s9+$0x8050];
	v19 =	vmul.u32 $0x11, v6  }
0x157: {  	v20 =	vld [tilespmem:s9+$0x8070];
	v6 =	vmul.u32 $0x11, v13  }
0x158: {  	v13 =	vld [tilespmem:s9+$0x8410];
	v5 =	vmul.u32 $0x11, v8  }
.Ltmp4:
0x159: {  	v8 =	vadd.s32 v15, v11;
	[tilespmem:v16+s1+$0x0] =	vst.idx.add.f32.msk $0xffff, v2;
	(pc) =	sbr.rel @p0 .LBB2_10-.Ltmp4, $4  }
0x15a: {  	v8 =	vshll.u32 v8, $0x4;
	v15 =	vadd.s32 v17, v7;
	v11 =	vld [tilespmem:s9+$0x8430]  }
0x15b: {  	v7 =	vor.u32 v1, v8;
	v8 =	vshll.u32 v15, $0x4;
	v9 =	vadd.s32 v10, v9;
	v10 =	vld [tilespmem:s9+$0x8450]  }
0x15c: {  	v8 =	vor.u32 v1, v8;
	v9 =	vshll.u32 v9, $0x4;
	v15 =	vadd.s32 v20, v18;
	[tilespmem:v12+s1+$0x0] =	vst.idx.add.f32.msk $0xffff, v2  }
0x15d: {  	v9 =	vor.u32 v1, v9;
	v12 =	vshll.u32 v15, $0x4;
	v13 =	vadd.s32 v13, v19;
	[tilespmem:v14+s1+$0x0] =	vst.idx.add.f32.msk $0xffff, v2  }
0x15e: {  	_ =	sdelay $0x3  }
0x15f: {  	v12 =	vor.u32 v1, v12;
	v13 =	vshll.u32 v13, $0x4;
	[tilespmem:v4+s1+$0x0] =	vst.idx.add.f32.msk $0xffff, v2;
	v4 =	vadd.s32 v11, v6  }
0x160: {  	[tilespmem:v3+s1+$0x0] =	vst.idx.add.f32.msk $0xffff, v2;
	v6 =	vor.u32 v1, v13;
	v3 =	vshll.u32 v4, $0x4;
	v4 =	vadd.s32 v10, v5  }
0x161: {  	[tilespmem:v7+s1+$0x0] =	vst.idx.add.f32.msk $0xffff, v2;
	v3 =	vor.u32 v1, v3;
	v4 =	vshll.u32 v4, $0x4  }
0x162: {  	[tilespmem:v8+s1+$0x0] =	vst.idx.add.f32.msk $0xffff, v2;
	v4 =	vor.u32 v1, v4  }
0x163: {  	[tilespmem:v9+s1+$0x0] =	vst.idx.add.f32.msk $0xffff, v2  }
0x164: {  	[tilespmem:v12+s1+$0x0] =	vst.idx.add.f32.msk $0xffff, v2  }
0x165: {  	[tilespmem:v6+s1+$0x0] =	vst.idx.add.f32.msk $0xffff, v2  }
0x166: {  	[tilespmem:v3+s1+$0x0] =	vst.idx.add.f32.msk $0xffff, v2  }
0x167: {  	[tilespmem:v4+s1+$0x0] =	vst.idx.add.f32.msk $0xffff, v2  }
0x168: {  	s7 =	simm.s32 $0x0;
	s8 =	rddreg [dreg:$0x8]  }
0x169: {  	[tilespmem:s25], [sflag:$0x2] =	stream.linear.gather [hbm4b:s8+s7], $0x8000, $0x38;
	[tilespmem:$0x11280] =	vst v63  }
0x16a: {  	s10 =	simm.s32 $0x0;
	s9 =	simm.s32 $0x0;
	s7 =	sand.u32 $0x2000, s7  }
0x16b: {  	s8 =	sand.u32 $0x7000, s10;
	_ =	swait.ge [sflag:s0], $0x8000;
	s7 =	sshrl.u32 s7, $0x2  }
0x16c: {  	s9 =	sand.u32 $0x380, s9;
	[sflag:s0] =	ssyncset.done $0x0;
	s7 =	sor.u32 s7, s8  }
0x16d: {  	[sflag:s0] =	ssyncadd.s32 $0xFFFF8000;
	s8 =	sor.u32 s9, s7  }
0x16e: {  	v3 =	vld [tilespmem:s8+$0x460]  }
0x16f: {  	v4 =	vld [tilespmem:s8+$0x0]  }
0x170: {  	v5 =	vld [tilespmem:s8+$0x470]  }
0x171: {  	v6 =	vld [tilespmem:s8+$0x20]  }
0x172: {  	v7 =	vld [tilespmem:s8+$0x40]  }
0x173: {  	v8 =	vld [tilespmem:s8+$0x10];
	v3 =	vmul.u32 $0x11, v3  }
0x174: {  	v9 =	vld [tilespmem:s8+$0x30]  }
0x175: {  	v3 =	vadd.s32 v5, v3;
	v5 =	vld [tilespmem:s8+$0x50]  }
0x176: {  	v10 =	vld [tilespmem:s8+$0x60];
	v4 =	vmul.u32 $0x11, v4;
	v3 =	vshll.u32 v3, $0x4  }
0x177: {  	v11 =	vld [tilespmem:s8+$0x400];
	v6 =	vmul.u32 $0x11, v6;
	v3 =	vor.u32 v1, v3  }
0x178: {  	v12 =	vld [tilespmem:s8+$0x420];
	v7 =	vmul.u32 $0x11, v7;
	v4 =	vadd.s32 v8, v4  }
0x179: {  	v13 =	vld [tilespmem:s8+$0x450];
	v6 =	vadd.s32 v9, v6;
	v4 =	vshll.u32 v4, $0x4  }
0x17a: {  	v8 =	vld [tilespmem:s8+$0x440];
	v6 =	vshll.u32 v6, $0x4;
	v4 =	vor.u32 v1, v4;
	v5 =	vadd.s32 v5, v7  }
0x17b: {  	v9 =	vld [tilespmem:s8+$0x70];
	v6 =	vor.u32 v1, v6;
	v5 =	vshll.u32 v5, $0x4  }
0x17c: {  	[tilespmem:v3+s1+$0x0] =	vst.idx.add.f32.msk $0xffff, v2;
	v3 =	vor.u32 v1, v5  }
0x17d: {  	s7 =	simm.s32 $0x2000;
	v7 =	vld [tilespmem:s8+$0x410]  }
0x17e: {  	s11 =	simm.s32 $0x100;
	v5 =	vld [tilespmem:s8+$0x430];
	s8 =	sand.u32 $0x2000, s7  }
0x17f: {  	s10 =	simm.s32 $0x40;
	s9 =	sand.u32 $0x7000, s11;
	[tilespmem:v4+s1+$0x0] =	vst.idx.add.f32.msk $0xffff, v2;
	s8 =	sshrl.u32 s8, $0x2  }
0x180: {  	s10 =	sand.u32 $0x380, s10;
	[tilespmem:v6+s1+$0x0] =	vst.idx.add.f32.msk $0xffff, v2;
	s8 =	sor.u32 s8, s9  }
0x181: {  	s8 =	sor.u32 s10, s8;
	[tilespmem:v3+s1+$0x0] =	vst.idx.add.f32.msk $0xffff, v2  }
0x182: {  	v3 =	vld [tilespmem:s8+$0x460]  }
0x183: {  	v6 =	vld [tilespmem:s8+$0x0]  }
0x184: {  	v4 =	vld [tilespmem:s8+$0x470]  }
0x185: {  	v14 =	vld [tilespmem:s8+$0x20]  }
0x186: {  	v15 =	vld [tilespmem:s8+$0x40]  }
0x187: {  	v10 =	vmul.u32 $0x11, v10;
	v16 =	vld [tilespmem:s8+$0x60];
	v3 =	vmul.u32 $0x11, v3  }
0x188: {  	v11 =	vmul.u32 $0x11, v11;
	v17 =	vld [tilespmem:s8+$0x400]  }
0x189: {  	v12 =	vmul.u32 $0x11, v12;
	v9 =	vadd.s32 v9, v10;
	v10 =	vld [tilespmem:s8+$0x420];
	v3 =	vadd.s32 v4, v3  }
0x18a: {  	v4 =	vmul.u32 $0x11, v8;
	v8 =	vshll.u32 v9, $0x4;
	v9 =	vld [tilespmem:s8+$0x440];
	v3 =	vshll.u32 v3, $0x4  }
0x18b: {  	v7 =	vadd.s32 v7, v11;
	v18 =	vor.u32 v1, v8;
	v8 =	vld [tilespmem:s8+$0x10];
	v11 =	vor.u32 v1, v3  }
0x18c: {  	v5 =	vadd.s32 v5, v12;
	v3 =	vshll.u32 v7, $0x4;
	v4 =	vadd.s32 v13, v4;
	v7 =	vld [tilespmem:s8+$0x30]  }
0x18d: {  	v12 =	vld [tilespmem:s8+$0x50];
	v19 =	vor.u32 v1, v3;
	v3 =	vshll.u32 v5, $0x4;
	v5 =	vshll.u32 v4, $0x4  }
0x18e: {  	v13 =	vld [tilespmem:s8+$0x70];
	v4 =	vor.u32 v1, v3;
	v3 =	vor.u32 v1, v5;
	v5 =	vmul.u32 $0x11, v6  }
0x18f: {  	v20 =	vld [tilespmem:s8+$0x410];
	v14 =	vmul.u32 $0x11, v14;
	v15 =	vmul.u32 $0x11, v15;
	v16 =	vmul.u32 $0x11, v16  }
0x190: {  	v17 =	vmul.u32 $0x11, v17;
	v6 =	vmul.u32 $0x11, v10;
	v8 =	vadd.s32 v8, v5;
	[tilespmem:v11+s1+$0x0] =	vst.idx.add.f32.msk $0xffff, v2  }
0x191: {  	v5 =	vmul.u32 $0x11, v9;
	v8 =	vshll.u32 v8, $0x4;
	v9 =	vadd.s32 v7, v14;
	v11 =	vld [tilespmem:s8+$0x430]  }
0x192: {  	v10 =	vld [tilespmem:s8+$0x450];
	v7 =	vor.u32 v1, v8;
	v8 =	vshll.u32 v9, $0x4;
	v9 =	vadd.s32 v12, v15  }
0x193: {  	[tilespmem:v18+s1+$0x0] =	vst.idx.add.f32.msk $0xffff, v2;
	v12 =	vadd.s32 v13, v16;
	v8 =	vor.u32 v1, v8;
	v9 =	vshll.u32 v9, $0x4  }
0x194: {  	s8 =	simm.s32 $0x8;
	v13 =	vadd.s32 v20, v17;
	[tilespmem:v19+s1+$0x0] =	vst.idx.add.f32.msk $0xffff, v2;
	v12 =	vshll.u32 v12, $0x4;
	v9 =	vor.u32 v1, v9  }
.LBB2_12:
0x195: {  	s8 =	sadd.s32 $0x8, s8;
	v12 =	vor.u32 v1, v12;
	v13 =	vshll.u32 v13, $0x4;
	s7 =	sadd.s32 $0x2000, s7;
	[tilespmem:v4+s1+$0x0] =	vst.idx.add.f32.msk $0xffff, v2  }
0x196: {  	s9 =	sand.u32 $0x2000, s7;
	s10 =	sshll.u32 s8, $0x5;
	p0 =	slt.u32 s8, $0x3F8;
	v14 =	vor.u32 v1, v13;
	v4 =	vadd.s32 v11, v6;
	[tilespmem:v3+s1+$0x0] =	vst.idx.add.f32.msk $0xffff, v2  }
0x197: {  	s11 =	sshll.u32 s8, $0x3;
	s10 =	sand.u32 $0x7000, s10;
	s9 =	sshrl.u32 s9, $0x2;
	[tilespmem:v7+s1+$0x0] =	vst.idx.add.f32.msk $0xffff, v2;
	v3 =	vshll.u32 v4, $0x4;
	v5 =	vadd.s32 v10, v5  }
0x198: {  	s11 =	sand.u32 $0x380, s11;
	s9 =	sor.u32 s9, s10;
	[tilespmem:v8+s1+$0x0] =	vst.idx.add.f32.msk $0xffff, v2;
	v4 =	vor.u32 v1, v3;
	v3 =	vshll.u32 v5, $0x4  }
0x199: {  	s9 =	sor.u32 s11, s9;
	[tilespmem:v9+s1+$0x0] =	vst.idx.add.f32.msk $0xffff, v2;
	v3 =	vor.u32 v1, v3  }
0x19a: {  	v5 =	vld [tilespmem:s9+$0x460]  }
0x19b: {  	v6 =	vld [tilespmem:s9+$0x0]  }
0x19c: {  	v7 =	vld [tilespmem:s9+$0x470]  }
0x19d: {  	v8 =	vld [tilespmem:s9+$0x20]  }
0x19e: {  	v9 =	vld [tilespmem:s9+$0x40]  }
0x19f: {  	v10 =	vld [tilespmem:s9+$0x60];
	v5 =	vmul.u32 $0x11, v5  }
0x1a0: {  	v11 =	vmul.u32 $0x11, v6;
	v6 =	vld [tilespmem:s9+$0x400]  }
0x1a1: {  	v13 =	vld [tilespmem:s9+$0x420];
	v5 =	vadd.s32 v7, v5  }
0x1a2: {  	v7 =	vmul.u32 $0x11, v8;
	v8 =	vld [tilespmem:s9+$0x440];
	v5 =	vshll.u32 v5, $0x4  }
0x1a3: {  	v15 =	vld [tilespmem:s9+$0x10];
	v9 =	vmul.u32 $0x11, v9;
	v16 =	vor.u32 v1, v5  }
0x1a4: {  	v17 =	vld [tilespmem:s9+$0x30];
	v18 =	vmul.u32 $0x11, v10  }
0x1a5: {  	v10 =	vld [tilespmem:s9+$0x50];
	v19 =	vmul.u32 $0x11, v6  }
0x1a6: {  	v20 =	vld [tilespmem:s9+$0x70];
	v6 =	vmul.u32 $0x11, v13  }
0x1a7: {  	v13 =	vld [tilespmem:s9+$0x410];
	v5 =	vmul.u32 $0x11, v8  }
.Ltmp5:
0x1a8: {  	v8 =	vadd.s32 v15, v11;
	[tilespmem:v16+s1+$0x0] =	vst.idx.add.f32.msk $0xffff, v2;
	(pc) =	sbr.rel @p0 .LBB2_12-.Ltmp5, $4  }
0x1a9: {  	v8 =	vshll.u32 v8, $0x4;
	v15 =	vadd.s32 v17, v7;
	v11 =	vld [tilespmem:s9+$0x430]  }
0x1aa: {  	v7 =	vor.u32 v1, v8;
	v8 =	vshll.u32 v15, $0x4;
	v9 =	vadd.s32 v10, v9;
	v10 =	vld [tilespmem:s9+$0x450]  }
0x1ab: {  	v8 =	vor.u32 v1, v8;
	v9 =	vshll.u32 v9, $0x4;
	v15 =	vadd.s32 v20, v18;
	[tilespmem:v12+s1+$0x0] =	vst.idx.add.f32.msk $0xffff, v2  }
0x1ac: {  	v9 =	vor.u32 v1, v9;
	v12 =	vshll.u32 v15, $0x4;
	v13 =	vadd.s32 v13, v19;
	[tilespmem:v14+s1+$0x0] =	vst.idx.add.f32.msk $0xffff, v2  }
0x1ad: {  	_ =	sdelay $0x3  }
0x1ae: {  	v12 =	vor.u32 v1, v12;
	v13 =	vshll.u32 v13, $0x4;
	[tilespmem:v4+s1+$0x0] =	vst.idx.add.f32.msk $0xffff, v2;
	v4 =	vadd.s32 v11, v6  }
0x1af: {  	[tilespmem:v3+s1+$0x0] =	vst.idx.add.f32.msk $0xffff, v2;
	v6 =	vor.u32 v1, v13;
	v3 =	vshll.u32 v4, $0x4;
	v4 =	vadd.s32 v10, v5  }
0x1b0: {  	[tilespmem:v7+s1+$0x0] =	vst.idx.add.f32.msk $0xffff, v2;
	v3 =	vor.u32 v1, v3;
	v4 =	vshll.u32 v4, $0x4  }
0x1b1: {  	[tilespmem:v8+s1+$0x0] =	vst.idx.add.f32.msk $0xffff, v2;
	v4 =	vor.u32 v1, v4  }
0x1b2: {  	[tilespmem:v9+s1+$0x0] =	vst.idx.add.f32.msk $0xffff, v2  }
0x1b3: {  	[tilespmem:v12+s1+$0x0] =	vst.idx.add.f32.msk $0xffff, v2  }
0x1b4: {  	[tilespmem:v6+s1+$0x0] =	vst.idx.add.f32.msk $0xffff, v2  }
0x1b5: {  	[tilespmem:v3+s1+$0x0] =	vst.idx.add.f32.msk $0xffff, v2  }
0x1b6: {  	[tilespmem:v4+s1+$0x0] =	vst.idx.add.f32.msk $0xffff, v2  }
0x1b7: {  	s7 =	simm.s32 $0x0;
	s8 =	rddreg [dreg:$0x9]  }
0x1b8: {  	[tilespmem:s7], [sflag:$0x1] =	stream.linear.gather [hbm4b:s8+s7], $0x8000, $0x38;
	[tilespmem:$0x11280] =	vst v63  }
0x1b9: {  	s10 =	simm.s32 $0x0;
	s9 =	simm.s32 $0x0;
	s7 =	sand.u32 $0x2000, s7  }
0x1ba: {  	s8 =	sand.u32 $0x7000, s10;
	_ =	swait.ge [sflag:s2], $0x8000;
	s7 =	sshrl.u32 s7, $0x2  }
0x1bb: {  	s9 =	sand.u32 $0x380, s9;
	[sflag:s2] =	ssyncset.done $0x0;
	s7 =	sor.u32 s7, s8  }
0x1bc: {  	[sflag:s2] =	ssyncadd.s32 $0xFFFF8000;
	s8 =	sor.u32 s9, s7  }
0x1bd: {  	v3 =	vld [tilespmem:s8+$0x8460]  }
0x1be: {  	v4 =	vld [tilespmem:s8+$0x8000]  }
0x1bf: {  	v5 =	vld [tilespmem:s8+$0x8470]  }
0x1c0: {  	v6 =	vld [tilespmem:s8+$0x8020]  }
0x1c1: {  	v7 =	vld [tilespmem:s8+$0x8040]  }
0x1c2: {  	v8 =	vld [tilespmem:s8+$0x8010];
	v3 =	vmul.u32 $0x11, v3  }
0x1c3: {  	v9 =	vld [tilespmem:s8+$0x8030]  }
0x1c4: {  	v3 =	vadd.s32 v5, v3;
	v5 =	vld [tilespmem:s8+$0x8050]  }
0x1c5: {  	v10 =	vld [tilespmem:s8+$0x8060];
	v4 =	vmul.u32 $0x11, v4;
	v3 =	vshll.u32 v3, $0x4  }
0x1c6: {  	v11 =	vld [tilespmem:s8+$0x8400];
	v6 =	vmul.u32 $0x11, v6;
	v3 =	vor.u32 v1, v3  }
0x1c7: {  	v12 =	vld [tilespmem:s8+$0x8420];
	v7 =	vmul.u32 $0x11, v7;
	v4 =	vadd.s32 v8, v4  }
0x1c8: {  	v13 =	vld [tilespmem:s8+$0x8450];
	v6 =	vadd.s32 v9, v6;
	v4 =	vshll.u32 v4, $0x4  }
0x1c9: {  	v8 =	vld [tilespmem:s8+$0x8440];
	v6 =	vshll.u32 v6, $0x4;
	v4 =	vor.u32 v1, v4;
	v5 =	vadd.s32 v5, v7  }
0x1ca: {  	v9 =	vld [tilespmem:s8+$0x8070];
	v6 =	vor.u32 v1, v6;
	v5 =	vshll.u32 v5, $0x4  }
0x1cb: {  	[tilespmem:v3+s1+$0x0] =	vst.idx.add.f32.msk $0xffff, v2;
	v3 =	vor.u32 v1, v5  }
0x1cc: {  	s7 =	simm.s32 $0x2000;
	v7 =	vld [tilespmem:s8+$0x8410]  }
0x1cd: {  	s11 =	simm.s32 $0x100;
	v5 =	vld [tilespmem:s8+$0x8430];
	s8 =	sand.u32 $0x2000, s7  }
0x1ce: {  	s10 =	simm.s32 $0x40;
	s9 =	sand.u32 $0x7000, s11;
	[tilespmem:v4+s1+$0x0] =	vst.idx.add.f32.msk $0xffff, v2;
	s8 =	sshrl.u32 s8, $0x2  }
0x1cf: {  	s10 =	sand.u32 $0x380, s10;
	[tilespmem:v6+s1+$0x0] =	vst.idx.add.f32.msk $0xffff, v2;
	s8 =	sor.u32 s8, s9  }
0x1d0: {  	s8 =	sor.u32 s10, s8;
	[tilespmem:v3+s1+$0x0] =	vst.idx.add.f32.msk $0xffff, v2  }
0x1d1: {  	v3 =	vld [tilespmem:s8+$0x8460]  }
0x1d2: {  	v6 =	vld [tilespmem:s8+$0x8000]  }
0x1d3: {  	v4 =	vld [tilespmem:s8+$0x8470]  }
0x1d4: {  	v14 =	vld [tilespmem:s8+$0x8020]  }
0x1d5: {  	v15 =	vld [tilespmem:s8+$0x8040]  }
0x1d6: {  	v10 =	vmul.u32 $0x11, v10;
	v16 =	vld [tilespmem:s8+$0x8060];
	v3 =	vmul.u32 $0x11, v3  }
0x1d7: {  	v11 =	vmul.u32 $0x11, v11;
	v17 =	vld [tilespmem:s8+$0x8400]  }
0x1d8: {  	v12 =	vmul.u32 $0x11, v12;
	v9 =	vadd.s32 v9, v10;
	v10 =	vld [tilespmem:s8+$0x8420];
	v3 =	vadd.s32 v4, v3  }
0x1d9: {  	v4 =	vmul.u32 $0x11, v8;
	v8 =	vshll.u32 v9, $0x4;
	v9 =	vld [tilespmem:s8+$0x8440];
	v3 =	vshll.u32 v3, $0x4  }
0x1da: {  	v7 =	vadd.s32 v7, v11;
	v18 =	vor.u32 v1, v8;
	v8 =	vld [tilespmem:s8+$0x8010];
	v11 =	vor.u32 v1, v3  }
0x1db: {  	v5 =	vadd.s32 v5, v12;
	v3 =	vshll.u32 v7, $0x4;
	v4 =	vadd.s32 v13, v4;
	v7 =	vld [tilespmem:s8+$0x8030]  }
0x1dc: {  	v12 =	vld [tilespmem:s8+$0x8050];
	v19 =	vor.u32 v1, v3;
	v3 =	vshll.u32 v5, $0x4;
	v5 =	vshll.u32 v4, $0x4  }
0x1dd: {  	v13 =	vld [tilespmem:s8+$0x8070];
	v4 =	vor.u32 v1, v3;
	v3 =	vor.u32 v1, v5;
	v5 =	vmul.u32 $0x11, v6  }
0x1de: {  	v20 =	vld [tilespmem:s8+$0x8410];
	v14 =	vmul.u32 $0x11, v14;
	v15 =	vmul.u32 $0x11, v15;
	v16 =	vmul.u32 $0x11, v16  }
0x1df: {  	v17 =	vmul.u32 $0x11, v17;
	v6 =	vmul.u32 $0x11, v10;
	v8 =	vadd.s32 v8, v5;
	[tilespmem:v11+s1+$0x0] =	vst.idx.add.f32.msk $0xffff, v2  }
0x1e0: {  	v5 =	vmul.u32 $0x11, v9;
	v8 =	vshll.u32 v8, $0x4;
	v9 =	vadd.s32 v7, v14;
	v11 =	vld [tilespmem:s8+$0x8430]  }
0x1e1: {  	v10 =	vld [tilespmem:s8+$0x8450];
	v7 =	vor.u32 v1, v8;
	v8 =	vshll.u32 v9, $0x4;
	v9 =	vadd.s32 v12, v15  }
0x1e2: {  	[tilespmem:v18+s1+$0x0] =	vst.idx.add.f32.msk $0xffff, v2;
	v12 =	vadd.s32 v13, v16;
	v8 =	vor.u32 v1, v8;
	v9 =	vshll.u32 v9, $0x4  }
0x1e3: {  	s8 =	simm.s32 $0x8;
	v13 =	vadd.s32 v20, v17;
	[tilespmem:v19+s1+$0x0] =	vst.idx.add.f32.msk $0xffff, v2;
	v12 =	vshll.u32 v12, $0x4;
	v9 =	vor.u32 v1, v9  }
.LBB2_14:
0x1e4: {  	s8 =	sadd.s32 $0x8, s8;
	v12 =	vor.u32 v1, v12;
	v13 =	vshll.u32 v13, $0x4;
	s7 =	sadd.s32 $0x2000, s7;
	[tilespmem:v4+s1+$0x0] =	vst.idx.add.f32.msk $0xffff, v2  }
0x1e5: {  	s9 =	sand.u32 $0x2000, s7;
	s10 =	sshll.u32 s8, $0x5;
	p0 =	slt.u32 s8, $0x3F8;
	v14 =	vor.u32 v1, v13;
	v4 =	vadd.s32 v11, v6;
	[tilespmem:v3+s1+$0x0] =	vst.idx.add.f32.msk $0xffff, v2  }
0x1e6: {  	s11 =	sshll.u32 s8, $0x3;
	s10 =	sand.u32 $0x7000, s10;
	s9 =	sshrl.u32 s9, $0x2;
	[tilespmem:v7+s1+$0x0] =	vst.idx.add.f32.msk $0xffff, v2;
	v3 =	vshll.u32 v4, $0x4;
	v5 =	vadd.s32 v10, v5  }
0x1e7: {  	s11 =	sand.u32 $0x380, s11;
	s9 =	sor.u32 s9, s10;
	[tilespmem:v8+s1+$0x0] =	vst.idx.add.f32.msk $0xffff, v2;
	v4 =	vor.u32 v1, v3;
	v3 =	vshll.u32 v5, $0x4  }
0x1e8: {  	s9 =	sor.u32 s11, s9;
	[tilespmem:v9+s1+$0x0] =	vst.idx.add.f32.msk $0xffff, v2;
	v3 =	vor.u32 v1, v3  }
0x1e9: {  	v5 =	vld [tilespmem:s9+$0x8460]  }
0x1ea: {  	v6 =	vld [tilespmem:s9+$0x8000]  }
0x1eb: {  	v7 =	vld [tilespmem:s9+$0x8470]  }
0x1ec: {  	v8 =	vld [tilespmem:s9+$0x8020]  }
0x1ed: {  	v9 =	vld [tilespmem:s9+$0x8040]  }
0x1ee: {  	v10 =	vld [tilespmem:s9+$0x8060];
	v5 =	vmul.u32 $0x11, v5  }
0x1ef: {  	v11 =	vmul.u32 $0x11, v6;
	v6 =	vld [tilespmem:s9+$0x8400]  }
0x1f0: {  	v13 =	vld [tilespmem:s9+$0x8420];
	v5 =	vadd.s32 v7, v5  }
0x1f1: {  	v7 =	vmul.u32 $0x11, v8;
	v8 =	vld [tilespmem:s9+$0x8440];
	v5 =	vshll.u32 v5, $0x4  }
0x1f2: {  	v15 =	vld [tilespmem:s9+$0x8010];
	v9 =	vmul.u32 $0x11, v9;
	v16 =	vor.u32 v1, v5  }
0x1f3: {  	v17 =	vld [tilespmem:s9+$0x8030];
	v18 =	vmul.u32 $0x11, v10  }
0x1f4: {  	v10 =	vld [tilespmem:s9+$0x8050];
	v19 =	vmul.u32 $0x11, v6  }
0x1f5: {  	v20 =	vld [tilespmem:s9+$0x8070];
	v6 =	vmul.u32 $0x11, v13  }
0x1f6: {  	v13 =	vld [tilespmem:s9+$0x8410];
	v5 =	vmul.u32 $0x11, v8  }
.Ltmp6:
0x1f7: {  	v8 =	vadd.s32 v15, v11;
	[tilespmem:v16+s1+$0x0] =	vst.idx.add.f32.msk $0xffff, v2;
	(pc) =	sbr.rel @p0 .LBB2_14-.Ltmp6, $4  }
0x1f8: {  	v8 =	vshll.u32 v8, $0x4;
	v15 =	vadd.s32 v17, v7;
	v11 =	vld [tilespmem:s9+$0x8430]  }
0x1f9: {  	v7 =	vor.u32 v1, v8;
	v8 =	vshll.u32 v15, $0x4;
	v9 =	vadd.s32 v10, v9;
	v10 =	vld [tilespmem:s9+$0x8450]  }
0x1fa: {  	v8 =	vor.u32 v1, v8;
	v9 =	vshll.u32 v9, $0x4;
	v15 =	vadd.s32 v20, v18;
	[tilespmem:v12+s1+$0x0] =	vst.idx.add.f32.msk $0xffff, v2  }
0x1fb: {  	v9 =	vor.u32 v1, v9;
	v12 =	vshll.u32 v15, $0x4;
	v13 =	vadd.s32 v13, v19;
	[tilespmem:v14+s1+$0x0] =	vst.idx.add.f32.msk $0xffff, v2  }
0x1fc: {  	_ =	sdelay $0x3  }
0x1fd: {  	v12 =	vor.u32 v1, v12;
	v13 =	vshll.u32 v13, $0x4;
	[tilespmem:v4+s1+$0x0] =	vst.idx.add.f32.msk $0xffff, v2;
	v4 =	vadd.s32 v11, v6  }
0x1fe: {  	[tilespmem:v3+s1+$0x0] =	vst.idx.add.f32.msk $0xffff, v2;
	v6 =	vor.u32 v1, v13;
	v3 =	vshll.u32 v4, $0x4;
	v4 =	vadd.s32 v10, v5  }
0x1ff: {  	[tilespmem:v7+s1+$0x0] =	vst.idx.add.f32.msk $0xffff, v2;
	v3 =	vor.u32 v1, v3;
	v4 =	vshll.u32 v4, $0x4  }
0x200: {  	[tilespmem:v8+s1+$0x0] =	vst.idx.add.f32.msk $0xffff, v2;
	v4 =	vor.u32 v1, v4  }
0x201: {  	[tilespmem:v9+s1+$0x0] =	vst.idx.add.f32.msk $0xffff, v2  }
0x202: {  	[tilespmem:v12+s1+$0x0] =	vst.idx.add.f32.msk $0xffff, v2  }
0x203: {  	[tilespmem:v6+s1+$0x0] =	vst.idx.add.f32.msk $0xffff, v2  }
0x204: {  	[tilespmem:v3+s1+$0x0] =	vst.idx.add.f32.msk $0xffff, v2  }
0x205: {  	[tilespmem:v4+s1+$0x0] =	vst.idx.add.f32.msk $0xffff, v2  }
0x206: {  	s7 =	simm.s32 $0x0;
	s8 =	rddreg [dreg:$0xa]  }
0x207: {  	[tilespmem:s25], [sflag:$0x2] =	stream.linear.gather [hbm4b:s8+s7], $0x8000, $0x38;
	[tilespmem:$0x11280] =	vst v63  }
0x208: {  	s10 =	simm.s32 $0x0;
	s9 =	simm.s32 $0x0;
	s7 =	sand.u32 $0x2000, s7  }
0x209: {  	s8 =	sand.u32 $0x7000, s10;
	_ =	swait.ge [sflag:s0], $0x8000;
	s7 =	sshrl.u32 s7, $0x2  }
0x20a: {  	s9 =	sand.u32 $0x380, s9;
	[sflag:s0] =	ssyncset.done $0x0;
	s7 =	sor.u32 s7, s8  }
0x20b: {  	[sflag:s0] =	ssyncadd.s32 $0xFFFF8000;
	s8 =	sor.u32 s9, s7  }
0x20c: {  	v3 =	vld [tilespmem:s8+$0x460]  }
0x20d: {  	v4 =	vld [tilespmem:s8+$0x0]  }
0x20e: {  	v5 =	vld [tilespmem:s8+$0x470]  }
0x20f: {  	v6 =	vld [tilespmem:s8+$0x20]  }
0x210: {  	v7 =	vld [tilespmem:s8+$0x40]  }
0x211: {  	v8 =	vld [tilespmem:s8+$0x10];
	v3 =	vmul.u32 $0x11, v3  }
0x212: {  	v9 =	vld [tilespmem:s8+$0x30]  }
0x213: {  	v3 =	vadd.s32 v5, v3;
	v5 =	vld [tilespmem:s8+$0x50]  }
0x214: {  	v10 =	vld [tilespmem:s8+$0x60];
	v4 =	vmul.u32 $0x11, v4;
	v3 =	vshll.u32 v3, $0x4  }
0x215: {  	v11 =	vld [tilespmem:s8+$0x400];
	v6 =	vmul.u32 $0x11, v6;
	v3 =	vor.u32 v1, v3  }
0x216: {  	v12 =	vld [tilespmem:s8+$0x420];
	v7 =	vmul.u32 $0x11, v7;
	v4 =	vadd.s32 v8, v4  }
0x217: {  	v13 =	vld [tilespmem:s8+$0x450];
	v6 =	vadd.s32 v9, v6;
	v4 =	vshll.u32 v4, $0x4  }
0x218: {  	v8 =	vld [tilespmem:s8+$0x440];
	v6 =	vshll.u32 v6, $0x4;
	v4 =	vor.u32 v1, v4;
	v5 =	vadd.s32 v5, v7  }
0x219: {  	v9 =	vld [tilespmem:s8+$0x70];
	v6 =	vor.u32 v1, v6;
	v5 =	vshll.u32 v5, $0x4  }
0x21a: {  	[tilespmem:v3+s1+$0x0] =	vst.idx.add.f32.msk $0xffff, v2;
	v3 =	vor.u32 v1, v5  }
0x21b: {  	s7 =	simm.s32 $0x2000;
	v7 =	vld [tilespmem:s8+$0x410]  }
0x21c: {  	s11 =	simm.s32 $0x100;
	v5 =	vld [tilespmem:s8+$0x430];
	s8 =	sand.u32 $0x2000, s7  }
0x21d: {  	s10 =	simm.s32 $0x40;
	s9 =	sand.u32 $0x7000, s11;
	[tilespmem:v4+s1+$0x0] =	vst.idx.add.f32.msk $0xffff, v2;
	s8 =	sshrl.u32 s8, $0x2  }
0x21e: {  	s10 =	sand.u32 $0x380, s10;
	[tilespmem:v6+s1+$0x0] =	vst.idx.add.f32.msk $0xffff, v2;
	s8 =	sor.u32 s8, s9  }
0x21f: {  	s8 =	sor.u32 s10, s8;
	[tilespmem:v3+s1+$0x0] =	vst.idx.add.f32.msk $0xffff, v2  }
0x220: {  	v3 =	vld [tilespmem:s8+$0x460]  }
0x221: {  	v6 =	vld [tilespmem:s8+$0x0]  }
0x222: {  	v4 =	vld [tilespmem:s8+$0x470]  }
0x223: {  	v14 =	vld [tilespmem:s8+$0x20]  }
0x224: {  	v15 =	vld [tilespmem:s8+$0x40]  }
0x225: {  	v10 =	vmul.u32 $0x11, v10;
	v16 =	vld [tilespmem:s8+$0x60];
	v3 =	vmul.u32 $0x11, v3  }
0x226: {  	v11 =	vmul.u32 $0x11, v11;
	v17 =	vld [tilespmem:s8+$0x400]  }
0x227: {  	v12 =	vmul.u32 $0x11, v12;
	v9 =	vadd.s32 v9, v10;
	v10 =	vld [tilespmem:s8+$0x420];
	v3 =	vadd.s32 v4, v3  }
0x228: {  	v4 =	vmul.u32 $0x11, v8;
	v8 =	vshll.u32 v9, $0x4;
	v9 =	vld [tilespmem:s8+$0x440];
	v3 =	vshll.u32 v3, $0x4  }
0x229: {  	v7 =	vadd.s32 v7, v11;
	v18 =	vor.u32 v1, v8;
	v8 =	vld [tilespmem:s8+$0x10];
	v11 =	vor.u32 v1, v3  }
0x22a: {  	v5 =	vadd.s32 v5, v12;
	v3 =	vshll.u32 v7, $0x4;
	v4 =	vadd.s32 v13, v4;
	v7 =	vld [tilespmem:s8+$0x30]  }
0x22b: {  	v12 =	vld [tilespmem:s8+$0x50];
	v19 =	vor.u32 v1, v3;
	v3 =	vshll.u32 v5, $0x4;
	v5 =	vshll.u32 v4, $0x4  }
0x22c: {  	v13 =	vld [tilespmem:s8+$0x70];
	v4 =	vor.u32 v1, v3;
	v3 =	vor.u32 v1, v5;
	v5 =	vmul.u32 $0x11, v6  }
0x22d: {  	v20 =	vld [tilespmem:s8+$0x410];
	v14 =	vmul.u32 $0x11, v14;
	v15 =	vmul.u32 $0x11, v15;
	v16 =	vmul.u32 $0x11, v16  }
0x22e: {  	v17 =	vmul.u32 $0x11, v17;
	v6 =	vmul.u32 $0x11, v10;
	v8 =	vadd.s32 v8, v5;
	[tilespmem:v11+s1+$0x0] =	vst.idx.add.f32.msk $0xffff, v2  }
0x22f: {  	v5 =	vmul.u32 $0x11, v9;
	v8 =	vshll.u32 v8, $0x4;
	v9 =	vadd.s32 v7, v14;
	v11 =	vld [tilespmem:s8+$0x430]  }
0x230: {  	v10 =	vld [tilespmem:s8+$0x450];
	v7 =	vor.u32 v1, v8;
	v8 =	vshll.u32 v9, $0x4;
	v9 =	vadd.s32 v12, v15  }
0x231: {  	[tilespmem:v18+s1+$0x0] =	vst.idx.add.f32.msk $0xffff, v2;
	v12 =	vadd.s32 v13, v16;
	v8 =	vor.u32 v1, v8;
	v9 =	vshll.u32 v9, $0x4  }
0x232: {  	s8 =	simm.s32 $0x8;
	v13 =	vadd.s32 v20, v17;
	[tilespmem:v19+s1+$0x0] =	vst.idx.add.f32.msk $0xffff, v2;
	v12 =	vshll.u32 v12, $0x4;
	v9 =	vor.u32 v1, v9  }
.LBB2_16:
0x233: {  	s8 =	sadd.s32 $0x8, s8;
	v12 =	vor.u32 v1, v12;
	v13 =	vshll.u32 v13, $0x4;
	s7 =	sadd.s32 $0x2000, s7;
	[tilespmem:v4+s1+$0x0] =	vst.idx.add.f32.msk $0xffff, v2  }
0x234: {  	s9 =	sand.u32 $0x2000, s7;
	s10 =	sshll.u32 s8, $0x5;
	p0 =	slt.u32 s8, $0x3F8;
	v14 =	vor.u32 v1, v13;
	v4 =	vadd.s32 v11, v6;
	[tilespmem:v3+s1+$0x0] =	vst.idx.add.f32.msk $0xffff, v2  }
0x235: {  	s11 =	sshll.u32 s8, $0x3;
	s10 =	sand.u32 $0x7000, s10;
	s9 =	sshrl.u32 s9, $0x2;
	[tilespmem:v7+s1+$0x0] =	vst.idx.add.f32.msk $0xffff, v2;
	v3 =	vshll.u32 v4, $0x4;
	v5 =	vadd.s32 v10, v5  }
0x236: {  	s11 =	sand.u32 $0x380, s11;
	s9 =	sor.u32 s9, s10;
	[tilespmem:v8+s1+$0x0] =	vst.idx.add.f32.msk $0xffff, v2;
	v4 =	vor.u32 v1, v3;
	v3 =	vshll.u32 v5, $0x4  }
0x237: {  	s9 =	sor.u32 s11, s9;
	[tilespmem:v9+s1+$0x0] =	vst.idx.add.f32.msk $0xffff, v2;
	v3 =	vor.u32 v1, v3  }
0x238: {  	v5 =	vld [tilespmem:s9+$0x460]  }
0x239: {  	v6 =	vld [tilespmem:s9+$0x0]  }
0x23a: {  	v7 =	vld [tilespmem:s9+$0x470]  }
0x23b: {  	v8 =	vld [tilespmem:s9+$0x20]  }
0x23c: {  	v9 =	vld [tilespmem:s9+$0x40]  }
0x23d: {  	v10 =	vld [tilespmem:s9+$0x60];
	v5 =	vmul.u32 $0x11, v5  }
0x23e: {  	v11 =	vmul.u32 $0x11, v6;
	v6 =	vld [tilespmem:s9+$0x400]  }
0x23f: {  	v13 =	vld [tilespmem:s9+$0x420];
	v5 =	vadd.s32 v7, v5  }
0x240: {  	v7 =	vmul.u32 $0x11, v8;
	v8 =	vld [tilespmem:s9+$0x440];
	v5 =	vshll.u32 v5, $0x4  }
0x241: {  	v15 =	vld [tilespmem:s9+$0x10];
	v9 =	vmul.u32 $0x11, v9;
	v16 =	vor.u32 v1, v5  }
0x242: {  	v17 =	vld [tilespmem:s9+$0x30];
	v18 =	vmul.u32 $0x11, v10  }
0x243: {  	v10 =	vld [tilespmem:s9+$0x50];
	v19 =	vmul.u32 $0x11, v6  }
0x244: {  	v20 =	vld [tilespmem:s9+$0x70];
	v6 =	vmul.u32 $0x11, v13  }
0x245: {  	v13 =	vld [tilespmem:s9+$0x410];
	v5 =	vmul.u32 $0x11, v8  }
.Ltmp7:
0x246: {  	v8 =	vadd.s32 v15, v11;
	[tilespmem:v16+s1+$0x0] =	vst.idx.add.f32.msk $0xffff, v2;
	(pc) =	sbr.rel @p0 .LBB2_16-.Ltmp7, $4  }
0x247: {  	v8 =	vshll.u32 v8, $0x4;
	v15 =	vadd.s32 v17, v7;
	v11 =	vld [tilespmem:s9+$0x430]  }
0x248: {  	v7 =	vor.u32 v1, v8;
	v8 =	vshll.u32 v15, $0x4;
	v9 =	vadd.s32 v10, v9;
	v10 =	vld [tilespmem:s9+$0x450]  }
0x249: {  	v8 =	vor.u32 v1, v8;
	v9 =	vshll.u32 v9, $0x4;
	v15 =	vadd.s32 v20, v18;
	[tilespmem:v12+s1+$0x0] =	vst.idx.add.f32.msk $0xffff, v2  }
0x24a: {  	v9 =	vor.u32 v1, v9;
	v12 =	vshll.u32 v15, $0x4;
	v13 =	vadd.s32 v13, v19;
	[tilespmem:v14+s1+$0x0] =	vst.idx.add.f32.msk $0xffff, v2  }
0x24b: {  	_ =	sdelay $0x3  }
0x24c: {  	v12 =	vor.u32 v1, v12;
	v13 =	vshll.u32 v13, $0x4;
	[tilespmem:v4+s1+$0x0] =	vst.idx.add.f32.msk $0xffff, v2;
	v4 =	vadd.s32 v11, v6  }
0x24d: {  	[tilespmem:v3+s1+$0x0] =	vst.idx.add.f32.msk $0xffff, v2;
	v6 =	vor.u32 v1, v13;
	v3 =	vshll.u32 v4, $0x4;
	v4 =	vadd.s32 v10, v5  }
0x24e: {  	[tilespmem:v7+s1+$0x0] =	vst.idx.add.f32.msk $0xffff, v2;
	v3 =	vor.u32 v1, v3;
	v4 =	vshll.u32 v4, $0x4  }
0x24f: {  	[tilespmem:v8+s1+$0x0] =	vst.idx.add.f32.msk $0xffff, v2;
	v4 =	vor.u32 v1, v4  }
0x250: {  	[tilespmem:v9+s1+$0x0] =	vst.idx.add.f32.msk $0xffff, v2  }
0x251: {  	[tilespmem:v12+s1+$0x0] =	vst.idx.add.f32.msk $0xffff, v2  }
0x252: {  	[tilespmem:v6+s1+$0x0] =	vst.idx.add.f32.msk $0xffff, v2  }
0x253: {  	[tilespmem:v3+s1+$0x0] =	vst.idx.add.f32.msk $0xffff, v2  }
0x254: {  	[tilespmem:v4+s1+$0x0] =	vst.idx.add.f32.msk $0xffff, v2  }
0x255: {  	s7 =	simm.s32 $0x0;
	s8 =	rddreg [dreg:$0xb]  }
0x256: {  	[tilespmem:s7], [sflag:$0x1] =	stream.linear.gather [hbm4b:s8+s7], $0x8000, $0x38;
	[tilespmem:$0x11280] =	vst v63  }
0x257: {  	s10 =	simm.s32 $0x0;
	s9 =	simm.s32 $0x0;
	s7 =	sand.u32 $0x2000, s7  }
0x258: {  	s8 =	sand.u32 $0x7000, s10;
	_ =	swait.ge [sflag:s2], $0x8000;
	s7 =	sshrl.u32 s7, $0x2  }
0x259: {  	s9 =	sand.u32 $0x380, s9;
	[sflag:s2] =	ssyncset.done $0x0;
	s7 =	sor.u32 s7, s8  }
0x25a: {  	[sflag:s2] =	ssyncadd.s32 $0xFFFF8000;
	s8 =	sor.u32 s9, s7  }
0x25b: {  	v3 =	vld [tilespmem:s8+$0x8460]  }
0x25c: {  	v4 =	vld [tilespmem:s8+$0x8000]  }
0x25d: {  	v5 =	vld [tilespmem:s8+$0x8470]  }
0x25e: {  	v6 =	vld [tilespmem:s8+$0x8020]  }
0x25f: {  	v7 =	vld [tilespmem:s8+$0x8040]  }
0x260: {  	v8 =	vld [tilespmem:s8+$0x8010];
	v3 =	vmul.u32 $0x11, v3  }
0x261: {  	v9 =	vld [tilespmem:s8+$0x8030]  }
0x262: {  	v3 =	vadd.s32 v5, v3;
	v5 =	vld [tilespmem:s8+$0x8050]  }
0x263: {  	v10 =	vld [tilespmem:s8+$0x8060];
	v4 =	vmul.u32 $0x11, v4;
	v3 =	vshll.u32 v3, $0x4  }
0x264: {  	v11 =	vld [tilespmem:s8+$0x8400];
	v6 =	vmul.u32 $0x11, v6;
	v3 =	vor.u32 v1, v3  }
0x265: {  	v12 =	vld [tilespmem:s8+$0x8420];
	v7 =	vmul.u32 $0x11, v7;
	v4 =	vadd.s32 v8, v4  }
0x266: {  	v13 =	vld [tilespmem:s8+$0x8450];
	v6 =	vadd.s32 v9, v6;
	v4 =	vshll.u32 v4, $0x4  }
0x267: {  	v8 =	vld [tilespmem:s8+$0x8440];
	v6 =	vshll.u32 v6, $0x4;
	v4 =	vor.u32 v1, v4;
	v5 =	vadd.s32 v5, v7  }
0x268: {  	v9 =	vld [tilespmem:s8+$0x8070];
	v6 =	vor.u32 v1, v6;
	v5 =	vshll.u32 v5, $0x4  }
0x269: {  	[tilespmem:v3+s1+$0x0] =	vst.idx.add.f32.msk $0xffff, v2;
	v3 =	vor.u32 v1, v5  }
0x26a: {  	s7 =	simm.s32 $0x2000;
	v7 =	vld [tilespmem:s8+$0x8410]  }
0x26b: {  	s11 =	simm.s32 $0x100;
	v5 =	vld [tilespmem:s8+$0x8430];
	s8 =	sand.u32 $0x2000, s7  }
0x26c: {  	s10 =	simm.s32 $0x40;
	s9 =	sand.u32 $0x7000, s11;
	[tilespmem:v4+s1+$0x0] =	vst.idx.add.f32.msk $0xffff, v2;
	s8 =	sshrl.u32 s8, $0x2  }
0x26d: {  	s10 =	sand.u32 $0x380, s10;
	[tilespmem:v6+s1+$0x0] =	vst.idx.add.f32.msk $0xffff, v2;
	s8 =	sor.u32 s8, s9  }
0x26e: {  	s8 =	sor.u32 s10, s8;
	[tilespmem:v3+s1+$0x0] =	vst.idx.add.f32.msk $0xffff, v2  }
0x26f: {  	v3 =	vld [tilespmem:s8+$0x8460]  }
0x270: {  	v6 =	vld [tilespmem:s8+$0x8000]  }
0x271: {  	v4 =	vld [tilespmem:s8+$0x8470]  }
0x272: {  	v14 =	vld [tilespmem:s8+$0x8020]  }
0x273: {  	v15 =	vld [tilespmem:s8+$0x8040]  }
0x274: {  	v10 =	vmul.u32 $0x11, v10;
	v16 =	vld [tilespmem:s8+$0x8060];
	v3 =	vmul.u32 $0x11, v3  }
0x275: {  	v11 =	vmul.u32 $0x11, v11;
	v17 =	vld [tilespmem:s8+$0x8400]  }
0x276: {  	v12 =	vmul.u32 $0x11, v12;
	v9 =	vadd.s32 v9, v10;
	v10 =	vld [tilespmem:s8+$0x8420];
	v3 =	vadd.s32 v4, v3  }
0x277: {  	v4 =	vmul.u32 $0x11, v8;
	v8 =	vshll.u32 v9, $0x4;
	v9 =	vld [tilespmem:s8+$0x8440];
	v3 =	vshll.u32 v3, $0x4  }
0x278: {  	v7 =	vadd.s32 v7, v11;
	v18 =	vor.u32 v1, v8;
	v8 =	vld [tilespmem:s8+$0x8010];
	v11 =	vor.u32 v1, v3  }
0x279: {  	v5 =	vadd.s32 v5, v12;
	v3 =	vshll.u32 v7, $0x4;
	v4 =	vadd.s32 v13, v4;
	v7 =	vld [tilespmem:s8+$0x8030]  }
0x27a: {  	v12 =	vld [tilespmem:s8+$0x8050];
	v19 =	vor.u32 v1, v3;
	v3 =	vshll.u32 v5, $0x4;
	v5 =	vshll.u32 v4, $0x4  }
0x27b: {  	v13 =	vld [tilespmem:s8+$0x8070];
	v4 =	vor.u32 v1, v3;
	v3 =	vor.u32 v1, v5;
	v5 =	vmul.u32 $0x11, v6  }
0x27c: {  	v20 =	vld [tilespmem:s8+$0x8410];
	v14 =	vmul.u32 $0x11, v14;
	v15 =	vmul.u32 $0x11, v15;
	v16 =	vmul.u32 $0x11, v16  }
0x27d: {  	v17 =	vmul.u32 $0x11, v17;
	v6 =	vmul.u32 $0x11, v10;
	v8 =	vadd.s32 v8, v5;
	[tilespmem:v11+s1+$0x0] =	vst.idx.add.f32.msk $0xffff, v2  }
0x27e: {  	v5 =	vmul.u32 $0x11, v9;
	v8 =	vshll.u32 v8, $0x4;
	v9 =	vadd.s32 v7, v14;
	v11 =	vld [tilespmem:s8+$0x8430]  }
0x27f: {  	v10 =	vld [tilespmem:s8+$0x8450];
	v7 =	vor.u32 v1, v8;
	v8 =	vshll.u32 v9, $0x4;
	v9 =	vadd.s32 v12, v15  }
0x280: {  	[tilespmem:v18+s1+$0x0] =	vst.idx.add.f32.msk $0xffff, v2;
	v12 =	vadd.s32 v13, v16;
	v8 =	vor.u32 v1, v8;
	v9 =	vshll.u32 v9, $0x4  }
0x281: {  	s8 =	simm.s32 $0x8;
	v13 =	vadd.s32 v20, v17;
	[tilespmem:v19+s1+$0x0] =	vst.idx.add.f32.msk $0xffff, v2;
	v12 =	vshll.u32 v12, $0x4;
	v9 =	vor.u32 v1, v9  }
.LBB2_18:
0x282: {  	s8 =	sadd.s32 $0x8, s8;
	v12 =	vor.u32 v1, v12;
	v13 =	vshll.u32 v13, $0x4;
	s7 =	sadd.s32 $0x2000, s7;
	[tilespmem:v4+s1+$0x0] =	vst.idx.add.f32.msk $0xffff, v2  }
0x283: {  	s9 =	sand.u32 $0x2000, s7;
	s10 =	sshll.u32 s8, $0x5;
	p0 =	slt.u32 s8, $0x3F8;
	v14 =	vor.u32 v1, v13;
	v4 =	vadd.s32 v11, v6;
	[tilespmem:v3+s1+$0x0] =	vst.idx.add.f32.msk $0xffff, v2  }
0x284: {  	s11 =	sshll.u32 s8, $0x3;
	s10 =	sand.u32 $0x7000, s10;
	s9 =	sshrl.u32 s9, $0x2;
	[tilespmem:v7+s1+$0x0] =	vst.idx.add.f32.msk $0xffff, v2;
	v3 =	vshll.u32 v4, $0x4;
	v5 =	vadd.s32 v10, v5  }
0x285: {  	s11 =	sand.u32 $0x380, s11;
	s9 =	sor.u32 s9, s10;
	[tilespmem:v8+s1+$0x0] =	vst.idx.add.f32.msk $0xffff, v2;
	v4 =	vor.u32 v1, v3;
	v3 =	vshll.u32 v5, $0x4  }
0x286: {  	s9 =	sor.u32 s11, s9;
	[tilespmem:v9+s1+$0x0] =	vst.idx.add.f32.msk $0xffff, v2;
	v3 =	vor.u32 v1, v3  }
0x287: {  	v5 =	vld [tilespmem:s9+$0x8460]  }
0x288: {  	v6 =	vld [tilespmem:s9+$0x8000]  }
0x289: {  	v7 =	vld [tilespmem:s9+$0x8470]  }
0x28a: {  	v8 =	vld [tilespmem:s9+$0x8020]  }
0x28b: {  	v9 =	vld [tilespmem:s9+$0x8040]  }
0x28c: {  	v10 =	vld [tilespmem:s9+$0x8060];
	v5 =	vmul.u32 $0x11, v5  }
0x28d: {  	v11 =	vmul.u32 $0x11, v6;
	v6 =	vld [tilespmem:s9+$0x8400]  }
0x28e: {  	v13 =	vld [tilespmem:s9+$0x8420];
	v5 =	vadd.s32 v7, v5  }
0x28f: {  	v7 =	vmul.u32 $0x11, v8;
	v8 =	vld [tilespmem:s9+$0x8440];
	v5 =	vshll.u32 v5, $0x4  }
0x290: {  	v15 =	vld [tilespmem:s9+$0x8010];
	v9 =	vmul.u32 $0x11, v9;
	v16 =	vor.u32 v1, v5  }
0x291: {  	v17 =	vld [tilespmem:s9+$0x8030];
	v18 =	vmul.u32 $0x11, v10  }
0x292: {  	v10 =	vld [tilespmem:s9+$0x8050];
	v19 =	vmul.u32 $0x11, v6  }
0x293: {  	v20 =	vld [tilespmem:s9+$0x8070];
	v6 =	vmul.u32 $0x11, v13  }
0x294: {  	v13 =	vld [tilespmem:s9+$0x8410];
	v5 =	vmul.u32 $0x11, v8  }
.Ltmp8:
0x295: {  	v8 =	vadd.s32 v15, v11;
	[tilespmem:v16+s1+$0x0] =	vst.idx.add.f32.msk $0xffff, v2;
	(pc) =	sbr.rel @p0 .LBB2_18-.Ltmp8, $4  }
0x296: {  	v8 =	vshll.u32 v8, $0x4;
	v15 =	vadd.s32 v17, v7;
	v11 =	vld [tilespmem:s9+$0x8430]  }
0x297: {  	v7 =	vor.u32 v1, v8;
	v8 =	vshll.u32 v15, $0x4;
	v9 =	vadd.s32 v10, v9;
	v10 =	vld [tilespmem:s9+$0x8450]  }
0x298: {  	v8 =	vor.u32 v1, v8;
	v9 =	vshll.u32 v9, $0x4;
	v15 =	vadd.s32 v20, v18;
	[tilespmem:v12+s1+$0x0] =	vst.idx.add.f32.msk $0xffff, v2  }
0x299: {  	v9 =	vor.u32 v1, v9;
	v12 =	vshll.u32 v15, $0x4;
	v13 =	vadd.s32 v13, v19;
	[tilespmem:v14+s1+$0x0] =	vst.idx.add.f32.msk $0xffff, v2  }
0x29a: {  	_ =	sdelay $0x3  }
0x29b: {  	v12 =	vor.u32 v1, v12;
	v13 =	vshll.u32 v13, $0x4;
	[tilespmem:v4+s1+$0x0] =	vst.idx.add.f32.msk $0xffff, v2;
	v61 =	vadd.s32 v11, v6  }
0x29c: {  	[tilespmem:v3+s1+$0x0] =	vst.idx.add.f32.msk $0xffff, v2;
	v62 =	vor.u32 v1, v13;
	v3 =	vshll.u32 v61, $0x4;
	v63 =	vadd.s32 v10, v5  }
0x29d: {  	[tilespmem:v7+s1+$0x0] =	vst.idx.add.f32.msk $0xffff, v2;
	v3 =	vor.u32 v1, v3;
	v4 =	vshll.u32 v63, $0x4  }
0x29e: {  	[tilespmem:v8+s1+$0x0] =	vst.idx.add.f32.msk $0xffff, v2;
	v4 =	vor.u32 v1, v4  }
0x29f: {  	[tilespmem:v9+s1+$0x0] =	vst.idx.add.f32.msk $0xffff, v2  }
0x2a0: {  	[tilespmem:v12+s1+$0x0] =	vst.idx.add.f32.msk $0xffff, v2  }
0x2a1: {  	[tilespmem:v62+s1+$0x0] =	vst.idx.add.f32.msk $0xffff, v2  }
0x2a2: {  	[tilespmem:v3+s1+$0x0] =	vst.idx.add.f32.msk $0xffff, v2  }
0x2a3: {  	[tilespmem:v4+s1+$0x0] =	vst.idx.add.f32.msk $0xffff, v2  }
0x2a4: {  	[hbm4b:s28+s3] =	stream.strided.scatter [tilespmem:s1], [sflag:$0x3], $0x1280, s4, s3, $0x38;
	[tilespmem:$0x11280] =	vst v63  }
0x2a5: {  	_ =	swait.ge [sflag:s5], $0x1280  }
0x2a6: {  	[sflag:s5] =	ssyncset.done $0x0  }
0x2a7: {  	s7 =	rddreg [dreg:$0xc];
	[sflag:s5] =	ssyncadd.s32 $0xFFFFED80  }
0x2a8: {  	[tilespmem:s25], [sflag:$0x2] =	stream.linear.gather [hbm4b:s7+s26], $0x8000, $0x38;
	[tilespmem:$0x11280] =	vst v63  }
0x2a9: {  	s7 =	simm.s32 $0x10020  }
0x2aa: {  	[tilespmem:s7+$0xFFFFFFE0] =	vst v0  }
0x2ab: {  	[tilespmem:s7+$0x10] =	vst v0  }
0x2ac: {  	s8 =	simm.s32 $0x0;
	[tilespmem:s7+$0x0] =	vst v0  }
.LBB2_20:
0x2ad: {  	s8 =	sadd.s32 $0x4, s8  }
0x2ae: {  	[tilespmem:s7+$0xFFFFFFF0] =	vst v0;
	s7 =	sadd.s32 $0x40, s7;
	p0 =	slt.u32 s8, $0x11C  }
.Ltmp9:
0x2af: {  	[tilespmem:s7+$0xFFFFFFE0] =	vst v0;
	(pc) =	sbr.rel @p0 .LBB2_20-.Ltmp9, $3  }
0x2b0: {  	_ =	sdelay $0x1  }
0x2b1: {  	[tilespmem:s7+$0x10] =	vst v0  }
0x2b2: {  	[tilespmem:s7+$0x0] =	vst v0  }
0x2b3: {  	[tilespmem:s7+$0xFFFFFFF0] =	vst v0;
	s10 =	simm.s32 $0x0  }
0x2b4: {  	s8 =	simm.s32 $0x0;
	s9 =	simm.s32 $0x0;
	[tilespmem:$0x11200] =	vst v0;
	s7 =	sand.u32 $0x2000, s10  }
0x2b5: {  	s8 =	sand.u32 $0x7000, s8;
	_ =	swait.ge [sflag:s0], $0x8000;
	s7 =	sshrl.u32 s7, $0x2  }
0x2b6: {  	s9 =	sand.u32 $0x380, s9;
	[sflag:s0] =	ssyncset.done $0x0;
	s7 =	sor.u32 s7, s8  }
0x2b7: {  	[sflag:s0] =	ssyncadd.s32 $0xFFFF8000;
	s8 =	sor.u32 s9, s7  }
0x2b8: {  	v3 =	vld [tilespmem:s8+$0x460]  }
0x2b9: {  	v4 =	vld [tilespmem:s8+$0x0]  }
0x2ba: {  	v5 =	vld [tilespmem:s8+$0x470]  }
0x2bb: {  	v6 =	vld [tilespmem:s8+$0x20]  }
0x2bc: {  	v7 =	vld [tilespmem:s8+$0x40]  }
0x2bd: {  	v8 =	vld [tilespmem:s8+$0x10];
	v3 =	vmul.u32 $0x11, v3  }
0x2be: {  	v9 =	vld [tilespmem:s8+$0x30]  }
0x2bf: {  	v3 =	vadd.s32 v5, v3;
	v5 =	vld [tilespmem:s8+$0x50]  }
0x2c0: {  	v10 =	vld [tilespmem:s8+$0x60];
	v4 =	vmul.u32 $0x11, v4;
	v3 =	vshll.u32 v3, $0x4  }
0x2c1: {  	v11 =	vld [tilespmem:s8+$0x400];
	v6 =	vmul.u32 $0x11, v6;
	v3 =	vor.u32 v1, v3  }
0x2c2: {  	v12 =	vld [tilespmem:s8+$0x420];
	v7 =	vmul.u32 $0x11, v7;
	v4 =	vadd.s32 v8, v4  }
0x2c3: {  	v13 =	vld [tilespmem:s8+$0x450];
	v6 =	vadd.s32 v9, v6;
	v4 =	vshll.u32 v4, $0x4  }
0x2c4: {  	v8 =	vld [tilespmem:s8+$0x440];
	v6 =	vshll.u32 v6, $0x4;
	v4 =	vor.u32 v1, v4;
	v5 =	vadd.s32 v5, v7  }
0x2c5: {  	v9 =	vld [tilespmem:s8+$0x70];
	v6 =	vor.u32 v1, v6;
	v5 =	vshll.u32 v5, $0x4  }
0x2c6: {  	[tilespmem:v3+s1+$0x0] =	vst.idx.add.f32.msk $0xffff, v2;
	v3 =	vor.u32 v1, v5  }
0x2c7: {  	s7 =	simm.s32 $0x2000;
	v7 =	vld [tilespmem:s8+$0x410]  }
0x2c8: {  	s11 =	simm.s32 $0x100;
	v5 =	vld [tilespmem:s8+$0x430];
	s8 =	sand.u32 $0x2000, s7  }
0x2c9: {  	s10 =	simm.s32 $0x40;
	s9 =	sand.u32 $0x7000, s11;
	[tilespmem:v4+s1+$0x0] =	vst.idx.add.f32.msk $0xffff, v2;
	s8 =	sshrl.u32 s8, $0x2  }
0x2ca: {  	s10 =	sand.u32 $0x380, s10;
	[tilespmem:v6+s1+$0x0] =	vst.idx.add.f32.msk $0xffff, v2;
	s8 =	sor.u32 s8, s9  }
0x2cb: {  	s8 =	sor.u32 s10, s8;
	[tilespmem:v3+s1+$0x0] =	vst.idx.add.f32.msk $0xffff, v2  }
0x2cc: {  	v3 =	vld [tilespmem:s8+$0x460]  }
0x2cd: {  	v6 =	vld [tilespmem:s8+$0x0]  }
0x2ce: {  	v4 =	vld [tilespmem:s8+$0x470]  }
0x2cf: {  	v14 =	vld [tilespmem:s8+$0x20]  }
0x2d0: {  	v15 =	vld [tilespmem:s8+$0x40]  }
0x2d1: {  	v10 =	vmul.u32 $0x11, v10;
	v16 =	vld [tilespmem:s8+$0x60];
	v3 =	vmul.u32 $0x11, v3  }
0x2d2: {  	v11 =	vmul.u32 $0x11, v11;
	v17 =	vld [tilespmem:s8+$0x400]  }
0x2d3: {  	v12 =	vmul.u32 $0x11, v12;
	v9 =	vadd.s32 v9, v10;
	v10 =	vld [tilespmem:s8+$0x420];
	v3 =	vadd.s32 v4, v3  }
0x2d4: {  	v4 =	vmul.u32 $0x11, v8;
	v8 =	vshll.u32 v9, $0x4;
	v9 =	vld [tilespmem:s8+$0x440];
	v3 =	vshll.u32 v3, $0x4  }
0x2d5: {  	v7 =	vadd.s32 v7, v11;
	v18 =	vor.u32 v1, v8;
	v8 =	vld [tilespmem:s8+$0x10];
	v11 =	vor.u32 v1, v3  }
0x2d6: {  	v5 =	vadd.s32 v5, v12;
	v3 =	vshll.u32 v7, $0x4;
	v4 =	vadd.s32 v13, v4;
	v7 =	vld [tilespmem:s8+$0x30]  }
0x2d7: {  	v12 =	vld [tilespmem:s8+$0x50];
	v19 =	vor.u32 v1, v3;
	v3 =	vshll.u32 v5, $0x4;
	v5 =	vshll.u32 v4, $0x4  }
0x2d8: {  	v13 =	vld [tilespmem:s8+$0x70];
	v4 =	vor.u32 v1, v3;
	v3 =	vor.u32 v1, v5;
	v5 =	vmul.u32 $0x11, v6  }
0x2d9: {  	v20 =	vld [tilespmem:s8+$0x410];
	v14 =	vmul.u32 $0x11, v14;
	v15 =	vmul.u32 $0x11, v15;
	v16 =	vmul.u32 $0x11, v16  }
0x2da: {  	v17 =	vmul.u32 $0x11, v17;
	v6 =	vmul.u32 $0x11, v10;
	v8 =	vadd.s32 v8, v5;
	[tilespmem:v11+s1+$0x0] =	vst.idx.add.f32.msk $0xffff, v2  }
0x2db: {  	v5 =	vmul.u32 $0x11, v9;
	v8 =	vshll.u32 v8, $0x4;
	v9 =	vadd.s32 v7, v14;
	v11 =	vld [tilespmem:s8+$0x430]  }
0x2dc: {  	v10 =	vld [tilespmem:s8+$0x450];
	v7 =	vor.u32 v1, v8;
	v8 =	vshll.u32 v9, $0x4;
	v9 =	vadd.s32 v12, v15  }
0x2dd: {  	[tilespmem:v18+s1+$0x0] =	vst.idx.add.f32.msk $0xffff, v2;
	v12 =	vadd.s32 v13, v16;
	v8 =	vor.u32 v1, v8;
	v9 =	vshll.u32 v9, $0x4  }
0x2de: {  	s8 =	simm.s32 $0x8;
	v13 =	vadd.s32 v20, v17;
	[tilespmem:v19+s1+$0x0] =	vst.idx.add.f32.msk $0xffff, v2;
	v12 =	vshll.u32 v12, $0x4;
	v9 =	vor.u32 v1, v9  }
.LBB2_22:
0x2df: {  	s8 =	sadd.s32 $0x8, s8;
	v12 =	vor.u32 v1, v12;
	v13 =	vshll.u32 v13, $0x4;
	s7 =	sadd.s32 $0x2000, s7;
	[tilespmem:v4+s1+$0x0] =	vst.idx.add.f32.msk $0xffff, v2  }
0x2e0: {  	s9 =	sand.u32 $0x2000, s7;
	s10 =	sshll.u32 s8, $0x5;
	p0 =	slt.u32 s8, $0x3F8;
	v14 =	vor.u32 v1, v13;
	v4 =	vadd.s32 v11, v6;
	[tilespmem:v3+s1+$0x0] =	vst.idx.add.f32.msk $0xffff, v2  }
0x2e1: {  	s11 =	sshll.u32 s8, $0x3;
	s10 =	sand.u32 $0x7000, s10;
	s9 =	sshrl.u32 s9, $0x2;
	[tilespmem:v7+s1+$0x0] =	vst.idx.add.f32.msk $0xffff, v2;
	v3 =	vshll.u32 v4, $0x4;
	v5 =	vadd.s32 v10, v5  }
0x2e2: {  	s11 =	sand.u32 $0x380, s11;
	s9 =	sor.u32 s9, s10;
	[tilespmem:v8+s1+$0x0] =	vst.idx.add.f32.msk $0xffff, v2;
	v4 =	vor.u32 v1, v3;
	v3 =	vshll.u32 v5, $0x4  }
0x2e3: {  	s9 =	sor.u32 s11, s9;
	[tilespmem:v9+s1+$0x0] =	vst.idx.add.f32.msk $0xffff, v2;
	v3 =	vor.u32 v1, v3  }
0x2e4: {  	v5 =	vld [tilespmem:s9+$0x460]  }
0x2e5: {  	v6 =	vld [tilespmem:s9+$0x0]  }
0x2e6: {  	v7 =	vld [tilespmem:s9+$0x470]  }
0x2e7: {  	v8 =	vld [tilespmem:s9+$0x20]  }
0x2e8: {  	v9 =	vld [tilespmem:s9+$0x40]  }
0x2e9: {  	v10 =	vld [tilespmem:s9+$0x60];
	v5 =	vmul.u32 $0x11, v5  }
0x2ea: {  	v11 =	vmul.u32 $0x11, v6;
	v6 =	vld [tilespmem:s9+$0x400]  }
0x2eb: {  	v13 =	vld [tilespmem:s9+$0x420];
	v5 =	vadd.s32 v7, v5  }
0x2ec: {  	v7 =	vmul.u32 $0x11, v8;
	v8 =	vld [tilespmem:s9+$0x440];
	v5 =	vshll.u32 v5, $0x4  }
0x2ed: {  	v15 =	vld [tilespmem:s9+$0x10];
	v9 =	vmul.u32 $0x11, v9;
	v16 =	vor.u32 v1, v5  }
0x2ee: {  	v17 =	vld [tilespmem:s9+$0x30];
	v18 =	vmul.u32 $0x11, v10  }
0x2ef: {  	v10 =	vld [tilespmem:s9+$0x50];
	v19 =	vmul.u32 $0x11, v6  }
0x2f0: {  	v20 =	vld [tilespmem:s9+$0x70];
	v6 =	vmul.u32 $0x11, v13  }
0x2f1: {  	v13 =	vld [tilespmem:s9+$0x410];
	v5 =	vmul.u32 $0x11, v8  }
.Ltmp10:
0x2f2: {  	v8 =	vadd.s32 v15, v11;
	[tilespmem:v16+s1+$0x0] =	vst.idx.add.f32.msk $0xffff, v2;
	(pc) =	sbr.rel @p0 .LBB2_22-.Ltmp10, $4  }
0x2f3: {  	v8 =	vshll.u32 v8, $0x4;
	v15 =	vadd.s32 v17, v7;
	v11 =	vld [tilespmem:s9+$0x430]  }
0x2f4: {  	v7 =	vor.u32 v1, v8;
	v8 =	vshll.u32 v15, $0x4;
	v9 =	vadd.s32 v10, v9;
	v10 =	vld [tilespmem:s9+$0x450]  }
0x2f5: {  	v8 =	vor.u32 v1, v8;
	v9 =	vshll.u32 v9, $0x4;
	v15 =	vadd.s32 v20, v18;
	[tilespmem:v12+s1+$0x0] =	vst.idx.add.f32.msk $0xffff, v2  }
0x2f6: {  	v9 =	vor.u32 v1, v9;
	v12 =	vshll.u32 v15, $0x4;
	v13 =	vadd.s32 v13, v19;
	[tilespmem:v14+s1+$0x0] =	vst.idx.add.f32.msk $0xffff, v2  }
0x2f7: {  	_ =	sdelay $0x3  }
0x2f8: {  	v12 =	vor.u32 v1, v12;
	v13 =	vshll.u32 v13, $0x4;
	[tilespmem:v4+s1+$0x0] =	vst.idx.add.f32.msk $0xffff, v2;
	v4 =	vadd.s32 v11, v6  }
0x2f9: {  	[tilespmem:v3+s1+$0x0] =	vst.idx.add.f32.msk $0xffff, v2;
	v6 =	vor.u32 v1, v13;
	v3 =	vshll.u32 v4, $0x4;
	v4 =	vadd.s32 v10, v5  }
0x2fa: {  	[tilespmem:v7+s1+$0x0] =	vst.idx.add.f32.msk $0xffff, v2;
	v3 =	vor.u32 v1, v3;
	v4 =	vshll.u32 v4, $0x4  }
0x2fb: {  	[tilespmem:v8+s1+$0x0] =	vst.idx.add.f32.msk $0xffff, v2;
	v4 =	vor.u32 v1, v4  }
0x2fc: {  	[tilespmem:v9+s1+$0x0] =	vst.idx.add.f32.msk $0xffff, v2  }
0x2fd: {  	[tilespmem:v12+s1+$0x0] =	vst.idx.add.f32.msk $0xffff, v2  }
0x2fe: {  	[tilespmem:v6+s1+$0x0] =	vst.idx.add.f32.msk $0xffff, v2  }
0x2ff: {  	[tilespmem:v3+s1+$0x0] =	vst.idx.add.f32.msk $0xffff, v2  }
0x300: {  	[tilespmem:v4+s1+$0x0] =	vst.idx.add.f32.msk $0xffff, v2  }
0x301: {  	s7 =	simm.s32 $0x0;
	s8 =	rddreg [dreg:$0xd]  }
0x302: {  	[tilespmem:s7], [sflag:$0x1] =	stream.linear.gather [hbm4b:s8+s7], $0x8000, $0x38;
	[tilespmem:$0x11280] =	vst v63  }
0x303: {  	s10 =	simm.s32 $0x0;
	s9 =	simm.s32 $0x0;
	s7 =	sand.u32 $0x2000, s7  }
0x304: {  	s8 =	sand.u32 $0x7000, s10;
	_ =	swait.ge [sflag:s2], $0x8000;
	s7 =	sshrl.u32 s7, $0x2  }
0x305: {  	s9 =	sand.u32 $0x380, s9;
	[sflag:s2] =	ssyncset.done $0x0;
	s7 =	sor.u32 s7, s8  }
0x306: {  	[sflag:s2] =	ssyncadd.s32 $0xFFFF8000;
	s8 =	sor.u32 s9, s7  }
0x307: {  	v3 =	vld [tilespmem:s8+$0x8460]  }
0x308: {  	v4 =	vld [tilespmem:s8+$0x8000]  }
0x309: {  	v5 =	vld [tilespmem:s8+$0x8470]  }
0x30a: {  	v6 =	vld [tilespmem:s8+$0x8020]  }
0x30b: {  	v7 =	vld [tilespmem:s8+$0x8040]  }
0x30c: {  	v8 =	vld [tilespmem:s8+$0x8010];
	v3 =	vmul.u32 $0x11, v3  }
0x30d: {  	v9 =	vld [tilespmem:s8+$0x8030]  }
0x30e: {  	v3 =	vadd.s32 v5, v3;
	v5 =	vld [tilespmem:s8+$0x8050]  }
0x30f: {  	v10 =	vld [tilespmem:s8+$0x8060];
	v4 =	vmul.u32 $0x11, v4;
	v3 =	vshll.u32 v3, $0x4  }
0x310: {  	v11 =	vld [tilespmem:s8+$0x8400];
	v6 =	vmul.u32 $0x11, v6;
	v3 =	vor.u32 v1, v3  }
0x311: {  	v12 =	vld [tilespmem:s8+$0x8420];
	v7 =	vmul.u32 $0x11, v7;
	v4 =	vadd.s32 v8, v4  }
0x312: {  	v13 =	vld [tilespmem:s8+$0x8450];
	v6 =	vadd.s32 v9, v6;
	v4 =	vshll.u32 v4, $0x4  }
0x313: {  	v8 =	vld [tilespmem:s8+$0x8440];
	v6 =	vshll.u32 v6, $0x4;
	v4 =	vor.u32 v1, v4;
	v5 =	vadd.s32 v5, v7  }
0x314: {  	v9 =	vld [tilespmem:s8+$0x8070];
	v6 =	vor.u32 v1, v6;
	v5 =	vshll.u32 v5, $0x4  }
0x315: {  	[tilespmem:v3+s1+$0x0] =	vst.idx.add.f32.msk $0xffff, v2;
	v3 =	vor.u32 v1, v5  }
0x316: {  	s7 =	simm.s32 $0x2000;
	v7 =	vld [tilespmem:s8+$0x8410]  }
0x317: {  	s11 =	simm.s32 $0x100;
	v5 =	vld [tilespmem:s8+$0x8430];
	s8 =	sand.u32 $0x2000, s7  }
0x318: {  	s10 =	simm.s32 $0x40;
	s9 =	sand.u32 $0x7000, s11;
	[tilespmem:v4+s1+$0x0] =	vst.idx.add.f32.msk $0xffff, v2;
	s8 =	sshrl.u32 s8, $0x2  }
0x319: {  	s10 =	sand.u32 $0x380, s10;
	[tilespmem:v6+s1+$0x0] =	vst.idx.add.f32.msk $0xffff, v2;
	s8 =	sor.u32 s8, s9  }
0x31a: {  	s8 =	sor.u32 s10, s8;
	[tilespmem:v3+s1+$0x0] =	vst.idx.add.f32.msk $0xffff, v2  }
0x31b: {  	v3 =	vld [tilespmem:s8+$0x8460]  }
0x31c: {  	v6 =	vld [tilespmem:s8+$0x8000]  }
0x31d: {  	v4 =	vld [tilespmem:s8+$0x8470]  }
0x31e: {  	v14 =	vld [tilespmem:s8+$0x8020]  }
0x31f: {  	v15 =	vld [tilespmem:s8+$0x8040]  }
0x320: {  	v10 =	vmul.u32 $0x11, v10;
	v16 =	vld [tilespmem:s8+$0x8060];
	v3 =	vmul.u32 $0x11, v3  }
0x321: {  	v11 =	vmul.u32 $0x11, v11;
	v17 =	vld [tilespmem:s8+$0x8400]  }
0x322: {  	v12 =	vmul.u32 $0x11, v12;
	v9 =	vadd.s32 v9, v10;
	v10 =	vld [tilespmem:s8+$0x8420];
	v3 =	vadd.s32 v4, v3  }
0x323: {  	v4 =	vmul.u32 $0x11, v8;
	v8 =	vshll.u32 v9, $0x4;
	v9 =	vld [tilespmem:s8+$0x8440];
	v3 =	vshll.u32 v3, $0x4  }
0x324: {  	v7 =	vadd.s32 v7, v11;
	v18 =	vor.u32 v1, v8;
	v8 =	vld [tilespmem:s8+$0x8010];
	v11 =	vor.u32 v1, v3  }
0x325: {  	v5 =	vadd.s32 v5, v12;
	v3 =	vshll.u32 v7, $0x4;
	v4 =	vadd.s32 v13, v4;
	v7 =	vld [tilespmem:s8+$0x8030]  }
0x326: {  	v12 =	vld [tilespmem:s8+$0x8050];
	v19 =	vor.u32 v1, v3;
	v3 =	vshll.u32 v5, $0x4;
	v5 =	vshll.u32 v4, $0x4  }
0x327: {  	v13 =	vld [tilespmem:s8+$0x8070];
	v4 =	vor.u32 v1, v3;
	v3 =	vor.u32 v1, v5;
	v5 =	vmul.u32 $0x11, v6  }
0x328: {  	v20 =	vld [tilespmem:s8+$0x8410];
	v14 =	vmul.u32 $0x11, v14;
	v15 =	vmul.u32 $0x11, v15;
	v16 =	vmul.u32 $0x11, v16  }
0x329: {  	v17 =	vmul.u32 $0x11, v17;
	v6 =	vmul.u32 $0x11, v10;
	v8 =	vadd.s32 v8, v5;
	[tilespmem:v11+s1+$0x0] =	vst.idx.add.f32.msk $0xffff, v2  }
0x32a: {  	v5 =	vmul.u32 $0x11, v9;
	v8 =	vshll.u32 v8, $0x4;
	v9 =	vadd.s32 v7, v14;
	v11 =	vld [tilespmem:s8+$0x8430]  }
0x32b: {  	v10 =	vld [tilespmem:s8+$0x8450];
	v7 =	vor.u32 v1, v8;
	v8 =	vshll.u32 v9, $0x4;
	v9 =	vadd.s32 v12, v15  }
0x32c: {  	[tilespmem:v18+s1+$0x0] =	vst.idx.add.f32.msk $0xffff, v2;
	v12 =	vadd.s32 v13, v16;
	v8 =	vor.u32 v1, v8;
	v9 =	vshll.u32 v9, $0x4  }
0x32d: {  	s8 =	simm.s32 $0x8;
	v13 =	vadd.s32 v20, v17;
	[tilespmem:v19+s1+$0x0] =	vst.idx.add.f32.msk $0xffff, v2;
	v12 =	vshll.u32 v12, $0x4;
	v9 =	vor.u32 v1, v9  }
.LBB2_24:
0x32e: {  	s8 =	sadd.s32 $0x8, s8;
	v12 =	vor.u32 v1, v12;
	v13 =	vshll.u32 v13, $0x4;
	s7 =	sadd.s32 $0x2000, s7;
	[tilespmem:v4+s1+$0x0] =	vst.idx.add.f32.msk $0xffff, v2  }
0x32f: {  	s9 =	sand.u32 $0x2000, s7;
	s10 =	sshll.u32 s8, $0x5;
	p0 =	slt.u32 s8, $0x3F8;
	v14 =	vor.u32 v1, v13;
	v4 =	vadd.s32 v11, v6;
	[tilespmem:v3+s1+$0x0] =	vst.idx.add.f32.msk $0xffff, v2  }
0x330: {  	s11 =	sshll.u32 s8, $0x3;
	s10 =	sand.u32 $0x7000, s10;
	s9 =	sshrl.u32 s9, $0x2;
	[tilespmem:v7+s1+$0x0] =	vst.idx.add.f32.msk $0xffff, v2;
	v3 =	vshll.u32 v4, $0x4;
	v5 =	vadd.s32 v10, v5  }
0x331: {  	s11 =	sand.u32 $0x380, s11;
	s9 =	sor.u32 s9, s10;
	[tilespmem:v8+s1+$0x0] =	vst.idx.add.f32.msk $0xffff, v2;
	v4 =	vor.u32 v1, v3;
	v3 =	vshll.u32 v5, $0x4  }
0x332: {  	s9 =	sor.u32 s11, s9;
	[tilespmem:v9+s1+$0x0] =	vst.idx.add.f32.msk $0xffff, v2;
	v3 =	vor.u32 v1, v3  }
0x333: {  	v5 =	vld [tilespmem:s9+$0x8460]  }
0x334: {  	v6 =	vld [tilespmem:s9+$0x8000]  }
0x335: {  	v7 =	vld [tilespmem:s9+$0x8470]  }
0x336: {  	v8 =	vld [tilespmem:s9+$0x8020]  }
0x337: {  	v9 =	vld [tilespmem:s9+$0x8040]  }
0x338: {  	v10 =	vld [tilespmem:s9+$0x8060];
	v5 =	vmul.u32 $0x11, v5  }
0x339: {  	v11 =	vmul.u32 $0x11, v6;
	v6 =	vld [tilespmem:s9+$0x8400]  }
0x33a: {  	v13 =	vld [tilespmem:s9+$0x8420];
	v5 =	vadd.s32 v7, v5  }
0x33b: {  	v7 =	vmul.u32 $0x11, v8;
	v8 =	vld [tilespmem:s9+$0x8440];
	v5 =	vshll.u32 v5, $0x4  }
0x33c: {  	v15 =	vld [tilespmem:s9+$0x8010];
	v9 =	vmul.u32 $0x11, v9;
	v16 =	vor.u32 v1, v5  }
0x33d: {  	v17 =	vld [tilespmem:s9+$0x8030];
	v18 =	vmul.u32 $0x11, v10  }
0x33e: {  	v10 =	vld [tilespmem:s9+$0x8050];
	v19 =	vmul.u32 $0x11, v6  }
0x33f: {  	v20 =	vld [tilespmem:s9+$0x8070];
	v6 =	vmul.u32 $0x11, v13  }
0x340: {  	v13 =	vld [tilespmem:s9+$0x8410];
	v5 =	vmul.u32 $0x11, v8  }
.Ltmp11:
0x341: {  	v8 =	vadd.s32 v15, v11;
	[tilespmem:v16+s1+$0x0] =	vst.idx.add.f32.msk $0xffff, v2;
	(pc) =	sbr.rel @p0 .LBB2_24-.Ltmp11, $4  }
0x342: {  	v8 =	vshll.u32 v8, $0x4;
	v15 =	vadd.s32 v17, v7;
	v11 =	vld [tilespmem:s9+$0x8430]  }
0x343: {  	v7 =	vor.u32 v1, v8;
	v8 =	vshll.u32 v15, $0x4;
	v9 =	vadd.s32 v10, v9;
	v10 =	vld [tilespmem:s9+$0x8450]  }
0x344: {  	v8 =	vor.u32 v1, v8;
	v9 =	vshll.u32 v9, $0x4;
	v15 =	vadd.s32 v20, v18;
	[tilespmem:v12+s1+$0x0] =	vst.idx.add.f32.msk $0xffff, v2  }
0x345: {  	v9 =	vor.u32 v1, v9;
	v12 =	vshll.u32 v15, $0x4;
	v13 =	vadd.s32 v13, v19;
	[tilespmem:v14+s1+$0x0] =	vst.idx.add.f32.msk $0xffff, v2  }
0x346: {  	_ =	sdelay $0x3  }
0x347: {  	v12 =	vor.u32 v1, v12;
	v13 =	vshll.u32 v13, $0x4;
	[tilespmem:v4+s1+$0x0] =	vst.idx.add.f32.msk $0xffff, v2;
	v4 =	vadd.s32 v11, v6  }
0x348: {  	[tilespmem:v3+s1+$0x0] =	vst.idx.add.f32.msk $0xffff, v2;
	v6 =	vor.u32 v1, v13;
	v3 =	vshll.u32 v4, $0x4;
	v4 =	vadd.s32 v10, v5  }
0x349: {  	[tilespmem:v7+s1+$0x0] =	vst.idx.add.f32.msk $0xffff, v2;
	v3 =	vor.u32 v1, v3;
	v4 =	vshll.u32 v4, $0x4  }
0x34a: {  	[tilespmem:v8+s1+$0x0] =	vst.idx.add.f32.msk $0xffff, v2;
	v4 =	vor.u32 v1, v4  }
0x34b: {  	[tilespmem:v9+s1+$0x0] =	vst.idx.add.f32.msk $0xffff, v2  }
0x34c: {  	[tilespmem:v12+s1+$0x0] =	vst.idx.add.f32.msk $0xffff, v2  }
0x34d: {  	[tilespmem:v6+s1+$0x0] =	vst.idx.add.f32.msk $0xffff, v2  }
0x34e: {  	[tilespmem:v3+s1+$0x0] =	vst.idx.add.f32.msk $0xffff, v2  }
0x34f: {  	s7 =	simm.s32 $0x0;
	[tilespmem:v4+s1+$0x0] =	vst.idx.add.f32.msk $0xffff, v2  }
0x350: {  	[tilespmem:s25], [sflag:$0x2] =	stream.linear.gather [hbm4b:s12+s7], $0x8000, $0x38;
	[tilespmem:$0x11280] =	vst v63  }
0x351: {  	s8 =	simm.s32 $0x0;
	s9 =	simm.s32 $0x0;
	s7 =	sand.u32 $0x2000, s7  }
0x352: {  	s8 =	sand.u32 $0x7000, s8;
	_ =	swait.ge [sflag:s0], $0x8000;
	s7 =	sshrl.u32 s7, $0x2  }
0x353: {  	s9 =	sand.u32 $0x380, s9;
	[sflag:s0] =	ssyncset.done $0x0;
	s7 =	sor.u32 s7, s8  }
0x354: {  	[sflag:s0] =	ssyncadd.s32 $0xFFFF8000;
	s8 =	sor.u32 s9, s7  }
0x355: {  	v3 =	vld [tilespmem:s8+$0x460]  }
0x356: {  	v4 =	vld [tilespmem:s8+$0x0]  }
0x357: {  	v5 =	vld [tilespmem:s8+$0x470]  }
0x358: {  	v6 =	vld [tilespmem:s8+$0x20]  }
0x359: {  	v7 =	vld [tilespmem:s8+$0x40]  }
0x35a: {  	v8 =	vld [tilespmem:s8+$0x10];
	v3 =	vmul.u32 $0x11, v3  }
0x35b: {  	v9 =	vld [tilespmem:s8+$0x30]  }
0x35c: {  	v3 =	vadd.s32 v5, v3;
	v5 =	vld [tilespmem:s8+$0x50]  }
0x35d: {  	v10 =	vld [tilespmem:s8+$0x60];
	v4 =	vmul.u32 $0x11, v4;
	v3 =	vshll.u32 v3, $0x4  }
0x35e: {  	v11 =	vld [tilespmem:s8+$0x400];
	v6 =	vmul.u32 $0x11, v6;
	v3 =	vor.u32 v1, v3  }
0x35f: {  	v12 =	vld [tilespmem:s8+$0x420];
	v7 =	vmul.u32 $0x11, v7;
	v4 =	vadd.s32 v8, v4  }
0x360: {  	v13 =	vld [tilespmem:s8+$0x450];
	v6 =	vadd.s32 v9, v6;
	v4 =	vshll.u32 v4, $0x4  }
0x361: {  	v8 =	vld [tilespmem:s8+$0x440];
	v6 =	vshll.u32 v6, $0x4;
	v4 =	vor.u32 v1, v4;
	v5 =	vadd.s32 v5, v7  }
0x362: {  	v9 =	vld [tilespmem:s8+$0x70];
	v6 =	vor.u32 v1, v6;
	v5 =	vshll.u32 v5, $0x4  }
0x363: {  	[tilespmem:v3+s1+$0x0] =	vst.idx.add.f32.msk $0xffff, v2;
	v3 =	vor.u32 v1, v5  }
0x364: {  	s7 =	simm.s32 $0x2000;
	v7 =	vld [tilespmem:s8+$0x410]  }
0x365: {  	s11 =	simm.s32 $0x100;
	v5 =	vld [tilespmem:s8+$0x430];
	s8 =	sand.u32 $0x2000, s7  }
0x366: {  	s10 =	simm.s32 $0x40;
	s9 =	sand.u32 $0x7000, s11;
	[tilespmem:v4+s1+$0x0] =	vst.idx.add.f32.msk $0xffff, v2;
	s8 =	sshrl.u32 s8, $0x2  }
0x367: {  	s10 =	sand.u32 $0x380, s10;
	[tilespmem:v6+s1+$0x0] =	vst.idx.add.f32.msk $0xffff, v2;
	s8 =	sor.u32 s8, s9  }
0x368: {  	s8 =	sor.u32 s10, s8;
	[tilespmem:v3+s1+$0x0] =	vst.idx.add.f32.msk $0xffff, v2  }
0x369: {  	v3 =	vld [tilespmem:s8+$0x460]  }
0x36a: {  	v6 =	vld [tilespmem:s8+$0x0]  }
0x36b: {  	v4 =	vld [tilespmem:s8+$0x470]  }
0x36c: {  	v14 =	vld [tilespmem:s8+$0x20]  }
0x36d: {  	v15 =	vld [tilespmem:s8+$0x40]  }
0x36e: {  	v10 =	vmul.u32 $0x11, v10;
	v16 =	vld [tilespmem:s8+$0x60];
	v3 =	vmul.u32 $0x11, v3  }
0x36f: {  	v11 =	vmul.u32 $0x11, v11;
	v17 =	vld [tilespmem:s8+$0x400]  }
0x370: {  	v12 =	vmul.u32 $0x11, v12;
	v9 =	vadd.s32 v9, v10;
	v10 =	vld [tilespmem:s8+$0x420];
	v3 =	vadd.s32 v4, v3  }
0x371: {  	v4 =	vmul.u32 $0x11, v8;
	v8 =	vshll.u32 v9, $0x4;
	v9 =	vld [tilespmem:s8+$0x440];
	v3 =	vshll.u32 v3, $0x4  }
0x372: {  	v7 =	vadd.s32 v7, v11;
	v18 =	vor.u32 v1, v8;
	v8 =	vld [tilespmem:s8+$0x10];
	v11 =	vor.u32 v1, v3  }
0x373: {  	v5 =	vadd.s32 v5, v12;
	v3 =	vshll.u32 v7, $0x4;
	v4 =	vadd.s32 v13, v4;
	v7 =	vld [tilespmem:s8+$0x30]  }
0x374: {  	v12 =	vld [tilespmem:s8+$0x50];
	v19 =	vor.u32 v1, v3;
	v3 =	vshll.u32 v5, $0x4;
	v5 =	vshll.u32 v4, $0x4  }
0x375: {  	v13 =	vld [tilespmem:s8+$0x70];
	v4 =	vor.u32 v1, v3;
	v3 =	vor.u32 v1, v5;
	v5 =	vmul.u32 $0x11, v6  }
0x376: {  	v20 =	vld [tilespmem:s8+$0x410];
	v14 =	vmul.u32 $0x11, v14;
	v15 =	vmul.u32 $0x11, v15;
	v16 =	vmul.u32 $0x11, v16  }
0x377: {  	v17 =	vmul.u32 $0x11, v17;
	v6 =	vmul.u32 $0x11, v10;
	v8 =	vadd.s32 v8, v5;
	[tilespmem:v11+s1+$0x0] =	vst.idx.add.f32.msk $0xffff, v2  }
0x378: {  	v5 =	vmul.u32 $0x11, v9;
	v8 =	vshll.u32 v8, $0x4;
	v9 =	vadd.s32 v7, v14;
	v11 =	vld [tilespmem:s8+$0x430]  }
0x379: {  	v10 =	vld [tilespmem:s8+$0x450];
	v7 =	vor.u32 v1, v8;
	v8 =	vshll.u32 v9, $0x4;
	v9 =	vadd.s32 v12, v15  }
0x37a: {  	[tilespmem:v18+s1+$0x0] =	vst.idx.add.f32.msk $0xffff, v2;
	v12 =	vadd.s32 v13, v16;
	v8 =	vor.u32 v1, v8;
	v9 =	vshll.u32 v9, $0x4  }
0x37b: {  	s8 =	simm.s32 $0x8;
	v13 =	vadd.s32 v20, v17;
	[tilespmem:v19+s1+$0x0] =	vst.idx.add.f32.msk $0xffff, v2;
	v12 =	vshll.u32 v12, $0x4;
	v9 =	vor.u32 v1, v9  }
.LBB2_26:
0x37c: {  	s8 =	sadd.s32 $0x8, s8;
	v12 =	vor.u32 v1, v12;
	v13 =	vshll.u32 v13, $0x4;
	s7 =	sadd.s32 $0x2000, s7;
	[tilespmem:v4+s1+$0x0] =	vst.idx.add.f32.msk $0xffff, v2  }
0x37d: {  	s9 =	sand.u32 $0x2000, s7;
	s10 =	sshll.u32 s8, $0x5;
	p0 =	slt.u32 s8, $0x3F8;
	v14 =	vor.u32 v1, v13;
	v4 =	vadd.s32 v11, v6;
	[tilespmem:v3+s1+$0x0] =	vst.idx.add.f32.msk $0xffff, v2  }
0x37e: {  	s11 =	sshll.u32 s8, $0x3;
	s10 =	sand.u32 $0x7000, s10;
	s9 =	sshrl.u32 s9, $0x2;
	[tilespmem:v7+s1+$0x0] =	vst.idx.add.f32.msk $0xffff, v2;
	v3 =	vshll.u32 v4, $0x4;
	v5 =	vadd.s32 v10, v5  }
0x37f: {  	s11 =	sand.u32 $0x380, s11;
	s9 =	sor.u32 s9, s10;
	[tilespmem:v8+s1+$0x0] =	vst.idx.add.f32.msk $0xffff, v2;
	v4 =	vor.u32 v1, v3;
	v3 =	vshll.u32 v5, $0x4  }
0x380: {  	s9 =	sor.u32 s11, s9;
	[tilespmem:v9+s1+$0x0] =	vst.idx.add.f32.msk $0xffff, v2;
	v3 =	vor.u32 v1, v3  }
0x381: {  	v5 =	vld [tilespmem:s9+$0x460]  }
0x382: {  	v6 =	vld [tilespmem:s9+$0x0]  }
0x383: {  	v7 =	vld [tilespmem:s9+$0x470]  }
0x384: {  	v8 =	vld [tilespmem:s9+$0x20]  }
0x385: {  	v9 =	vld [tilespmem:s9+$0x40]  }
0x386: {  	v10 =	vld [tilespmem:s9+$0x60];
	v5 =	vmul.u32 $0x11, v5  }
0x387: {  	v11 =	vmul.u32 $0x11, v6;
	v6 =	vld [tilespmem:s9+$0x400]  }
0x388: {  	v13 =	vld [tilespmem:s9+$0x420];
	v5 =	vadd.s32 v7, v5  }
0x389: {  	v7 =	vmul.u32 $0x11, v8;
	v8 =	vld [tilespmem:s9+$0x440];
	v5 =	vshll.u32 v5, $0x4  }
0x38a: {  	v15 =	vld [tilespmem:s9+$0x10];
	v9 =	vmul.u32 $0x11, v9;
	v16 =	vor.u32 v1, v5  }
0x38b: {  	v17 =	vld [tilespmem:s9+$0x30];
	v18 =	vmul.u32 $0x11, v10  }
0x38c: {  	v10 =	vld [tilespmem:s9+$0x50];
	v19 =	vmul.u32 $0x11, v6  }
0x38d: {  	v20 =	vld [tilespmem:s9+$0x70];
	v6 =	vmul.u32 $0x11, v13  }
0x38e: {  	v13 =	vld [tilespmem:s9+$0x410];
	v5 =	vmul.u32 $0x11, v8  }
.Ltmp12:
0x38f: {  	v8 =	vadd.s32 v15, v11;
	[tilespmem:v16+s1+$0x0] =	vst.idx.add.f32.msk $0xffff, v2;
	(pc) =	sbr.rel @p0 .LBB2_26-.Ltmp12, $4  }
0x390: {  	v8 =	vshll.u32 v8, $0x4;
	v15 =	vadd.s32 v17, v7;
	v11 =	vld [tilespmem:s9+$0x430]  }
0x391: {  	v7 =	vor.u32 v1, v8;
	v8 =	vshll.u32 v15, $0x4;
	v9 =	vadd.s32 v10, v9;
	v10 =	vld [tilespmem:s9+$0x450]  }
0x392: {  	v8 =	vor.u32 v1, v8;
	v9 =	vshll.u32 v9, $0x4;
	v15 =	vadd.s32 v20, v18;
	[tilespmem:v12+s1+$0x0] =	vst.idx.add.f32.msk $0xffff, v2  }
0x393: {  	v9 =	vor.u32 v1, v9;
	v12 =	vshll.u32 v15, $0x4;
	v13 =	vadd.s32 v13, v19;
	[tilespmem:v14+s1+$0x0] =	vst.idx.add.f32.msk $0xffff, v2  }
0x394: {  	_ =	sdelay $0x3  }
0x395: {  	v12 =	vor.u32 v1, v12;
	v13 =	vshll.u32 v13, $0x4;
	[tilespmem:v4+s1+$0x0] =	vst.idx.add.f32.msk $0xffff, v2;
	v4 =	vadd.s32 v11, v6  }
0x396: {  	[tilespmem:v3+s1+$0x0] =	vst.idx.add.f32.msk $0xffff, v2;
	v6 =	vor.u32 v1, v13;
	v3 =	vshll.u32 v4, $0x4;
	v4 =	vadd.s32 v10, v5  }
0x397: {  	[tilespmem:v7+s1+$0x0] =	vst.idx.add.f32.msk $0xffff, v2;
	v3 =	vor.u32 v1, v3;
	v4 =	vshll.u32 v4, $0x4  }
0x398: {  	[tilespmem:v8+s1+$0x0] =	vst.idx.add.f32.msk $0xffff, v2;
	v4 =	vor.u32 v1, v4  }
0x399: {  	[tilespmem:v9+s1+$0x0] =	vst.idx.add.f32.msk $0xffff, v2  }
0x39a: {  	[tilespmem:v12+s1+$0x0] =	vst.idx.add.f32.msk $0xffff, v2  }
0x39b: {  	[tilespmem:v6+s1+$0x0] =	vst.idx.add.f32.msk $0xffff, v2  }
0x39c: {  	[tilespmem:v3+s1+$0x0] =	vst.idx.add.f32.msk $0xffff, v2  }
0x39d: {  	s7 =	simm.s32 $0x0;
	[tilespmem:v4+s1+$0x0] =	vst.idx.add.f32.msk $0xffff, v2  }
0x39e: {  	[tilespmem:s7], [sflag:$0x1] =	stream.linear.gather [hbm4b:s13+s7], $0x8000, $0x38;
	[tilespmem:$0x11280] =	vst v63  }
0x39f: {  	s8 =	simm.s32 $0x0;
	s9 =	simm.s32 $0x0;
	s7 =	sand.u32 $0x2000, s7  }
0x3a0: {  	s8 =	sand.u32 $0x7000, s8;
	_ =	swait.ge [sflag:s2], $0x8000;
	s7 =	sshrl.u32 s7, $0x2  }
0x3a1: {  	s9 =	sand.u32 $0x380, s9;
	[sflag:s2] =	ssyncset.done $0x0;
	s7 =	sor.u32 s7, s8  }
0x3a2: {  	[sflag:s2] =	ssyncadd.s32 $0xFFFF8000;
	s8 =	sor.u32 s9, s7  }
0x3a3: {  	v3 =	vld [tilespmem:s8+$0x8460]  }
0x3a4: {  	v4 =	vld [tilespmem:s8+$0x8000]  }
0x3a5: {  	v5 =	vld [tilespmem:s8+$0x8470]  }
0x3a6: {  	v6 =	vld [tilespmem:s8+$0x8020]  }
0x3a7: {  	v7 =	vld [tilespmem:s8+$0x8040]  }
0x3a8: {  	v8 =	vld [tilespmem:s8+$0x8010];
	v3 =	vmul.u32 $0x11, v3  }
0x3a9: {  	v9 =	vld [tilespmem:s8+$0x8030]  }
0x3aa: {  	v3 =	vadd.s32 v5, v3;
	v5 =	vld [tilespmem:s8+$0x8050]  }
0x3ab: {  	v10 =	vld [tilespmem:s8+$0x8060];
	v4 =	vmul.u32 $0x11, v4;
	v3 =	vshll.u32 v3, $0x4  }
0x3ac: {  	v11 =	vld [tilespmem:s8+$0x8400];
	v6 =	vmul.u32 $0x11, v6;
	v3 =	vor.u32 v1, v3  }
0x3ad: {  	v12 =	vld [tilespmem:s8+$0x8420];
	v7 =	vmul.u32 $0x11, v7;
	v4 =	vadd.s32 v8, v4  }
0x3ae: {  	v13 =	vld [tilespmem:s8+$0x8450];
	v6 =	vadd.s32 v9, v6;
	v4 =	vshll.u32 v4, $0x4  }
0x3af: {  	v8 =	vld [tilespmem:s8+$0x8440];
	v6 =	vshll.u32 v6, $0x4;
	v4 =	vor.u32 v1, v4;
	v5 =	vadd.s32 v5, v7  }
0x3b0: {  	v9 =	vld [tilespmem:s8+$0x8070];
	v6 =	vor.u32 v1, v6;
	v5 =	vshll.u32 v5, $0x4  }
0x3b1: {  	[tilespmem:v3+s1+$0x0] =	vst.idx.add.f32.msk $0xffff, v2;
	v3 =	vor.u32 v1, v5  }
0x3b2: {  	s7 =	simm.s32 $0x2000;
	v7 =	vld [tilespmem:s8+$0x8410]  }
0x3b3: {  	s11 =	simm.s32 $0x100;
	v5 =	vld [tilespmem:s8+$0x8430];
	s8 =	sand.u32 $0x2000, s7  }
0x3b4: {  	s10 =	simm.s32 $0x40;
	s9 =	sand.u32 $0x7000, s11;
	[tilespmem:v4+s1+$0x0] =	vst.idx.add.f32.msk $0xffff, v2;
	s8 =	sshrl.u32 s8, $0x2  }
0x3b5: {  	s10 =	sand.u32 $0x380, s10;
	[tilespmem:v6+s1+$0x0] =	vst.idx.add.f32.msk $0xffff, v2;
	s8 =	sor.u32 s8, s9  }
0x3b6: {  	s8 =	sor.u32 s10, s8;
	[tilespmem:v3+s1+$0x0] =	vst.idx.add.f32.msk $0xffff, v2  }
0x3b7: {  	v3 =	vld [tilespmem:s8+$0x8460]  }
0x3b8: {  	v6 =	vld [tilespmem:s8+$0x8000]  }
0x3b9: {  	v4 =	vld [tilespmem:s8+$0x8470]  }
0x3ba: {  	v14 =	vld [tilespmem:s8+$0x8020]  }
0x3bb: {  	v15 =	vld [tilespmem:s8+$0x8040]  }
0x3bc: {  	v10 =	vmul.u32 $0x11, v10;
	v16 =	vld [tilespmem:s8+$0x8060];
	v3 =	vmul.u32 $0x11, v3  }
0x3bd: {  	v11 =	vmul.u32 $0x11, v11;
	v17 =	vld [tilespmem:s8+$0x8400]  }
0x3be: {  	v12 =	vmul.u32 $0x11, v12;
	v9 =	vadd.s32 v9, v10;
	v10 =	vld [tilespmem:s8+$0x8420];
	v3 =	vadd.s32 v4, v3  }
0x3bf: {  	v4 =	vmul.u32 $0x11, v8;
	v8 =	vshll.u32 v9, $0x4;
	v9 =	vld [tilespmem:s8+$0x8440];
	v3 =	vshll.u32 v3, $0x4  }
0x3c0: {  	v7 =	vadd.s32 v7, v11;
	v18 =	vor.u32 v1, v8;
	v8 =	vld [tilespmem:s8+$0x8010];
	v11 =	vor.u32 v1, v3  }
0x3c1: {  	v5 =	vadd.s32 v5, v12;
	v3 =	vshll.u32 v7, $0x4;
	v4 =	vadd.s32 v13, v4;
	v7 =	vld [tilespmem:s8+$0x8030]  }
0x3c2: {  	v12 =	vld [tilespmem:s8+$0x8050];
	v19 =	vor.u32 v1, v3;
	v3 =	vshll.u32 v5, $0x4;
	v5 =	vshll.u32 v4, $0x4  }
0x3c3: {  	v13 =	vld [tilespmem:s8+$0x8070];
	v4 =	vor.u32 v1, v3;
	v3 =	vor.u32 v1, v5;
	v5 =	vmul.u32 $0x11, v6  }
0x3c4: {  	v20 =	vld [tilespmem:s8+$0x8410];
	v14 =	vmul.u32 $0x11, v14;
	v15 =	vmul.u32 $0x11, v15;
	v16 =	vmul.u32 $0x11, v16  }
0x3c5: {  	v17 =	vmul.u32 $0x11, v17;
	v6 =	vmul.u32 $0x11, v10;
	v8 =	vadd.s32 v8, v5;
	[tilespmem:v11+s1+$0x0] =	vst.idx.add.f32.msk $0xffff, v2  }
0x3c6: {  	v5 =	vmul.u32 $0x11, v9;
	v8 =	vshll.u32 v8, $0x4;
	v9 =	vadd.s32 v7, v14;
	v11 =	vld [tilespmem:s8+$0x8430]  }
0x3c7: {  	v10 =	vld [tilespmem:s8+$0x8450];
	v7 =	vor.u32 v1, v8;
	v8 =	vshll.u32 v9, $0x4;
	v9 =	vadd.s32 v12, v15  }
0x3c8: {  	[tilespmem:v18+s1+$0x0] =	vst.idx.add.f32.msk $0xffff, v2;
	v12 =	vadd.s32 v13, v16;
	v8 =	vor.u32 v1, v8;
	v9 =	vshll.u32 v9, $0x4  }
0x3c9: {  	s8 =	simm.s32 $0x8;
	v13 =	vadd.s32 v20, v17;
	[tilespmem:v19+s1+$0x0] =	vst.idx.add.f32.msk $0xffff, v2;
	v12 =	vshll.u32 v12, $0x4;
	v9 =	vor.u32 v1, v9  }
.LBB2_28:
0x3ca: {  	s8 =	sadd.s32 $0x8, s8;
	v12 =	vor.u32 v1, v12;
	v13 =	vshll.u32 v13, $0x4;
	s7 =	sadd.s32 $0x2000, s7;
	[tilespmem:v4+s1+$0x0] =	vst.idx.add.f32.msk $0xffff, v2  }
0x3cb: {  	s9 =	sand.u32 $0x2000, s7;
	s10 =	sshll.u32 s8, $0x5;
	p0 =	slt.u32 s8, $0x3F8;
	v14 =	vor.u32 v1, v13;
	v4 =	vadd.s32 v11, v6;
	[tilespmem:v3+s1+$0x0] =	vst.idx.add.f32.msk $0xffff, v2  }
0x3cc: {  	s11 =	sshll.u32 s8, $0x3;
	s10 =	sand.u32 $0x7000, s10;
	s9 =	sshrl.u32 s9, $0x2;
	[tilespmem:v7+s1+$0x0] =	vst.idx.add.f32.msk $0xffff, v2;
	v3 =	vshll.u32 v4, $0x4;
	v5 =	vadd.s32 v10, v5  }
0x3cd: {  	s11 =	sand.u32 $0x380, s11;
	s9 =	sor.u32 s9, s10;
	[tilespmem:v8+s1+$0x0] =	vst.idx.add.f32.msk $0xffff, v2;
	v4 =	vor.u32 v1, v3;
	v3 =	vshll.u32 v5, $0x4  }
0x3ce: {  	s9 =	sor.u32 s11, s9;
	[tilespmem:v9+s1+$0x0] =	vst.idx.add.f32.msk $0xffff, v2;
	v3 =	vor.u32 v1, v3  }
0x3cf: {  	v5 =	vld [tilespmem:s9+$0x8460]  }
0x3d0: {  	v6 =	vld [tilespmem:s9+$0x8000]  }
0x3d1: {  	v7 =	vld [tilespmem:s9+$0x8470]  }
0x3d2: {  	v8 =	vld [tilespmem:s9+$0x8020]  }
0x3d3: {  	v9 =	vld [tilespmem:s9+$0x8040]  }
0x3d4: {  	v10 =	vld [tilespmem:s9+$0x8060];
	v5 =	vmul.u32 $0x11, v5  }
0x3d5: {  	v11 =	vmul.u32 $0x11, v6;
	v6 =	vld [tilespmem:s9+$0x8400]  }
0x3d6: {  	v13 =	vld [tilespmem:s9+$0x8420];
	v5 =	vadd.s32 v7, v5  }
0x3d7: {  	v7 =	vmul.u32 $0x11, v8;
	v8 =	vld [tilespmem:s9+$0x8440];
	v5 =	vshll.u32 v5, $0x4  }
0x3d8: {  	v15 =	vld [tilespmem:s9+$0x8010];
	v9 =	vmul.u32 $0x11, v9;
	v16 =	vor.u32 v1, v5  }
0x3d9: {  	v17 =	vld [tilespmem:s9+$0x8030];
	v18 =	vmul.u32 $0x11, v10  }
0x3da: {  	v10 =	vld [tilespmem:s9+$0x8050];
	v19 =	vmul.u32 $0x11, v6  }
0x3db: {  	v20 =	vld [tilespmem:s9+$0x8070];
	v6 =	vmul.u32 $0x11, v13  }
0x3dc: {  	v13 =	vld [tilespmem:s9+$0x8410];
	v5 =	vmul.u32 $0x11, v8  }
.Ltmp13:
0x3dd: {  	v8 =	vadd.s32 v15, v11;
	[tilespmem:v16+s1+$0x0] =	vst.idx.add.f32.msk $0xffff, v2;
	(pc) =	sbr.rel @p0 .LBB2_28-.Ltmp13, $4  }
0x3de: {  	v8 =	vshll.u32 v8, $0x4;
	v15 =	vadd.s32 v17, v7;
	v11 =	vld [tilespmem:s9+$0x8430]  }
0x3df: {  	v7 =	vor.u32 v1, v8;
	v8 =	vshll.u32 v15, $0x4;
	v9 =	vadd.s32 v10, v9;
	v10 =	vld [tilespmem:s9+$0x8450]  }
0x3e0: {  	v8 =	vor.u32 v1, v8;
	v9 =	vshll.u32 v9, $0x4;
	v15 =	vadd.s32 v20, v18;
	[tilespmem:v12+s1+$0x0] =	vst.idx.add.f32.msk $0xffff, v2  }
0x3e1: {  	v9 =	vor.u32 v1, v9;
	v12 =	vshll.u32 v15, $0x4;
	v13 =	vadd.s32 v13, v19;
	[tilespmem:v14+s1+$0x0] =	vst.idx.add.f32.msk $0xffff, v2  }
0x3e2: {  	_ =	sdelay $0x3  }
0x3e3: {  	v12 =	vor.u32 v1, v12;
	v13 =	vshll.u32 v13, $0x4;
	[tilespmem:v4+s1+$0x0] =	vst.idx.add.f32.msk $0xffff, v2;
	v4 =	vadd.s32 v11, v6  }
0x3e4: {  	[tilespmem:v3+s1+$0x0] =	vst.idx.add.f32.msk $0xffff, v2;
	v6 =	vor.u32 v1, v13;
	v3 =	vshll.u32 v4, $0x4;
	v4 =	vadd.s32 v10, v5  }
0x3e5: {  	[tilespmem:v7+s1+$0x0] =	vst.idx.add.f32.msk $0xffff, v2;
	v3 =	vor.u32 v1, v3;
	v4 =	vshll.u32 v4, $0x4  }
0x3e6: {  	[tilespmem:v8+s1+$0x0] =	vst.idx.add.f32.msk $0xffff, v2;
	v4 =	vor.u32 v1, v4  }
0x3e7: {  	[tilespmem:v9+s1+$0x0] =	vst.idx.add.f32.msk $0xffff, v2  }
0x3e8: {  	[tilespmem:v12+s1+$0x0] =	vst.idx.add.f32.msk $0xffff, v2  }
0x3e9: {  	[tilespmem:v6+s1+$0x0] =	vst.idx.add.f32.msk $0xffff, v2  }
0x3ea: {  	[tilespmem:v3+s1+$0x0] =	vst.idx.add.f32.msk $0xffff, v2  }
0x3eb: {  	s7 =	simm.s32 $0x0;
	[tilespmem:v4+s1+$0x0] =	vst.idx.add.f32.msk $0xffff, v2  }
0x3ec: {  	[tilespmem:s25], [sflag:$0x2] =	stream.linear.gather [hbm4b:s14+s7], $0x8000, $0x38;
	[tilespmem:$0x11280] =	vst v63  }
0x3ed: {  	s8 =	simm.s32 $0x0;
	s9 =	simm.s32 $0x0;
	s7 =	sand.u32 $0x2000, s7  }
0x3ee: {  	s8 =	sand.u32 $0x7000, s8;
	_ =	swait.ge [sflag:s0], $0x8000;
	s7 =	sshrl.u32 s7, $0x2  }
0x3ef: {  	s9 =	sand.u32 $0x380, s9;
	[sflag:s0] =	ssyncset.done $0x0;
	s7 =	sor.u32 s7, s8  }
0x3f0: {  	[sflag:s0] =	ssyncadd.s32 $0xFFFF8000;
	s8 =	sor.u32 s9, s7  }
0x3f1: {  	v3 =	vld [tilespmem:s8+$0x460]  }
0x3f2: {  	v4 =	vld [tilespmem:s8+$0x0]  }
0x3f3: {  	v5 =	vld [tilespmem:s8+$0x470]  }
0x3f4: {  	v6 =	vld [tilespmem:s8+$0x20]  }
0x3f5: {  	v7 =	vld [tilespmem:s8+$0x40]  }
0x3f6: {  	v8 =	vld [tilespmem:s8+$0x10];
	v3 =	vmul.u32 $0x11, v3  }
0x3f7: {  	v9 =	vld [tilespmem:s8+$0x30]  }
0x3f8: {  	v3 =	vadd.s32 v5, v3;
	v5 =	vld [tilespmem:s8+$0x50]  }
0x3f9: {  	v10 =	vld [tilespmem:s8+$0x60];
	v4 =	vmul.u32 $0x11, v4;
	v3 =	vshll.u32 v3, $0x4  }
0x3fa: {  	v11 =	vld [tilespmem:s8+$0x400];
	v6 =	vmul.u32 $0x11, v6;
	v3 =	vor.u32 v1, v3  }
0x3fb: {  	v12 =	vld [tilespmem:s8+$0x420];
	v7 =	vmul.u32 $0x11, v7;
	v4 =	vadd.s32 v8, v4  }
0x3fc: {  	v13 =	vld [tilespmem:s8+$0x450];
	v6 =	vadd.s32 v9, v6;
	v4 =	vshll.u32 v4, $0x4  }
0x3fd: {  	v8 =	vld [tilespmem:s8+$0x440];
	v6 =	vshll.u32 v6, $0x4;
	v4 =	vor.u32 v1, v4;
	v5 =	vadd.s32 v5, v7  }
0x3fe: {  	v9 =	vld [tilespmem:s8+$0x70];
	v6 =	vor.u32 v1, v6;
	v5 =	vshll.u32 v5, $0x4  }
0x3ff: {  	[tilespmem:v3+s1+$0x0] =	vst.idx.add.f32.msk $0xffff, v2;
	v3 =	vor.u32 v1, v5  }
0x400: {  	s7 =	simm.s32 $0x2000;
	v7 =	vld [tilespmem:s8+$0x410]  }
0x401: {  	s11 =	simm.s32 $0x100;
	v5 =	vld [tilespmem:s8+$0x430];
	s8 =	sand.u32 $0x2000, s7  }
0x402: {  	s10 =	simm.s32 $0x40;
	s9 =	sand.u32 $0x7000, s11;
	[tilespmem:v4+s1+$0x0] =	vst.idx.add.f32.msk $0xffff, v2;
	s8 =	sshrl.u32 s8, $0x2  }
0x403: {  	s10 =	sand.u32 $0x380, s10;
	[tilespmem:v6+s1+$0x0] =	vst.idx.add.f32.msk $0xffff, v2;
	s8 =	sor.u32 s8, s9  }
0x404: {  	s8 =	sor.u32 s10, s8;
	[tilespmem:v3+s1+$0x0] =	vst.idx.add.f32.msk $0xffff, v2  }
0x405: {  	v3 =	vld [tilespmem:s8+$0x460]  }
0x406: {  	v6 =	vld [tilespmem:s8+$0x0]  }
0x407: {  	v4 =	vld [tilespmem:s8+$0x470]  }
0x408: {  	v14 =	vld [tilespmem:s8+$0x20]  }
0x409: {  	v15 =	vld [tilespmem:s8+$0x40]  }
0x40a: {  	v10 =	vmul.u32 $0x11, v10;
	v16 =	vld [tilespmem:s8+$0x60];
	v3 =	vmul.u32 $0x11, v3  }
0x40b: {  	v11 =	vmul.u32 $0x11, v11;
	v17 =	vld [tilespmem:s8+$0x400]  }
0x40c: {  	v12 =	vmul.u32 $0x11, v12;
	v9 =	vadd.s32 v9, v10;
	v10 =	vld [tilespmem:s8+$0x420];
	v3 =	vadd.s32 v4, v3  }
0x40d: {  	v4 =	vmul.u32 $0x11, v8;
	v8 =	vshll.u32 v9, $0x4;
	v9 =	vld [tilespmem:s8+$0x440];
	v3 =	vshll.u32 v3, $0x4  }
0x40e: {  	v7 =	vadd.s32 v7, v11;
	v18 =	vor.u32 v1, v8;
	v8 =	vld [tilespmem:s8+$0x10];
	v11 =	vor.u32 v1, v3  }
0x40f: {  	v5 =	vadd.s32 v5, v12;
	v3 =	vshll.u32 v7, $0x4;
	v4 =	vadd.s32 v13, v4;
	v7 =	vld [tilespmem:s8+$0x30]  }
0x410: {  	v12 =	vld [tilespmem:s8+$0x50];
	v19 =	vor.u32 v1, v3;
	v3 =	vshll.u32 v5, $0x4;
	v5 =	vshll.u32 v4, $0x4  }
0x411: {  	v13 =	vld [tilespmem:s8+$0x70];
	v4 =	vor.u32 v1, v3;
	v3 =	vor.u32 v1, v5;
	v5 =	vmul.u32 $0x11, v6  }
0x412: {  	v20 =	vld [tilespmem:s8+$0x410];
	v14 =	vmul.u32 $0x11, v14;
	v15 =	vmul.u32 $0x11, v15;
	v16 =	vmul.u32 $0x11, v16  }
0x413: {  	v17 =	vmul.u32 $0x11, v17;
	v6 =	vmul.u32 $0x11, v10;
	v8 =	vadd.s32 v8, v5;
	[tilespmem:v11+s1+$0x0] =	vst.idx.add.f32.msk $0xffff, v2  }
0x414: {  	v5 =	vmul.u32 $0x11, v9;
	v8 =	vshll.u32 v8, $0x4;
	v9 =	vadd.s32 v7, v14;
	v11 =	vld [tilespmem:s8+$0x430]  }
0x415: {  	v10 =	vld [tilespmem:s8+$0x450];
	v7 =	vor.u32 v1, v8;
	v8 =	vshll.u32 v9, $0x4;
	v9 =	vadd.s32 v12, v15  }
0x416: {  	[tilespmem:v18+s1+$0x0] =	vst.idx.add.f32.msk $0xffff, v2;
	v12 =	vadd.s32 v13, v16;
	v8 =	vor.u32 v1, v8;
	v9 =	vshll.u32 v9, $0x4  }
0x417: {  	s8 =	simm.s32 $0x8;
	v13 =	vadd.s32 v20, v17;
	[tilespmem:v19+s1+$0x0] =	vst.idx.add.f32.msk $0xffff, v2;
	v12 =	vshll.u32 v12, $0x4;
	v9 =	vor.u32 v1, v9  }
.LBB2_30:
0x418: {  	s8 =	sadd.s32 $0x8, s8;
	v12 =	vor.u32 v1, v12;
	v13 =	vshll.u32 v13, $0x4;
	s7 =	sadd.s32 $0x2000, s7;
	[tilespmem:v4+s1+$0x0] =	vst.idx.add.f32.msk $0xffff, v2  }
0x419: {  	s9 =	sand.u32 $0x2000, s7;
	s10 =	sshll.u32 s8, $0x5;
	p0 =	slt.u32 s8, $0x3F8;
	v14 =	vor.u32 v1, v13;
	v4 =	vadd.s32 v11, v6;
	[tilespmem:v3+s1+$0x0] =	vst.idx.add.f32.msk $0xffff, v2  }
0x41a: {  	s11 =	sshll.u32 s8, $0x3;
	s10 =	sand.u32 $0x7000, s10;
	s9 =	sshrl.u32 s9, $0x2;
	[tilespmem:v7+s1+$0x0] =	vst.idx.add.f32.msk $0xffff, v2;
	v3 =	vshll.u32 v4, $0x4;
	v5 =	vadd.s32 v10, v5  }
0x41b: {  	s11 =	sand.u32 $0x380, s11;
	s9 =	sor.u32 s9, s10;
	[tilespmem:v8+s1+$0x0] =	vst.idx.add.f32.msk $0xffff, v2;
	v4 =	vor.u32 v1, v3;
	v3 =	vshll.u32 v5, $0x4  }
0x41c: {  	s9 =	sor.u32 s11, s9;
	[tilespmem:v9+s1+$0x0] =	vst.idx.add.f32.msk $0xffff, v2;
	v3 =	vor.u32 v1, v3  }
0x41d: {  	v5 =	vld [tilespmem:s9+$0x460]  }
0x41e: {  	v6 =	vld [tilespmem:s9+$0x0]  }
0x41f: {  	v7 =	vld [tilespmem:s9+$0x470]  }
0x420: {  	v8 =	vld [tilespmem:s9+$0x20]  }
0x421: {  	v9 =	vld [tilespmem:s9+$0x40]  }
0x422: {  	v10 =	vld [tilespmem:s9+$0x60];
	v5 =	vmul.u32 $0x11, v5  }
0x423: {  	v11 =	vmul.u32 $0x11, v6;
	v6 =	vld [tilespmem:s9+$0x400]  }
0x424: {  	v13 =	vld [tilespmem:s9+$0x420];
	v5 =	vadd.s32 v7, v5  }
0x425: {  	v7 =	vmul.u32 $0x11, v8;
	v8 =	vld [tilespmem:s9+$0x440];
	v5 =	vshll.u32 v5, $0x4  }
0x426: {  	v15 =	vld [tilespmem:s9+$0x10];
	v9 =	vmul.u32 $0x11, v9;
	v16 =	vor.u32 v1, v5  }
0x427: {  	v17 =	vld [tilespmem:s9+$0x30];
	v18 =	vmul.u32 $0x11, v10  }
0x428: {  	v10 =	vld [tilespmem:s9+$0x50];
	v19 =	vmul.u32 $0x11, v6  }
0x429: {  	v20 =	vld [tilespmem:s9+$0x70];
	v6 =	vmul.u32 $0x11, v13  }
0x42a: {  	v13 =	vld [tilespmem:s9+$0x410];
	v5 =	vmul.u32 $0x11, v8  }
.Ltmp14:
0x42b: {  	v8 =	vadd.s32 v15, v11;
	[tilespmem:v16+s1+$0x0] =	vst.idx.add.f32.msk $0xffff, v2;
	(pc) =	sbr.rel @p0 .LBB2_30-.Ltmp14, $4  }
0x42c: {  	v8 =	vshll.u32 v8, $0x4;
	v15 =	vadd.s32 v17, v7;
	v11 =	vld [tilespmem:s9+$0x430]  }
0x42d: {  	v7 =	vor.u32 v1, v8;
	v8 =	vshll.u32 v15, $0x4;
	v9 =	vadd.s32 v10, v9;
	v10 =	vld [tilespmem:s9+$0x450]  }
0x42e: {  	v8 =	vor.u32 v1, v8;
	v9 =	vshll.u32 v9, $0x4;
	v15 =	vadd.s32 v20, v18;
	[tilespmem:v12+s1+$0x0] =	vst.idx.add.f32.msk $0xffff, v2  }
0x42f: {  	v9 =	vor.u32 v1, v9;
	v12 =	vshll.u32 v15, $0x4;
	v13 =	vadd.s32 v13, v19;
	[tilespmem:v14+s1+$0x0] =	vst.idx.add.f32.msk $0xffff, v2  }
0x430: {  	_ =	sdelay $0x3  }
0x431: {  	v12 =	vor.u32 v1, v12;
	v13 =	vshll.u32 v13, $0x4;
	[tilespmem:v4+s1+$0x0] =	vst.idx.add.f32.msk $0xffff, v2;
	v4 =	vadd.s32 v11, v6  }
0x432: {  	[tilespmem:v3+s1+$0x0] =	vst.idx.add.f32.msk $0xffff, v2;
	v6 =	vor.u32 v1, v13;
	v3 =	vshll.u32 v4, $0x4;
	v4 =	vadd.s32 v10, v5  }
0x433: {  	[tilespmem:v7+s1+$0x0] =	vst.idx.add.f32.msk $0xffff, v2;
	v3 =	vor.u32 v1, v3;
	v4 =	vshll.u32 v4, $0x4  }
0x434: {  	[tilespmem:v8+s1+$0x0] =	vst.idx.add.f32.msk $0xffff, v2;
	v4 =	vor.u32 v1, v4  }
0x435: {  	[tilespmem:v9+s1+$0x0] =	vst.idx.add.f32.msk $0xffff, v2  }
0x436: {  	[tilespmem:v12+s1+$0x0] =	vst.idx.add.f32.msk $0xffff, v2  }
0x437: {  	[tilespmem:v6+s1+$0x0] =	vst.idx.add.f32.msk $0xffff, v2  }
0x438: {  	[tilespmem:v3+s1+$0x0] =	vst.idx.add.f32.msk $0xffff, v2  }
0x439: {  	s7 =	simm.s32 $0x0;
	[tilespmem:v4+s1+$0x0] =	vst.idx.add.f32.msk $0xffff, v2  }
0x43a: {  	[tilespmem:s7], [sflag:$0x1] =	stream.linear.gather [hbm4b:s15+s7], $0x8000, $0x38;
	[tilespmem:$0x11280] =	vst v63  }
0x43b: {  	s8 =	simm.s32 $0x0;
	s9 =	simm.s32 $0x0;
	s7 =	sand.u32 $0x2000, s7  }
0x43c: {  	s8 =	sand.u32 $0x7000, s8;
	_ =	swait.ge [sflag:s2], $0x8000;
	s7 =	sshrl.u32 s7, $0x2  }
0x43d: {  	s9 =	sand.u32 $0x380, s9;
	[sflag:s2] =	ssyncset.done $0x0;
	s7 =	sor.u32 s7, s8  }
0x43e: {  	[sflag:s2] =	ssyncadd.s32 $0xFFFF8000;
	s8 =	sor.u32 s9, s7  }
0x43f: {  	v3 =	vld [tilespmem:s8+$0x8460]  }
0x440: {  	v4 =	vld [tilespmem:s8+$0x8000]  }
0x441: {  	v5 =	vld [tilespmem:s8+$0x8470]  }
0x442: {  	v6 =	vld [tilespmem:s8+$0x8020]  }
0x443: {  	v7 =	vld [tilespmem:s8+$0x8040]  }
0x444: {  	v8 =	vld [tilespmem:s8+$0x8010];
	v3 =	vmul.u32 $0x11, v3  }
0x445: {  	v9 =	vld [tilespmem:s8+$0x8030]  }
0x446: {  	v3 =	vadd.s32 v5, v3;
	v5 =	vld [tilespmem:s8+$0x8050]  }
0x447: {  	v10 =	vld [tilespmem:s8+$0x8060];
	v4 =	vmul.u32 $0x11, v4;
	v3 =	vshll.u32 v3, $0x4  }
0x448: {  	v11 =	vld [tilespmem:s8+$0x8400];
	v6 =	vmul.u32 $0x11, v6;
	v3 =	vor.u32 v1, v3  }
0x449: {  	v12 =	vld [tilespmem:s8+$0x8420];
	v7 =	vmul.u32 $0x11, v7;
	v4 =	vadd.s32 v8, v4  }
0x44a: {  	v13 =	vld [tilespmem:s8+$0x8450];
	v6 =	vadd.s32 v9, v6;
	v4 =	vshll.u32 v4, $0x4  }
0x44b: {  	v8 =	vld [tilespmem:s8+$0x8440];
	v6 =	vshll.u32 v6, $0x4;
	v4 =	vor.u32 v1, v4;
	v5 =	vadd.s32 v5, v7  }
0x44c: {  	v9 =	vld [tilespmem:s8+$0x8070];
	v6 =	vor.u32 v1, v6;
	v5 =	vshll.u32 v5, $0x4  }
0x44d: {  	[tilespmem:v3+s1+$0x0] =	vst.idx.add.f32.msk $0xffff, v2;
	v3 =	vor.u32 v1, v5  }
0x44e: {  	s7 =	simm.s32 $0x2000;
	v7 =	vld [tilespmem:s8+$0x8410]  }
0x44f: {  	s11 =	simm.s32 $0x100;
	v5 =	vld [tilespmem:s8+$0x8430];
	s8 =	sand.u32 $0x2000, s7  }
0x450: {  	s10 =	simm.s32 $0x40;
	s9 =	sand.u32 $0x7000, s11;
	[tilespmem:v4+s1+$0x0] =	vst.idx.add.f32.msk $0xffff, v2;
	s8 =	sshrl.u32 s8, $0x2  }
0x451: {  	s10 =	sand.u32 $0x380, s10;
	[tilespmem:v6+s1+$0x0] =	vst.idx.add.f32.msk $0xffff, v2;
	s8 =	sor.u32 s8, s9  }
0x452: {  	s8 =	sor.u32 s10, s8;
	[tilespmem:v3+s1+$0x0] =	vst.idx.add.f32.msk $0xffff, v2  }
0x453: {  	v3 =	vld [tilespmem:s8+$0x8460]  }
0x454: {  	v6 =	vld [tilespmem:s8+$0x8000]  }
0x455: {  	v4 =	vld [tilespmem:s8+$0x8470]  }
0x456: {  	v14 =	vld [tilespmem:s8+$0x8020]  }
0x457: {  	v15 =	vld [tilespmem:s8+$0x8040]  }
0x458: {  	v10 =	vmul.u32 $0x11, v10;
	v16 =	vld [tilespmem:s8+$0x8060];
	v3 =	vmul.u32 $0x11, v3  }
0x459: {  	v11 =	vmul.u32 $0x11, v11;
	v17 =	vld [tilespmem:s8+$0x8400]  }
0x45a: {  	v12 =	vmul.u32 $0x11, v12;
	v9 =	vadd.s32 v9, v10;
	v10 =	vld [tilespmem:s8+$0x8420];
	v3 =	vadd.s32 v4, v3  }
0x45b: {  	v4 =	vmul.u32 $0x11, v8;
	v8 =	vshll.u32 v9, $0x4;
	v9 =	vld [tilespmem:s8+$0x8440];
	v3 =	vshll.u32 v3, $0x4  }
0x45c: {  	v7 =	vadd.s32 v7, v11;
	v18 =	vor.u32 v1, v8;
	v8 =	vld [tilespmem:s8+$0x8010];
	v11 =	vor.u32 v1, v3  }
0x45d: {  	v5 =	vadd.s32 v5, v12;
	v3 =	vshll.u32 v7, $0x4;
	v4 =	vadd.s32 v13, v4;
	v7 =	vld [tilespmem:s8+$0x8030]  }
0x45e: {  	v12 =	vld [tilespmem:s8+$0x8050];
	v19 =	vor.u32 v1, v3;
	v3 =	vshll.u32 v5, $0x4;
	v5 =	vshll.u32 v4, $0x4  }
0x45f: {  	v13 =	vld [tilespmem:s8+$0x8070];
	v4 =	vor.u32 v1, v3;
	v3 =	vor.u32 v1, v5;
	v5 =	vmul.u32 $0x11, v6  }
0x460: {  	v20 =	vld [tilespmem:s8+$0x8410];
	v14 =	vmul.u32 $0x11, v14;
	v15 =	vmul.u32 $0x11, v15;
	v16 =	vmul.u32 $0x11, v16  }
0x461: {  	v17 =	vmul.u32 $0x11, v17;
	v6 =	vmul.u32 $0x11, v10;
	v8 =	vadd.s32 v8, v5;
	[tilespmem:v11+s1+$0x0] =	vst.idx.add.f32.msk $0xffff, v2  }
0x462: {  	v5 =	vmul.u32 $0x11, v9;
	v8 =	vshll.u32 v8, $0x4;
	v9 =	vadd.s32 v7, v14;
	v11 =	vld [tilespmem:s8+$0x8430]  }
0x463: {  	v10 =	vld [tilespmem:s8+$0x8450];
	v7 =	vor.u32 v1, v8;
	v8 =	vshll.u32 v9, $0x4;
	v9 =	vadd.s32 v12, v15  }
0x464: {  	[tilespmem:v18+s1+$0x0] =	vst.idx.add.f32.msk $0xffff, v2;
	v12 =	vadd.s32 v13, v16;
	v8 =	vor.u32 v1, v8;
	v9 =	vshll.u32 v9, $0x4  }
0x465: {  	s8 =	simm.s32 $0x8;
	v13 =	vadd.s32 v20, v17;
	[tilespmem:v19+s1+$0x0] =	vst.idx.add.f32.msk $0xffff, v2;
	v12 =	vshll.u32 v12, $0x4;
	v9 =	vor.u32 v1, v9  }
.LBB2_32:
0x466: {  	s8 =	sadd.s32 $0x8, s8;
	v12 =	vor.u32 v1, v12;
	v13 =	vshll.u32 v13, $0x4;
	s7 =	sadd.s32 $0x2000, s7;
	[tilespmem:v4+s1+$0x0] =	vst.idx.add.f32.msk $0xffff, v2  }
0x467: {  	s9 =	sand.u32 $0x2000, s7;
	s10 =	sshll.u32 s8, $0x5;
	p0 =	slt.u32 s8, $0x3F8;
	v14 =	vor.u32 v1, v13;
	v4 =	vadd.s32 v11, v6;
	[tilespmem:v3+s1+$0x0] =	vst.idx.add.f32.msk $0xffff, v2  }
0x468: {  	s11 =	sshll.u32 s8, $0x3;
	s10 =	sand.u32 $0x7000, s10;
	s9 =	sshrl.u32 s9, $0x2;
	[tilespmem:v7+s1+$0x0] =	vst.idx.add.f32.msk $0xffff, v2;
	v3 =	vshll.u32 v4, $0x4;
	v5 =	vadd.s32 v10, v5  }
0x469: {  	s11 =	sand.u32 $0x380, s11;
	s9 =	sor.u32 s9, s10;
	[tilespmem:v8+s1+$0x0] =	vst.idx.add.f32.msk $0xffff, v2;
	v4 =	vor.u32 v1, v3;
	v3 =	vshll.u32 v5, $0x4  }
0x46a: {  	s9 =	sor.u32 s11, s9;
	[tilespmem:v9+s1+$0x0] =	vst.idx.add.f32.msk $0xffff, v2;
	v3 =	vor.u32 v1, v3  }
0x46b: {  	v5 =	vld [tilespmem:s9+$0x8460]  }
0x46c: {  	v6 =	vld [tilespmem:s9+$0x8000]  }
0x46d: {  	v7 =	vld [tilespmem:s9+$0x8470]  }
0x46e: {  	v8 =	vld [tilespmem:s9+$0x8020]  }
0x46f: {  	v9 =	vld [tilespmem:s9+$0x8040]  }
0x470: {  	v10 =	vld [tilespmem:s9+$0x8060];
	v5 =	vmul.u32 $0x11, v5  }
0x471: {  	v11 =	vmul.u32 $0x11, v6;
	v6 =	vld [tilespmem:s9+$0x8400]  }
0x472: {  	v13 =	vld [tilespmem:s9+$0x8420];
	v5 =	vadd.s32 v7, v5  }
0x473: {  	v7 =	vmul.u32 $0x11, v8;
	v8 =	vld [tilespmem:s9+$0x8440];
	v5 =	vshll.u32 v5, $0x4  }
0x474: {  	v15 =	vld [tilespmem:s9+$0x8010];
	v9 =	vmul.u32 $0x11, v9;
	v16 =	vor.u32 v1, v5  }
0x475: {  	v17 =	vld [tilespmem:s9+$0x8030];
	v18 =	vmul.u32 $0x11, v10  }
0x476: {  	v10 =	vld [tilespmem:s9+$0x8050];
	v19 =	vmul.u32 $0x11, v6  }
0x477: {  	v20 =	vld [tilespmem:s9+$0x8070];
	v6 =	vmul.u32 $0x11, v13  }
0x478: {  	v13 =	vld [tilespmem:s9+$0x8410];
	v5 =	vmul.u32 $0x11, v8  }
.Ltmp15:
0x479: {  	v8 =	vadd.s32 v15, v11;
	[tilespmem:v16+s1+$0x0] =	vst.idx.add.f32.msk $0xffff, v2;
	(pc) =	sbr.rel @p0 .LBB2_32-.Ltmp15, $4  }
0x47a: {  	v8 =	vshll.u32 v8, $0x4;
	v15 =	vadd.s32 v17, v7;
	v11 =	vld [tilespmem:s9+$0x8430]  }
0x47b: {  	v7 =	vor.u32 v1, v8;
	v8 =	vshll.u32 v15, $0x4;
	v9 =	vadd.s32 v10, v9;
	v10 =	vld [tilespmem:s9+$0x8450]  }
0x47c: {  	v8 =	vor.u32 v1, v8;
	v9 =	vshll.u32 v9, $0x4;
	v15 =	vadd.s32 v20, v18;
	[tilespmem:v12+s1+$0x0] =	vst.idx.add.f32.msk $0xffff, v2  }
0x47d: {  	v9 =	vor.u32 v1, v9;
	v12 =	vshll.u32 v15, $0x4;
	v13 =	vadd.s32 v13, v19;
	[tilespmem:v14+s1+$0x0] =	vst.idx.add.f32.msk $0xffff, v2  }
0x47e: {  	_ =	sdelay $0x3  }
0x47f: {  	v12 =	vor.u32 v1, v12;
	v13 =	vshll.u32 v13, $0x4;
	[tilespmem:v4+s1+$0x0] =	vst.idx.add.f32.msk $0xffff, v2;
	v4 =	vadd.s32 v11, v6  }
0x480: {  	[tilespmem:v3+s1+$0x0] =	vst.idx.add.f32.msk $0xffff, v2;
	v6 =	vor.u32 v1, v13;
	v3 =	vshll.u32 v4, $0x4;
	v4 =	vadd.s32 v10, v5  }
0x481: {  	[tilespmem:v7+s1+$0x0] =	vst.idx.add.f32.msk $0xffff, v2;
	v3 =	vor.u32 v1, v3;
	v4 =	vshll.u32 v4, $0x4  }
0x482: {  	[tilespmem:v8+s1+$0x0] =	vst.idx.add.f32.msk $0xffff, v2;
	v4 =	vor.u32 v1, v4  }
0x483: {  	[tilespmem:v9+s1+$0x0] =	vst.idx.add.f32.msk $0xffff, v2  }
0x484: {  	[tilespmem:v12+s1+$0x0] =	vst.idx.add.f32.msk $0xffff, v2  }
0x485: {  	[tilespmem:v6+s1+$0x0] =	vst.idx.add.f32.msk $0xffff, v2  }
0x486: {  	[tilespmem:v3+s1+$0x0] =	vst.idx.add.f32.msk $0xffff, v2  }
0x487: {  	s7 =	simm.s32 $0x0;
	[tilespmem:v4+s1+$0x0] =	vst.idx.add.f32.msk $0xffff, v2  }
0x488: {  	[tilespmem:s25], [sflag:$0x2] =	stream.linear.gather [hbm4b:s16+s7], $0x8000, $0x38;
	[tilespmem:$0x11280] =	vst v63  }
0x489: {  	s8 =	simm.s32 $0x0;
	s9 =	simm.s32 $0x0;
	s7 =	sand.u32 $0x2000, s7  }
0x48a: {  	s8 =	sand.u32 $0x7000, s8;
	_ =	swait.ge [sflag:s0], $0x8000;
	s7 =	sshrl.u32 s7, $0x2  }
0x48b: {  	s9 =	sand.u32 $0x380, s9;
	[sflag:s0] =	ssyncset.done $0x0;
	s7 =	sor.u32 s7, s8  }
0x48c: {  	[sflag:s0] =	ssyncadd.s32 $0xFFFF8000;
	s8 =	sor.u32 s9, s7  }
0x48d: {  	v3 =	vld [tilespmem:s8+$0x460]  }
0x48e: {  	v4 =	vld [tilespmem:s8+$0x0]  }
0x48f: {  	v5 =	vld [tilespmem:s8+$0x470]  }
0x490: {  	v6 =	vld [tilespmem:s8+$0x20]  }
0x491: {  	v7 =	vld [tilespmem:s8+$0x40]  }
0x492: {  	v8 =	vld [tilespmem:s8+$0x10];
	v3 =	vmul.u32 $0x11, v3  }
0x493: {  	v9 =	vld [tilespmem:s8+$0x30]  }
0x494: {  	v3 =	vadd.s32 v5, v3;
	v5 =	vld [tilespmem:s8+$0x50]  }
0x495: {  	v10 =	vld [tilespmem:s8+$0x60];
	v4 =	vmul.u32 $0x11, v4;
	v3 =	vshll.u32 v3, $0x4  }
0x496: {  	v11 =	vld [tilespmem:s8+$0x400];
	v6 =	vmul.u32 $0x11, v6;
	v3 =	vor.u32 v1, v3  }
0x497: {  	v12 =	vld [tilespmem:s8+$0x420];
	v7 =	vmul.u32 $0x11, v7;
	v4 =	vadd.s32 v8, v4  }
0x498: {  	v13 =	vld [tilespmem:s8+$0x450];
	v6 =	vadd.s32 v9, v6;
	v4 =	vshll.u32 v4, $0x4  }
0x499: {  	v8 =	vld [tilespmem:s8+$0x440];
	v6 =	vshll.u32 v6, $0x4;
	v4 =	vor.u32 v1, v4;
	v5 =	vadd.s32 v5, v7  }
0x49a: {  	v9 =	vld [tilespmem:s8+$0x70];
	v6 =	vor.u32 v1, v6;
	v5 =	vshll.u32 v5, $0x4  }
0x49b: {  	[tilespmem:v3+s1+$0x0] =	vst.idx.add.f32.msk $0xffff, v2;
	v3 =	vor.u32 v1, v5  }
0x49c: {  	s7 =	simm.s32 $0x2000;
	v7 =	vld [tilespmem:s8+$0x410]  }
0x49d: {  	s11 =	simm.s32 $0x100;
	v5 =	vld [tilespmem:s8+$0x430];
	s8 =	sand.u32 $0x2000, s7  }
0x49e: {  	s10 =	simm.s32 $0x40;
	s9 =	sand.u32 $0x7000, s11;
	[tilespmem:v4+s1+$0x0] =	vst.idx.add.f32.msk $0xffff, v2;
	s8 =	sshrl.u32 s8, $0x2  }
0x49f: {  	s10 =	sand.u32 $0x380, s10;
	[tilespmem:v6+s1+$0x0] =	vst.idx.add.f32.msk $0xffff, v2;
	s8 =	sor.u32 s8, s9  }
0x4a0: {  	s8 =	sor.u32 s10, s8;
	[tilespmem:v3+s1+$0x0] =	vst.idx.add.f32.msk $0xffff, v2  }
0x4a1: {  	v3 =	vld [tilespmem:s8+$0x460]  }
0x4a2: {  	v6 =	vld [tilespmem:s8+$0x0]  }
0x4a3: {  	v4 =	vld [tilespmem:s8+$0x470]  }
0x4a4: {  	v14 =	vld [tilespmem:s8+$0x20]  }
0x4a5: {  	v15 =	vld [tilespmem:s8+$0x40]  }
0x4a6: {  	v10 =	vmul.u32 $0x11, v10;
	v16 =	vld [tilespmem:s8+$0x60];
	v3 =	vmul.u32 $0x11, v3  }
0x4a7: {  	v11 =	vmul.u32 $0x11, v11;
	v17 =	vld [tilespmem:s8+$0x400]  }
0x4a8: {  	v12 =	vmul.u32 $0x11, v12;
	v9 =	vadd.s32 v9, v10;
	v10 =	vld [tilespmem:s8+$0x420];
	v3 =	vadd.s32 v4, v3  }
0x4a9: {  	v4 =	vmul.u32 $0x11, v8;
	v8 =	vshll.u32 v9, $0x4;
	v9 =	vld [tilespmem:s8+$0x440];
	v3 =	vshll.u32 v3, $0x4  }
0x4aa: {  	v7 =	vadd.s32 v7, v11;
	v18 =	vor.u32 v1, v8;
	v8 =	vld [tilespmem:s8+$0x10];
	v11 =	vor.u32 v1, v3  }
0x4ab: {  	v5 =	vadd.s32 v5, v12;
	v3 =	vshll.u32 v7, $0x4;
	v4 =	vadd.s32 v13, v4;
	v7 =	vld [tilespmem:s8+$0x30]  }
0x4ac: {  	v12 =	vld [tilespmem:s8+$0x50];
	v19 =	vor.u32 v1, v3;
	v3 =	vshll.u32 v5, $0x4;
	v5 =	vshll.u32 v4, $0x4  }
0x4ad: {  	v13 =	vld [tilespmem:s8+$0x70];
	v4 =	vor.u32 v1, v3;
	v3 =	vor.u32 v1, v5;
	v5 =	vmul.u32 $0x11, v6  }
0x4ae: {  	v20 =	vld [tilespmem:s8+$0x410];
	v14 =	vmul.u32 $0x11, v14;
	v15 =	vmul.u32 $0x11, v15;
	v16 =	vmul.u32 $0x11, v16  }
0x4af: {  	v17 =	vmul.u32 $0x11, v17;
	v6 =	vmul.u32 $0x11, v10;
	v8 =	vadd.s32 v8, v5;
	[tilespmem:v11+s1+$0x0] =	vst.idx.add.f32.msk $0xffff, v2  }
0x4b0: {  	v5 =	vmul.u32 $0x11, v9;
	v8 =	vshll.u32 v8, $0x4;
	v9 =	vadd.s32 v7, v14;
	v11 =	vld [tilespmem:s8+$0x430]  }
0x4b1: {  	v10 =	vld [tilespmem:s8+$0x450];
	v7 =	vor.u32 v1, v8;
	v8 =	vshll.u32 v9, $0x4;
	v9 =	vadd.s32 v12, v15  }
0x4b2: {  	[tilespmem:v18+s1+$0x0] =	vst.idx.add.f32.msk $0xffff, v2;
	v12 =	vadd.s32 v13, v16;
	v8 =	vor.u32 v1, v8;
	v9 =	vshll.u32 v9, $0x4  }
0x4b3: {  	s8 =	simm.s32 $0x8;
	v13 =	vadd.s32 v20, v17;
	[tilespmem:v19+s1+$0x0] =	vst.idx.add.f32.msk $0xffff, v2;
	v12 =	vshll.u32 v12, $0x4;
	v9 =	vor.u32 v1, v9  }
.LBB2_34:
0x4b4: {  	s8 =	sadd.s32 $0x8, s8;
	v12 =	vor.u32 v1, v12;
	v13 =	vshll.u32 v13, $0x4;
	s7 =	sadd.s32 $0x2000, s7;
	[tilespmem:v4+s1+$0x0] =	vst.idx.add.f32.msk $0xffff, v2  }
0x4b5: {  	s9 =	sand.u32 $0x2000, s7;
	s10 =	sshll.u32 s8, $0x5;
	p0 =	slt.u32 s8, $0x3F8;
	v14 =	vor.u32 v1, v13;
	v4 =	vadd.s32 v11, v6;
	[tilespmem:v3+s1+$0x0] =	vst.idx.add.f32.msk $0xffff, v2  }
0x4b6: {  	s11 =	sshll.u32 s8, $0x3;
	s10 =	sand.u32 $0x7000, s10;
	s9 =	sshrl.u32 s9, $0x2;
	[tilespmem:v7+s1+$0x0] =	vst.idx.add.f32.msk $0xffff, v2;
	v3 =	vshll.u32 v4, $0x4;
	v5 =	vadd.s32 v10, v5  }
0x4b7: {  	s11 =	sand.u32 $0x380, s11;
	s9 =	sor.u32 s9, s10;
	[tilespmem:v8+s1+$0x0] =	vst.idx.add.f32.msk $0xffff, v2;
	v4 =	vor.u32 v1, v3;
	v3 =	vshll.u32 v5, $0x4  }
0x4b8: {  	s9 =	sor.u32 s11, s9;
	[tilespmem:v9+s1+$0x0] =	vst.idx.add.f32.msk $0xffff, v2;
	v3 =	vor.u32 v1, v3  }
0x4b9: {  	v5 =	vld [tilespmem:s9+$0x460]  }
0x4ba: {  	v6 =	vld [tilespmem:s9+$0x0]  }
0x4bb: {  	v7 =	vld [tilespmem:s9+$0x470]  }
0x4bc: {  	v8 =	vld [tilespmem:s9+$0x20]  }
0x4bd: {  	v9 =	vld [tilespmem:s9+$0x40]  }
0x4be: {  	v10 =	vld [tilespmem:s9+$0x60];
	v5 =	vmul.u32 $0x11, v5  }
0x4bf: {  	v11 =	vmul.u32 $0x11, v6;
	v6 =	vld [tilespmem:s9+$0x400]  }
0x4c0: {  	v13 =	vld [tilespmem:s9+$0x420];
	v5 =	vadd.s32 v7, v5  }
0x4c1: {  	v7 =	vmul.u32 $0x11, v8;
	v8 =	vld [tilespmem:s9+$0x440];
	v5 =	vshll.u32 v5, $0x4  }
0x4c2: {  	v15 =	vld [tilespmem:s9+$0x10];
	v9 =	vmul.u32 $0x11, v9;
	v16 =	vor.u32 v1, v5  }
0x4c3: {  	v17 =	vld [tilespmem:s9+$0x30];
	v18 =	vmul.u32 $0x11, v10  }
0x4c4: {  	v10 =	vld [tilespmem:s9+$0x50];
	v19 =	vmul.u32 $0x11, v6  }
0x4c5: {  	v20 =	vld [tilespmem:s9+$0x70];
	v6 =	vmul.u32 $0x11, v13  }
0x4c6: {  	v13 =	vld [tilespmem:s9+$0x410];
	v5 =	vmul.u32 $0x11, v8  }
.Ltmp16:
0x4c7: {  	v8 =	vadd.s32 v15, v11;
	[tilespmem:v16+s1+$0x0] =	vst.idx.add.f32.msk $0xffff, v2;
	(pc) =	sbr.rel @p0 .LBB2_34-.Ltmp16, $4  }
0x4c8: {  	v8 =	vshll.u32 v8, $0x4;
	v15 =	vadd.s32 v17, v7;
	v11 =	vld [tilespmem:s9+$0x430]  }
0x4c9: {  	v7 =	vor.u32 v1, v8;
	v8 =	vshll.u32 v15, $0x4;
	v9 =	vadd.s32 v10, v9;
	v10 =	vld [tilespmem:s9+$0x450]  }
0x4ca: {  	v8 =	vor.u32 v1, v8;
	v9 =	vshll.u32 v9, $0x4;
	v15 =	vadd.s32 v20, v18;
	[tilespmem:v12+s1+$0x0] =	vst.idx.add.f32.msk $0xffff, v2  }
0x4cb: {  	v9 =	vor.u32 v1, v9;
	v12 =	vshll.u32 v15, $0x4;
	v13 =	vadd.s32 v13, v19;
	[tilespmem:v14+s1+$0x0] =	vst.idx.add.f32.msk $0xffff, v2  }
0x4cc: {  	_ =	sdelay $0x3  }
0x4cd: {  	v12 =	vor.u32 v1, v12;
	v13 =	vshll.u32 v13, $0x4;
	[tilespmem:v4+s1+$0x0] =	vst.idx.add.f32.msk $0xffff, v2;
	v4 =	vadd.s32 v11, v6  }
0x4ce: {  	[tilespmem:v3+s1+$0x0] =	vst.idx.add.f32.msk $0xffff, v2;
	v6 =	vor.u32 v1, v13;
	v3 =	vshll.u32 v4, $0x4;
	v4 =	vadd.s32 v10, v5  }
0x4cf: {  	[tilespmem:v7+s1+$0x0] =	vst.idx.add.f32.msk $0xffff, v2;
	v3 =	vor.u32 v1, v3;
	v4 =	vshll.u32 v4, $0x4  }
0x4d0: {  	[tilespmem:v8+s1+$0x0] =	vst.idx.add.f32.msk $0xffff, v2;
	v4 =	vor.u32 v1, v4  }
0x4d1: {  	[tilespmem:v9+s1+$0x0] =	vst.idx.add.f32.msk $0xffff, v2  }
0x4d2: {  	[tilespmem:v12+s1+$0x0] =	vst.idx.add.f32.msk $0xffff, v2  }
0x4d3: {  	[tilespmem:v6+s1+$0x0] =	vst.idx.add.f32.msk $0xffff, v2  }
0x4d4: {  	[tilespmem:v3+s1+$0x0] =	vst.idx.add.f32.msk $0xffff, v2  }
0x4d5: {  	s7 =	simm.s32 $0x0;
	[tilespmem:v4+s1+$0x0] =	vst.idx.add.f32.msk $0xffff, v2  }
0x4d6: {  	[tilespmem:s7], [sflag:$0x1] =	stream.linear.gather [hbm4b:s17+s7], $0x8000, $0x38;
	[tilespmem:$0x11280] =	vst v63  }
0x4d7: {  	s8 =	simm.s32 $0x0;
	s9 =	simm.s32 $0x0;
	s7 =	sand.u32 $0x2000, s7  }
0x4d8: {  	s8 =	sand.u32 $0x7000, s8;
	_ =	swait.ge [sflag:s2], $0x8000;
	s7 =	sshrl.u32 s7, $0x2  }
0x4d9: {  	s9 =	sand.u32 $0x380, s9;
	[sflag:s2] =	ssyncset.done $0x0;
	s7 =	sor.u32 s7, s8  }
0x4da: {  	[sflag:s2] =	ssyncadd.s32 $0xFFFF8000;
	s8 =	sor.u32 s9, s7  }
0x4db: {  	v3 =	vld [tilespmem:s8+$0x8460]  }
0x4dc: {  	v4 =	vld [tilespmem:s8+$0x8000]  }
0x4dd: {  	v5 =	vld [tilespmem:s8+$0x8470]  }
0x4de: {  	v6 =	vld [tilespmem:s8+$0x8020]  }
0x4df: {  	v7 =	vld [tilespmem:s8+$0x8040]  }
0x4e0: {  	v8 =	vld [tilespmem:s8+$0x8010];
	v3 =	vmul.u32 $0x11, v3  }
0x4e1: {  	v9 =	vld [tilespmem:s8+$0x8030]  }
0x4e2: {  	v3 =	vadd.s32 v5, v3;
	v5 =	vld [tilespmem:s8+$0x8050]  }
0x4e3: {  	v10 =	vld [tilespmem:s8+$0x8060];
	v4 =	vmul.u32 $0x11, v4;
	v3 =	vshll.u32 v3, $0x4  }
0x4e4: {  	v11 =	vld [tilespmem:s8+$0x8400];
	v6 =	vmul.u32 $0x11, v6;
	v3 =	vor.u32 v1, v3  }
0x4e5: {  	v12 =	vld [tilespmem:s8+$0x8420];
	v7 =	vmul.u32 $0x11, v7;
	v4 =	vadd.s32 v8, v4  }
0x4e6: {  	v13 =	vld [tilespmem:s8+$0x8450];
	v6 =	vadd.s32 v9, v6;
	v4 =	vshll.u32 v4, $0x4  }
0x4e7: {  	v8 =	vld [tilespmem:s8+$0x8440];
	v6 =	vshll.u32 v6, $0x4;
	v4 =	vor.u32 v1, v4;
	v5 =	vadd.s32 v5, v7  }
0x4e8: {  	v9 =	vld [tilespmem:s8+$0x8070];
	v6 =	vor.u32 v1, v6;
	v5 =	vshll.u32 v5, $0x4  }
0x4e9: {  	[tilespmem:v3+s1+$0x0] =	vst.idx.add.f32.msk $0xffff, v2;
	v3 =	vor.u32 v1, v5  }
0x4ea: {  	s7 =	simm.s32 $0x2000;
	v7 =	vld [tilespmem:s8+$0x8410]  }
0x4eb: {  	s11 =	simm.s32 $0x100;
	v5 =	vld [tilespmem:s8+$0x8430];
	s8 =	sand.u32 $0x2000, s7  }
0x4ec: {  	s10 =	simm.s32 $0x40;
	s9 =	sand.u32 $0x7000, s11;
	[tilespmem:v4+s1+$0x0] =	vst.idx.add.f32.msk $0xffff, v2;
	s8 =	sshrl.u32 s8, $0x2  }
0x4ed: {  	s10 =	sand.u32 $0x380, s10;
	[tilespmem:v6+s1+$0x0] =	vst.idx.add.f32.msk $0xffff, v2;
	s8 =	sor.u32 s8, s9  }
0x4ee: {  	s8 =	sor.u32 s10, s8;
	[tilespmem:v3+s1+$0x0] =	vst.idx.add.f32.msk $0xffff, v2  }
0x4ef: {  	v3 =	vld [tilespmem:s8+$0x8460]  }
0x4f0: {  	v6 =	vld [tilespmem:s8+$0x8000]  }
0x4f1: {  	v4 =	vld [tilespmem:s8+$0x8470]  }
0x4f2: {  	v14 =	vld [tilespmem:s8+$0x8020]  }
0x4f3: {  	v15 =	vld [tilespmem:s8+$0x8040]  }
0x4f4: {  	v10 =	vmul.u32 $0x11, v10;
	v16 =	vld [tilespmem:s8+$0x8060];
	v3 =	vmul.u32 $0x11, v3  }
0x4f5: {  	v11 =	vmul.u32 $0x11, v11;
	v17 =	vld [tilespmem:s8+$0x8400]  }
0x4f6: {  	v12 =	vmul.u32 $0x11, v12;
	v9 =	vadd.s32 v9, v10;
	v10 =	vld [tilespmem:s8+$0x8420];
	v3 =	vadd.s32 v4, v3  }
0x4f7: {  	v4 =	vmul.u32 $0x11, v8;
	v8 =	vshll.u32 v9, $0x4;
	v9 =	vld [tilespmem:s8+$0x8440];
	v3 =	vshll.u32 v3, $0x4  }
0x4f8: {  	v7 =	vadd.s32 v7, v11;
	v18 =	vor.u32 v1, v8;
	v8 =	vld [tilespmem:s8+$0x8010];
	v11 =	vor.u32 v1, v3  }
0x4f9: {  	v5 =	vadd.s32 v5, v12;
	v3 =	vshll.u32 v7, $0x4;
	v4 =	vadd.s32 v13, v4;
	v7 =	vld [tilespmem:s8+$0x8030]  }
0x4fa: {  	v12 =	vld [tilespmem:s8+$0x8050];
	v19 =	vor.u32 v1, v3;
	v3 =	vshll.u32 v5, $0x4;
	v5 =	vshll.u32 v4, $0x4  }
0x4fb: {  	v13 =	vld [tilespmem:s8+$0x8070];
	v4 =	vor.u32 v1, v3;
	v3 =	vor.u32 v1, v5;
	v5 =	vmul.u32 $0x11, v6  }
0x4fc: {  	v20 =	vld [tilespmem:s8+$0x8410];
	v14 =	vmul.u32 $0x11, v14;
	v15 =	vmul.u32 $0x11, v15;
	v16 =	vmul.u32 $0x11, v16  }
0x4fd: {  	v17 =	vmul.u32 $0x11, v17;
	v6 =	vmul.u32 $0x11, v10;
	v8 =	vadd.s32 v8, v5;
	[tilespmem:v11+s1+$0x0] =	vst.idx.add.f32.msk $0xffff, v2  }
0x4fe: {  	v5 =	vmul.u32 $0x11, v9;
	v8 =	vshll.u32 v8, $0x4;
	v9 =	vadd.s32 v7, v14;
	v11 =	vld [tilespmem:s8+$0x8430]  }
0x4ff: {  	v10 =	vld [tilespmem:s8+$0x8450];
	v7 =	vor.u32 v1, v8;
	v8 =	vshll.u32 v9, $0x4;
	v9 =	vadd.s32 v12, v15  }
0x500: {  	[tilespmem:v18+s1+$0x0] =	vst.idx.add.f32.msk $0xffff, v2;
	v12 =	vadd.s32 v13, v16;
	v8 =	vor.u32 v1, v8;
	v9 =	vshll.u32 v9, $0x4  }
0x501: {  	s8 =	simm.s32 $0x8;
	v13 =	vadd.s32 v20, v17;
	[tilespmem:v19+s1+$0x0] =	vst.idx.add.f32.msk $0xffff, v2;
	v12 =	vshll.u32 v12, $0x4;
	v9 =	vor.u32 v1, v9  }
.LBB2_36:
0x502: {  	s8 =	sadd.s32 $0x8, s8;
	v12 =	vor.u32 v1, v12;
	v13 =	vshll.u32 v13, $0x4;
	s7 =	sadd.s32 $0x2000, s7;
	[tilespmem:v4+s1+$0x0] =	vst.idx.add.f32.msk $0xffff, v2  }
0x503: {  	s9 =	sand.u32 $0x2000, s7;
	s10 =	sshll.u32 s8, $0x5;
	p0 =	slt.u32 s8, $0x3F8;
	v14 =	vor.u32 v1, v13;
	v4 =	vadd.s32 v11, v6;
	[tilespmem:v3+s1+$0x0] =	vst.idx.add.f32.msk $0xffff, v2  }
0x504: {  	s11 =	sshll.u32 s8, $0x3;
	s10 =	sand.u32 $0x7000, s10;
	s9 =	sshrl.u32 s9, $0x2;
	[tilespmem:v7+s1+$0x0] =	vst.idx.add.f32.msk $0xffff, v2;
	v3 =	vshll.u32 v4, $0x4;
	v5 =	vadd.s32 v10, v5  }
0x505: {  	s11 =	sand.u32 $0x380, s11;
	s9 =	sor.u32 s9, s10;
	[tilespmem:v8+s1+$0x0] =	vst.idx.add.f32.msk $0xffff, v2;
	v4 =	vor.u32 v1, v3;
	v3 =	vshll.u32 v5, $0x4  }
0x506: {  	s9 =	sor.u32 s11, s9;
	[tilespmem:v9+s1+$0x0] =	vst.idx.add.f32.msk $0xffff, v2;
	v3 =	vor.u32 v1, v3  }
0x507: {  	v5 =	vld [tilespmem:s9+$0x8460]  }
0x508: {  	v6 =	vld [tilespmem:s9+$0x8000]  }
0x509: {  	v7 =	vld [tilespmem:s9+$0x8470]  }
0x50a: {  	v8 =	vld [tilespmem:s9+$0x8020]  }
0x50b: {  	v9 =	vld [tilespmem:s9+$0x8040]  }
0x50c: {  	v10 =	vld [tilespmem:s9+$0x8060];
	v5 =	vmul.u32 $0x11, v5  }
0x50d: {  	v11 =	vmul.u32 $0x11, v6;
	v6 =	vld [tilespmem:s9+$0x8400]  }
0x50e: {  	v13 =	vld [tilespmem:s9+$0x8420];
	v5 =	vadd.s32 v7, v5  }
0x50f: {  	v7 =	vmul.u32 $0x11, v8;
	v8 =	vld [tilespmem:s9+$0x8440];
	v5 =	vshll.u32 v5, $0x4  }
0x510: {  	v15 =	vld [tilespmem:s9+$0x8010];
	v9 =	vmul.u32 $0x11, v9;
	v16 =	vor.u32 v1, v5  }
0x511: {  	v17 =	vld [tilespmem:s9+$0x8030];
	v18 =	vmul.u32 $0x11, v10  }
0x512: {  	v10 =	vld [tilespmem:s9+$0x8050];
	v19 =	vmul.u32 $0x11, v6  }
0x513: {  	v20 =	vld [tilespmem:s9+$0x8070];
	v6 =	vmul.u32 $0x11, v13  }
0x514: {  	v13 =	vld [tilespmem:s9+$0x8410];
	v5 =	vmul.u32 $0x11, v8  }
.Ltmp17:
0x515: {  	v8 =	vadd.s32 v15, v11;
	[tilespmem:v16+s1+$0x0] =	vst.idx.add.f32.msk $0xffff, v2;
	(pc) =	sbr.rel @p0 .LBB2_36-.Ltmp17, $4  }
0x516: {  	v8 =	vshll.u32 v8, $0x4;
	v15 =	vadd.s32 v17, v7;
	v11 =	vld [tilespmem:s9+$0x8430]  }
0x517: {  	v7 =	vor.u32 v1, v8;
	v8 =	vshll.u32 v15, $0x4;
	v9 =	vadd.s32 v10, v9;
	v10 =	vld [tilespmem:s9+$0x8450]  }
0x518: {  	v8 =	vor.u32 v1, v8;
	v9 =	vshll.u32 v9, $0x4;
	v15 =	vadd.s32 v20, v18;
	[tilespmem:v12+s1+$0x0] =	vst.idx.add.f32.msk $0xffff, v2  }
0x519: {  	v9 =	vor.u32 v1, v9;
	v12 =	vshll.u32 v15, $0x4;
	v13 =	vadd.s32 v13, v19;
	[tilespmem:v14+s1+$0x0] =	vst.idx.add.f32.msk $0xffff, v2  }
0x51a: {  	_ =	sdelay $0x3  }
0x51b: {  	v12 =	vor.u32 v1, v12;
	v13 =	vshll.u32 v13, $0x4;
	[tilespmem:v4+s1+$0x0] =	vst.idx.add.f32.msk $0xffff, v2;
	v61 =	vadd.s32 v11, v6  }
0x51c: {  	[tilespmem:v3+s1+$0x0] =	vst.idx.add.f32.msk $0xffff, v2;
	v62 =	vor.u32 v1, v13;
	v3 =	vshll.u32 v61, $0x4;
	v63 =	vadd.s32 v10, v5  }
0x51d: {  	[tilespmem:v7+s1+$0x0] =	vst.idx.add.f32.msk $0xffff, v2;
	v3 =	vor.u32 v1, v3;
	v4 =	vshll.u32 v63, $0x4  }
0x51e: {  	[tilespmem:v8+s1+$0x0] =	vst.idx.add.f32.msk $0xffff, v2;
	v4 =	vor.u32 v1, v4  }
0x51f: {  	[tilespmem:v9+s1+$0x0] =	vst.idx.add.f32.msk $0xffff, v2  }
0x520: {  	[tilespmem:v12+s1+$0x0] =	vst.idx.add.f32.msk $0xffff, v2  }
0x521: {  	[tilespmem:v62+s1+$0x0] =	vst.idx.add.f32.msk $0xffff, v2  }
0x522: {  	[tilespmem:v3+s1+$0x0] =	vst.idx.add.f32.msk $0xffff, v2  }
0x523: {  	[tilespmem:v4+s1+$0x0] =	vst.idx.add.f32.msk $0xffff, v2  }
0x524: {  	[hbm4b:s29+s3] =	stream.strided.scatter [tilespmem:s1], [sflag:$0x3], $0x1280, s4, s3, $0x38;
	[tilespmem:$0x11280] =	vst v63  }
0x525: {  	_ =	swait.ge [sflag:s5], $0x1280  }
0x526: {  	[sflag:s5] =	ssyncset.done $0x0  }
0x527: {  	s7 =	simm.s32 $0x10020;
	[sflag:s5] =	ssyncadd.s32 $0xFFFFED80  }
0x528: {  	[tilespmem:s25], [sflag:$0x2] =	stream.linear.gather [hbm4b:s18+s26], $0x8000, $0x38;
	[tilespmem:$0x11280] =	vst v63  }
0x529: {  	[tilespmem:s7+$0xFFFFFFE0] =	vst v0  }
0x52a: {  	[tilespmem:s7+$0x10] =	vst v0  }
0x52b: {  	s8 =	simm.s32 $0x0;
	[tilespmem:s7+$0x0] =	vst v0  }
.LBB2_38:
0x52c: {  	s8 =	sadd.s32 $0x4, s8  }
0x52d: {  	[tilespmem:s7+$0xFFFFFFF0] =	vst v0;
	s7 =	sadd.s32 $0x40, s7;
	p0 =	slt.u32 s8, $0x11C  }
.Ltmp18:
0x52e: {  	[tilespmem:s7+$0xFFFFFFE0] =	vst v0;
	(pc) =	sbr.rel @p0 .LBB2_38-.Ltmp18, $3  }
0x52f: {  	_ =	sdelay $0x1  }
0x530: {  	[tilespmem:s7+$0x10] =	vst v0  }
0x531: {  	[tilespmem:s7+$0x0] =	vst v0  }
0x532: {  	[tilespmem:s7+$0xFFFFFFF0] =	vst v0;
	s10 =	simm.s32 $0x0  }
0x533: {  	s8 =	simm.s32 $0x0;
	s9 =	simm.s32 $0x0;
	[tilespmem:$0x11200] =	vst v0;
	s7 =	sand.u32 $0x2000, s10  }
0x534: {  	s8 =	sand.u32 $0x7000, s8;
	_ =	swait.ge [sflag:s0], $0x8000;
	s7 =	sshrl.u32 s7, $0x2  }
0x535: {  	s9 =	sand.u32 $0x380, s9;
	[sflag:s0] =	ssyncset.done $0x0;
	s7 =	sor.u32 s7, s8  }
0x536: {  	[sflag:s0] =	ssyncadd.s32 $0xFFFF8000;
	s8 =	sor.u32 s9, s7  }
0x537: {  	v3 =	vld [tilespmem:s8+$0x460]  }
0x538: {  	v4 =	vld [tilespmem:s8+$0x0]  }
0x539: {  	v5 =	vld [tilespmem:s8+$0x470]  }
0x53a: {  	v6 =	vld [tilespmem:s8+$0x20]  }
0x53b: {  	v7 =	vld [tilespmem:s8+$0x40]  }
0x53c: {  	v8 =	vld [tilespmem:s8+$0x10];
	v3 =	vmul.u32 $0x11, v3  }
0x53d: {  	v9 =	vld [tilespmem:s8+$0x30]  }
0x53e: {  	v3 =	vadd.s32 v5, v3;
	v5 =	vld [tilespmem:s8+$0x50]  }
0x53f: {  	v10 =	vld [tilespmem:s8+$0x60];
	v4 =	vmul.u32 $0x11, v4;
	v3 =	vshll.u32 v3, $0x4  }
0x540: {  	v11 =	vld [tilespmem:s8+$0x400];
	v6 =	vmul.u32 $0x11, v6;
	v3 =	vor.u32 v1, v3  }
0x541: {  	v12 =	vld [tilespmem:s8+$0x420];
	v7 =	vmul.u32 $0x11, v7;
	v4 =	vadd.s32 v8, v4  }
0x542: {  	v13 =	vld [tilespmem:s8+$0x450];
	v6 =	vadd.s32 v9, v6;
	v4 =	vshll.u32 v4, $0x4  }
0x543: {  	v8 =	vld [tilespmem:s8+$0x440];
	v6 =	vshll.u32 v6, $0x4;
	v4 =	vor.u32 v1, v4;
	v5 =	vadd.s32 v5, v7  }
0x544: {  	v9 =	vld [tilespmem:s8+$0x70];
	v6 =	vor.u32 v1, v6;
	v5 =	vshll.u32 v5, $0x4  }
0x545: {  	[tilespmem:v3+s1+$0x0] =	vst.idx.add.f32.msk $0xffff, v2;
	v3 =	vor.u32 v1, v5  }
0x546: {  	s7 =	simm.s32 $0x2000;
	v7 =	vld [tilespmem:s8+$0x410]  }
0x547: {  	s11 =	simm.s32 $0x100;
	v5 =	vld [tilespmem:s8+$0x430];
	s8 =	sand.u32 $0x2000, s7  }
0x548: {  	s10 =	simm.s32 $0x40;
	s9 =	sand.u32 $0x7000, s11;
	[tilespmem:v4+s1+$0x0] =	vst.idx.add.f32.msk $0xffff, v2;
	s8 =	sshrl.u32 s8, $0x2  }
0x549: {  	s10 =	sand.u32 $0x380, s10;
	[tilespmem:v6+s1+$0x0] =	vst.idx.add.f32.msk $0xffff, v2;
	s8 =	sor.u32 s8, s9  }
0x54a: {  	s8 =	sor.u32 s10, s8;
	[tilespmem:v3+s1+$0x0] =	vst.idx.add.f32.msk $0xffff, v2  }
0x54b: {  	v3 =	vld [tilespmem:s8+$0x460]  }
0x54c: {  	v6 =	vld [tilespmem:s8+$0x0]  }
0x54d: {  	v4 =	vld [tilespmem:s8+$0x470]  }
0x54e: {  	v14 =	vld [tilespmem:s8+$0x20]  }
0x54f: {  	v15 =	vld [tilespmem:s8+$0x40]  }
0x550: {  	v10 =	vmul.u32 $0x11, v10;
	v16 =	vld [tilespmem:s8+$0x60];
	v3 =	vmul.u32 $0x11, v3  }
0x551: {  	v11 =	vmul.u32 $0x11, v11;
	v17 =	vld [tilespmem:s8+$0x400]  }
0x552: {  	v12 =	vmul.u32 $0x11, v12;
	v9 =	vadd.s32 v9, v10;
	v10 =	vld [tilespmem:s8+$0x420];
	v3 =	vadd.s32 v4, v3  }
0x553: {  	v4 =	vmul.u32 $0x11, v8;
	v8 =	vshll.u32 v9, $0x4;
	v9 =	vld [tilespmem:s8+$0x440];
	v3 =	vshll.u32 v3, $0x4  }
0x554: {  	v7 =	vadd.s32 v7, v11;
	v18 =	vor.u32 v1, v8;
	v8 =	vld [tilespmem:s8+$0x10];
	v11 =	vor.u32 v1, v3  }
0x555: {  	v5 =	vadd.s32 v5, v12;
	v3 =	vshll.u32 v7, $0x4;
	v4 =	vadd.s32 v13, v4;
	v7 =	vld [tilespmem:s8+$0x30]  }
0x556: {  	v12 =	vld [tilespmem:s8+$0x50];
	v19 =	vor.u32 v1, v3;
	v3 =	vshll.u32 v5, $0x4;
	v5 =	vshll.u32 v4, $0x4  }
0x557: {  	v13 =	vld [tilespmem:s8+$0x70];
	v4 =	vor.u32 v1, v3;
	v3 =	vor.u32 v1, v5;
	v5 =	vmul.u32 $0x11, v6  }
0x558: {  	v20 =	vld [tilespmem:s8+$0x410];
	v14 =	vmul.u32 $0x11, v14;
	v15 =	vmul.u32 $0x11, v15;
	v16 =	vmul.u32 $0x11, v16  }
0x559: {  	v17 =	vmul.u32 $0x11, v17;
	v6 =	vmul.u32 $0x11, v10;
	v8 =	vadd.s32 v8, v5;
	[tilespmem:v11+s1+$0x0] =	vst.idx.add.f32.msk $0xffff, v2  }
0x55a: {  	v5 =	vmul.u32 $0x11, v9;
	v8 =	vshll.u32 v8, $0x4;
	v9 =	vadd.s32 v7, v14;
	v11 =	vld [tilespmem:s8+$0x430]  }
0x55b: {  	v10 =	vld [tilespmem:s8+$0x450];
	v7 =	vor.u32 v1, v8;
	v8 =	vshll.u32 v9, $0x4;
	v9 =	vadd.s32 v12, v15  }
0x55c: {  	[tilespmem:v18+s1+$0x0] =	vst.idx.add.f32.msk $0xffff, v2;
	v12 =	vadd.s32 v13, v16;
	v8 =	vor.u32 v1, v8;
	v9 =	vshll.u32 v9, $0x4  }
0x55d: {  	s8 =	simm.s32 $0x8;
	v13 =	vadd.s32 v20, v17;
	[tilespmem:v19+s1+$0x0] =	vst.idx.add.f32.msk $0xffff, v2;
	v12 =	vshll.u32 v12, $0x4;
	v9 =	vor.u32 v1, v9  }
.LBB2_40:
0x55e: {  	s8 =	sadd.s32 $0x8, s8;
	v12 =	vor.u32 v1, v12;
	v13 =	vshll.u32 v13, $0x4;
	s7 =	sadd.s32 $0x2000, s7;
	[tilespmem:v4+s1+$0x0] =	vst.idx.add.f32.msk $0xffff, v2  }
0x55f: {  	s9 =	sand.u32 $0x2000, s7;
	s10 =	sshll.u32 s8, $0x5;
	p0 =	slt.u32 s8, $0x3F8;
	v14 =	vor.u32 v1, v13;
	v4 =	vadd.s32 v11, v6;
	[tilespmem:v3+s1+$0x0] =	vst.idx.add.f32.msk $0xffff, v2  }
0x560: {  	s11 =	sshll.u32 s8, $0x3;
	s10 =	sand.u32 $0x7000, s10;
	s9 =	sshrl.u32 s9, $0x2;
	[tilespmem:v7+s1+$0x0] =	vst.idx.add.f32.msk $0xffff, v2;
	v3 =	vshll.u32 v4, $0x4;
	v5 =	vadd.s32 v10, v5  }
0x561: {  	s11 =	sand.u32 $0x380, s11;
	s9 =	sor.u32 s9, s10;
	[tilespmem:v8+s1+$0x0] =	vst.idx.add.f32.msk $0xffff, v2;
	v4 =	vor.u32 v1, v3;
	v3 =	vshll.u32 v5, $0x4  }
0x562: {  	s9 =	sor.u32 s11, s9;
	[tilespmem:v9+s1+$0x0] =	vst.idx.add.f32.msk $0xffff, v2;
	v3 =	vor.u32 v1, v3  }
0x563: {  	v5 =	vld [tilespmem:s9+$0x460]  }
0x564: {  	v6 =	vld [tilespmem:s9+$0x0]  }
0x565: {  	v7 =	vld [tilespmem:s9+$0x470]  }
0x566: {  	v8 =	vld [tilespmem:s9+$0x20]  }
0x567: {  	v9 =	vld [tilespmem:s9+$0x40]  }
0x568: {  	v10 =	vld [tilespmem:s9+$0x60];
	v5 =	vmul.u32 $0x11, v5  }
0x569: {  	v11 =	vmul.u32 $0x11, v6;
	v6 =	vld [tilespmem:s9+$0x400]  }
0x56a: {  	v13 =	vld [tilespmem:s9+$0x420];
	v5 =	vadd.s32 v7, v5  }
0x56b: {  	v7 =	vmul.u32 $0x11, v8;
	v8 =	vld [tilespmem:s9+$0x440];
	v5 =	vshll.u32 v5, $0x4  }
0x56c: {  	v15 =	vld [tilespmem:s9+$0x10];
	v9 =	vmul.u32 $0x11, v9;
	v16 =	vor.u32 v1, v5  }
0x56d: {  	v17 =	vld [tilespmem:s9+$0x30];
	v18 =	vmul.u32 $0x11, v10  }
0x56e: {  	v10 =	vld [tilespmem:s9+$0x50];
	v19 =	vmul.u32 $0x11, v6  }
0x56f: {  	v20 =	vld [tilespmem:s9+$0x70];
	v6 =	vmul.u32 $0x11, v13  }
0x570: {  	v13 =	vld [tilespmem:s9+$0x410];
	v5 =	vmul.u32 $0x11, v8  }
.Ltmp19:
0x571: {  	v8 =	vadd.s32 v15, v11;
	[tilespmem:v16+s1+$0x0] =	vst.idx.add.f32.msk $0xffff, v2;
	(pc) =	sbr.rel @p0 .LBB2_40-.Ltmp19, $4  }
0x572: {  	v8 =	vshll.u32 v8, $0x4;
	v15 =	vadd.s32 v17, v7;
	v11 =	vld [tilespmem:s9+$0x430]  }
0x573: {  	v7 =	vor.u32 v1, v8;
	v8 =	vshll.u32 v15, $0x4;
	v9 =	vadd.s32 v10, v9;
	v10 =	vld [tilespmem:s9+$0x450]  }
0x574: {  	v8 =	vor.u32 v1, v8;
	v9 =	vshll.u32 v9, $0x4;
	v15 =	vadd.s32 v20, v18;
	[tilespmem:v12+s1+$0x0] =	vst.idx.add.f32.msk $0xffff, v2  }
0x575: {  	v9 =	vor.u32 v1, v9;
	v12 =	vshll.u32 v15, $0x4;
	v13 =	vadd.s32 v13, v19;
	[tilespmem:v14+s1+$0x0] =	vst.idx.add.f32.msk $0xffff, v2  }
0x576: {  	_ =	sdelay $0x3  }
0x577: {  	v12 =	vor.u32 v1, v12;
	v13 =	vshll.u32 v13, $0x4;
	[tilespmem:v4+s1+$0x0] =	vst.idx.add.f32.msk $0xffff, v2;
	v4 =	vadd.s32 v11, v6  }
0x578: {  	[tilespmem:v3+s1+$0x0] =	vst.idx.add.f32.msk $0xffff, v2;
	v6 =	vor.u32 v1, v13;
	v3 =	vshll.u32 v4, $0x4;
	v4 =	vadd.s32 v10, v5  }
0x579: {  	[tilespmem:v7+s1+$0x0] =	vst.idx.add.f32.msk $0xffff, v2;
	v3 =	vor.u32 v1, v3;
	v4 =	vshll.u32 v4, $0x4  }
0x57a: {  	[tilespmem:v8+s1+$0x0] =	vst.idx.add.f32.msk $0xffff, v2;
	v4 =	vor.u32 v1, v4  }
0x57b: {  	[tilespmem:v9+s1+$0x0] =	vst.idx.add.f32.msk $0xffff, v2  }
0x57c: {  	[tilespmem:v12+s1+$0x0] =	vst.idx.add.f32.msk $0xffff, v2  }
0x57d: {  	[tilespmem:v6+s1+$0x0] =	vst.idx.add.f32.msk $0xffff, v2  }
0x57e: {  	[tilespmem:v3+s1+$0x0] =	vst.idx.add.f32.msk $0xffff, v2  }
0x57f: {  	s7 =	simm.s32 $0x0;
	[tilespmem:v4+s1+$0x0] =	vst.idx.add.f32.msk $0xffff, v2  }
0x580: {  	[tilespmem:s7], [sflag:$0x1] =	stream.linear.gather [hbm4b:s19+s7], $0x8000, $0x38;
	[tilespmem:$0x11280] =	vst v63  }
0x581: {  	s8 =	simm.s32 $0x0;
	s9 =	simm.s32 $0x0;
	s7 =	sand.u32 $0x2000, s7  }
0x582: {  	s8 =	sand.u32 $0x7000, s8;
	_ =	swait.ge [sflag:s2], $0x8000;
	s7 =	sshrl.u32 s7, $0x2  }
0x583: {  	s9 =	sand.u32 $0x380, s9;
	[sflag:s2] =	ssyncset.done $0x0;
	s7 =	sor.u32 s7, s8  }
0x584: {  	[sflag:s2] =	ssyncadd.s32 $0xFFFF8000;
	s8 =	sor.u32 s9, s7  }
0x585: {  	v3 =	vld [tilespmem:s8+$0x8460]  }
0x586: {  	v4 =	vld [tilespmem:s8+$0x8000]  }
0x587: {  	v5 =	vld [tilespmem:s8+$0x8470]  }
0x588: {  	v6 =	vld [tilespmem:s8+$0x8020]  }
0x589: {  	v7 =	vld [tilespmem:s8+$0x8040]  }
0x58a: {  	v8 =	vld [tilespmem:s8+$0x8010];
	v3 =	vmul.u32 $0x11, v3  }
0x58b: {  	v9 =	vld [tilespmem:s8+$0x8030]  }
0x58c: {  	v3 =	vadd.s32 v5, v3;
	v5 =	vld [tilespmem:s8+$0x8050]  }
0x58d: {  	v10 =	vld [tilespmem:s8+$0x8060];
	v4 =	vmul.u32 $0x11, v4;
	v3 =	vshll.u32 v3, $0x4  }
0x58e: {  	v11 =	vld [tilespmem:s8+$0x8400];
	v6 =	vmul.u32 $0x11, v6;
	v3 =	vor.u32 v1, v3  }
0x58f: {  	v12 =	vld [tilespmem:s8+$0x8420];
	v7 =	vmul.u32 $0x11, v7;
	v4 =	vadd.s32 v8, v4  }
0x590: {  	v13 =	vld [tilespmem:s8+$0x8450];
	v6 =	vadd.s32 v9, v6;
	v4 =	vshll.u32 v4, $0x4  }
0x591: {  	v8 =	vld [tilespmem:s8+$0x8440];
	v6 =	vshll.u32 v6, $0x4;
	v4 =	vor.u32 v1, v4;
	v5 =	vadd.s32 v5, v7  }
0x592: {  	v9 =	vld [tilespmem:s8+$0x8070];
	v6 =	vor.u32 v1, v6;
	v5 =	vshll.u32 v5, $0x4  }
0x593: {  	[tilespmem:v3+s1+$0x0] =	vst.idx.add.f32.msk $0xffff, v2;
	v3 =	vor.u32 v1, v5  }
0x594: {  	s7 =	simm.s32 $0x2000;
	v7 =	vld [tilespmem:s8+$0x8410]  }
0x595: {  	s11 =	simm.s32 $0x100;
	v5 =	vld [tilespmem:s8+$0x8430];
	s8 =	sand.u32 $0x2000, s7  }
0x596: {  	s10 =	simm.s32 $0x40;
	s9 =	sand.u32 $0x7000, s11;
	[tilespmem:v4+s1+$0x0] =	vst.idx.add.f32.msk $0xffff, v2;
	s8 =	sshrl.u32 s8, $0x2  }
0x597: {  	s10 =	sand.u32 $0x380, s10;
	[tilespmem:v6+s1+$0x0] =	vst.idx.add.f32.msk $0xffff, v2;
	s8 =	sor.u32 s8, s9  }
0x598: {  	s8 =	sor.u32 s10, s8;
	[tilespmem:v3+s1+$0x0] =	vst.idx.add.f32.msk $0xffff, v2  }
0x599: {  	v3 =	vld [tilespmem:s8+$0x8460]  }
0x59a: {  	v6 =	vld [tilespmem:s8+$0x8000]  }
0x59b: {  	v4 =	vld [tilespmem:s8+$0x8470]  }
0x59c: {  	v14 =	vld [tilespmem:s8+$0x8020]  }
0x59d: {  	v15 =	vld [tilespmem:s8+$0x8040]  }
0x59e: {  	v10 =	vmul.u32 $0x11, v10;
	v16 =	vld [tilespmem:s8+$0x8060];
	v3 =	vmul.u32 $0x11, v3  }
0x59f: {  	v11 =	vmul.u32 $0x11, v11;
	v17 =	vld [tilespmem:s8+$0x8400]  }
0x5a0: {  	v12 =	vmul.u32 $0x11, v12;
	v9 =	vadd.s32 v9, v10;
	v10 =	vld [tilespmem:s8+$0x8420];
	v3 =	vadd.s32 v4, v3  }
0x5a1: {  	v4 =	vmul.u32 $0x11, v8;
	v8 =	vshll.u32 v9, $0x4;
	v9 =	vld [tilespmem:s8+$0x8440];
	v3 =	vshll.u32 v3, $0x4  }
0x5a2: {  	v7 =	vadd.s32 v7, v11;
	v18 =	vor.u32 v1, v8;
	v8 =	vld [tilespmem:s8+$0x8010];
	v11 =	vor.u32 v1, v3  }
0x5a3: {  	v5 =	vadd.s32 v5, v12;
	v3 =	vshll.u32 v7, $0x4;
	v4 =	vadd.s32 v13, v4;
	v7 =	vld [tilespmem:s8+$0x8030]  }
0x5a4: {  	v12 =	vld [tilespmem:s8+$0x8050];
	v19 =	vor.u32 v1, v3;
	v3 =	vshll.u32 v5, $0x4;
	v5 =	vshll.u32 v4, $0x4  }
0x5a5: {  	v13 =	vld [tilespmem:s8+$0x8070];
	v4 =	vor.u32 v1, v3;
	v3 =	vor.u32 v1, v5;
	v5 =	vmul.u32 $0x11, v6  }
0x5a6: {  	v20 =	vld [tilespmem:s8+$0x8410];
	v14 =	vmul.u32 $0x11, v14;
	v15 =	vmul.u32 $0x11, v15;
	v16 =	vmul.u32 $0x11, v16  }
0x5a7: {  	v17 =	vmul.u32 $0x11, v17;
	v6 =	vmul.u32 $0x11, v10;
	v8 =	vadd.s32 v8, v5;
	[tilespmem:v11+s1+$0x0] =	vst.idx.add.f32.msk $0xffff, v2  }
0x5a8: {  	v5 =	vmul.u32 $0x11, v9;
	v8 =	vshll.u32 v8, $0x4;
	v9 =	vadd.s32 v7, v14;
	v11 =	vld [tilespmem:s8+$0x8430]  }
0x5a9: {  	v10 =	vld [tilespmem:s8+$0x8450];
	v7 =	vor.u32 v1, v8;
	v8 =	vshll.u32 v9, $0x4;
	v9 =	vadd.s32 v12, v15  }
0x5aa: {  	[tilespmem:v18+s1+$0x0] =	vst.idx.add.f32.msk $0xffff, v2;
	v12 =	vadd.s32 v13, v16;
	v8 =	vor.u32 v1, v8;
	v9 =	vshll.u32 v9, $0x4  }
0x5ab: {  	s8 =	simm.s32 $0x8;
	v13 =	vadd.s32 v20, v17;
	[tilespmem:v19+s1+$0x0] =	vst.idx.add.f32.msk $0xffff, v2;
	v12 =	vshll.u32 v12, $0x4;
	v9 =	vor.u32 v1, v9  }
.LBB2_42:
0x5ac: {  	s8 =	sadd.s32 $0x8, s8;
	v12 =	vor.u32 v1, v12;
	v13 =	vshll.u32 v13, $0x4;
	s7 =	sadd.s32 $0x2000, s7;
	[tilespmem:v4+s1+$0x0] =	vst.idx.add.f32.msk $0xffff, v2  }
0x5ad: {  	s9 =	sand.u32 $0x2000, s7;
	s10 =	sshll.u32 s8, $0x5;
	p0 =	slt.u32 s8, $0x3F8;
	v14 =	vor.u32 v1, v13;
	v4 =	vadd.s32 v11, v6;
	[tilespmem:v3+s1+$0x0] =	vst.idx.add.f32.msk $0xffff, v2  }
0x5ae: {  	s11 =	sshll.u32 s8, $0x3;
	s10 =	sand.u32 $0x7000, s10;
	s9 =	sshrl.u32 s9, $0x2;
	[tilespmem:v7+s1+$0x0] =	vst.idx.add.f32.msk $0xffff, v2;
	v3 =	vshll.u32 v4, $0x4;
	v5 =	vadd.s32 v10, v5  }
0x5af: {  	s11 =	sand.u32 $0x380, s11;
	s9 =	sor.u32 s9, s10;
	[tilespmem:v8+s1+$0x0] =	vst.idx.add.f32.msk $0xffff, v2;
	v4 =	vor.u32 v1, v3;
	v3 =	vshll.u32 v5, $0x4  }
0x5b0: {  	s9 =	sor.u32 s11, s9;
	[tilespmem:v9+s1+$0x0] =	vst.idx.add.f32.msk $0xffff, v2;
	v3 =	vor.u32 v1, v3  }
0x5b1: {  	v5 =	vld [tilespmem:s9+$0x8460]  }
0x5b2: {  	v6 =	vld [tilespmem:s9+$0x8000]  }
0x5b3: {  	v7 =	vld [tilespmem:s9+$0x8470]  }
0x5b4: {  	v8 =	vld [tilespmem:s9+$0x8020]  }
0x5b5: {  	v9 =	vld [tilespmem:s9+$0x8040]  }
0x5b6: {  	v10 =	vld [tilespmem:s9+$0x8060];
	v5 =	vmul.u32 $0x11, v5  }
0x5b7: {  	v11 =	vmul.u32 $0x11, v6;
	v6 =	vld [tilespmem:s9+$0x8400]  }
0x5b8: {  	v13 =	vld [tilespmem:s9+$0x8420];
	v5 =	vadd.s32 v7, v5  }
0x5b9: {  	v7 =	vmul.u32 $0x11, v8;
	v8 =	vld [tilespmem:s9+$0x8440];
	v5 =	vshll.u32 v5, $0x4  }
0x5ba: {  	v15 =	vld [tilespmem:s9+$0x8010];
	v9 =	vmul.u32 $0x11, v9;
	v16 =	vor.u32 v1, v5  }
0x5bb: {  	v17 =	vld [tilespmem:s9+$0x8030];
	v18 =	vmul.u32 $0x11, v10  }
0x5bc: {  	v10 =	vld [tilespmem:s9+$0x8050];
	v19 =	vmul.u32 $0x11, v6  }
0x5bd: {  	v20 =	vld [tilespmem:s9+$0x8070];
	v6 =	vmul.u32 $0x11, v13  }
0x5be: {  	v13 =	vld [tilespmem:s9+$0x8410];
	v5 =	vmul.u32 $0x11, v8  }
.Ltmp20:
0x5bf: {  	v8 =	vadd.s32 v15, v11;
	[tilespmem:v16+s1+$0x0] =	vst.idx.add.f32.msk $0xffff, v2;
	(pc) =	sbr.rel @p0 .LBB2_42-.Ltmp20, $4  }
0x5c0: {  	v8 =	vshll.u32 v8, $0x4;
	v15 =	vadd.s32 v17, v7;
	v11 =	vld [tilespmem:s9+$0x8430]  }
0x5c1: {  	v7 =	vor.u32 v1, v8;
	v8 =	vshll.u32 v15, $0x4;
	v9 =	vadd.s32 v10, v9;
	v10 =	vld [tilespmem:s9+$0x8450]  }
0x5c2: {  	v8 =	vor.u32 v1, v8;
	v9 =	vshll.u32 v9, $0x4;
	v15 =	vadd.s32 v20, v18;
	[tilespmem:v12+s1+$0x0] =	vst.idx.add.f32.msk $0xffff, v2  }
0x5c3: {  	v9 =	vor.u32 v1, v9;
	v12 =	vshll.u32 v15, $0x4;
	v13 =	vadd.s32 v13, v19;
	[tilespmem:v14+s1+$0x0] =	vst.idx.add.f32.msk $0xffff, v2  }
0x5c4: {  	_ =	sdelay $0x3  }
0x5c5: {  	v12 =	vor.u32 v1, v12;
	v13 =	vshll.u32 v13, $0x4;
	[tilespmem:v4+s1+$0x0] =	vst.idx.add.f32.msk $0xffff, v2;
	v4 =	vadd.s32 v11, v6  }
0x5c6: {  	[tilespmem:v3+s1+$0x0] =	vst.idx.add.f32.msk $0xffff, v2;
	v6 =	vor.u32 v1, v13;
	v3 =	vshll.u32 v4, $0x4;
	v4 =	vadd.s32 v10, v5  }
0x5c7: {  	[tilespmem:v7+s1+$0x0] =	vst.idx.add.f32.msk $0xffff, v2;
	v3 =	vor.u32 v1, v3;
	v4 =	vshll.u32 v4, $0x4  }
0x5c8: {  	[tilespmem:v8+s1+$0x0] =	vst.idx.add.f32.msk $0xffff, v2;
	v4 =	vor.u32 v1, v4  }
0x5c9: {  	[tilespmem:v9+s1+$0x0] =	vst.idx.add.f32.msk $0xffff, v2  }
0x5ca: {  	[tilespmem:v12+s1+$0x0] =	vst.idx.add.f32.msk $0xffff, v2  }
0x5cb: {  	[tilespmem:v6+s1+$0x0] =	vst.idx.add.f32.msk $0xffff, v2  }
0x5cc: {  	[tilespmem:v3+s1+$0x0] =	vst.idx.add.f32.msk $0xffff, v2  }
0x5cd: {  	s7 =	simm.s32 $0x0;
	[tilespmem:v4+s1+$0x0] =	vst.idx.add.f32.msk $0xffff, v2  }
0x5ce: {  	[tilespmem:s25], [sflag:$0x2] =	stream.linear.gather [hbm4b:s20+s7], $0x8000, $0x38;
	[tilespmem:$0x11280] =	vst v63  }
0x5cf: {  	s8 =	simm.s32 $0x0;
	s9 =	simm.s32 $0x0;
	s7 =	sand.u32 $0x2000, s7  }
0x5d0: {  	s8 =	sand.u32 $0x7000, s8;
	_ =	swait.ge [sflag:s0], $0x8000;
	s7 =	sshrl.u32 s7, $0x2  }
0x5d1: {  	s9 =	sand.u32 $0x380, s9;
	[sflag:s0] =	ssyncset.done $0x0;
	s7 =	sor.u32 s7, s8  }
0x5d2: {  	[sflag:s0] =	ssyncadd.s32 $0xFFFF8000;
	s8 =	sor.u32 s9, s7  }
0x5d3: {  	v3 =	vld [tilespmem:s8+$0x460]  }
0x5d4: {  	v4 =	vld [tilespmem:s8+$0x0]  }
0x5d5: {  	v5 =	vld [tilespmem:s8+$0x470]  }
0x5d6: {  	v6 =	vld [tilespmem:s8+$0x20]  }
0x5d7: {  	v7 =	vld [tilespmem:s8+$0x40]  }
0x5d8: {  	v8 =	vld [tilespmem:s8+$0x10];
	v3 =	vmul.u32 $0x11, v3  }
0x5d9: {  	v9 =	vld [tilespmem:s8+$0x30]  }
0x5da: {  	v3 =	vadd.s32 v5, v3;
	v5 =	vld [tilespmem:s8+$0x50]  }
0x5db: {  	v10 =	vld [tilespmem:s8+$0x60];
	v4 =	vmul.u32 $0x11, v4;
	v3 =	vshll.u32 v3, $0x4  }
0x5dc: {  	v11 =	vld [tilespmem:s8+$0x400];
	v6 =	vmul.u32 $0x11, v6;
	v3 =	vor.u32 v1, v3  }
0x5dd: {  	v12 =	vld [tilespmem:s8+$0x420];
	v7 =	vmul.u32 $0x11, v7;
	v4 =	vadd.s32 v8, v4  }
0x5de: {  	v13 =	vld [tilespmem:s8+$0x450];
	v6 =	vadd.s32 v9, v6;
	v4 =	vshll.u32 v4, $0x4  }
0x5df: {  	v8 =	vld [tilespmem:s8+$0x440];
	v6 =	vshll.u32 v6, $0x4;
	v4 =	vor.u32 v1, v4;
	v5 =	vadd.s32 v5, v7  }
0x5e0: {  	v9 =	vld [tilespmem:s8+$0x70];
	v6 =	vor.u32 v1, v6;
	v5 =	vshll.u32 v5, $0x4  }
0x5e1: {  	[tilespmem:v3+s1+$0x0] =	vst.idx.add.f32.msk $0xffff, v2;
	v3 =	vor.u32 v1, v5  }
0x5e2: {  	s7 =	simm.s32 $0x2000;
	v7 =	vld [tilespmem:s8+$0x410]  }
0x5e3: {  	s11 =	simm.s32 $0x100;
	v5 =	vld [tilespmem:s8+$0x430];
	s8 =	sand.u32 $0x2000, s7  }
0x5e4: {  	s10 =	simm.s32 $0x40;
	s9 =	sand.u32 $0x7000, s11;
	[tilespmem:v4+s1+$0x0] =	vst.idx.add.f32.msk $0xffff, v2;
	s8 =	sshrl.u32 s8, $0x2  }
0x5e5: {  	s10 =	sand.u32 $0x380, s10;
	[tilespmem:v6+s1+$0x0] =	vst.idx.add.f32.msk $0xffff, v2;
	s8 =	sor.u32 s8, s9  }
0x5e6: {  	s8 =	sor.u32 s10, s8;
	[tilespmem:v3+s1+$0x0] =	vst.idx.add.f32.msk $0xffff, v2  }
0x5e7: {  	v3 =	vld [tilespmem:s8+$0x460]  }
0x5e8: {  	v6 =	vld [tilespmem:s8+$0x0]  }
0x5e9: {  	v4 =	vld [tilespmem:s8+$0x470]  }
0x5ea: {  	v14 =	vld [tilespmem:s8+$0x20]  }
0x5eb: {  	v15 =	vld [tilespmem:s8+$0x40]  }
0x5ec: {  	v10 =	vmul.u32 $0x11, v10;
	v16 =	vld [tilespmem:s8+$0x60];
	v3 =	vmul.u32 $0x11, v3  }
0x5ed: {  	v11 =	vmul.u32 $0x11, v11;
	v17 =	vld [tilespmem:s8+$0x400]  }
0x5ee: {  	v12 =	vmul.u32 $0x11, v12;
	v9 =	vadd.s32 v9, v10;
	v10 =	vld [tilespmem:s8+$0x420];
	v3 =	vadd.s32 v4, v3  }
0x5ef: {  	v4 =	vmul.u32 $0x11, v8;
	v8 =	vshll.u32 v9, $0x4;
	v9 =	vld [tilespmem:s8+$0x440];
	v3 =	vshll.u32 v3, $0x4  }
0x5f0: {  	v7 =	vadd.s32 v7, v11;
	v18 =	vor.u32 v1, v8;
	v8 =	vld [tilespmem:s8+$0x10];
	v11 =	vor.u32 v1, v3  }
0x5f1: {  	v5 =	vadd.s32 v5, v12;
	v3 =	vshll.u32 v7, $0x4;
	v4 =	vadd.s32 v13, v4;
	v7 =	vld [tilespmem:s8+$0x30]  }
0x5f2: {  	v12 =	vld [tilespmem:s8+$0x50];
	v19 =	vor.u32 v1, v3;
	v3 =	vshll.u32 v5, $0x4;
	v5 =	vshll.u32 v4, $0x4  }
0x5f3: {  	v13 =	vld [tilespmem:s8+$0x70];
	v4 =	vor.u32 v1, v3;
	v3 =	vor.u32 v1, v5;
	v5 =	vmul.u32 $0x11, v6  }
0x5f4: {  	v20 =	vld [tilespmem:s8+$0x410];
	v14 =	vmul.u32 $0x11, v14;
	v15 =	vmul.u32 $0x11, v15;
	v16 =	vmul.u32 $0x11, v16  }
0x5f5: {  	v17 =	vmul.u32 $0x11, v17;
	v6 =	vmul.u32 $0x11, v10;
	v8 =	vadd.s32 v8, v5;
	[tilespmem:v11+s1+$0x0] =	vst.idx.add.f32.msk $0xffff, v2  }
0x5f6: {  	v5 =	vmul.u32 $0x11, v9;
	v8 =	vshll.u32 v8, $0x4;
	v9 =	vadd.s32 v7, v14;
	v11 =	vld [tilespmem:s8+$0x430]  }
0x5f7: {  	v10 =	vld [tilespmem:s8+$0x450];
	v7 =	vor.u32 v1, v8;
	v8 =	vshll.u32 v9, $0x4;
	v9 =	vadd.s32 v12, v15  }
0x5f8: {  	[tilespmem:v18+s1+$0x0] =	vst.idx.add.f32.msk $0xffff, v2;
	v12 =	vadd.s32 v13, v16;
	v8 =	vor.u32 v1, v8;
	v9 =	vshll.u32 v9, $0x4  }
0x5f9: {  	s8 =	simm.s32 $0x8;
	v13 =	vadd.s32 v20, v17;
	[tilespmem:v19+s1+$0x0] =	vst.idx.add.f32.msk $0xffff, v2;
	v12 =	vshll.u32 v12, $0x4;
	v9 =	vor.u32 v1, v9  }
.LBB2_44:
0x5fa: {  	s8 =	sadd.s32 $0x8, s8;
	v12 =	vor.u32 v1, v12;
	v13 =	vshll.u32 v13, $0x4;
	s7 =	sadd.s32 $0x2000, s7;
	[tilespmem:v4+s1+$0x0] =	vst.idx.add.f32.msk $0xffff, v2  }
0x5fb: {  	s9 =	sand.u32 $0x2000, s7;
	s10 =	sshll.u32 s8, $0x5;
	p0 =	slt.u32 s8, $0x3F8;
	v14 =	vor.u32 v1, v13;
	v4 =	vadd.s32 v11, v6;
	[tilespmem:v3+s1+$0x0] =	vst.idx.add.f32.msk $0xffff, v2  }
0x5fc: {  	s11 =	sshll.u32 s8, $0x3;
	s10 =	sand.u32 $0x7000, s10;
	s9 =	sshrl.u32 s9, $0x2;
	[tilespmem:v7+s1+$0x0] =	vst.idx.add.f32.msk $0xffff, v2;
	v3 =	vshll.u32 v4, $0x4;
	v5 =	vadd.s32 v10, v5  }
0x5fd: {  	s11 =	sand.u32 $0x380, s11;
	s9 =	sor.u32 s9, s10;
	[tilespmem:v8+s1+$0x0] =	vst.idx.add.f32.msk $0xffff, v2;
	v4 =	vor.u32 v1, v3;
	v3 =	vshll.u32 v5, $0x4  }
0x5fe: {  	s9 =	sor.u32 s11, s9;
	[tilespmem:v9+s1+$0x0] =	vst.idx.add.f32.msk $0xffff, v2;
	v3 =	vor.u32 v1, v3  }
0x5ff: {  	v5 =	vld [tilespmem:s9+$0x460]  }
0x600: {  	v6 =	vld [tilespmem:s9+$0x0]  }
0x601: {  	v7 =	vld [tilespmem:s9+$0x470]  }
0x602: {  	v8 =	vld [tilespmem:s9+$0x20]  }
0x603: {  	v9 =	vld [tilespmem:s9+$0x40]  }
0x604: {  	v10 =	vld [tilespmem:s9+$0x60];
	v5 =	vmul.u32 $0x11, v5  }
0x605: {  	v11 =	vmul.u32 $0x11, v6;
	v6 =	vld [tilespmem:s9+$0x400]  }
0x606: {  	v13 =	vld [tilespmem:s9+$0x420];
	v5 =	vadd.s32 v7, v5  }
0x607: {  	v7 =	vmul.u32 $0x11, v8;
	v8 =	vld [tilespmem:s9+$0x440];
	v5 =	vshll.u32 v5, $0x4  }
0x608: {  	v15 =	vld [tilespmem:s9+$0x10];
	v9 =	vmul.u32 $0x11, v9;
	v16 =	vor.u32 v1, v5  }
0x609: {  	v17 =	vld [tilespmem:s9+$0x30];
	v18 =	vmul.u32 $0x11, v10  }
0x60a: {  	v10 =	vld [tilespmem:s9+$0x50];
	v19 =	vmul.u32 $0x11, v6  }
0x60b: {  	v20 =	vld [tilespmem:s9+$0x70];
	v6 =	vmul.u32 $0x11, v13  }
0x60c: {  	v13 =	vld [tilespmem:s9+$0x410];
	v5 =	vmul.u32 $0x11, v8  }
.Ltmp21:
0x60d: {  	v8 =	vadd.s32 v15, v11;
	[tilespmem:v16+s1+$0x0] =	vst.idx.add.f32.msk $0xffff, v2;
	(pc) =	sbr.rel @p0 .LBB2_44-.Ltmp21, $4  }
0x60e: {  	v8 =	vshll.u32 v8, $0x4;
	v15 =	vadd.s32 v17, v7;
	v11 =	vld [tilespmem:s9+$0x430]  }
0x60f: {  	v7 =	vor.u32 v1, v8;
	v8 =	vshll.u32 v15, $0x4;
	v9 =	vadd.s32 v10, v9;
	v10 =	vld [tilespmem:s9+$0x450]  }
0x610: {  	v8 =	vor.u32 v1, v8;
	v9 =	vshll.u32 v9, $0x4;
	v15 =	vadd.s32 v20, v18;
	[tilespmem:v12+s1+$0x0] =	vst.idx.add.f32.msk $0xffff, v2  }
0x611: {  	v9 =	vor.u32 v1, v9;
	v12 =	vshll.u32 v15, $0x4;
	v13 =	vadd.s32 v13, v19;
	[tilespmem:v14+s1+$0x0] =	vst.idx.add.f32.msk $0xffff, v2  }
0x612: {  	_ =	sdelay $0x3  }
0x613: {  	v12 =	vor.u32 v1, v12;
	v13 =	vshll.u32 v13, $0x4;
	[tilespmem:v4+s1+$0x0] =	vst.idx.add.f32.msk $0xffff, v2;
	v4 =	vadd.s32 v11, v6  }
0x614: {  	[tilespmem:v3+s1+$0x0] =	vst.idx.add.f32.msk $0xffff, v2;
	v6 =	vor.u32 v1, v13;
	v3 =	vshll.u32 v4, $0x4;
	v4 =	vadd.s32 v10, v5  }
0x615: {  	[tilespmem:v7+s1+$0x0] =	vst.idx.add.f32.msk $0xffff, v2;
	v3 =	vor.u32 v1, v3;
	v4 =	vshll.u32 v4, $0x4  }
0x616: {  	[tilespmem:v8+s1+$0x0] =	vst.idx.add.f32.msk $0xffff, v2;
	v4 =	vor.u32 v1, v4  }
0x617: {  	[tilespmem:v9+s1+$0x0] =	vst.idx.add.f32.msk $0xffff, v2  }
0x618: {  	[tilespmem:v12+s1+$0x0] =	vst.idx.add.f32.msk $0xffff, v2  }
0x619: {  	[tilespmem:v6+s1+$0x0] =	vst.idx.add.f32.msk $0xffff, v2  }
0x61a: {  	[tilespmem:v3+s1+$0x0] =	vst.idx.add.f32.msk $0xffff, v2  }
0x61b: {  	s7 =	simm.s32 $0x0;
	[tilespmem:v4+s1+$0x0] =	vst.idx.add.f32.msk $0xffff, v2  }
0x61c: {  	[tilespmem:s7], [sflag:$0x1] =	stream.linear.gather [hbm4b:s21+s7], $0x8000, $0x38;
	[tilespmem:$0x11280] =	vst v63  }
0x61d: {  	s8 =	simm.s32 $0x0;
	s9 =	simm.s32 $0x0;
	s7 =	sand.u32 $0x2000, s7  }
0x61e: {  	s8 =	sand.u32 $0x7000, s8;
	_ =	swait.ge [sflag:s2], $0x8000;
	s7 =	sshrl.u32 s7, $0x2  }
0x61f: {  	s9 =	sand.u32 $0x380, s9;
	[sflag:s2] =	ssyncset.done $0x0;
	s7 =	sor.u32 s7, s8  }
0x620: {  	[sflag:s2] =	ssyncadd.s32 $0xFFFF8000;
	s8 =	sor.u32 s9, s7  }
0x621: {  	v3 =	vld [tilespmem:s8+$0x8460]  }
0x622: {  	v4 =	vld [tilespmem:s8+$0x8000]  }
0x623: {  	v5 =	vld [tilespmem:s8+$0x8470]  }
0x624: {  	v6 =	vld [tilespmem:s8+$0x8020]  }
0x625: {  	v7 =	vld [tilespmem:s8+$0x8040]  }
0x626: {  	v8 =	vld [tilespmem:s8+$0x8010];
	v3 =	vmul.u32 $0x11, v3  }
0x627: {  	v9 =	vld [tilespmem:s8+$0x8030]  }
0x628: {  	v3 =	vadd.s32 v5, v3;
	v5 =	vld [tilespmem:s8+$0x8050]  }
0x629: {  	v10 =	vld [tilespmem:s8+$0x8060];
	v4 =	vmul.u32 $0x11, v4;
	v3 =	vshll.u32 v3, $0x4  }
0x62a: {  	v11 =	vld [tilespmem:s8+$0x8400];
	v6 =	vmul.u32 $0x11, v6;
	v3 =	vor.u32 v1, v3  }
0x62b: {  	v12 =	vld [tilespmem:s8+$0x8420];
	v7 =	vmul.u32 $0x11, v7;
	v4 =	vadd.s32 v8, v4  }
0x62c: {  	v13 =	vld [tilespmem:s8+$0x8450];
	v6 =	vadd.s32 v9, v6;
	v4 =	vshll.u32 v4, $0x4  }
0x62d: {  	v8 =	vld [tilespmem:s8+$0x8440];
	v6 =	vshll.u32 v6, $0x4;
	v4 =	vor.u32 v1, v4;
	v5 =	vadd.s32 v5, v7  }
0x62e: {  	v9 =	vld [tilespmem:s8+$0x8070];
	v6 =	vor.u32 v1, v6;
	v5 =	vshll.u32 v5, $0x4  }
0x62f: {  	[tilespmem:v3+s1+$0x0] =	vst.idx.add.f32.msk $0xffff, v2;
	v3 =	vor.u32 v1, v5  }
0x630: {  	s7 =	simm.s32 $0x2000;
	v7 =	vld [tilespmem:s8+$0x8410]  }
0x631: {  	s11 =	simm.s32 $0x100;
	v5 =	vld [tilespmem:s8+$0x8430];
	s8 =	sand.u32 $0x2000, s7  }
0x632: {  	s10 =	simm.s32 $0x40;
	s9 =	sand.u32 $0x7000, s11;
	[tilespmem:v4+s1+$0x0] =	vst.idx.add.f32.msk $0xffff, v2;
	s8 =	sshrl.u32 s8, $0x2  }
0x633: {  	s10 =	sand.u32 $0x380, s10;
	[tilespmem:v6+s1+$0x0] =	vst.idx.add.f32.msk $0xffff, v2;
	s8 =	sor.u32 s8, s9  }
0x634: {  	s8 =	sor.u32 s10, s8;
	[tilespmem:v3+s1+$0x0] =	vst.idx.add.f32.msk $0xffff, v2  }
0x635: {  	v3 =	vld [tilespmem:s8+$0x8460]  }
0x636: {  	v6 =	vld [tilespmem:s8+$0x8000]  }
0x637: {  	v4 =	vld [tilespmem:s8+$0x8470]  }
0x638: {  	v14 =	vld [tilespmem:s8+$0x8020]  }
0x639: {  	v15 =	vld [tilespmem:s8+$0x8040]  }
0x63a: {  	v10 =	vmul.u32 $0x11, v10;
	v16 =	vld [tilespmem:s8+$0x8060];
	v3 =	vmul.u32 $0x11, v3  }
0x63b: {  	v11 =	vmul.u32 $0x11, v11;
	v17 =	vld [tilespmem:s8+$0x8400]  }
0x63c: {  	v12 =	vmul.u32 $0x11, v12;
	v9 =	vadd.s32 v9, v10;
	v10 =	vld [tilespmem:s8+$0x8420];
	v3 =	vadd.s32 v4, v3  }
0x63d: {  	v4 =	vmul.u32 $0x11, v8;
	v8 =	vshll.u32 v9, $0x4;
	v9 =	vld [tilespmem:s8+$0x8440];
	v3 =	vshll.u32 v3, $0x4  }
0x63e: {  	v7 =	vadd.s32 v7, v11;
	v18 =	vor.u32 v1, v8;
	v8 =	vld [tilespmem:s8+$0x8010];
	v11 =	vor.u32 v1, v3  }
0x63f: {  	v5 =	vadd.s32 v5, v12;
	v3 =	vshll.u32 v7, $0x4;
	v4 =	vadd.s32 v13, v4;
	v7 =	vld [tilespmem:s8+$0x8030]  }
0x640: {  	v12 =	vld [tilespmem:s8+$0x8050];
	v19 =	vor.u32 v1, v3;
	v3 =	vshll.u32 v5, $0x4;
	v5 =	vshll.u32 v4, $0x4  }
0x641: {  	v13 =	vld [tilespmem:s8+$0x8070];
	v4 =	vor.u32 v1, v3;
	v3 =	vor.u32 v1, v5;
	v5 =	vmul.u32 $0x11, v6  }
0x642: {  	v20 =	vld [tilespmem:s8+$0x8410];
	v14 =	vmul.u32 $0x11, v14;
	v15 =	vmul.u32 $0x11, v15;
	v16 =	vmul.u32 $0x11, v16  }
0x643: {  	v17 =	vmul.u32 $0x11, v17;
	v6 =	vmul.u32 $0x11, v10;
	v8 =	vadd.s32 v8, v5;
	[tilespmem:v11+s1+$0x0] =	vst.idx.add.f32.msk $0xffff, v2  }
0x644: {  	v5 =	vmul.u32 $0x11, v9;
	v8 =	vshll.u32 v8, $0x4;
	v9 =	vadd.s32 v7, v14;
	v11 =	vld [tilespmem:s8+$0x8430]  }
0x645: {  	v10 =	vld [tilespmem:s8+$0x8450];
	v7 =	vor.u32 v1, v8;
	v8 =	vshll.u32 v9, $0x4;
	v9 =	vadd.s32 v12, v15  }
0x646: {  	[tilespmem:v18+s1+$0x0] =	vst.idx.add.f32.msk $0xffff, v2;
	v12 =	vadd.s32 v13, v16;
	v8 =	vor.u32 v1, v8;
	v9 =	vshll.u32 v9, $0x4  }
0x647: {  	s8 =	simm.s32 $0x8;
	v13 =	vadd.s32 v20, v17;
	[tilespmem:v19+s1+$0x0] =	vst.idx.add.f32.msk $0xffff, v2;
	v12 =	vshll.u32 v12, $0x4;
	v9 =	vor.u32 v1, v9  }
.LBB2_46:
0x648: {  	s8 =	sadd.s32 $0x8, s8;
	v12 =	vor.u32 v1, v12;
	v13 =	vshll.u32 v13, $0x4;
	s7 =	sadd.s32 $0x2000, s7;
	[tilespmem:v4+s1+$0x0] =	vst.idx.add.f32.msk $0xffff, v2  }
0x649: {  	s9 =	sand.u32 $0x2000, s7;
	s10 =	sshll.u32 s8, $0x5;
	p0 =	slt.u32 s8, $0x3F8;
	v14 =	vor.u32 v1, v13;
	v4 =	vadd.s32 v11, v6;
	[tilespmem:v3+s1+$0x0] =	vst.idx.add.f32.msk $0xffff, v2  }
0x64a: {  	s11 =	sshll.u32 s8, $0x3;
	s10 =	sand.u32 $0x7000, s10;
	s9 =	sshrl.u32 s9, $0x2;
	[tilespmem:v7+s1+$0x0] =	vst.idx.add.f32.msk $0xffff, v2;
	v3 =	vshll.u32 v4, $0x4;
	v5 =	vadd.s32 v10, v5  }
0x64b: {  	s11 =	sand.u32 $0x380, s11;
	s9 =	sor.u32 s9, s10;
	[tilespmem:v8+s1+$0x0] =	vst.idx.add.f32.msk $0xffff, v2;
	v4 =	vor.u32 v1, v3;
	v3 =	vshll.u32 v5, $0x4  }
0x64c: {  	s9 =	sor.u32 s11, s9;
	[tilespmem:v9+s1+$0x0] =	vst.idx.add.f32.msk $0xffff, v2;
	v3 =	vor.u32 v1, v3  }
0x64d: {  	v5 =	vld [tilespmem:s9+$0x8460]  }
0x64e: {  	v6 =	vld [tilespmem:s9+$0x8000]  }
0x64f: {  	v7 =	vld [tilespmem:s9+$0x8470]  }
0x650: {  	v8 =	vld [tilespmem:s9+$0x8020]  }
0x651: {  	v9 =	vld [tilespmem:s9+$0x8040]  }
0x652: {  	v10 =	vld [tilespmem:s9+$0x8060];
	v5 =	vmul.u32 $0x11, v5  }
0x653: {  	v11 =	vmul.u32 $0x11, v6;
	v6 =	vld [tilespmem:s9+$0x8400]  }
0x654: {  	v13 =	vld [tilespmem:s9+$0x8420];
	v5 =	vadd.s32 v7, v5  }
0x655: {  	v7 =	vmul.u32 $0x11, v8;
	v8 =	vld [tilespmem:s9+$0x8440];
	v5 =	vshll.u32 v5, $0x4  }
0x656: {  	v15 =	vld [tilespmem:s9+$0x8010];
	v9 =	vmul.u32 $0x11, v9;
	v16 =	vor.u32 v1, v5  }
0x657: {  	v17 =	vld [tilespmem:s9+$0x8030];
	v18 =	vmul.u32 $0x11, v10  }
0x658: {  	v10 =	vld [tilespmem:s9+$0x8050];
	v19 =	vmul.u32 $0x11, v6  }
0x659: {  	v20 =	vld [tilespmem:s9+$0x8070];
	v6 =	vmul.u32 $0x11, v13  }
0x65a: {  	v13 =	vld [tilespmem:s9+$0x8410];
	v5 =	vmul.u32 $0x11, v8  }
.Ltmp22:
0x65b: {  	v8 =	vadd.s32 v15, v11;
	[tilespmem:v16+s1+$0x0] =	vst.idx.add.f32.msk $0xffff, v2;
	(pc) =	sbr.rel @p0 .LBB2_46-.Ltmp22, $4  }
0x65c: {  	v8 =	vshll.u32 v8, $0x4;
	v15 =	vadd.s32 v17, v7;
	v11 =	vld [tilespmem:s9+$0x8430]  }
0x65d: {  	v7 =	vor.u32 v1, v8;
	v8 =	vshll.u32 v15, $0x4;
	v9 =	vadd.s32 v10, v9;
	v10 =	vld [tilespmem:s9+$0x8450]  }
0x65e: {  	v8 =	vor.u32 v1, v8;
	v9 =	vshll.u32 v9, $0x4;
	v15 =	vadd.s32 v20, v18;
	[tilespmem:v12+s1+$0x0] =	vst.idx.add.f32.msk $0xffff, v2  }
0x65f: {  	v9 =	vor.u32 v1, v9;
	v12 =	vshll.u32 v15, $0x4;
	v13 =	vadd.s32 v13, v19;
	[tilespmem:v14+s1+$0x0] =	vst.idx.add.f32.msk $0xffff, v2  }
0x660: {  	_ =	sdelay $0x3  }
0x661: {  	v12 =	vor.u32 v1, v12;
	v13 =	vshll.u32 v13, $0x4;
	[tilespmem:v4+s1+$0x0] =	vst.idx.add.f32.msk $0xffff, v2;
	v4 =	vadd.s32 v11, v6  }
0x662: {  	[tilespmem:v3+s1+$0x0] =	vst.idx.add.f32.msk $0xffff, v2;
	v6 =	vor.u32 v1, v13;
	v3 =	vshll.u32 v4, $0x4;
	v4 =	vadd.s32 v10, v5  }
0x663: {  	[tilespmem:v7+s1+$0x0] =	vst.idx.add.f32.msk $0xffff, v2;
	v3 =	vor.u32 v1, v3;
	v4 =	vshll.u32 v4, $0x4  }
0x664: {  	[tilespmem:v8+s1+$0x0] =	vst.idx.add.f32.msk $0xffff, v2;
	v4 =	vor.u32 v1, v4  }
0x665: {  	[tilespmem:v9+s1+$0x0] =	vst.idx.add.f32.msk $0xffff, v2  }
0x666: {  	[tilespmem:v12+s1+$0x0] =	vst.idx.add.f32.msk $0xffff, v2  }
0x667: {  	[tilespmem:v6+s1+$0x0] =	vst.idx.add.f32.msk $0xffff, v2  }
0x668: {  	[tilespmem:v3+s1+$0x0] =	vst.idx.add.f32.msk $0xffff, v2  }
0x669: {  	s7 =	simm.s32 $0x0;
	[tilespmem:v4+s1+$0x0] =	vst.idx.add.f32.msk $0xffff, v2  }
0x66a: {  	[tilespmem:s25], [sflag:$0x2] =	stream.linear.gather [hbm4b:s22+s7], $0x8000, $0x38;
	[tilespmem:$0x11280] =	vst v63  }
0x66b: {  	s8 =	simm.s32 $0x0;
	s9 =	simm.s32 $0x0;
	s7 =	sand.u32 $0x2000, s7  }
0x66c: {  	s8 =	sand.u32 $0x7000, s8;
	_ =	swait.ge [sflag:s0], $0x8000;
	s7 =	sshrl.u32 s7, $0x2  }
0x66d: {  	s9 =	sand.u32 $0x380, s9;
	[sflag:s0] =	ssyncset.done $0x0;
	s7 =	sor.u32 s7, s8  }
0x66e: {  	[sflag:s0] =	ssyncadd.s32 $0xFFFF8000;
	s8 =	sor.u32 s9, s7  }
0x66f: {  	v3 =	vld [tilespmem:s8+$0x460]  }
0x670: {  	v4 =	vld [tilespmem:s8+$0x0]  }
0x671: {  	v5 =	vld [tilespmem:s8+$0x470]  }
0x672: {  	v6 =	vld [tilespmem:s8+$0x20]  }
0x673: {  	v7 =	vld [tilespmem:s8+$0x40]  }
0x674: {  	v8 =	vld [tilespmem:s8+$0x10];
	v3 =	vmul.u32 $0x11, v3  }
0x675: {  	v9 =	vld [tilespmem:s8+$0x30]  }
0x676: {  	v3 =	vadd.s32 v5, v3;
	v5 =	vld [tilespmem:s8+$0x50]  }
0x677: {  	v10 =	vld [tilespmem:s8+$0x60];
	v4 =	vmul.u32 $0x11, v4;
	v3 =	vshll.u32 v3, $0x4  }
0x678: {  	v11 =	vld [tilespmem:s8+$0x400];
	v6 =	vmul.u32 $0x11, v6;
	v3 =	vor.u32 v1, v3  }
0x679: {  	v12 =	vld [tilespmem:s8+$0x420];
	v7 =	vmul.u32 $0x11, v7;
	v4 =	vadd.s32 v8, v4  }
0x67a: {  	v13 =	vld [tilespmem:s8+$0x450];
	v6 =	vadd.s32 v9, v6;
	v4 =	vshll.u32 v4, $0x4  }
0x67b: {  	v8 =	vld [tilespmem:s8+$0x440];
	v6 =	vshll.u32 v6, $0x4;
	v4 =	vor.u32 v1, v4;
	v5 =	vadd.s32 v5, v7  }
0x67c: {  	v9 =	vld [tilespmem:s8+$0x70];
	v6 =	vor.u32 v1, v6;
	v5 =	vshll.u32 v5, $0x4  }
0x67d: {  	[tilespmem:v3+s1+$0x0] =	vst.idx.add.f32.msk $0xffff, v2;
	v3 =	vor.u32 v1, v5  }
0x67e: {  	s7 =	simm.s32 $0x2000;
	v7 =	vld [tilespmem:s8+$0x410]  }
0x67f: {  	s11 =	simm.s32 $0x100;
	v5 =	vld [tilespmem:s8+$0x430];
	s8 =	sand.u32 $0x2000, s7  }
0x680: {  	s10 =	simm.s32 $0x40;
	s9 =	sand.u32 $0x7000, s11;
	[tilespmem:v4+s1+$0x0] =	vst.idx.add.f32.msk $0xffff, v2;
	s8 =	sshrl.u32 s8, $0x2  }
0x681: {  	s10 =	sand.u32 $0x380, s10;
	[tilespmem:v6+s1+$0x0] =	vst.idx.add.f32.msk $0xffff, v2;
	s8 =	sor.u32 s8, s9  }
0x682: {  	s8 =	sor.u32 s10, s8;
	[tilespmem:v3+s1+$0x0] =	vst.idx.add.f32.msk $0xffff, v2  }
0x683: {  	v3 =	vld [tilespmem:s8+$0x460]  }
0x684: {  	v6 =	vld [tilespmem:s8+$0x0]  }
0x685: {  	v4 =	vld [tilespmem:s8+$0x470]  }
0x686: {  	v14 =	vld [tilespmem:s8+$0x20]  }
0x687: {  	v15 =	vld [tilespmem:s8+$0x40]  }
0x688: {  	v10 =	vmul.u32 $0x11, v10;
	v16 =	vld [tilespmem:s8+$0x60];
	v3 =	vmul.u32 $0x11, v3  }
0x689: {  	v11 =	vmul.u32 $0x11, v11;
	v17 =	vld [tilespmem:s8+$0x400]  }
0x68a: {  	v12 =	vmul.u32 $0x11, v12;
	v9 =	vadd.s32 v9, v10;
	v10 =	vld [tilespmem:s8+$0x420];
	v3 =	vadd.s32 v4, v3  }
0x68b: {  	v4 =	vmul.u32 $0x11, v8;
	v8 =	vshll.u32 v9, $0x4;
	v9 =	vld [tilespmem:s8+$0x440];
	v3 =	vshll.u32 v3, $0x4  }
0x68c: {  	v7 =	vadd.s32 v7, v11;
	v18 =	vor.u32 v1, v8;
	v8 =	vld [tilespmem:s8+$0x10];
	v11 =	vor.u32 v1, v3  }
0x68d: {  	v5 =	vadd.s32 v5, v12;
	v3 =	vshll.u32 v7, $0x4;
	v4 =	vadd.s32 v13, v4;
	v7 =	vld [tilespmem:s8+$0x30]  }
0x68e: {  	v12 =	vld [tilespmem:s8+$0x50];
	v19 =	vor.u32 v1, v3;
	v3 =	vshll.u32 v5, $0x4;
	v5 =	vshll.u32 v4, $0x4  }
0x68f: {  	v13 =	vld [tilespmem:s8+$0x70];
	v4 =	vor.u32 v1, v3;
	v3 =	vor.u32 v1, v5;
	v5 =	vmul.u32 $0x11, v6  }
0x690: {  	v20 =	vld [tilespmem:s8+$0x410];
	v14 =	vmul.u32 $0x11, v14;
	v15 =	vmul.u32 $0x11, v15;
	v16 =	vmul.u32 $0x11, v16  }
0x691: {  	v17 =	vmul.u32 $0x11, v17;
	v6 =	vmul.u32 $0x11, v10;
	v8 =	vadd.s32 v8, v5;
	[tilespmem:v11+s1+$0x0] =	vst.idx.add.f32.msk $0xffff, v2  }
0x692: {  	v5 =	vmul.u32 $0x11, v9;
	v8 =	vshll.u32 v8, $0x4;
	v9 =	vadd.s32 v7, v14;
	v11 =	vld [tilespmem:s8+$0x430]  }
0x693: {  	v10 =	vld [tilespmem:s8+$0x450];
	v7 =	vor.u32 v1, v8;
	v8 =	vshll.u32 v9, $0x4;
	v9 =	vadd.s32 v12, v15  }
0x694: {  	[tilespmem:v18+s1+$0x0] =	vst.idx.add.f32.msk $0xffff, v2;
	v12 =	vadd.s32 v13, v16;
	v8 =	vor.u32 v1, v8;
	v9 =	vshll.u32 v9, $0x4  }
0x695: {  	s8 =	simm.s32 $0x8;
	v13 =	vadd.s32 v20, v17;
	[tilespmem:v19+s1+$0x0] =	vst.idx.add.f32.msk $0xffff, v2;
	v12 =	vshll.u32 v12, $0x4;
	v9 =	vor.u32 v1, v9  }
.LBB2_48:
0x696: {  	s8 =	sadd.s32 $0x8, s8;
	v12 =	vor.u32 v1, v12;
	v13 =	vshll.u32 v13, $0x4;
	s7 =	sadd.s32 $0x2000, s7;
	[tilespmem:v4+s1+$0x0] =	vst.idx.add.f32.msk $0xffff, v2  }
0x697: {  	s9 =	sand.u32 $0x2000, s7;
	s10 =	sshll.u32 s8, $0x5;
	p0 =	slt.u32 s8, $0x3F8;
	v14 =	vor.u32 v1, v13;
	v4 =	vadd.s32 v11, v6;
	[tilespmem:v3+s1+$0x0] =	vst.idx.add.f32.msk $0xffff, v2  }
0x698: {  	s11 =	sshll.u32 s8, $0x3;
	s10 =	sand.u32 $0x7000, s10;
	s9 =	sshrl.u32 s9, $0x2;
	[tilespmem:v7+s1+$0x0] =	vst.idx.add.f32.msk $0xffff, v2;
	v3 =	vshll.u32 v4, $0x4;
	v5 =	vadd.s32 v10, v5  }
0x699: {  	s11 =	sand.u32 $0x380, s11;
	s9 =	sor.u32 s9, s10;
	[tilespmem:v8+s1+$0x0] =	vst.idx.add.f32.msk $0xffff, v2;
	v4 =	vor.u32 v1, v3;
	v3 =	vshll.u32 v5, $0x4  }
0x69a: {  	s9 =	sor.u32 s11, s9;
	[tilespmem:v9+s1+$0x0] =	vst.idx.add.f32.msk $0xffff, v2;
	v3 =	vor.u32 v1, v3  }
0x69b: {  	v5 =	vld [tilespmem:s9+$0x460]  }
0x69c: {  	v6 =	vld [tilespmem:s9+$0x0]  }
0x69d: {  	v7 =	vld [tilespmem:s9+$0x470]  }
0x69e: {  	v8 =	vld [tilespmem:s9+$0x20]  }
0x69f: {  	v9 =	vld [tilespmem:s9+$0x40]  }
0x6a0: {  	v10 =	vld [tilespmem:s9+$0x60];
	v5 =	vmul.u32 $0x11, v5  }
0x6a1: {  	v11 =	vmul.u32 $0x11, v6;
	v6 =	vld [tilespmem:s9+$0x400]  }
0x6a2: {  	v13 =	vld [tilespmem:s9+$0x420];
	v5 =	vadd.s32 v7, v5  }
0x6a3: {  	v7 =	vmul.u32 $0x11, v8;
	v8 =	vld [tilespmem:s9+$0x440];
	v5 =	vshll.u32 v5, $0x4  }
0x6a4: {  	v15 =	vld [tilespmem:s9+$0x10];
	v9 =	vmul.u32 $0x11, v9;
	v16 =	vor.u32 v1, v5  }
0x6a5: {  	v17 =	vld [tilespmem:s9+$0x30];
	v18 =	vmul.u32 $0x11, v10  }
0x6a6: {  	v10 =	vld [tilespmem:s9+$0x50];
	v19 =	vmul.u32 $0x11, v6  }
0x6a7: {  	v20 =	vld [tilespmem:s9+$0x70];
	v6 =	vmul.u32 $0x11, v13  }
0x6a8: {  	v13 =	vld [tilespmem:s9+$0x410];
	v5 =	vmul.u32 $0x11, v8  }
.Ltmp23:
0x6a9: {  	v8 =	vadd.s32 v15, v11;
	[tilespmem:v16+s1+$0x0] =	vst.idx.add.f32.msk $0xffff, v2;
	(pc) =	sbr.rel @p0 .LBB2_48-.Ltmp23, $4  }
0x6aa: {  	v8 =	vshll.u32 v8, $0x4;
	v15 =	vadd.s32 v17, v7;
	v11 =	vld [tilespmem:s9+$0x430]  }
0x6ab: {  	v7 =	vor.u32 v1, v8;
	v8 =	vshll.u32 v15, $0x4;
	v9 =	vadd.s32 v10, v9;
	v10 =	vld [tilespmem:s9+$0x450]  }
0x6ac: {  	v8 =	vor.u32 v1, v8;
	v9 =	vshll.u32 v9, $0x4;
	v15 =	vadd.s32 v20, v18;
	[tilespmem:v12+s1+$0x0] =	vst.idx.add.f32.msk $0xffff, v2  }
0x6ad: {  	v9 =	vor.u32 v1, v9;
	v12 =	vshll.u32 v15, $0x4;
	v13 =	vadd.s32 v13, v19;
	[tilespmem:v14+s1+$0x0] =	vst.idx.add.f32.msk $0xffff, v2  }
0x6ae: {  	_ =	sdelay $0x3  }
0x6af: {  	v12 =	vor.u32 v1, v12;
	v13 =	vshll.u32 v13, $0x4;
	[tilespmem:v4+s1+$0x0] =	vst.idx.add.f32.msk $0xffff, v2;
	v4 =	vadd.s32 v11, v6  }
0x6b0: {  	[tilespmem:v3+s1+$0x0] =	vst.idx.add.f32.msk $0xffff, v2;
	v6 =	vor.u32 v1, v13;
	v3 =	vshll.u32 v4, $0x4;
	v4 =	vadd.s32 v10, v5  }
0x6b1: {  	[tilespmem:v7+s1+$0x0] =	vst.idx.add.f32.msk $0xffff, v2;
	v3 =	vor.u32 v1, v3;
	v4 =	vshll.u32 v4, $0x4  }
0x6b2: {  	[tilespmem:v8+s1+$0x0] =	vst.idx.add.f32.msk $0xffff, v2;
	v4 =	vor.u32 v1, v4  }
0x6b3: {  	[tilespmem:v9+s1+$0x0] =	vst.idx.add.f32.msk $0xffff, v2  }
0x6b4: {  	[tilespmem:v12+s1+$0x0] =	vst.idx.add.f32.msk $0xffff, v2  }
0x6b5: {  	[tilespmem:v6+s1+$0x0] =	vst.idx.add.f32.msk $0xffff, v2  }
0x6b6: {  	[tilespmem:v3+s1+$0x0] =	vst.idx.add.f32.msk $0xffff, v2  }
0x6b7: {  	s7 =	simm.s32 $0x0;
	[tilespmem:v4+s1+$0x0] =	vst.idx.add.f32.msk $0xffff, v2  }
0x6b8: {  	[tilespmem:s7], [sflag:$0x1] =	stream.linear.gather [hbm4b:s23+s7], $0x8000, $0x38;
	[tilespmem:$0x11280] =	vst v63  }
0x6b9: {  	s8 =	simm.s32 $0x0;
	s9 =	simm.s32 $0x0;
	s7 =	sand.u32 $0x2000, s7  }
0x6ba: {  	s8 =	sand.u32 $0x7000, s8;
	_ =	swait.ge [sflag:s2], $0x8000;
	s7 =	sshrl.u32 s7, $0x2  }
0x6bb: {  	s9 =	sand.u32 $0x380, s9;
	[sflag:s2] =	ssyncset.done $0x0;
	s7 =	sor.u32 s7, s8  }
0x6bc: {  	[sflag:s2] =	ssyncadd.s32 $0xFFFF8000;
	s8 =	sor.u32 s9, s7  }
0x6bd: {  	v3 =	vld [tilespmem:s8+$0x8460]  }
0x6be: {  	v4 =	vld [tilespmem:s8+$0x8000]  }
0x6bf: {  	v5 =	vld [tilespmem:s8+$0x8470]  }
0x6c0: {  	v6 =	vld [tilespmem:s8+$0x8020]  }
0x6c1: {  	v7 =	vld [tilespmem:s8+$0x8040]  }
0x6c2: {  	v8 =	vld [tilespmem:s8+$0x8010];
	v3 =	vmul.u32 $0x11, v3  }
0x6c3: {  	v9 =	vld [tilespmem:s8+$0x8030]  }
0x6c4: {  	v3 =	vadd.s32 v5, v3;
	v5 =	vld [tilespmem:s8+$0x8050]  }
0x6c5: {  	v10 =	vld [tilespmem:s8+$0x8060];
	v4 =	vmul.u32 $0x11, v4;
	v3 =	vshll.u32 v3, $0x4  }
0x6c6: {  	v11 =	vld [tilespmem:s8+$0x8400];
	v6 =	vmul.u32 $0x11, v6;
	v3 =	vor.u32 v1, v3  }
0x6c7: {  	v12 =	vld [tilespmem:s8+$0x8420];
	v7 =	vmul.u32 $0x11, v7;
	v4 =	vadd.s32 v8, v4  }
0x6c8: {  	v13 =	vld [tilespmem:s8+$0x8450];
	v6 =	vadd.s32 v9, v6;
	v4 =	vshll.u32 v4, $0x4  }
0x6c9: {  	v8 =	vld [tilespmem:s8+$0x8440];
	v6 =	vshll.u32 v6, $0x4;
	v4 =	vor.u32 v1, v4;
	v5 =	vadd.s32 v5, v7  }
0x6ca: {  	v9 =	vld [tilespmem:s8+$0x8070];
	v6 =	vor.u32 v1, v6;
	v5 =	vshll.u32 v5, $0x4  }
0x6cb: {  	[tilespmem:v3+s1+$0x0] =	vst.idx.add.f32.msk $0xffff, v2;
	v3 =	vor.u32 v1, v5  }
0x6cc: {  	s7 =	simm.s32 $0x2000;
	v7 =	vld [tilespmem:s8+$0x8410]  }
0x6cd: {  	s11 =	simm.s32 $0x100;
	v5 =	vld [tilespmem:s8+$0x8430];
	s8 =	sand.u32 $0x2000, s7  }
0x6ce: {  	s10 =	simm.s32 $0x40;
	s9 =	sand.u32 $0x7000, s11;
	[tilespmem:v4+s1+$0x0] =	vst.idx.add.f32.msk $0xffff, v2;
	s8 =	sshrl.u32 s8, $0x2  }
0x6cf: {  	s10 =	sand.u32 $0x380, s10;
	[tilespmem:v6+s1+$0x0] =	vst.idx.add.f32.msk $0xffff, v2;
	s8 =	sor.u32 s8, s9  }
0x6d0: {  	s8 =	sor.u32 s10, s8;
	[tilespmem:v3+s1+$0x0] =	vst.idx.add.f32.msk $0xffff, v2  }
0x6d1: {  	v3 =	vld [tilespmem:s8+$0x8460]  }
0x6d2: {  	v6 =	vld [tilespmem:s8+$0x8000]  }
0x6d3: {  	v4 =	vld [tilespmem:s8+$0x8470]  }
0x6d4: {  	v14 =	vld [tilespmem:s8+$0x8020]  }
0x6d5: {  	v15 =	vld [tilespmem:s8+$0x8040]  }
0x6d6: {  	v10 =	vmul.u32 $0x11, v10;
	v16 =	vld [tilespmem:s8+$0x8060];
	v3 =	vmul.u32 $0x11, v3  }
0x6d7: {  	v11 =	vmul.u32 $0x11, v11;
	v17 =	vld [tilespmem:s8+$0x8400]  }
0x6d8: {  	v12 =	vmul.u32 $0x11, v12;
	v9 =	vadd.s32 v9, v10;
	v10 =	vld [tilespmem:s8+$0x8420];
	v3 =	vadd.s32 v4, v3  }
0x6d9: {  	v4 =	vmul.u32 $0x11, v8;
	v8 =	vshll.u32 v9, $0x4;
	v9 =	vld [tilespmem:s8+$0x8440];
	v3 =	vshll.u32 v3, $0x4  }
0x6da: {  	v7 =	vadd.s32 v7, v11;
	v18 =	vor.u32 v1, v8;
	v8 =	vld [tilespmem:s8+$0x8010];
	v11 =	vor.u32 v1, v3  }
0x6db: {  	v5 =	vadd.s32 v5, v12;
	v3 =	vshll.u32 v7, $0x4;
	v4 =	vadd.s32 v13, v4;
	v7 =	vld [tilespmem:s8+$0x8030]  }
0x6dc: {  	v12 =	vld [tilespmem:s8+$0x8050];
	v19 =	vor.u32 v1, v3;
	v3 =	vshll.u32 v5, $0x4;
	v5 =	vshll.u32 v4, $0x4  }
0x6dd: {  	v13 =	vld [tilespmem:s8+$0x8070];
	v4 =	vor.u32 v1, v3;
	v3 =	vor.u32 v1, v5;
	v5 =	vmul.u32 $0x11, v6  }
0x6de: {  	v20 =	vld [tilespmem:s8+$0x8410];
	v14 =	vmul.u32 $0x11, v14;
	v15 =	vmul.u32 $0x11, v15;
	v16 =	vmul.u32 $0x11, v16  }
0x6df: {  	v17 =	vmul.u32 $0x11, v17;
	v6 =	vmul.u32 $0x11, v10;
	v8 =	vadd.s32 v8, v5;
	[tilespmem:v11+s1+$0x0] =	vst.idx.add.f32.msk $0xffff, v2  }
0x6e0: {  	v5 =	vmul.u32 $0x11, v9;
	v8 =	vshll.u32 v8, $0x4;
	v9 =	vadd.s32 v7, v14;
	v11 =	vld [tilespmem:s8+$0x8430]  }
0x6e1: {  	v10 =	vld [tilespmem:s8+$0x8450];
	v7 =	vor.u32 v1, v8;
	v8 =	vshll.u32 v9, $0x4;
	v9 =	vadd.s32 v12, v15  }
0x6e2: {  	[tilespmem:v18+s1+$0x0] =	vst.idx.add.f32.msk $0xffff, v2;
	v12 =	vadd.s32 v13, v16;
	v8 =	vor.u32 v1, v8;
	v9 =	vshll.u32 v9, $0x4  }
0x6e3: {  	s8 =	simm.s32 $0x8;
	v13 =	vadd.s32 v20, v17;
	[tilespmem:v19+s1+$0x0] =	vst.idx.add.f32.msk $0xffff, v2;
	v12 =	vshll.u32 v12, $0x4;
	v9 =	vor.u32 v1, v9  }
.LBB2_50:
0x6e4: {  	s8 =	sadd.s32 $0x8, s8;
	v12 =	vor.u32 v1, v12;
	v13 =	vshll.u32 v13, $0x4;
	s7 =	sadd.s32 $0x2000, s7;
	[tilespmem:v4+s1+$0x0] =	vst.idx.add.f32.msk $0xffff, v2  }
0x6e5: {  	s9 =	sand.u32 $0x2000, s7;
	s10 =	sshll.u32 s8, $0x5;
	p0 =	slt.u32 s8, $0x3F8;
	v14 =	vor.u32 v1, v13;
	v4 =	vadd.s32 v11, v6;
	[tilespmem:v3+s1+$0x0] =	vst.idx.add.f32.msk $0xffff, v2  }
0x6e6: {  	s11 =	sshll.u32 s8, $0x3;
	s10 =	sand.u32 $0x7000, s10;
	s9 =	sshrl.u32 s9, $0x2;
	[tilespmem:v7+s1+$0x0] =	vst.idx.add.f32.msk $0xffff, v2;
	v3 =	vshll.u32 v4, $0x4;
	v5 =	vadd.s32 v10, v5  }
0x6e7: {  	s11 =	sand.u32 $0x380, s11;
	s9 =	sor.u32 s9, s10;
	[tilespmem:v8+s1+$0x0] =	vst.idx.add.f32.msk $0xffff, v2;
	v4 =	vor.u32 v1, v3;
	v3 =	vshll.u32 v5, $0x4  }
0x6e8: {  	s9 =	sor.u32 s11, s9;
	[tilespmem:v9+s1+$0x0] =	vst.idx.add.f32.msk $0xffff, v2;
	v3 =	vor.u32 v1, v3  }
0x6e9: {  	v5 =	vld [tilespmem:s9+$0x8460]  }
0x6ea: {  	v6 =	vld [tilespmem:s9+$0x8000]  }
0x6eb: {  	v7 =	vld [tilespmem:s9+$0x8470]  }
0x6ec: {  	v8 =	vld [tilespmem:s9+$0x8020]  }
0x6ed: {  	v9 =	vld [tilespmem:s9+$0x8040]  }
0x6ee: {  	v10 =	vld [tilespmem:s9+$0x8060];
	v5 =	vmul.u32 $0x11, v5  }
0x6ef: {  	v11 =	vmul.u32 $0x11, v6;
	v6 =	vld [tilespmem:s9+$0x8400]  }
0x6f0: {  	v13 =	vld [tilespmem:s9+$0x8420];
	v5 =	vadd.s32 v7, v5  }
0x6f1: {  	v7 =	vmul.u32 $0x11, v8;
	v8 =	vld [tilespmem:s9+$0x8440];
	v5 =	vshll.u32 v5, $0x4  }
0x6f2: {  	v15 =	vld [tilespmem:s9+$0x8010];
	v9 =	vmul.u32 $0x11, v9;
	v16 =	vor.u32 v1, v5  }
0x6f3: {  	v17 =	vld [tilespmem:s9+$0x8030];
	v18 =	vmul.u32 $0x11, v10  }
0x6f4: {  	v10 =	vld [tilespmem:s9+$0x8050];
	v19 =	vmul.u32 $0x11, v6  }
0x6f5: {  	v20 =	vld [tilespmem:s9+$0x8070];
	v6 =	vmul.u32 $0x11, v13  }
0x6f6: {  	v13 =	vld [tilespmem:s9+$0x8410];
	v5 =	vmul.u32 $0x11, v8  }
.Ltmp24:
0x6f7: {  	v8 =	vadd.s32 v15, v11;
	[tilespmem:v16+s1+$0x0] =	vst.idx.add.f32.msk $0xffff, v2;
	(pc) =	sbr.rel @p0 .LBB2_50-.Ltmp24, $4  }
0x6f8: {  	v8 =	vshll.u32 v8, $0x4;
	v15 =	vadd.s32 v17, v7;
	v11 =	vld [tilespmem:s9+$0x8430]  }
0x6f9: {  	v7 =	vor.u32 v1, v8;
	v8 =	vshll.u32 v15, $0x4;
	v9 =	vadd.s32 v10, v9;
	v10 =	vld [tilespmem:s9+$0x8450]  }
0x6fa: {  	v8 =	vor.u32 v1, v8;
	v9 =	vshll.u32 v9, $0x4;
	v15 =	vadd.s32 v20, v18;
	[tilespmem:v12+s1+$0x0] =	vst.idx.add.f32.msk $0xffff, v2  }
0x6fb: {  	v9 =	vor.u32 v1, v9;
	v12 =	vshll.u32 v15, $0x4;
	v13 =	vadd.s32 v13, v19;
	[tilespmem:v14+s1+$0x0] =	vst.idx.add.f32.msk $0xffff, v2  }
0x6fc: {  	_ =	sdelay $0x3  }
0x6fd: {  	v12 =	vor.u32 v1, v12;
	v13 =	vshll.u32 v13, $0x4;
	[tilespmem:v4+s1+$0x0] =	vst.idx.add.f32.msk $0xffff, v2;
	v4 =	vadd.s32 v11, v6  }
0x6fe: {  	[tilespmem:v3+s1+$0x0] =	vst.idx.add.f32.msk $0xffff, v2;
	v6 =	vor.u32 v1, v13;
	v3 =	vshll.u32 v4, $0x4;
	v4 =	vadd.s32 v10, v5  }
0x6ff: {  	[tilespmem:v7+s1+$0x0] =	vst.idx.add.f32.msk $0xffff, v2;
	v3 =	vor.u32 v1, v3;
	v4 =	vshll.u32 v4, $0x4  }
0x700: {  	[tilespmem:v8+s1+$0x0] =	vst.idx.add.f32.msk $0xffff, v2;
	v4 =	vor.u32 v1, v4  }
0x701: {  	[tilespmem:v9+s1+$0x0] =	vst.idx.add.f32.msk $0xffff, v2  }
0x702: {  	[tilespmem:v12+s1+$0x0] =	vst.idx.add.f32.msk $0xffff, v2  }
0x703: {  	[tilespmem:v6+s1+$0x0] =	vst.idx.add.f32.msk $0xffff, v2  }
0x704: {  	[tilespmem:v3+s1+$0x0] =	vst.idx.add.f32.msk $0xffff, v2  }
0x705: {  	s7 =	simm.s32 $0x0;
	[tilespmem:v4+s1+$0x0] =	vst.idx.add.f32.msk $0xffff, v2  }
0x706: {  	[tilespmem:s25], [sflag:$0x2] =	stream.linear.gather [hbm4b:s24+s7], $0x8000, $0x38;
	[tilespmem:$0x11280] =	vst v63  }
0x707: {  	s8 =	simm.s32 $0x0;
	s9 =	simm.s32 $0x0;
	s7 =	sand.u32 $0x2000, s7  }
0x708: {  	s8 =	sand.u32 $0x7000, s8;
	_ =	swait.ge [sflag:s0], $0x8000;
	s7 =	sshrl.u32 s7, $0x2  }
0x709: {  	s9 =	sand.u32 $0x380, s9;
	[sflag:s0] =	ssyncset.done $0x0;
	s7 =	sor.u32 s7, s8  }
0x70a: {  	[sflag:s0] =	ssyncadd.s32 $0xFFFF8000;
	s8 =	sor.u32 s9, s7  }
0x70b: {  	v3 =	vld [tilespmem:s8+$0x460]  }
0x70c: {  	v4 =	vld [tilespmem:s8+$0x0]  }
0x70d: {  	v5 =	vld [tilespmem:s8+$0x470]  }
0x70e: {  	v6 =	vld [tilespmem:s8+$0x20]  }
0x70f: {  	v7 =	vld [tilespmem:s8+$0x40]  }
0x710: {  	v8 =	vld [tilespmem:s8+$0x10];
	v3 =	vmul.u32 $0x11, v3  }
0x711: {  	v9 =	vld [tilespmem:s8+$0x30]  }
0x712: {  	v3 =	vadd.s32 v5, v3;
	v5 =	vld [tilespmem:s8+$0x50]  }
0x713: {  	v10 =	vld [tilespmem:s8+$0x60];
	v4 =	vmul.u32 $0x11, v4;
	v3 =	vshll.u32 v3, $0x4  }
0x714: {  	v11 =	vld [tilespmem:s8+$0x400];
	v6 =	vmul.u32 $0x11, v6;
	v3 =	vor.u32 v1, v3  }
0x715: {  	v12 =	vld [tilespmem:s8+$0x420];
	v7 =	vmul.u32 $0x11, v7;
	v4 =	vadd.s32 v8, v4  }
0x716: {  	v13 =	vld [tilespmem:s8+$0x450];
	v6 =	vadd.s32 v9, v6;
	v4 =	vshll.u32 v4, $0x4  }
0x717: {  	v8 =	vld [tilespmem:s8+$0x440];
	v6 =	vshll.u32 v6, $0x4;
	v4 =	vor.u32 v1, v4;
	v5 =	vadd.s32 v5, v7  }
0x718: {  	v9 =	vld [tilespmem:s8+$0x70];
	v6 =	vor.u32 v1, v6;
	v5 =	vshll.u32 v5, $0x4  }
0x719: {  	[tilespmem:v3+s1+$0x0] =	vst.idx.add.f32.msk $0xffff, v2;
	v3 =	vor.u32 v1, v5  }
0x71a: {  	s7 =	simm.s32 $0x2000;
	v7 =	vld [tilespmem:s8+$0x410]  }
0x71b: {  	s11 =	simm.s32 $0x100;
	v5 =	vld [tilespmem:s8+$0x430];
	s8 =	sand.u32 $0x2000, s7  }
0x71c: {  	s10 =	simm.s32 $0x40;
	s9 =	sand.u32 $0x7000, s11;
	[tilespmem:v4+s1+$0x0] =	vst.idx.add.f32.msk $0xffff, v2;
	s8 =	sshrl.u32 s8, $0x2  }
0x71d: {  	s10 =	sand.u32 $0x380, s10;
	[tilespmem:v6+s1+$0x0] =	vst.idx.add.f32.msk $0xffff, v2;
	s8 =	sor.u32 s8, s9  }
0x71e: {  	s8 =	sor.u32 s10, s8;
	[tilespmem:v3+s1+$0x0] =	vst.idx.add.f32.msk $0xffff, v2  }
0x71f: {  	v3 =	vld [tilespmem:s8+$0x460]  }
0x720: {  	v6 =	vld [tilespmem:s8+$0x0]  }
0x721: {  	v4 =	vld [tilespmem:s8+$0x470]  }
0x722: {  	v14 =	vld [tilespmem:s8+$0x20]  }
0x723: {  	v15 =	vld [tilespmem:s8+$0x40]  }
0x724: {  	v10 =	vmul.u32 $0x11, v10;
	v16 =	vld [tilespmem:s8+$0x60];
	v3 =	vmul.u32 $0x11, v3  }
0x725: {  	v11 =	vmul.u32 $0x11, v11;
	v17 =	vld [tilespmem:s8+$0x400]  }
0x726: {  	v12 =	vmul.u32 $0x11, v12;
	v9 =	vadd.s32 v9, v10;
	v10 =	vld [tilespmem:s8+$0x420];
	v3 =	vadd.s32 v4, v3  }
0x727: {  	v4 =	vmul.u32 $0x11, v8;
	v8 =	vshll.u32 v9, $0x4;
	v9 =	vld [tilespmem:s8+$0x440];
	v3 =	vshll.u32 v3, $0x4  }
0x728: {  	v7 =	vadd.s32 v7, v11;
	v18 =	vor.u32 v1, v8;
	v8 =	vld [tilespmem:s8+$0x10];
	v11 =	vor.u32 v1, v3  }
0x729: {  	v5 =	vadd.s32 v5, v12;
	v3 =	vshll.u32 v7, $0x4;
	v4 =	vadd.s32 v13, v4;
	v7 =	vld [tilespmem:s8+$0x30]  }
0x72a: {  	v12 =	vld [tilespmem:s8+$0x50];
	v19 =	vor.u32 v1, v3;
	v3 =	vshll.u32 v5, $0x4;
	v5 =	vshll.u32 v4, $0x4  }
0x72b: {  	v13 =	vld [tilespmem:s8+$0x70];
	v4 =	vor.u32 v1, v3;
	v3 =	vor.u32 v1, v5;
	v5 =	vmul.u32 $0x11, v6  }
0x72c: {  	v20 =	vld [tilespmem:s8+$0x410];
	v14 =	vmul.u32 $0x11, v14;
	v15 =	vmul.u32 $0x11, v15;
	v16 =	vmul.u32 $0x11, v16  }
0x72d: {  	v17 =	vmul.u32 $0x11, v17;
	v6 =	vmul.u32 $0x11, v10;
	v8 =	vadd.s32 v8, v5;
	[tilespmem:v11+s1+$0x0] =	vst.idx.add.f32.msk $0xffff, v2  }
0x72e: {  	v5 =	vmul.u32 $0x11, v9;
	v8 =	vshll.u32 v8, $0x4;
	v9 =	vadd.s32 v7, v14;
	v11 =	vld [tilespmem:s8+$0x430]  }
0x72f: {  	v10 =	vld [tilespmem:s8+$0x450];
	v7 =	vor.u32 v1, v8;
	v8 =	vshll.u32 v9, $0x4;
	v9 =	vadd.s32 v12, v15  }
0x730: {  	[tilespmem:v18+s1+$0x0] =	vst.idx.add.f32.msk $0xffff, v2;
	v12 =	vadd.s32 v13, v16;
	v8 =	vor.u32 v1, v8;
	v9 =	vshll.u32 v9, $0x4  }
0x731: {  	s8 =	simm.s32 $0x8;
	v13 =	vadd.s32 v20, v17;
	[tilespmem:v19+s1+$0x0] =	vst.idx.add.f32.msk $0xffff, v2;
	v12 =	vshll.u32 v12, $0x4;
	v9 =	vor.u32 v1, v9  }
.LBB2_52:
0x732: {  	s8 =	sadd.s32 $0x8, s8;
	v12 =	vor.u32 v1, v12;
	v13 =	vshll.u32 v13, $0x4;
	s7 =	sadd.s32 $0x2000, s7;
	[tilespmem:v4+s1+$0x0] =	vst.idx.add.f32.msk $0xffff, v2  }
0x733: {  	s9 =	sand.u32 $0x2000, s7;
	s10 =	sshll.u32 s8, $0x5;
	p0 =	slt.u32 s8, $0x3F8;
	v14 =	vor.u32 v1, v13;
	v4 =	vadd.s32 v11, v6;
	[tilespmem:v3+s1+$0x0] =	vst.idx.add.f32.msk $0xffff, v2  }
0x734: {  	s11 =	sshll.u32 s8, $0x3;
	s10 =	sand.u32 $0x7000, s10;
	s9 =	sshrl.u32 s9, $0x2;
	[tilespmem:v7+s1+$0x0] =	vst.idx.add.f32.msk $0xffff, v2;
	v3 =	vshll.u32 v4, $0x4;
	v5 =	vadd.s32 v10, v5  }
0x735: {  	s11 =	sand.u32 $0x380, s11;
	s9 =	sor.u32 s9, s10;
	[tilespmem:v8+s1+$0x0] =	vst.idx.add.f32.msk $0xffff, v2;
	v4 =	vor.u32 v1, v3;
	v3 =	vshll.u32 v5, $0x4  }
0x736: {  	s9 =	sor.u32 s11, s9;
	[tilespmem:v9+s1+$0x0] =	vst.idx.add.f32.msk $0xffff, v2;
	v3 =	vor.u32 v1, v3  }
0x737: {  	v5 =	vld [tilespmem:s9+$0x460]  }
0x738: {  	v6 =	vld [tilespmem:s9+$0x0]  }
0x739: {  	v7 =	vld [tilespmem:s9+$0x470]  }
0x73a: {  	v8 =	vld [tilespmem:s9+$0x20]  }
0x73b: {  	v9 =	vld [tilespmem:s9+$0x40]  }
0x73c: {  	v10 =	vld [tilespmem:s9+$0x60];
	v5 =	vmul.u32 $0x11, v5  }
0x73d: {  	v11 =	vmul.u32 $0x11, v6;
	v6 =	vld [tilespmem:s9+$0x400]  }
0x73e: {  	v13 =	vld [tilespmem:s9+$0x420];
	v5 =	vadd.s32 v7, v5  }
0x73f: {  	v7 =	vmul.u32 $0x11, v8;
	v8 =	vld [tilespmem:s9+$0x440];
	v5 =	vshll.u32 v5, $0x4  }
0x740: {  	v15 =	vld [tilespmem:s9+$0x10];
	v9 =	vmul.u32 $0x11, v9;
	v16 =	vor.u32 v1, v5  }
0x741: {  	v17 =	vld [tilespmem:s9+$0x30];
	v18 =	vmul.u32 $0x11, v10  }
0x742: {  	v10 =	vld [tilespmem:s9+$0x50];
	v19 =	vmul.u32 $0x11, v6  }
0x743: {  	v20 =	vld [tilespmem:s9+$0x70];
	v6 =	vmul.u32 $0x11, v13  }
0x744: {  	v13 =	vld [tilespmem:s9+$0x410];
	v5 =	vmul.u32 $0x11, v8  }
.Ltmp25:
0x745: {  	v8 =	vadd.s32 v15, v11;
	[tilespmem:v16+s1+$0x0] =	vst.idx.add.f32.msk $0xffff, v2;
	(pc) =	sbr.rel @p0 .LBB2_52-.Ltmp25, $4  }
0x746: {  	v8 =	vshll.u32 v8, $0x4;
	v15 =	vadd.s32 v17, v7;
	v11 =	vld [tilespmem:s9+$0x430]  }
0x747: {  	v7 =	vor.u32 v1, v8;
	v8 =	vshll.u32 v15, $0x4;
	v9 =	vadd.s32 v10, v9;
	v10 =	vld [tilespmem:s9+$0x450]  }
0x748: {  	v8 =	vor.u32 v1, v8;
	v9 =	vshll.u32 v9, $0x4;
	v15 =	vadd.s32 v20, v18;
	[tilespmem:v12+s1+$0x0] =	vst.idx.add.f32.msk $0xffff, v2  }
0x749: {  	v9 =	vor.u32 v1, v9;
	v12 =	vshll.u32 v15, $0x4;
	v13 =	vadd.s32 v13, v19;
	[tilespmem:v14+s1+$0x0] =	vst.idx.add.f32.msk $0xffff, v2  }
0x74a: {  	_ =	sdelay $0x3  }
0x74b: {  	v12 =	vor.u32 v1, v12;
	v13 =	vshll.u32 v13, $0x4;
	[tilespmem:v4+s1+$0x0] =	vst.idx.add.f32.msk $0xffff, v2;
	v4 =	vadd.s32 v11, v6  }
0x74c: {  	[tilespmem:v3+s1+$0x0] =	vst.idx.add.f32.msk $0xffff, v2;
	v6 =	vor.u32 v1, v13;
	v3 =	vshll.u32 v4, $0x4;
	v4 =	vadd.s32 v10, v5  }
0x74d: {  	[tilespmem:v7+s1+$0x0] =	vst.idx.add.f32.msk $0xffff, v2;
	v3 =	vor.u32 v1, v3;
	v4 =	vshll.u32 v4, $0x4  }
0x74e: {  	[tilespmem:v8+s1+$0x0] =	vst.idx.add.f32.msk $0xffff, v2;
	v4 =	vor.u32 v1, v4  }
0x74f: {  	[tilespmem:v9+s1+$0x0] =	vst.idx.add.f32.msk $0xffff, v2  }
0x750: {  	[tilespmem:v12+s1+$0x0] =	vst.idx.add.f32.msk $0xffff, v2  }
0x751: {  	[tilespmem:v6+s1+$0x0] =	vst.idx.add.f32.msk $0xffff, v2  }
0x752: {  	s7 =	simm.s32 $0x0;
	[tilespmem:v3+s1+$0x0] =	vst.idx.add.f32.msk $0xffff, v2  }
0x753: {  	s8 =	simm.s32 $0x0;
	s9 =	simm.s32 $0x0;
	s7 =	sand.u32 $0x2000, s7;
	[tilespmem:v4+s1+$0x0] =	vst.idx.add.f32.msk $0xffff, v2  }
0x754: {  	s8 =	sand.u32 $0x7000, s8;
	s7 =	sshrl.u32 s7, $0x2;
	_ =	swait.ge [sflag:s2], $0x8000  }
0x755: {  	s9 =	sand.u32 $0x380, s9;
	s7 =	sor.u32 s7, s8;
	[sflag:s2] =	ssyncset.done $0x0  }
0x756: {  	s8 =	sor.u32 s9, s7;
	[sflag:s2] =	ssyncadd.s32 $0xFFFF8000  }
0x757: {  	v3 =	vld [tilespmem:s8+$0x8460]  }
0x758: {  	v4 =	vld [tilespmem:s8+$0x8000]  }
0x759: {  	v5 =	vld [tilespmem:s8+$0x8470]  }
0x75a: {  	v6 =	vld [tilespmem:s8+$0x8020]  }
0x75b: {  	v7 =	vld [tilespmem:s8+$0x8040]  }
0x75c: {  	v8 =	vld [tilespmem:s8+$0x8010];
	v3 =	vmul.u32 $0x11, v3  }
0x75d: {  	v9 =	vld [tilespmem:s8+$0x8030]  }
0x75e: {  	v3 =	vadd.s32 v5, v3;
	v5 =	vld [tilespmem:s8+$0x8050]  }
0x75f: {  	v10 =	vld [tilespmem:s8+$0x8060];
	v4 =	vmul.u32 $0x11, v4;
	v3 =	vshll.u32 v3, $0x4  }
0x760: {  	v11 =	vld [tilespmem:s8+$0x8400];
	v6 =	vmul.u32 $0x11, v6;
	v3 =	vor.u32 v1, v3  }
0x761: {  	v12 =	vld [tilespmem:s8+$0x8420];
	v7 =	vmul.u32 $0x11, v7;
	v4 =	vadd.s32 v8, v4  }
0x762: {  	v13 =	vld [tilespmem:s8+$0x8450];
	v6 =	vadd.s32 v9, v6;
	v4 =	vshll.u32 v4, $0x4  }
0x763: {  	v8 =	vld [tilespmem:s8+$0x8440];
	v6 =	vshll.u32 v6, $0x4;
	v4 =	vor.u32 v1, v4;
	v5 =	vadd.s32 v5, v7  }
0x764: {  	v9 =	vld [tilespmem:s8+$0x8070];
	v6 =	vor.u32 v1, v6;
	v5 =	vshll.u32 v5, $0x4  }
0x765: {  	[tilespmem:v3+s1+$0x0] =	vst.idx.add.f32.msk $0xffff, v2;
	v3 =	vor.u32 v1, v5  }
0x766: {  	s7 =	simm.s32 $0x2000;
	v7 =	vld [tilespmem:s8+$0x8410]  }
0x767: {  	s11 =	simm.s32 $0x100;
	v5 =	vld [tilespmem:s8+$0x8430];
	s8 =	sand.u32 $0x2000, s7  }
0x768: {  	s10 =	simm.s32 $0x40;
	s9 =	sand.u32 $0x7000, s11;
	[tilespmem:v4+s1+$0x0] =	vst.idx.add.f32.msk $0xffff, v2;
	s8 =	sshrl.u32 s8, $0x2  }
0x769: {  	s10 =	sand.u32 $0x380, s10;
	[tilespmem:v6+s1+$0x0] =	vst.idx.add.f32.msk $0xffff, v2;
	s8 =	sor.u32 s8, s9  }
0x76a: {  	s8 =	sor.u32 s10, s8;
	[tilespmem:v3+s1+$0x0] =	vst.idx.add.f32.msk $0xffff, v2  }
0x76b: {  	v3 =	vld [tilespmem:s8+$0x8460]  }
0x76c: {  	v6 =	vld [tilespmem:s8+$0x8000]  }
0x76d: {  	v4 =	vld [tilespmem:s8+$0x8470]  }
0x76e: {  	v14 =	vld [tilespmem:s8+$0x8020]  }
0x76f: {  	v15 =	vld [tilespmem:s8+$0x8040]  }
0x770: {  	v10 =	vmul.u32 $0x11, v10;
	v16 =	vld [tilespmem:s8+$0x8060];
	v3 =	vmul.u32 $0x11, v3  }
0x771: {  	v11 =	vmul.u32 $0x11, v11;
	v17 =	vld [tilespmem:s8+$0x8400]  }
0x772: {  	v12 =	vmul.u32 $0x11, v12;
	v9 =	vadd.s32 v9, v10;
	v10 =	vld [tilespmem:s8+$0x8420];
	v3 =	vadd.s32 v4, v3  }
0x773: {  	v4 =	vmul.u32 $0x11, v8;
	v8 =	vshll.u32 v9, $0x4;
	v9 =	vld [tilespmem:s8+$0x8440];
	v3 =	vshll.u32 v3, $0x4  }
0x774: {  	v7 =	vadd.s32 v7, v11;
	v18 =	vor.u32 v1, v8;
	v8 =	vld [tilespmem:s8+$0x8010];
	v11 =	vor.u32 v1, v3  }
0x775: {  	v5 =	vadd.s32 v5, v12;
	v3 =	vshll.u32 v7, $0x4;
	v4 =	vadd.s32 v13, v4;
	v7 =	vld [tilespmem:s8+$0x8030]  }
0x776: {  	v12 =	vld [tilespmem:s8+$0x8050];
	v19 =	vor.u32 v1, v3;
	v3 =	vshll.u32 v5, $0x4;
	v5 =	vshll.u32 v4, $0x4  }
0x777: {  	v13 =	vld [tilespmem:s8+$0x8070];
	v4 =	vor.u32 v1, v3;
	v3 =	vor.u32 v1, v5;
	v5 =	vmul.u32 $0x11, v6  }
0x778: {  	v20 =	vld [tilespmem:s8+$0x8410];
	v14 =	vmul.u32 $0x11, v14;
	v15 =	vmul.u32 $0x11, v15;
	v16 =	vmul.u32 $0x11, v16  }
0x779: {  	v17 =	vmul.u32 $0x11, v17;
	v6 =	vmul.u32 $0x11, v10;
	v8 =	vadd.s32 v8, v5;
	[tilespmem:v11+s1+$0x0] =	vst.idx.add.f32.msk $0xffff, v2  }
0x77a: {  	v5 =	vmul.u32 $0x11, v9;
	v8 =	vshll.u32 v8, $0x4;
	v9 =	vadd.s32 v7, v14;
	v11 =	vld [tilespmem:s8+$0x8430]  }
0x77b: {  	v10 =	vld [tilespmem:s8+$0x8450];
	v7 =	vor.u32 v1, v8;
	v8 =	vshll.u32 v9, $0x4;
	v9 =	vadd.s32 v12, v15  }
0x77c: {  	[tilespmem:v18+s1+$0x0] =	vst.idx.add.f32.msk $0xffff, v2;
	v12 =	vadd.s32 v13, v16;
	v8 =	vor.u32 v1, v8;
	v9 =	vshll.u32 v9, $0x4  }
0x77d: {  	s8 =	simm.s32 $0x8;
	v13 =	vadd.s32 v20, v17;
	[tilespmem:v19+s1+$0x0] =	vst.idx.add.f32.msk $0xffff, v2;
	v12 =	vshll.u32 v12, $0x4;
	v9 =	vor.u32 v1, v9  }
.LBB2_54:
0x77e: {  	s8 =	sadd.s32 $0x8, s8;
	v12 =	vor.u32 v1, v12;
	v13 =	vshll.u32 v13, $0x4;
	s7 =	sadd.s32 $0x2000, s7;
	[tilespmem:v4+s1+$0x0] =	vst.idx.add.f32.msk $0xffff, v2  }
0x77f: {  	s9 =	sand.u32 $0x2000, s7;
	s10 =	sshll.u32 s8, $0x5;
	p0 =	slt.u32 s8, $0x3F8;
	v14 =	vor.u32 v1, v13;
	v4 =	vadd.s32 v11, v6;
	[tilespmem:v3+s1+$0x0] =	vst.idx.add.f32.msk $0xffff, v2  }
0x780: {  	s11 =	sshll.u32 s8, $0x3;
	s10 =	sand.u32 $0x7000, s10;
	s9 =	sshrl.u32 s9, $0x2;
	[tilespmem:v7+s1+$0x0] =	vst.idx.add.f32.msk $0xffff, v2;
	v3 =	vshll.u32 v4, $0x4;
	v5 =	vadd.s32 v10, v5  }
0x781: {  	s11 =	sand.u32 $0x380, s11;
	s9 =	sor.u32 s9, s10;
	[tilespmem:v8+s1+$0x0] =	vst.idx.add.f32.msk $0xffff, v2;
	v4 =	vor.u32 v1, v3;
	v3 =	vshll.u32 v5, $0x4  }
0x782: {  	s9 =	sor.u32 s11, s9;
	[tilespmem:v9+s1+$0x0] =	vst.idx.add.f32.msk $0xffff, v2;
	v3 =	vor.u32 v1, v3  }
0x783: {  	v5 =	vld [tilespmem:s9+$0x8460]  }
0x784: {  	v6 =	vld [tilespmem:s9+$0x8000]  }
0x785: {  	v7 =	vld [tilespmem:s9+$0x8470]  }
0x786: {  	v8 =	vld [tilespmem:s9+$0x8020]  }
0x787: {  	v9 =	vld [tilespmem:s9+$0x8040]  }
0x788: {  	v10 =	vld [tilespmem:s9+$0x8060];
	v5 =	vmul.u32 $0x11, v5  }
0x789: {  	v11 =	vmul.u32 $0x11, v6;
	v6 =	vld [tilespmem:s9+$0x8400]  }
0x78a: {  	v13 =	vld [tilespmem:s9+$0x8420];
	v5 =	vadd.s32 v7, v5  }
0x78b: {  	v7 =	vmul.u32 $0x11, v8;
	v8 =	vld [tilespmem:s9+$0x8440];
	v5 =	vshll.u32 v5, $0x4  }
0x78c: {  	v15 =	vld [tilespmem:s9+$0x8010];
	v9 =	vmul.u32 $0x11, v9;
	v16 =	vor.u32 v1, v5  }
0x78d: {  	v17 =	vld [tilespmem:s9+$0x8030];
	v18 =	vmul.u32 $0x11, v10  }
0x78e: {  	v10 =	vld [tilespmem:s9+$0x8050];
	v19 =	vmul.u32 $0x11, v6  }
0x78f: {  	v20 =	vld [tilespmem:s9+$0x8070];
	v6 =	vmul.u32 $0x11, v13  }
0x790: {  	v13 =	vld [tilespmem:s9+$0x8410];
	v5 =	vmul.u32 $0x11, v8  }
.Ltmp26:
0x791: {  	v8 =	vadd.s32 v15, v11;
	[tilespmem:v16+s1+$0x0] =	vst.idx.add.f32.msk $0xffff, v2;
	(pc) =	sbr.rel @p0 .LBB2_54-.Ltmp26, $4  }
0x792: {  	v8 =	vshll.u32 v8, $0x4;
	v15 =	vadd.s32 v17, v7;
	v11 =	vld [tilespmem:s9+$0x8430]  }
0x793: {  	v7 =	vor.u32 v1, v8;
	v8 =	vshll.u32 v15, $0x4;
	v9 =	vadd.s32 v10, v9;
	v10 =	vld [tilespmem:s9+$0x8450]  }
0x794: {  	v8 =	vor.u32 v1, v8;
	v9 =	vshll.u32 v9, $0x4;
	v15 =	vadd.s32 v20, v18;
	[tilespmem:v12+s1+$0x0] =	vst.idx.add.f32.msk $0xffff, v2  }
0x795: {  	v9 =	vor.u32 v1, v9;
	v12 =	vshll.u32 v15, $0x4;
	v13 =	vadd.s32 v13, v19;
	[tilespmem:v14+s1+$0x0] =	vst.idx.add.f32.msk $0xffff, v2  }
0x796: {  	_ =	sdelay $0x3  }
0x797: {  	v12 =	vor.u32 v1, v12;
	v13 =	vshll.u32 v13, $0x4;
	[tilespmem:v4+s1+$0x0] =	vst.idx.add.f32.msk $0xffff, v2;
	v61 =	vadd.s32 v11, v6  }
0x798: {  	[tilespmem:v3+s1+$0x0] =	vst.idx.add.f32.msk $0xffff, v2;
	v62 =	vor.u32 v1, v13;
	v3 =	vshll.u32 v61, $0x4;
	v63 =	vadd.s32 v10, v5  }
0x799: {  	[tilespmem:v7+s1+$0x0] =	vst.idx.add.f32.msk $0xffff, v2;
	v3 =	vor.u32 v1, v3;
	v4 =	vshll.u32 v63, $0x4  }
0x79a: {  	[tilespmem:v8+s1+$0x0] =	vst.idx.add.f32.msk $0xffff, v2;
	v4 =	vor.u32 v1, v4  }
0x79b: {  	[tilespmem:v9+s1+$0x0] =	vst.idx.add.f32.msk $0xffff, v2  }
0x79c: {  	[tilespmem:v12+s1+$0x0] =	vst.idx.add.f32.msk $0xffff, v2  }
0x79d: {  	s6 =	sadd.s32 $0x1, s6;
	[tilespmem:v62+s1+$0x0] =	vst.idx.add.f32.msk $0xffff, v2  }
0x79e: {  	p0 =	sne.s32 s6, s31;
	[tilespmem:v3+s1+$0x0] =	vst.idx.add.f32.msk $0xffff, v2  }
.Ltmp27:
0x79f: {  	[tilespmem:v4+s1+$0x0] =	vst.idx.add.f32.msk $0xffff, v2;
	(pc) =	sbr.rel @p0 .LBB2_1-.Ltmp27, $4  }
0x7a0: {  	[hbm4b:s30+s3] =	stream.strided.scatter [tilespmem:s1], [sflag:$0x3], $0x1280, s4, s3, $0x38;
	[tilespmem:$0x11280] =	vst v63  }
0x7a1: {  	_ =	swait.ge [sflag:s5], $0x1280  }
0x7a2: {  	[sflag:s5] =	ssyncset.done $0x0  }
0x7a3: {  	[sflag:s5] =	ssyncadd.s32 $0xFFFFED80  }
0x7a4: {  	_ =	sfence.sel $0x180000  }
0x7a5: {  	[bflag:$0x0] =	sbarrier.arrive $0xFFFF  }
0x7a6: {  	_ =	strace $0x90000047  }
0x7a7: {  	s0 =	stileid.u32;
	[bflag:$0x2] =	sbarrier.arrive $0xFFFF  }
0x7a8: {  	p0 =	sne.s32 s0, $0x0;
	s0 =	rddreg [dreg:$0x2]  }
0x7a9: {  	s0 =	sadd.s32 @!p0 $0x100000, s0  }
0x7aa: {  	[sflag:s0] =	ssyncadd.tile.s32 @!p0 $0x1;
	_ =	shalt  }
.Lfunc_end2:
_tile_overlayer_lowered:
.L_overlay_start_2:
0x7ab: {  	(tag) =	ssettag $0x2  }
0x7ac: {  	s0 =	rddreg [dreg:$0x0];
	s2 =	stileid.u32  }
0x7ad: {  	s1 =	rddreg [dreg:$0x1];
	p0 =	sne.s32 s2, $0x0  }
0x7ae: {  	s3 =	rddreg [dreg:$0x2];
	[bflag:$0x3] =	sbarrier.arrive $0xFFFF;
	s2 =	simm.s32 @!p0 $0x1C03  }
0x7af: {  	[timem:s3], [sflag:s2] =	dma.local @!p0 [hbm:s0], s1  }
0x7b0: {  	s0 =	simm.s32 @!p0 $0x3  }
0x7b1: {  	_ =	swait.ge @!p0 [sflag:s0], s1  }
0x7b2: {  	s1 =	ssub.s32 @!p0 $0x0, s1;
	[sflag:s0] =	ssyncset.done @!p0 $0x0  }
0x7b3: {  	[sflag:s0] =	ssyncadd.s32 @!p0 s1  }
0x7b4: {  	[bflag:$0x3] =	sbarrier.arrive $0xFFFF  }
0x7b5: {  	_ =	shalt  }

</sc_bundles>
